<compile_context>
chip_gen: v7x
topology: tpu7x:2x2x1
jax: 0.10.2.dev20260603
libtpu: 0.0.44.dev20260713+nightly
codegen_flags: <defaults>
</compile_context>

<pallas_src>
import functools

import jax
import jax.numpy as jnp
from jax.experimental import pallas as pl
from jax.experimental.pallas import tpu as pltpu
from jax.experimental.pallas import tpu_sc as plsc

CUTOFF = 5.0
MAXNB = 64
RB = 256
BN = 32
GWIN = 128

_PREC = jax.lax.Precision.DEFAULT


def _silu(x):
    return x * jax.nn.sigmoid(x)


def _dot(a, b):
    return jax.lax.dot_general(a, b, (((1,), (0,)), ((), ())),
                               precision=_PREC,
                               preferred_element_type=jnp.float32)


def _build_graph(pos, r, batch, max_nb):
    n = pos.shape[0]
    chunk = 500
    nchunks = n // chunk
    jcol = jnp.arange(n)

    def _chunk(args):
        pc, bc, base = args
        diff = pc[:, None, :] - pos[None, :, :]
        d2 = jnp.sum(diff * diff, axis=-1)
        mask = (d2 < r * r) & (bc[:, None] == batch[None, :])
        rows = jnp.arange(chunk)
        mask = mask.at[rows, rows + base].set(False)
        score = jnp.where(mask, -jcol, -n)
        vals = jax.lax.top_k(score, max_nb)[0]
        return (-vals).astype(jnp.int32), vals > -n

    pos_c = pos.reshape(nchunks, chunk, 3)
    batch_c = batch.reshape(nchunks, chunk)
    bases = jnp.arange(nchunks) * chunk
    src_c, valid_c = jax.lax.map(_chunk, (pos_c, batch_c, bases))
    return src_c.reshape(n * max_nb), valid_c.reshape(n * max_nb)


def _gather_rows(table, idx1d):
    out_rows = idx1d.shape[0]
    width = table.shape[1]
    nworkers = 32
    nit = out_rows // (nworkers * GWIN)
    mesh = plsc.VectorSubcoreMesh(core_axis_name="c", subcore_axis_name="s")
    idx2d = idx1d.reshape(1, out_rows)

    @pl.kernel(out_type=jax.ShapeDtypeStruct((out_rows, width), table.dtype),
               mesh=mesh)
    def k(x_hbm, i_hbm, o_hbm):
        wid = jax.lax.axis_index("s") * 2 + jax.lax.axis_index("c")
        base = wid * nit

        def body(i_vmem, o_vmem):
            pltpu.sync_copy(x_hbm.at[i_vmem.at[0]], o_vmem)

        pltpu.emit_pipeline(
            body,
            grid=(nit,),
            in_specs=[pl.BlockSpec((1, GWIN), lambda i: (0, base + i))],
            out_specs=[pl.BlockSpec((GWIN, width), lambda i: (base + i, 0))],
            dimension_semantics=(pltpu.ARBITRARY,),
        )(i_hbm, o_hbm)

    return k(table, idx2d)


def _embed_kernel(at_ref, emb_ref, out_ref):
    at = at_ref[...]
    ioc = jax.lax.broadcasted_iota(jnp.int32, (RB, 32), 1)
    oh = (at == ioc).astype(jnp.float32)
    out_ref[...] = _dot(oh, emb_ref[...])


def _geometry_kernel(nrbf, ps_ref, pr_ref, vm_ref, geo_ref):
    ps = ps_ref[...]
    pr = pr_ref[...]
    vec = ps[:, 0:3] - pr[:, 0:3]
    d2 = jnp.sum(vec * vec, axis=1, keepdims=True)
    dist = jnp.sqrt(d2 + 1e-12)
    dirv = vec / dist
    step = CUTOFF / (nrbf - 1)
    centers = jax.lax.broadcasted_iota(
        jnp.int32, (1, 24), 1).astype(jnp.float32) * step
    rbf = jnp.exp(-10.0 * (dist - centers) ** 2)
    fcut = 0.5 * (jnp.cos(jnp.pi * jnp.clip(dist / CUTOFF, 0.0, 1.0)) + 1.0)
    vm = vm_ref[...] > 0.0
    geo_ref[:, 0:nrbf] = jnp.where(vm, rbf * fcut, 0.0)[:, 0:nrbf]
    geo_ref[:, nrbf:nrbf + 1] = jnp.where(vm, fcut, 0.0)
    geo_ref[:, nrbf + 1:24] = jnp.where(vm, dirv, 0.0)


def _edge_kernel(nrbf, h, has_xv, *refs):
    if has_xv:
        geo_ref, ps_ref, xv_ref, vm_ref, wf_ref, dxs_ref, dxv_ref = refs
    else:
        geo_ref, ps_ref, vm_ref, wf_ref, dxs_ref, dxv_ref = refs
    geo = geo_ref[...]
    vm = vm_ref[...] > 0.0
    wr = _dot(geo, wf_ref[...])
    m = jnp.where(vm, ps_ref[...] * wr, 0.0)
    ds = m[:, 0:h]
    dvv = m[:, h:2 * h]
    dvs = m[:, 2 * h:3 * h]
    dx = geo[:, nrbf + 1:nrbf + 2]
    dy = geo[:, nrbf + 2:nrbf + 3]
    dz = geo[:, nrbf + 3:nrbf + 4]
    if has_xv:
        xv = xv_ref[...]
        dvx = jnp.where(vm, dvv * dx + dvs * xv[:, 0:h], 0.0)
        dvy = jnp.where(vm, dvv * dy + dvs * xv[:, h:2 * h], 0.0)
        dvz = jnp.where(vm, dvv * dz + dvs * xv[:, 2 * h:3 * h], 0.0)
    else:
        dvx = dvv * dx
        dvy = dvv * dy
        dvz = dvv * dz

    def red(a):
        return jnp.sum(a.reshape(BN, MAXNB, h), axis=1)

    dxs_ref[...] = red(ds)
    dxv_ref[:, 0:h] = red(dvx)
    dxv_ref[:, h:2 * h] = red(dvy)
    dxv_ref[:, 2 * h:3 * h] = red(dvz)


def _phi_kernel(xs_ref, w1_ref, b1_ref, w2_ref, b2_ref, out_ref):
    hid = _silu(_dot(xs_ref[...], w1_ref[...]) + b1_ref[...])
    out_ref[...] = _dot(hid, w2_ref[...]) + b2_ref[...]


def _update_kernel(h, xs_ref, xv_ref, dxs_ref, dxv_ref, wu_ref, wv_ref,
                   w1a_ref, w1b_ref, b1_ref, w2_ref, b2_ref,
                   xso_ref, xvo_ref):
    xs1 = xs_ref[...] + dxs_ref[...]
    xv1 = xv_ref[...] + dxv_ref[...]
    wu = wu_ref[...]
    wv = wv_ref[...]
    xvx = xv1[:, 0:h]
    xvy = xv1[:, h:2 * h]
    xvz = xv1[:, 2 * h:3 * h]
    ux = _dot(xvx, wu)
    uy = _dot(xvy, wu)
    uz = _dot(xvz, wu)
    vx = _dot(xvx, wv)
    vy = _dot(xvy, wv)
    vz = _dot(xvz, wv)
    vn = jnp.sqrt(vx * vx + vy * vy + vz * vz + 1e-12)
    hid = _silu(_dot(xs1, w1a_ref[...]) + _dot(vn, w1b_ref[...]) + b1_ref[...])
    a = _dot(hid, w2_ref[...]) + b2_ref[...]
    a_ss = a[:, 0:h]
    a_sv = a[:, h:2 * h]
    a_vv = a[:, 2 * h:3 * h]
    uv = ux * vx + uy * vy + uz * vz
    xso_ref[...] = xs1 + a_ss + a_sv * uv
    xvo_ref[:, 0:h] = xvx + a_vv * ux
    xvo_ref[:, h:2 * h] = xvy + a_vv * uy
    xvo_ref[:, 2 * h:3 * h] = xvz + a_vv * uz


def _head_kernel(xs_ref, at_ref, ft_ref, w1_ref, b1_ref, w2_ref, b2_ref,
                 sp_ref, out_ref):
    pid = pl.program_id(0)
    hid = _silu(_dot(xs_ref[...], w1_ref[...]) + b1_ref[...])
    e = (_dot(hid, w2_ref[...]) + b2_ref[...]) * ft_ref[...]
    ioc = jax.lax.broadcasted_iota(jnp.int32, (RB, 32), 1)
    oh = (at_ref[...] == ioc).astype(jnp.float32)
    ae = _dot(oh, sp_ref[...])
    s = jnp.sum(e + ae)

    @pl.when(pid == 0)
    def _():
        out_ref[...] = jnp.zeros_like(out_ref)

    out_ref[...] += s


def kernel(at_no, pos, shifts, batch, at_filter, params):
    n = pos.shape[0]
    h = params["embed"].shape[1]
    z = params["atom_sp"].shape[0]
    nrbf = params["msg"][0]["Wf"].shape[0]
    nlayers = len(params["msg"])

    np_ = ((n + RB - 1) // RB) * RB
    e = n * MAXNB
    ep = np_ * MAXNB
    f32 = jnp.float32

    src, valid = _build_graph(pos, CUTOFF, batch, MAXNB)
    src_s = jnp.where(valid, src, 0)
    src_g = jnp.zeros((ep,), jnp.int32).at[:e].set(src_s)
    valid_f = jnp.zeros((ep, 1), f32).at[:e, 0].set(valid.astype(f32))

    pos_t = jnp.zeros((np_, 128), f32).at[:n, 0:3].set(pos + shifts)
    pos_d = jnp.zeros((np_, 4), f32).at[:n, 0:3].set(pos)
    pos_rep = jnp.repeat(pos_d, MAXNB, axis=0)

    at_p = jnp.full((np_, 1), z, jnp.int32).at[:n, 0].set(at_no)
    ft_p = jnp.zeros((np_, 1), f32).at[:n, 0].set(at_filter.astype(f32))
    emb_p = jnp.zeros((32, h), f32).at[:z].set(params["embed"])
    sp_p = jnp.zeros((32, 1), f32).at[:z, 0].set(params["atom_sp"])

    ngrid = np_ // RB
    egrid = ep // (BN * MAXNB)
    be = BN * MAXNB

    def full(shape):
        return pl.BlockSpec(shape, lambda i: tuple(0 for _ in shape))

    def rows(shape):
        return pl.BlockSpec(shape, lambda i: (i,) + tuple(0 for _ in shape[1:]))

    xs = pl.pallas_call(
        _embed_kernel,
        grid=(ngrid,),
        in_specs=[rows((RB, 1)), full((32, h))],
        out_specs=rows((RB, h)),
        out_shape=jax.ShapeDtypeStruct((np_, h), f32),
    )(at_p, emb_p)

    ps_g = _gather_rows(pos_t, src_g)
    geo = pl.pallas_call(
        functools.partial(_geometry_kernel, nrbf),
        grid=(egrid,),
        in_specs=[rows((be, 128)), rows((be, 4)), rows((be, 1))],
        out_specs=rows((be, 24)),
        out_shape=jax.ShapeDtypeStruct((ep, 24), f32),
    )(ps_g, pos_rep, valid_f)

    xv = jnp.zeros((np_, 3 * h), f32)
    for l in range(nlayers):
        p = params["msg"][l]
        wfp = (jnp.zeros((24, 3 * h), f32)
               .at[:nrbf].set(p["Wf"]).at[nrbf].set(p["bf"]))
        phi = pl.pallas_call(
            _phi_kernel,
            grid=(ngrid,),
            in_specs=[rows((RB, h)), full((h, h)), full((1, h)),
                      full((h, 3 * h)), full((1, 3 * h))],
            out_specs=rows((RB, 3 * h)),
            out_shape=jax.ShapeDtypeStruct((np_, 3 * h), f32),
        )(xs, p["W1"], p["b1"].reshape(1, h), p["W2"],
          p["b2"].reshape(1, 3 * h))

        phi_src = _gather_rows(phi, src_g)
        if l == 0:
            ins = [geo, phi_src, valid_f, wfp]
            specs = [rows((be, 24)), rows((be, 3 * h)), rows((be, 1)),
                     full((24, 3 * h))]
        else:
            xv_src = _gather_rows(xv, src_g)
            ins = [geo, phi_src, xv_src, valid_f, wfp]
            specs = [rows((be, 24)), rows((be, 3 * h)), rows((be, 3 * h)),
                     rows((be, 1)), full((24, 3 * h))]
        dxs, dxv = pl.pallas_call(
            functools.partial(_edge_kernel, nrbf, h, l > 0),
            grid=(egrid,),
            in_specs=specs,
            out_specs=[rows((BN, h)), rows((BN, 3 * h))],
            out_shape=[jax.ShapeDtypeStruct((np_, h), f32),
                       jax.ShapeDtypeStruct((np_, 3 * h), f32)],
        )(*ins)

        q = params["upd"][l]
        xs, xv = pl.pallas_call(
            functools.partial(_update_kernel, h),
            grid=(ngrid,),
            in_specs=[rows((RB, h)), rows((RB, 3 * h)), rows((RB, h)),
                      rows((RB, 3 * h)), full((h, h)), full((h, h)),
                      full((h, h)), full((h, h)), full((1, h)),
                      full((h, 3 * h)), full((1, 3 * h))],
            out_specs=[rows((RB, h)), rows((RB, 3 * h))],
            out_shape=[jax.ShapeDtypeStruct((np_, h), f32),
                       jax.ShapeDtypeStruct((np_, 3 * h), f32)],
        )(xs, xv, dxs, dxv, q["WU"], q["WV"], q["W1"][:h], q["W1"][h:],
          q["b1"].reshape(1, h), q["W2"], q["b2"].reshape(1, 3 * h))

    o = params["out"]
    h2 = o["W1"].shape[1]
    out = pl.pallas_call(
        _head_kernel,
        grid=(ngrid,),
        in_specs=[rows((RB, h)), rows((RB, 1)), rows((RB, 1)),
                  full((h, h2)), full((1, h2)), full((h2, 1)), full((1, 1)),
                  full((32, 1))],
        out_specs=full((1, 1)),
        out_shape=jax.ShapeDtypeStruct((1, 1), f32),
    )(xs, at_p, ft_p, o["W1"], o["b1"].reshape(1, h2), o["W2"],
      o["b2"].reshape(1, 1), sp_p)
    return out.reshape(1)

# --- scband reference (transcript-rebuilt; emitter-appended) ---
"""Pipeline reference for scband-jit-pbcpai-nn-84387517432016 (READ-ONLY COPY).

The authoritative reference and input builder live on the scoring server;
editing this copy changes nothing except your own understanding.
"""

import jax, jax.numpy as jnp
import numpy as np

N = 10000
H = 128
NRBF = 20
NLAYERS = 3
CUTOFF = 5.0
MAXNB = 64
BOX = 80.0
ZMAX = 20


def _radius_graph_np(pos_np, r, batch_np, max_nb):
    n = pos_np.shape[0]
    src_l, dst_l = [], []
    chunk = 500
    for s in range(0, n, chunk):
        e = min(s + chunk, n)
        diff = pos_np[s:e, None, :] - pos_np[None, :, :]
        d2 = np.sum(diff * diff, axis=-1)
        mask = (d2 < r * r) & (batch_np[s:e, None] == batch_np[None, :])
        rows = np.arange(e - s)
        mask[rows, rows + s] = False
        ii, jj = np.nonzero(mask)
        dst_l.append(ii + s)
        src_l.append(jj)
    dst = np.concatenate(dst_l)
    src = np.concatenate(src_l)
    order = np.argsort(dst, kind='stable')
    dst = dst[order]
    src = src[order]
    first = np.searchsorted(dst, dst, side='left')
    rank = np.arange(dst.size) - first
    keep = rank < max_nb
    return src[keep].astype(np.int32), dst[keep].astype(np.int32)


def _radius_graph_jnp(pos, r, batch, max_nb):
    n = pos.shape[0]
    chunk = 500
    nchunks = n // chunk
    jcol = jnp.arange(n)

    def _chunk(args):
        pc, bc, base = args
        diff = pc[:, None, :] - pos[None, :, :]
        d2 = jnp.sum(diff * diff, axis=-1)
        mask = (d2 < r * r) & (bc[:, None] == batch[None, :])
        rows = jnp.arange(chunk)
        mask = mask.at[rows, rows + base].set(False)
        score = jnp.where(mask, -jcol, -n)
        vals = jax.lax.top_k(score, max_nb)[0]
        return (-vals).astype(jnp.int32), vals > -n

    pos_c = pos.reshape(nchunks, chunk, 3)
    batch_c = batch.reshape(nchunks, chunk)
    bases = jnp.arange(nchunks) * chunk
    src_c, valid_c = jax.lax.map(_chunk, (pos_c, batch_c, bases))
    src = src_c.reshape(n * max_nb)
    valid = valid_c.reshape(n * max_nb)
    dst = jnp.repeat(jnp.arange(n, dtype=jnp.int32), max_nb)
    return src, dst, valid


def setup_inputs(seed: int = 0):
    key = jax.random.key(seed)
    ks = jax.random.split(key, 8 + 12 * NLAYERS)
    at_no = jax.random.randint(ks[0], (N,), 1, ZMAX)
    pos = jax.random.uniform(ks[1], (N, 3), dtype=jnp.float32) * BOX
    shifts = jnp.zeros((N, 3), dtype=jnp.float32)
    batch = jnp.zeros((N,), dtype=jnp.int32)
    at_filter = jnp.ones((N,), dtype=bool)
    kidx = [2]

    def nrm(shape, scale):
        k = ks[kidx[0]]
        kidx[0] += 1
        return jax.random.normal(k, shape, dtype=jnp.float32) * scale

    msg, upd = [], []
    for _ in range(NLAYERS):
        msg.append({'W1': nrm((H, H), (1.0 / H) ** 0.5), 'b1': jnp.zeros((H,)),
                    'W2': nrm((H, 3 * H), (1.0 / H) ** 0.5), 'b2': jnp.zeros((3 * H,)),
                    'Wf': nrm((NRBF, 3 * H), (1.0 / NRBF) ** 0.5), 'bf': jnp.zeros((3 * H,))})
        upd.append({'WU': nrm((H, H), (1.0 / H) ** 0.5), 'WV': nrm((H, H), (1.0 / H) ** 0.5),
                    'W1': nrm((2 * H, H), (1.0 / (2 * H)) ** 0.5), 'b1': jnp.zeros((H,)),
                    'W2': nrm((H, 3 * H), (1.0 / H) ** 0.5), 'b2': jnp.zeros((3 * H,))})
    params = {'embed': nrm((ZMAX, H), 1.0), 'atom_sp': nrm((ZMAX,), 1.0), 'msg': msg, 'upd': upd,
              'out': {'W1': nrm((H, H // 2), (1.0 / H) ** 0.5), 'b1': jnp.zeros((H // 2,)),
                      'W2': nrm((H // 2, 1), (2.0 / H) ** 0.5), 'b2': jnp.zeros((1,))}}
    return {'at_no': at_no, 'pos': pos, 'shifts': shifts, 'batch': batch,
            'at_filter': at_filter, 'params': params}


def _forward(pos, shifts, params, at_no, src, dst, batch, at_filter, n_graphs, edge_valid):
    vec = pos[src] - pos[dst] + shifts[src]
    dist = jnp.sqrt(jnp.sum(vec * vec, axis=-1, keepdims=True) + 1e-12)
    dirv = vec / dist
    centers = jnp.linspace(0.0, CUTOFF, NRBF)
    rbf = jnp.exp(-10.0 * (dist - centers[None, :]) ** 2)
    fcut = 0.5 * (jnp.cos(jnp.pi * jnp.clip(dist / CUTOFF, 0.0, 1.0)) + 1.0)
    xs = params['embed'][at_no]
    xv = jnp.zeros((pos.shape[0], 3, xs.shape[1]), dtype=xs.dtype)
    for l in range(NLAYERS):
        p = params['msg'][l]
        phi = jax.nn.silu(xs @ p['W1'] + p['b1']) @ p['W2'] + p['b2']
        Wr = (rbf @ p['Wf'] + p['bf']) * fcut
        m = jnp.where(edge_valid[:, None], phi[src] * Wr, 0.0)
        ds, dvv, dvs = jnp.split(m, 3, axis=-1)
        dvec = dvv[:, None, :] * dirv[:, :, None] + dvs[:, None, :] * xv[src]
        xs = xs + jax.ops.segment_sum(ds, dst, num_segments=pos.shape[0])
        xv = xv + jax.ops.segment_sum(dvec, dst, num_segments=pos.shape[0])
        q = params['upd'][l]
        U = xv @ q['WU']
        V = xv @ q['WV']
        Vn = jnp.sqrt(jnp.sum(V * V, axis=1) + 1e-12)
        a = jax.nn.silu(jnp.concatenate([xs, Vn], axis=-1) @ q['W1'] + q['b1']) @ q['W2'] + q['b2']
        a_ss, a_sv, a_vv = jnp.split(a, 3, axis=-1)
        xs = xs + a_ss + a_sv * jnp.sum(U * V, axis=1)
        xv = xv + a_vv[:, None, :] * U
    o = params['out']
    e_atom = (jax.nn.silu(xs @ o['W1'] + o['b1']) @ o['W2'] + o['b2'])[:, 0]
    e_atom = jnp.where(at_filter, e_atom, 0.0)
    model_res = jax.ops.segment_sum(e_atom, batch, num_segments=n_graphs)
    atom_e = params['atom_sp'][at_no]
    return model_res + jax.ops.segment_sum(atom_e, batch, num_segments=n_graphs)


def reference(at_no, pos, shifts, batch, at_filter, params):
    src, dst, edge_valid = _radius_graph_jnp(pos, CUTOFF, batch, MAXNB)
    n_graphs = 1
    return _forward(pos, shifts, params, at_no, src, dst, batch, at_filter, n_graphs, edge_valid)

if __name__ == "__main__":
    import jax
    _d = setup_inputs()
    print(jax.jit(kernel)(*tuple(_d.values())))

</pallas_src>

<mosaic_0001>
#map = affine_map<(d0, d1) -> (0, 0)>
module attributes {stable_mosaic.version = 14 : i64} {
  func.func @k(%arg0: i32, %arg1: i32, %arg2: memref<10240x384xf32, #tpu.memory_space<hbm>>, %arg3: memref<1x655360xi32, #tpu.memory_space<hbm>>, %arg4: memref<655360x384xf32, #tpu.memory_space<hbm>>) attributes {dimension_semantics = [#tpu.dimension_semantics<core_parallel>, #tpu.dimension_semantics<subcore_parallel>], iteration_bounds = array<i64: 2, 16>, scalar_prefetch = 0 : i64, scratch_operands = 0 : i64, tpu.core_type = #tpu.core_type<sc_vector_subcore>, window_params = [{transform_indices = #map}, {transform_indices = #map}, {transform_indices = #map}]} {
    %mul3A = arith.constant 2 : i32
    %mul3A_0 = arith.muli %arg1, %mul3A : i32
    %add3A = arith.addi %mul3A_0, %arg0 : i32
    %mul3A_1 = arith.constant 160 : i32
    %mul3A_2 = arith.muli %add3A, %mul3A_1 : i32
    "tpu.region"() ({
      %run_scoped3A = memref.alloca() : memref<2x1x128xi32, #tpu.memory_space<vmem>>
      %run_scoped3A_3 = tpu.sem_alloc : memref<2x!tpu.dma_semaphore, #tpu.memory_space<semaphore_mem>>
      %run_scoped3A_4 = memref.alloca() : memref<2x128x384xf32, #tpu.memory_space<vmem>>
      %run_scoped3A_5 = tpu.sem_alloc : memref<2x!tpu.dma_semaphore, #tpu.memory_space<semaphore_mem>>
      %select_n3A = arith.constant true
      %select_n3A_6 = arith.constant 0 : i32
      %select_n3A_7 = arith.constant -1 : i32
      %select_n3A_8 = arith.select %select_n3A, %select_n3A_7, %select_n3A_6 : i32
      %eq3A = arith.constant -1 : i32
      %eq3A_9 = arith.cmpi eq, %select_n3A_8, %eq3A : i32
      %select_n3A_10 = arith.constant 159 : i32
      %select_n3A_11 = arith.select %eq3A_9, %select_n3A_10, %select_n3A_8 : i32
      %add3A_12 = arith.constant 0 : i32
      %add3A_13 = arith.addi %select_n3A_11, %add3A_12 : i32
      %select_n3A_14 = arith.constant true
      %select_n3A_15 = arith.constant 0 : i32
      %select_n3A_16 = arith.constant 1 : i32
      %select_n3A_17 = arith.select %select_n3A_14, %select_n3A_16, %select_n3A_15 : i32
      %eq3A_18 = arith.constant 160 : i32
      %eq3A_19 = arith.cmpi eq, %select_n3A_17, %eq3A_18 : i32
      %select_n3A_20 = arith.constant 0 : i32
      %select_n3A_21 = arith.select %eq3A_19, %select_n3A_20, %select_n3A_17 : i32
      %add3A_22 = arith.constant 0 : i32
      %add3A_23 = arith.addi %select_n3A_21, %add3A_22 : i32
      %add3A_24 = arith.constant 1 : i32
      %add3A_25 = arith.addi %select_n3A_21, %add3A_24 : i32
      %select_n3A_26 = arith.constant true
      %select_n3A_27 = arith.select %select_n3A_26, %add3A_25, %select_n3A_21 : i32
      %eq3A_28 = arith.constant 160 : i32
      %eq3A_29 = arith.cmpi eq, %select_n3A_27, %eq3A_28 : i32
      %select_n3A_30 = arith.constant 0 : i32
      %select_n3A_31 = arith.select %eq3A_29, %select_n3A_30, %select_n3A_27 : i32
      %add3A_32 = arith.constant 0 : i32
      %add3A_33 = arith.addi %select_n3A_31, %add3A_32 : i32
      "tpu.trace_start"() <{level = 10 : i32, message = "ep_initialize_0"}> : () -> ()
      %rem3A = arith.constant 0 : i32
      %rem3A_34 = arith.constant 2 : i32
      %rem3A_35 = arith.remui %rem3A, %rem3A_34 : i32
      %add3A_36 = arith.constant 0 : i32
      %add3A_37 = arith.addi %mul3A_2, %add3A_36 : i32
      %mul3A_38 = arith.constant 128 : i32
      %mul3A_39 = arith.muli %mul3A_38, %add3A_37 : i32
      %dma_start3A = arith.constant 0 : i32
      %dma_start3A_40 = arith.constant 0 : i32
      %dma_start3A_41 = tpu.memref_slice %run_scoped3A[%rem3A_35, %dma_start3A, %dma_start3A_40] : memref<2x1x128xi32, #tpu.memory_space<vmem>> -> memref<1x1x128xi32, #tpu.memory_space<vmem>>
      %dma_start3A_42 = tpu.memref_squeeze %dma_start3A_41 : memref<1x1x128xi32, #tpu.memory_space<vmem>> -> memref<1x128xi32, #tpu.memory_space<vmem>>
      %dma_start3A_43 = arith.constant 0 : i32
      %dma_start3A_44 = tpu.memref_slice %arg3[%dma_start3A_43, %mul3A_39] : memref<1x655360xi32, #tpu.memory_space<hbm>> -> memref<1x128xi32, #tpu.memory_space<hbm>>
      %dma_start3A_45 = tpu.memref_slice %run_scoped3A_3[%rem3A_35] : memref<2x!tpu.dma_semaphore, #tpu.memory_space<semaphore_mem>> -> memref<1x!tpu.dma_semaphore, #tpu.memory_space<semaphore_mem>>
      %dma_start3A_46 = tpu.memref_squeeze %dma_start3A_45 : memref<1x!tpu.dma_semaphore, #tpu.memory_space<semaphore_mem>> -> memref<!tpu.dma_semaphore, #tpu.memory_space<semaphore_mem>>
      %dma_start3A_47 = arith.constant 0 : i32
      %dma_start3A_48 = arith.constant 0 : i32
      %dma_start3A_49 = tpu.memref_slice %run_scoped3A[%rem3A_35, %dma_start3A_47, %dma_start3A_48] : memref<2x1x128xi32, #tpu.memory_space<vmem>> -> memref<1x1x128xi32, #tpu.memory_space<vmem>>
      %dma_start3A_50 = tpu.memref_squeeze %dma_start3A_49 : memref<1x1x128xi32, #tpu.memory_space<vmem>> -> memref<1x128xi32, #tpu.memory_space<vmem>>
      %dma_start3A_51 = arith.constant 0 : i32
      %dma_start3A_52 = tpu.memref_slice %arg3[%dma_start3A_51, %mul3A_39] : memref<1x655360xi32, #tpu.memory_space<hbm>> -> memref<1x128xi32, #tpu.memory_space<hbm>>
      tpu.enqueue_dma source(%dma_start3A_52 : memref<1x128xi32, #tpu.memory_space<hbm>>) target(%dma_start3A_50 : memref<1x128xi32, #tpu.memory_space<vmem>>) target_semaphore(%dma_start3A_46 : memref<!tpu.dma_semaphore, #tpu.memory_space<semaphore_mem>>)
      %add3A_53 = arith.constant 0 : i32
      %add3A_54 = arith.constant 1 : i32
      %add3A_55 = arith.addi %add3A_53, %add3A_54 : i32
      %select_n3A_56 = arith.constant true
      %select_n3A_57 = arith.constant 0 : i32
      %select_n3A_58 = arith.select %select_n3A_56, %add3A_55, %select_n3A_57 : i32
      "tpu.trace_stop"() : () -> ()
      %scan3A = arith.constant 0 : i32
      %scan3A_59 = arith.constant 0 : i32
      %scan3A_60 = arith.constant 0 : i32
      %scan3A_61 = arith.constant 0 : i32
      %scan3A_62 = arith.constant 0 : i32
      %scan3A_63 = arith.constant 160 : i32
      %scan3A_64 = arith.addi %scan3A_62, %scan3A_63 : i32
      %scan3A_65 = arith.constant 1 : i32
      %scan3A_66:5 = scf.for %scan3A_125 = %scan3A_62 to %scan3A_64 step %scan3A_65 iter_args(%scan3A_126 = %select_n3A_58, %scan3A_127 = %scan3A, %scan3A_128 = %scan3A_59, %scan3A_129 = %scan3A_60, %scan3A_130 = %scan3A_61) -> (i32, i32, i32, i32, i32)  : i32 {
        %eq3A_131 = arith.constant 0 : i32
        %eq3A_132 = arith.cmpi eq, %scan3A_125, %eq3A_131 : i32
        %eq3A_133 = arith.constant 159 : i32
        %eq3A_134 = arith.cmpi eq, %scan3A_125, %eq3A_133 : i32
        %add3A_135 = arith.constant 0 : i32
        %add3A_136 = arith.addi %scan3A_130, %add3A_135 : i32
        %sub3A_137 = arith.constant 1 : i32
        %sub3A_138 = arith.subi %scan3A_130, %sub3A_137 : i32
        %select_n3A_139 = arith.constant true
        %select_n3A_140 = arith.select %select_n3A_139, %sub3A_138, %scan3A_130 : i32
        %eq3A_141 = arith.constant -1 : i32
        %eq3A_142 = arith.cmpi eq, %select_n3A_140, %eq3A_141 : i32
        %select_n3A_143 = arith.constant 159 : i32
        %select_n3A_144 = arith.select %eq3A_142, %select_n3A_143, %select_n3A_140 : i32
        %add3A_145 = arith.constant 0 : i32
        %add3A_146 = arith.addi %select_n3A_144, %add3A_145 : i32
        %add3A_147 = arith.constant 1 : i32
        %add3A_148 = arith.addi %scan3A_130, %add3A_147 : i32
        %select_n3A_149 = arith.constant true
        %select_n3A_150 = arith.select %select_n3A_149, %add3A_148, %scan3A_130 : i32
        %eq3A_151 = arith.constant 160 : i32
        %eq3A_152 = arith.cmpi eq, %select_n3A_150, %eq3A_151 : i32
        %select_n3A_153 = arith.constant 0 : i32
        %select_n3A_154 = arith.select %eq3A_152, %select_n3A_153, %select_n3A_150 : i32
        %add3A_155 = arith.constant 0 : i32
        %add3A_156 = arith.addi %select_n3A_154, %add3A_155 : i32
        %add3A_157 = arith.constant 1 : i32
        %add3A_158 = arith.addi %select_n3A_154, %add3A_157 : i32
        %select_n3A_159 = arith.constant true
        %select_n3A_160 = arith.select %select_n3A_159, %add3A_158, %select_n3A_154 : i32
        %eq3A_161 = arith.constant 160 : i32
        %eq3A_162 = arith.cmpi eq, %select_n3A_160, %eq3A_161 : i32
        %select_n3A_163 = arith.constant 0 : i32
        %select_n3A_164 = arith.select %eq3A_162, %select_n3A_163, %select_n3A_160 : i32
        %add3A_165 = arith.constant 0 : i32
        %add3A_166 = arith.addi %select_n3A_164, %add3A_165 : i32
        %add3A_167 = arith.addi %mul3A_2, %add3A_136 : i32
        %add3A_168 = arith.addi %mul3A_2, %add3A_156 : i32
        %ne3A = arith.cmpi ne, %add3A_167, %add3A_168 : i32
        %or3A = arith.constant false
        %or3A_169 = arith.ori %or3A, %ne3A : i1
        %ge3A = arith.constant 159 : i32
        %ge3A_170 = arith.cmpi sge, %scan3A_125, %ge3A : i32
        %not3A = arith.constant true
        %not3A_171 = arith.xori %ge3A_170, %not3A : i1
        %and3A = arith.andi %or3A_169, %not3A_171 : i1
        %convert_element_type3A = arith.extui %and3A : i1 to i32
        %cond3A = arith.constant 0 : i32
        %cond3A_172 = arith.cmpi ne, %convert_element_type3A, %cond3A : i32
        scf.if %cond3A_172 {
          "tpu.trace_start"() <{level = 10 : i32, message = "ep_copy_in"}> : () -> ()
          %rem3A_290 = arith.constant 2 : i32
          %rem3A_291 = arith.remui %scan3A_126, %rem3A_290 : i32
          %add3A_292 = arith.addi %mul3A_2, %add3A_156 : i32
          %mul3A_293 = arith.constant 128 : i32
          %mul3A_294 = arith.muli %mul3A_293, %add3A_292 : i32
          %dma_start3A_295 = arith.constant 0 : i32
          %dma_start3A_296 = arith.constant 0 : i32
          %dma_start3A_297 = tpu.memref_slice %run_scoped3A[%rem3A_291, %dma_start3A_295, %dma_start3A_296] : memref<2x1x128xi32, #tpu.memory_space<vmem>> -> memref<1x1x128xi32, #tpu.memory_space<vmem>>
          %dma_start3A_298 = tpu.memref_squeeze %dma_start3A_297 : memref<1x1x128xi32, #tpu.memory_space<vmem>> -> memref<1x128xi32, #tpu.memory_space<vmem>>
          %dma_start3A_299 = arith.constant 0 : i32
          %dma_start3A_300 = tpu.memref_slice %arg3[%dma_start3A_299, %mul3A_294] : memref<1x655360xi32, #tpu.memory_space<hbm>> -> memref<1x128xi32, #tpu.memory_space<hbm>>
          %dma_start3A_301 = tpu.memref_slice %run_scoped3A_3[%rem3A_291] : memref<2x!tpu.dma_semaphore, #tpu.memory_space<semaphore_mem>> -> memref<1x!tpu.dma_semaphore, #tpu.memory_space<semaphore_mem>>
          %dma_start3A_302 = tpu.memref_squeeze %dma_start3A_301 : memref<1x!tpu.dma_semaphore, #tpu.memory_space<semaphore_mem>> -> memref<!tpu.dma_semaphore, #tpu.memory_space<semaphore_mem>>
          %dma_start3A_303 = arith.constant 0 : i32
          %dma_start3A_304 = arith.constant 0 : i32
          %dma_start3A_305 = tpu.memref_slice %run_scoped3A[%rem3A_291, %dma_start3A_303, %dma_start3A_304] : memref<2x1x128xi32, #tpu.memory_space<vmem>> -> memref<1x1x128xi32, #tpu.memory_space<vmem>>
          %dma_start3A_306 = tpu.memref_squeeze %dma_start3A_305 : memref<1x1x128xi32, #tpu.memory_space<vmem>> -> memref<1x128xi32, #tpu.memory_space<vmem>>
          %dma_start3A_307 = arith.constant 0 : i32
          %dma_start3A_308 = tpu.memref_slice %arg3[%dma_start3A_307, %mul3A_294] : memref<1x655360xi32, #tpu.memory_space<hbm>> -> memref<1x128xi32, #tpu.memory_space<hbm>>
          tpu.enqueue_dma source(%dma_start3A_308 : memref<1x128xi32, #tpu.memory_space<hbm>>) target(%dma_start3A_306 : memref<1x128xi32, #tpu.memory_space<vmem>>) target_semaphore(%dma_start3A_302 : memref<!tpu.dma_semaphore, #tpu.memory_space<semaphore_mem>>)
          "tpu.trace_stop"() : () -> ()
        } else {
        }
        %and3A_173 = arith.constant true
        %and3A_174 = arith.andi %and3A, %and3A_173 : i1
        %add3A_175 = arith.constant 1 : i32
        %add3A_176 = arith.addi %scan3A_126, %add3A_175 : i32
        %select_n3A_177 = arith.select %and3A_174, %add3A_176, %scan3A_126 : i32
        %add3A_178 = arith.addi %mul3A_2, %add3A_136 : i32
        %add3A_179 = arith.addi %mul3A_2, %add3A_156 : i32
        %ne3A_180 = arith.cmpi ne, %add3A_178, %add3A_179 : i32
        %or3A_181 = arith.constant false
        %or3A_182 = arith.ori %or3A_181, %ne3A_180 : i1
        %or3A_183 = arith.constant false
        %or3A_184 = arith.ori %or3A_182, %or3A_183 : i1
        %ge3A_185 = arith.constant 159 : i32
        %ge3A_186 = arith.cmpi sge, %scan3A_125, %ge3A_185 : i32
        %not3A_187 = arith.constant true
        %not3A_188 = arith.xori %ge3A_186, %not3A_187 : i1
        %and3A_189 = arith.andi %or3A_184, %not3A_188 : i1
        %add3A_190 = arith.addi %mul3A_2, %add3A_136 : i32
        %add3A_191 = arith.addi %mul3A_2, %add3A_146 : i32
        %ne3A_192 = arith.cmpi ne, %add3A_190, %add3A_191 : i32
        %or3A_193 = arith.constant false
        %or3A_194 = arith.ori %or3A_193, %ne3A_192 : i1
        %or3A_195 = arith.ori %or3A_194, %eq3A_132 : i1
        %convert_element_type3A_196 = arith.extui %or3A_195 : i1 to i32
        %cond3A_197 = arith.constant 0 : i32
        %cond3A_198 = arith.cmpi ne, %convert_element_type3A_196, %cond3A_197 : i32
        scf.if %cond3A_198 {
          "tpu.trace_start"() <{level = 10 : i32, message = "ep_wait_in"}> : () -> ()
          %add3A_290 = arith.addi %mul3A_2, %add3A_136 : i32
          %mul3A_291 = arith.constant 128 : i32
          %mul3A_292 = arith.muli %mul3A_291, %add3A_290 : i32
          %rem3A_293 = arith.constant 2 : i32
          %rem3A_294 = arith.remui %scan3A_127, %rem3A_293 : i32
          %dma_wait3A_295 = arith.constant 0 : i32
          %dma_wait3A_296 = arith.constant 0 : i32
          %dma_wait3A_297 = tpu.memref_slice %run_scoped3A[%rem3A_294, %dma_wait3A_295, %dma_wait3A_296] : memref<2x1x128xi32, #tpu.memory_space<vmem>> -> memref<1x1x128xi32, #tpu.memory_space<vmem>>
          %dma_wait3A_298 = tpu.memref_squeeze %dma_wait3A_297 : memref<1x1x128xi32, #tpu.memory_space<vmem>> -> memref<1x128xi32, #tpu.memory_space<vmem>>
          %dma_wait3A_299 = arith.constant 0 : i32
          %dma_wait3A_300 = tpu.memref_slice %arg3[%dma_wait3A_299, %mul3A_292] : memref<1x655360xi32, #tpu.memory_space<hbm>> -> memref<1x128xi32, #tpu.memory_space<hbm>>
          %dma_wait3A_301 = tpu.memref_slice %run_scoped3A_3[%rem3A_294] : memref<2x!tpu.dma_semaphore, #tpu.memory_space<semaphore_mem>> -> memref<1x!tpu.dma_semaphore, #tpu.memory_space<semaphore_mem>>
          %dma_wait3A_302 = tpu.memref_squeeze %dma_wait3A_301 : memref<1x!tpu.dma_semaphore, #tpu.memory_space<semaphore_mem>> -> memref<!tpu.dma_semaphore, #tpu.memory_space<semaphore_mem>>
          %dma_wait3A_303 = arith.constant 0 : i32
          %dma_wait3A_304 = arith.constant 0 : i32
          %dma_wait3A_305 = tpu.memref_slice %run_scoped3A[%rem3A_294, %dma_wait3A_303, %dma_wait3A_304] : memref<2x1x128xi32, #tpu.memory_space<vmem>> -> memref<1x1x128xi32, #tpu.memory_space<vmem>>
          %dma_wait3A_306 = tpu.memref_squeeze %dma_wait3A_305 : memref<1x1x128xi32, #tpu.memory_space<vmem>> -> memref<1x128xi32, #tpu.memory_space<vmem>>
          %dma_wait3A_307 = arith.constant 0 : i32
          %dma_wait3A_308 = tpu.memref_slice %arg3[%dma_wait3A_307, %mul3A_292] : memref<1x655360xi32, #tpu.memory_space<hbm>> -> memref<1x128xi32, #tpu.memory_space<hbm>>
          tpu.wait_dma2 semaphore(%dma_wait3A_302 : memref<!tpu.dma_semaphore, #tpu.memory_space<semaphore_mem>>) src(%dma_wait3A_308 : memref<1x128xi32, #tpu.memory_space<hbm>>) dst(%dma_wait3A_306 : memref<1x128xi32, #tpu.memory_space<vmem>>)
          "tpu.trace_stop"() : () -> ()
        } else {
        }
        %add3A_199 = arith.addi %mul3A_2, %add3A_136 : i32
        %add3A_200 = arith.addi %mul3A_2, %add3A_146 : i32
        %ne3A_201 = arith.cmpi ne, %add3A_199, %add3A_200 : i32
        %or3A_202 = arith.constant false
        %or3A_203 = arith.ori %or3A_202, %ne3A_201 : i1
        %or3A_204 = arith.constant false
        %or3A_205 = arith.ori %or3A_203, %or3A_204 : i1
        %or3A_206 = arith.ori %or3A_205, %eq3A_132 : i1
        %convert_element_type3A_207 = arith.extui %or3A_206 : i1 to i32
        %cond3A_208 = arith.constant 0 : i32
        %cond3A_209 = arith.cmpi ne, %convert_element_type3A_207, %cond3A_208 : i32
        scf.if %cond3A_209 {
        } else {
        }
        %rem3A_210 = arith.constant 2 : i32
        %rem3A_211 = arith.remui %scan3A_127, %rem3A_210 : i32
        %rem3A_212 = arith.constant 2 : i32
        %rem3A_213 = arith.remui %scan3A_128, %rem3A_212 : i32
        %run_scoped3A_214 = arith.constant 0 : i32
        "tpu.trace_start"() <{level = 10 : i32, message = "ep_run_kernel"}> : () -> ()
        "tpu.region"() ({
          %run_scoped3A_290 = tpu.sem_alloc : memref<!tpu.dma_semaphore, #tpu.memory_space<semaphore_mem>>
          %dma_start3A_291 = arith.constant 0 : i32
          %dma_start3A_292 = arith.constant 0 : i32
          %dma_start3A_293 = tpu.memref_slice %run_scoped3A_4[%rem3A_213, %dma_start3A_291, %dma_start3A_292] : memref<2x128x384xf32, #tpu.memory_space<vmem>> -> memref<1x128x384xf32, #tpu.memory_space<vmem>>
          %dma_start3A_294 = tpu.memref_squeeze %dma_start3A_293 : memref<1x128x384xf32, #tpu.memory_space<vmem>> -> memref<128x384xf32, #tpu.memory_space<vmem>>
          %dma_start3A_295 = arith.constant 0 : i32
          %dma_start3A_296 = arith.constant 0 : i32
          %dma_start3A_297 = tpu.memref_slice %run_scoped3A[%rem3A_211, %dma_start3A_295, %dma_start3A_296] : memref<2x1x128xi32, #tpu.memory_space<vmem>> -> memref<1x1x128xi32, #tpu.memory_space<vmem>>
          %dma_start3A_298 = tpu.memref_squeeze %dma_start3A_297 : memref<1x1x128xi32, #tpu.memory_space<vmem>> -> memref<1x128xi32, #tpu.memory_space<vmem>>
          %dma_start3A_299 = arith.constant 0 : i32
          %dma_start3A_300 = tpu.memref_slice %dma_start3A_298[%run_scoped3A_214, %dma_start3A_299] : memref<1x128xi32, #tpu.memory_space<vmem>> -> memref<1x128xi32, #tpu.memory_space<vmem>>
          %dma_start3A_301 = tpu.memref_squeeze %dma_start3A_300 : memref<1x128xi32, #tpu.memory_space<vmem>> -> memref<128xi32, #tpu.memory_space<vmem>>
          %dma_start3A_302 = arith.constant 0 : i32
          %dma_start3A_303 = arith.constant 0 : i32
          %dma_start3A_304 = tpu.memref_slice %arg2[%dma_start3A_302, %dma_start3A_303] : memref<10240x384xf32, #tpu.memory_space<hbm>> -> memref<10240x384xf32, #tpu.memory_space<hbm>>
          tpu.enqueue_indirect_dma source(%dma_start3A_304 : memref<10240x384xf32, #tpu.memory_space<hbm>>) target(%dma_start3A_294 : memref<128x384xf32, #tpu.memory_space<vmem>>) offsets(%dma_start3A_301 : memref<128xi32, #tpu.memory_space<vmem>>) semaphore(%run_scoped3A_290 : memref<!tpu.dma_semaphore, #tpu.memory_space<semaphore_mem>>)
          %dma_wait3A_305 = arith.constant 0 : i32
          %dma_wait3A_306 = arith.constant 0 : i32
          %dma_wait3A_307 = tpu.memref_slice %run_scoped3A_4[%rem3A_213, %dma_wait3A_305, %dma_wait3A_306] : memref<2x128x384xf32, #tpu.memory_space<vmem>> -> memref<1x128x384xf32, #tpu.memory_space<vmem>>
          %dma_wait3A_308 = tpu.memref_squeeze %dma_wait3A_307 : memref<1x128x384xf32, #tpu.memory_space<vmem>> -> memref<128x384xf32, #tpu.memory_space<vmem>>
          %dma_wait3A_309 = arith.constant 0 : i32
          %dma_wait3A_310 = arith.constant 0 : i32
          %dma_wait3A_311 = tpu.memref_slice %run_scoped3A[%rem3A_211, %dma_wait3A_309, %dma_wait3A_310] : memref<2x1x128xi32, #tpu.memory_space<vmem>> -> memref<1x1x128xi32, #tpu.memory_space<vmem>>
          %dma_wait3A_312 = tpu.memref_squeeze %dma_wait3A_311 : memref<1x1x128xi32, #tpu.memory_space<vmem>> -> memref<1x128xi32, #tpu.memory_space<vmem>>
          %dma_wait3A_313 = arith.constant 0 : i32
          %dma_wait3A_314 = tpu.memref_slice %dma_wait3A_312[%run_scoped3A_214, %dma_wait3A_313] : memref<1x128xi32, #tpu.memory_space<vmem>> -> memref<1x128xi32, #tpu.memory_space<vmem>>
          %dma_wait3A_315 = tpu.memref_squeeze %dma_wait3A_314 : memref<1x128xi32, #tpu.memory_space<vmem>> -> memref<128xi32, #tpu.memory_space<vmem>>
          %dma_wait3A_316 = arith.constant 0 : i32
          %dma_wait3A_317 = arith.constant 0 : i32
          %dma_wait3A_318 = tpu.memref_slice %arg2[%dma_wait3A_316, %dma_wait3A_317] : memref<10240x384xf32, #tpu.memory_space<hbm>> -> memref<10240x384xf32, #tpu.memory_space<hbm>>
          tpu.wait_indirect_dma semaphore(%run_scoped3A_290 : memref<!tpu.dma_semaphore, #tpu.memory_space<semaphore_mem>>) src(%dma_wait3A_318 : memref<10240x384xf32, #tpu.memory_space<hbm>>) dst(%dma_wait3A_308 : memref<128x384xf32, #tpu.memory_space<vmem>>)
          tpu.yield
        }) : () -> ()
        "tpu.trace_stop"() : () -> ()
        %add3A_215 = arith.addi %mul3A_2, %add3A_136 : i32
        %add3A_216 = arith.addi %mul3A_2, %add3A_156 : i32
        %ne3A_217 = arith.cmpi ne, %add3A_215, %add3A_216 : i32
        %or3A_218 = arith.constant false
        %or3A_219 = arith.ori %or3A_218, %ne3A_217 : i1
        %or3A_220 = arith.ori %or3A_219, %eq3A_134 : i1
        %convert_element_type3A_221 = arith.extui %or3A_220 : i1 to i32
        %cond3A_222 = arith.constant 0 : i32
        %cond3A_223 = arith.cmpi ne, %convert_element_type3A_221, %cond3A_222 : i32
        scf.if %cond3A_223 {
        } else {
        }
        %and3A_224 = arith.constant false
        %and3A_225 = arith.andi %or3A_220, %and3A_224 : i1
        %add3A_226 = arith.addi %mul3A_2, %add3A_136 : i32
        %add3A_227 = arith.addi %mul3A_2, %add3A_156 : i32
        %ne3A_228 = arith.cmpi ne, %add3A_226, %add3A_227 : i32
        %or3A_229 = arith.constant false
        %or3A_230 = arith.ori %or3A_229, %ne3A_228 : i1
        %or3A_231 = arith.constant false
        %or3A_232 = arith.ori %or3A_230, %or3A_231 : i1
        %or3A_233 = arith.ori %or3A_232, %eq3A_134 : i1
        %convert_element_type3A_234 = arith.extui %or3A_233 : i1 to i32
        %cond3A_235 = arith.constant 0 : i32
        %cond3A_236 = arith.cmpi ne, %convert_element_type3A_234, %cond3A_235 : i32
        scf.if %cond3A_236 {
          "tpu.trace_start"() <{level = 10 : i32, message = "ep_copy_out"}> : () -> ()
          %rem3A_290 = arith.constant 2 : i32
          %rem3A_291 = arith.remui %scan3A_128, %rem3A_290 : i32
          %add3A_292 = arith.addi %mul3A_2, %add3A_136 : i32
          %mul3A_293 = arith.constant 128 : i32
          %mul3A_294 = arith.muli %mul3A_293, %add3A_292 : i32
          %dma_start3A_295 = arith.constant 0 : i32
          %dma_start3A_296 = arith.constant 0 : i32
          %dma_start3A_297 = tpu.memref_slice %run_scoped3A_4[%rem3A_291, %dma_start3A_295, %dma_start3A_296] : memref<2x128x384xf32, #tpu.memory_space<vmem>> -> memref<1x128x384xf32, #tpu.memory_space<vmem>>
          %dma_start3A_298 = tpu.memref_squeeze %dma_start3A_297 : memref<1x128x384xf32, #tpu.memory_space<vmem>> -> memref<128x384xf32, #tpu.memory_space<vmem>>
          %dma_start3A_299 = arith.constant 0 : i32
          %dma_start3A_300 = tpu.memref_slice %arg4[%mul3A_294, %dma_start3A_299] : memref<655360x384xf32, #tpu.memory_space<hbm>> -> memref<128x384xf32, #tpu.memory_space<hbm>>
          %dma_start3A_301 = tpu.memref_slice %run_scoped3A_5[%rem3A_291] : memref<2x!tpu.dma_semaphore, #tpu.memory_space<semaphore_mem>> -> memref<1x!tpu.dma_semaphore, #tpu.memory_space<semaphore_mem>>
          %dma_start3A_302 = tpu.memref_squeeze %dma_start3A_301 : memref<1x!tpu.dma_semaphore, #tpu.memory_space<semaphore_mem>> -> memref<!tpu.dma_semaphore, #tpu.memory_space<semaphore_mem>>
          %dma_start3A_303 = arith.constant 0 : i32
          %dma_start3A_304 = tpu.memref_slice %arg4[%mul3A_294, %dma_start3A_303] : memref<655360x384xf32, #tpu.memory_space<hbm>> -> memref<128x384xf32, #tpu.memory_space<hbm>>
          %dma_start3A_305 = arith.constant 0 : i32
          %dma_start3A_306 = arith.constant 0 : i32
          %dma_start3A_307 = tpu.memref_slice %run_scoped3A_4[%rem3A_291, %dma_start3A_305, %dma_start3A_306] : memref<2x128x384xf32, #tpu.memory_space<vmem>> -> memref<1x128x384xf32, #tpu.memory_space<vmem>>
          %dma_start3A_308 = tpu.memref_squeeze %dma_start3A_307 : memref<1x128x384xf32, #tpu.memory_space<vmem>> -> memref<128x384xf32, #tpu.memory_space<vmem>>
          tpu.enqueue_dma source(%dma_start3A_308 : memref<128x384xf32, #tpu.memory_space<vmem>>) target(%dma_start3A_304 : memref<128x384xf32, #tpu.memory_space<hbm>>) target_semaphore(%dma_start3A_302 : memref<!tpu.dma_semaphore, #tpu.memory_space<semaphore_mem>>)
          "tpu.trace_stop"() : () -> ()
        } else {
        }
        %and3A_237 = arith.constant true
        %and3A_238 = arith.andi %or3A_233, %and3A_237 : i1
        %add3A_239 = arith.constant 1 : i32
        %add3A_240 = arith.addi %scan3A_128, %add3A_239 : i32
        %select_n3A_241 = arith.select %and3A_238, %add3A_240, %scan3A_128 : i32
        %add3A_242 = arith.addi %mul3A_2, %add3A_136 : i32
        %add3A_243 = arith.addi %mul3A_2, %add3A_146 : i32
        %ne3A_244 = arith.cmpi ne, %add3A_242, %add3A_243 : i32
        %or3A_245 = arith.constant false
        %or3A_246 = arith.ori %or3A_245, %ne3A_244 : i1
        %not3A_247 = arith.constant true
        %not3A_248 = arith.xori %eq3A_132, %not3A_247 : i1
        %and3A_249 = arith.andi %or3A_246, %not3A_248 : i1
        %convert_element_type3A_250 = arith.extui %and3A_249 : i1 to i32
        %cond3A_251 = arith.constant 0 : i32
        %cond3A_252 = arith.cmpi ne, %convert_element_type3A_250, %cond3A_251 : i32
        scf.if %cond3A_252 {
        } else {
        }
        %and3A_253 = arith.constant false
        %and3A_254 = arith.andi %and3A_249, %and3A_253 : i1
        %add3A_255 = arith.addi %mul3A_2, %add3A_136 : i32
        %add3A_256 = arith.addi %mul3A_2, %add3A_146 : i32
        %ne3A_257 = arith.cmpi ne, %add3A_255, %add3A_256 : i32
        %or3A_258 = arith.constant false
        %or3A_259 = arith.ori %or3A_258, %ne3A_257 : i1
        %or3A_260 = arith.constant false
        %or3A_261 = arith.ori %or3A_259, %or3A_260 : i1
        %not3A_262 = arith.constant true
        %not3A_263 = arith.xori %eq3A_132, %not3A_262 : i1
        %and3A_264 = arith.andi %or3A_261, %not3A_263 : i1
        %convert_element_type3A_265 = arith.extui %and3A_264 : i1 to i32
        %cond3A_266 = arith.constant 0 : i32
        %cond3A_267 = arith.cmpi ne, %convert_element_type3A_265, %cond3A_266 : i32
        scf.if %cond3A_267 {
          "tpu.trace_start"() <{level = 10 : i32, message = "ep_wait_out"}> : () -> ()
          %rem3A_290 = arith.constant 2 : i32
          %rem3A_291 = arith.remui %scan3A_129, %rem3A_290 : i32
          %add3A_292 = arith.addi %mul3A_2, %add3A_146 : i32
          %mul3A_293 = arith.constant 128 : i32
          %mul3A_294 = arith.muli %mul3A_293, %add3A_292 : i32
          %dma_wait3A_295 = arith.constant 0 : i32
          %dma_wait3A_296 = arith.constant 0 : i32
          %dma_wait3A_297 = tpu.memref_slice %run_scoped3A_4[%rem3A_291, %dma_wait3A_295, %dma_wait3A_296] : memref<2x128x384xf32, #tpu.memory_space<vmem>> -> memref<1x128x384xf32, #tpu.memory_space<vmem>>
          %dma_wait3A_298 = tpu.memref_squeeze %dma_wait3A_297 : memref<1x128x384xf32, #tpu.memory_space<vmem>> -> memref<128x384xf32, #tpu.memory_space<vmem>>
          %dma_wait3A_299 = arith.constant 0 : i32
          %dma_wait3A_300 = tpu.memref_slice %arg4[%mul3A_294, %dma_wait3A_299] : memref<655360x384xf32, #tpu.memory_space<hbm>> -> memref<128x384xf32, #tpu.memory_space<hbm>>
          %dma_wait3A_301 = tpu.memref_slice %run_scoped3A_5[%rem3A_291] : memref<2x!tpu.dma_semaphore, #tpu.memory_space<semaphore_mem>> -> memref<1x!tpu.dma_semaphore, #tpu.memory_space<semaphore_mem>>
          %dma_wait3A_302 = tpu.memref_squeeze %dma_wait3A_301 : memref<1x!tpu.dma_semaphore, #tpu.memory_space<semaphore_mem>> -> memref<!tpu.dma_semaphore, #tpu.memory_space<semaphore_mem>>
          %dma_wait3A_303 = arith.constant 0 : i32
          %dma_wait3A_304 = tpu.memref_slice %arg4[%mul3A_294, %dma_wait3A_303] : memref<655360x384xf32, #tpu.memory_space<hbm>> -> memref<128x384xf32, #tpu.memory_space<hbm>>
          %dma_wait3A_305 = arith.constant 0 : i32
          %dma_wait3A_306 = arith.constant 0 : i32
          %dma_wait3A_307 = tpu.memref_slice %run_scoped3A_4[%rem3A_291, %dma_wait3A_305, %dma_wait3A_306] : memref<2x128x384xf32, #tpu.memory_space<vmem>> -> memref<1x128x384xf32, #tpu.memory_space<vmem>>
          %dma_wait3A_308 = tpu.memref_squeeze %dma_wait3A_307 : memref<1x128x384xf32, #tpu.memory_space<vmem>> -> memref<128x384xf32, #tpu.memory_space<vmem>>
          tpu.wait_dma2 semaphore(%dma_wait3A_302 : memref<!tpu.dma_semaphore, #tpu.memory_space<semaphore_mem>>) src(%dma_wait3A_308 : memref<128x384xf32, #tpu.memory_space<vmem>>) dst(%dma_wait3A_304 : memref<128x384xf32, #tpu.memory_space<hbm>>)
          "tpu.trace_stop"() : () -> ()
        } else {
        }
        %and3A_268 = arith.constant true
        %and3A_269 = arith.andi %and3A_264, %and3A_268 : i1
        %add3A_270 = arith.constant 1 : i32
        %add3A_271 = arith.addi %scan3A_129, %add3A_270 : i32
        %select_n3A_272 = arith.select %and3A_269, %add3A_271, %scan3A_129 : i32
        %add3A_273 = arith.addi %mul3A_2, %add3A_136 : i32
        %add3A_274 = arith.addi %mul3A_2, %add3A_156 : i32
        %ne3A_275 = arith.cmpi ne, %add3A_273, %add3A_274 : i32
        %or3A_276 = arith.constant false
        %or3A_277 = arith.ori %or3A_276, %ne3A_275 : i1
        %or3A_278 = arith.ori %or3A_277, %eq3A_134 : i1
        %add3A_279 = arith.constant 1 : i32
        %add3A_280 = arith.addi %scan3A_127, %add3A_279 : i32
        %select_n3A_281 = arith.select %or3A_278, %add3A_280, %scan3A_127 : i32
        %add3A_282 = arith.constant 1 : i32
        %add3A_283 = arith.addi %scan3A_130, %add3A_282 : i32
        %select_n3A_284 = arith.constant true
        %select_n3A_285 = arith.select %select_n3A_284, %add3A_283, %scan3A_130 : i32
        %eq3A_286 = arith.constant 160 : i32
        %eq3A_287 = arith.cmpi eq, %select_n3A_285, %eq3A_286 : i32
        %select_n3A_288 = arith.constant 0 : i32
        %select_n3A_289 = arith.select %eq3A_287, %select_n3A_288, %select_n3A_285 : i32
        scf.yield %select_n3A_177, %select_n3A_281, %select_n3A_241, %select_n3A_272, %select_n3A_289 : i32, i32, i32, i32, i32
      }
      %scan3A_67 = arith.constant 160 : i32
      %sub3A = arith.constant 1 : i32
      %sub3A_68 = arith.subi %scan3A_66#4, %sub3A : i32
      %select_n3A_69 = arith.constant true
      %select_n3A_70 = arith.select %select_n3A_69, %sub3A_68, %scan3A_66#4 : i32
      %eq3A_71 = arith.constant -1 : i32
      %eq3A_72 = arith.cmpi eq, %select_n3A_70, %eq3A_71 : i32
      %select_n3A_73 = arith.constant 159 : i32
      %select_n3A_74 = arith.select %eq3A_72, %select_n3A_73, %select_n3A_70 : i32
      %add3A_75 = arith.constant 0 : i32
      %add3A_76 = arith.addi %select_n3A_74, %add3A_75 : i32
      %sub3A_77 = arith.constant 1 : i32
      %sub3A_78 = arith.subi %select_n3A_74, %sub3A_77 : i32
      %select_n3A_79 = arith.constant true
      %select_n3A_80 = arith.select %select_n3A_79, %sub3A_78, %select_n3A_74 : i32
      %eq3A_81 = arith.constant -1 : i32
      %eq3A_82 = arith.cmpi eq, %select_n3A_80, %eq3A_81 : i32
      %select_n3A_83 = arith.constant 159 : i32
      %select_n3A_84 = arith.select %eq3A_82, %select_n3A_83, %select_n3A_80 : i32
      %add3A_85 = arith.constant 0 : i32
      %add3A_86 = arith.addi %select_n3A_84, %add3A_85 : i32
      %add3A_87 = arith.constant 1 : i32
      %add3A_88 = arith.addi %select_n3A_74, %add3A_87 : i32
      %select_n3A_89 = arith.constant true
      %select_n3A_90 = arith.select %select_n3A_89, %add3A_88, %select_n3A_74 : i32
      %eq3A_91 = arith.constant 160 : i32
      %eq3A_92 = arith.cmpi eq, %select_n3A_90, %eq3A_91 : i32
      %select_n3A_93 = arith.constant 0 : i32
      %select_n3A_94 = arith.select %eq3A_92, %select_n3A_93, %select_n3A_90 : i32
      %add3A_95 = arith.constant 0 : i32
      %add3A_96 = arith.addi %select_n3A_94, %add3A_95 : i32
      %add3A_97 = arith.constant 1 : i32
      %add3A_98 = arith.addi %select_n3A_94, %add3A_97 : i32
      %select_n3A_99 = arith.constant true
      %select_n3A_100 = arith.select %select_n3A_99, %add3A_98, %select_n3A_94 : i32
      %eq3A_101 = arith.constant 160 : i32
      %eq3A_102 = arith.cmpi eq, %select_n3A_100, %eq3A_101 : i32
      %select_n3A_103 = arith.constant 0 : i32
      %select_n3A_104 = arith.select %eq3A_102, %select_n3A_103, %select_n3A_100 : i32
      %add3A_105 = arith.constant 0 : i32
      %add3A_106 = arith.addi %select_n3A_104, %add3A_105 : i32
      "tpu.trace_start"() <{level = 10 : i32, message = "ep_finalize"}> : () -> ()
      %rem3A_107 = arith.constant 2 : i32
      %rem3A_108 = arith.remui %scan3A_66#3, %rem3A_107 : i32
      %add3A_109 = arith.addi %mul3A_2, %add3A_76 : i32
      %mul3A_110 = arith.constant 128 : i32
      %mul3A_111 = arith.muli %mul3A_110, %add3A_109 : i32
      %dma_wait3A = arith.constant 0 : i32
      %dma_wait3A_112 = arith.constant 0 : i32
      %dma_wait3A_113 = tpu.memref_slice %run_scoped3A_4[%rem3A_108, %dma_wait3A, %dma_wait3A_112] : memref<2x128x384xf32, #tpu.memory_space<vmem>> -> memref<1x128x384xf32, #tpu.memory_space<vmem>>
      %dma_wait3A_114 = tpu.memref_squeeze %dma_wait3A_113 : memref<1x128x384xf32, #tpu.memory_space<vmem>> -> memref<128x384xf32, #tpu.memory_space<vmem>>
      %dma_wait3A_115 = arith.constant 0 : i32
      %dma_wait3A_116 = tpu.memref_slice %arg4[%mul3A_111, %dma_wait3A_115] : memref<655360x384xf32, #tpu.memory_space<hbm>> -> memref<128x384xf32, #tpu.memory_space<hbm>>
      %dma_wait3A_117 = tpu.memref_slice %run_scoped3A_5[%rem3A_108] : memref<2x!tpu.dma_semaphore, #tpu.memory_space<semaphore_mem>> -> memref<1x!tpu.dma_semaphore, #tpu.memory_space<semaphore_mem>>
      %dma_wait3A_118 = tpu.memref_squeeze %dma_wait3A_117 : memref<1x!tpu.dma_semaphore, #tpu.memory_space<semaphore_mem>> -> memref<!tpu.dma_semaphore, #tpu.memory_space<semaphore_mem>>
      %dma_wait3A_119 = arith.constant 0 : i32
      %dma_wait3A_120 = tpu.memref_slice %arg4[%mul3A_111, %dma_wait3A_119] : memref<655360x384xf32, #tpu.memory_space<hbm>> -> memref<128x384xf32, #tpu.memory_space<hbm>>
      %dma_wait3A_121 = arith.constant 0 : i32
      %dma_wait3A_122 = arith.constant 0 : i32
      %dma_wait3A_123 = tpu.memref_slice %run_scoped3A_4[%rem3A_108, %dma_wait3A_121, %dma_wait3A_122] : memref<2x128x384xf32, #tpu.memory_space<vmem>> -> memref<1x128x384xf32, #tpu.memory_space<vmem>>
      %dma_wait3A_124 = tpu.memref_squeeze %dma_wait3A_123 : memref<1x128x384xf32, #tpu.memory_space<vmem>> -> memref<128x384xf32, #tpu.memory_space<vmem>>
      tpu.wait_dma2 semaphore(%dma_wait3A_118 : memref<!tpu.dma_semaphore, #tpu.memory_space<semaphore_mem>>) src(%dma_wait3A_124 : memref<128x384xf32, #tpu.memory_space<vmem>>) dst(%dma_wait3A_120 : memref<128x384xf32, #tpu.memory_space<hbm>>)
      "tpu.trace_stop"() : () -> ()
      tpu.yield
    }) : () -> ()
    return
  }
}

#map = affine_map<(d0, d1) -> (0, 0)>
module attributes {stable_mosaic.version = 14 : i64} {
  func.func @k(%arg0: i32, %arg1: i32, %arg2: memref<10240x384xf32, #tpu.memory_space<hbm>>, %arg3: memref<1x655360xi32, #tpu.memory_space<hbm>>, %arg4: memref<655360x384xf32, #tpu.memory_space<hbm>>) attributes {dimension_semantics = [#tpu.dimension_semantics<core_parallel>, #tpu.dimension_semantics<subcore_parallel>], iteration_bounds = array<i64: 2, 16>, scalar_prefetch = 0 : i64, scratch_operands = 0 : i64, tpu.core_type = #tpu.core_type<sc_vector_subcore>, window_params = [{transform_indices = #map}, {transform_indices = #map}, {transform_indices = #map}]} {
    %mul3A = arith.constant 2 : i32
    %mul3A_0 = arith.muli %arg1, %mul3A : i32
    %add3A = arith.addi %mul3A_0, %arg0 : i32
    %mul3A_1 = arith.constant 160 : i32
    %mul3A_2 = arith.muli %add3A, %mul3A_1 : i32
    "tpu.region"() ({
      %run_scoped3A = memref.alloca() : memref<2x1x128xi32, #tpu.memory_space<vmem>>
      %run_scoped3A_3 = tpu.sem_alloc : memref<2x!tpu.dma_semaphore, #tpu.memory_space<semaphore_mem>>
      %run_scoped3A_4 = memref.alloca() : memref<2x128x384xf32, #tpu.memory_space<vmem>>
      %run_scoped3A_5 = tpu.sem_alloc : memref<2x!tpu.dma_semaphore, #tpu.memory_space<semaphore_mem>>
      %select_n3A = arith.constant true
      %select_n3A_6 = arith.constant 0 : i32
      %select_n3A_7 = arith.constant -1 : i32
      %select_n3A_8 = arith.select %select_n3A, %select_n3A_7, %select_n3A_6 : i32
      %eq3A = arith.constant -1 : i32
      %eq3A_9 = arith.cmpi eq, %select_n3A_8, %eq3A : i32
      %select_n3A_10 = arith.constant 159 : i32
      %select_n3A_11 = arith.select %eq3A_9, %select_n3A_10, %select_n3A_8 : i32
      %add3A_12 = arith.constant 0 : i32
      %add3A_13 = arith.addi %select_n3A_11, %add3A_12 : i32
      %select_n3A_14 = arith.constant true
      %select_n3A_15 = arith.constant 0 : i32
      %select_n3A_16 = arith.constant 1 : i32
      %select_n3A_17 = arith.select %select_n3A_14, %select_n3A_16, %select_n3A_15 : i32
      %eq3A_18 = arith.constant 160 : i32
      %eq3A_19 = arith.cmpi eq, %select_n3A_17, %eq3A_18 : i32
      %select_n3A_20 = arith.constant 0 : i32
      %select_n3A_21 = arith.select %eq3A_19, %select_n3A_20, %select_n3A_17 : i32
      %add3A_22 = arith.constant 0 : i32
      %add3A_23 = arith.addi %select_n3A_21, %add3A_22 : i32
      %add3A_24 = arith.constant 1 : i32
      %add3A_25 = arith.addi %select_n3A_21, %add3A_24 : i32
      %select_n3A_26 = arith.constant true
      %select_n3A_27 = arith.select %select_n3A_26, %add3A_25, %select_n3A_21 : i32
      %eq3A_28 = arith.constant 160 : i32
      %eq3A_29 = arith.cmpi eq, %select_n3A_27, %eq3A_28 : i32
      %select_n3A_30 = arith.constant 0 : i32
      %select_n3A_31 = arith.select %eq3A_29, %select_n3A_30, %select_n3A_27 : i32
      %add3A_32 = arith.constant 0 : i32
      %add3A_33 = arith.addi %select_n3A_31, %add3A_32 : i32
      "tpu.trace_start"() <{level = 10 : i32, message = "ep_initialize_0"}> : () -> ()
      %rem3A = arith.constant 0 : i32
      %rem3A_34 = arith.constant 2 : i32
      %rem3A_35 = arith.remui %rem3A, %rem3A_34 : i32
      %add3A_36 = arith.constant 0 : i32
      %add3A_37 = arith.addi %mul3A_2, %add3A_36 : i32
      %mul3A_38 = arith.constant 128 : i32
      %mul3A_39 = arith.muli %mul3A_38, %add3A_37 : i32
      %dma_start3A = arith.constant 0 : i32
      %dma_start3A_40 = arith.constant 0 : i32
      %dma_start3A_41 = tpu.memref_slice %run_scoped3A[%rem3A_35, %dma_start3A, %dma_start3A_40] : memref<2x1x128xi32, #tpu.memory_space<vmem>> -> memref<1x1x128xi32, #tpu.memory_space<vmem>>
      %dma_start3A_42 = tpu.memref_squeeze %dma_start3A_41 : memref<1x1x128xi32, #tpu.memory_space<vmem>> -> memref<1x128xi32, #tpu.memory_space<vmem>>
      %dma_start3A_43 = arith.constant 0 : i32
      %dma_start3A_44 = tpu.memref_slice %arg3[%dma_start3A_43, %mul3A_39] : memref<1x655360xi32, #tpu.memory_space<hbm>> -> memref<1x128xi32, #tpu.memory_space<hbm>>
      %dma_start3A_45 = tpu.memref_slice %run_scoped3A_3[%rem3A_35] : memref<2x!tpu.dma_semaphore, #tpu.memory_space<semaphore_mem>> -> memref<1x!tpu.dma_semaphore, #tpu.memory_space<semaphore_mem>>
      %dma_start3A_46 = tpu.memref_squeeze %dma_start3A_45 : memref<1x!tpu.dma_semaphore, #tpu.memory_space<semaphore_mem>> -> memref<!tpu.dma_semaphore, #tpu.memory_space<semaphore_mem>>
      %dma_start3A_47 = arith.constant 0 : i32
      %dma_start3A_48 = arith.constant 0 : i32
      %dma_start3A_49 = tpu.memref_slice %run_scoped3A[%rem3A_35, %dma_start3A_47, %dma_start3A_48] : memref<2x1x128xi32, #tpu.memory_space<vmem>> -> memref<1x1x128xi32, #tpu.memory_space<vmem>>
      %dma_start3A_50 = tpu.memref_squeeze %dma_start3A_49 : memref<1x1x128xi32, #tpu.memory_space<vmem>> -> memref<1x128xi32, #tpu.memory_space<vmem>>
      %dma_start3A_51 = arith.constant 0 : i32
      %dma_start3A_52 = tpu.memref_slice %arg3[%dma_start3A_51, %mul3A_39] : memref<1x655360xi32, #tpu.memory_space<hbm>> -> memref<1x128xi32, #tpu.memory_space<hbm>>
      tpu.enqueue_dma source(%dma_start3A_52 : memref<1x128xi32, #tpu.memory_space<hbm>>) target(%dma_start3A_50 : memref<1x128xi32, #tpu.memory_space<vmem>>) target_semaphore(%dma_start3A_46 : memref<!tpu.dma_semaphore, #tpu.memory_space<semaphore_mem>>)
      %add3A_53 = arith.constant 0 : i32
      %add3A_54 = arith.constant 1 : i32
      %add3A_55 = arith.addi %add3A_53, %add3A_54 : i32
      %select_n3A_56 = arith.constant true
      %select_n3A_57 = arith.constant 0 : i32
      %select_n3A_58 = arith.select %select_n3A_56, %add3A_55, %select_n3A_57 : i32
      "tpu.trace_stop"() : () -> ()
      %scan3A = arith.constant 0 : i32
      %scan3A_59 = arith.constant 0 : i32
      %scan3A_60 = arith.constant 0 : i32
      %scan3A_61 = arith.constant 0 : i32
      %scan3A_62 = arith.constant 0 : i32
      %scan3A_63 = arith.constant 160 : i32
      %scan3A_64 = arith.addi %scan3A_62, %scan3A_63 : i32
      %scan3A_65 = arith.constant 1 : i32
      %scan3A_66:5 = scf.for %scan3A_125 = %scan3A_62 to %scan3A_64 step %scan3A_65 iter_args(%scan3A_126 = %select_n3A_58, %scan3A_127 = %scan3A, %scan3A_128 = %scan3A_59, %scan3A_129 = %scan3A_60, %scan3A_130 = %scan3A_61) -> (i32, i32, i32, i32, i32)  : i32 {
        %eq3A_131 = arith.constant 0 : i32
        %eq3A_132 = arith.cmpi eq, %scan3A_125, %eq3A_131 : i32
        %eq3A_133 = arith.constant 159 : i32
        %eq3A_134 = arith.cmpi eq, %scan3A_125, %eq3A_133 : i32
        %add3A_135 = arith.constant 0 : i32
        %add3A_136 = arith.addi %scan3A_130, %add3A_135 : i32
        %sub3A_137 = arith.constant 1 : i32
        %sub3A_138 = arith.subi %scan3A_130, %sub3A_137 : i32
        %select_n3A_139 = arith.constant true
        %select_n3A_140 = arith.select %select_n3A_139, %sub3A_138, %scan3A_130 : i32
        %eq3A_141 = arith.constant -1 : i32
        %eq3A_142 = arith.cmpi eq, %select_n3A_140, %eq3A_141 : i32
        %select_n3A_143 = arith.constant 159 : i32
        %select_n3A_144 = arith.select %eq3A_142, %select_n3A_143, %select_n3A_140 : i32
        %add3A_145 = arith.constant 0 : i32
        %add3A_146 = arith.addi %select_n3A_144, %add3A_145 : i32
        %add3A_147 = arith.constant 1 : i32
        %add3A_148 = arith.addi %scan3A_130, %add3A_147 : i32
        %select_n3A_149 = arith.constant true
        %select_n3A_150 = arith.select %select_n3A_149, %add3A_148, %scan3A_130 : i32
        %eq3A_151 = arith.constant 160 : i32
        %eq3A_152 = arith.cmpi eq, %select_n3A_150, %eq3A_151 : i32
        %select_n3A_153 = arith.constant 0 : i32
        %select_n3A_154 = arith.select %eq3A_152, %select_n3A_153, %select_n3A_150 : i32
        %add3A_155 = arith.constant 0 : i32
        %add3A_156 = arith.addi %select_n3A_154, %add3A_155 : i32
        %add3A_157 = arith.constant 1 : i32
        %add3A_158 = arith.addi %select_n3A_154, %add3A_157 : i32
        %select_n3A_159 = arith.constant true
        %select_n3A_160 = arith.select %select_n3A_159, %add3A_158, %select_n3A_154 : i32
        %eq3A_161 = arith.constant 160 : i32
        %eq3A_162 = arith.cmpi eq, %select_n3A_160, %eq3A_161 : i32
        %select_n3A_163 = arith.constant 0 : i32
        %select_n3A_164 = arith.select %eq3A_162, %select_n3A_163, %select_n3A_160 : i32
        %add3A_165 = arith.constant 0 : i32
        %add3A_166 = arith.addi %select_n3A_164, %add3A_165 : i32
        %add3A_167 = arith.addi %mul3A_2, %add3A_136 : i32
        %add3A_168 = arith.addi %mul3A_2, %add3A_156 : i32
        %ne3A = arith.cmpi ne, %add3A_167, %add3A_168 : i32
        %or3A = arith.constant false
        %or3A_169 = arith.ori %or3A, %ne3A : i1
        %ge3A = arith.constant 159 : i32
        %ge3A_170 = arith.cmpi sge, %scan3A_125, %ge3A : i32
        %not3A = arith.constant true
        %not3A_171 = arith.xori %ge3A_170, %not3A : i1
        %and3A = arith.andi %or3A_169, %not3A_171 : i1
        %convert_element_type3A = arith.extui %and3A : i1 to i32
        %cond3A = arith.constant 0 : i32
        %cond3A_172 = arith.cmpi ne, %convert_element_type3A, %cond3A : i32
        scf.if %cond3A_172 {
          "tpu.trace_start"() <{level = 10 : i32, message = "ep_copy_in"}> : () -> ()
          %rem3A_290 = arith.constant 2 : i32
          %rem3A_291 = arith.remui %scan3A_126, %rem3A_290 : i32
          %add3A_292 = arith.addi %mul3A_2, %add3A_156 : i32
          %mul3A_293 = arith.constant 128 : i32
          %mul3A_294 = arith.muli %mul3A_293, %add3A_292 : i32
          %dma_start3A_295 = arith.constant 0 : i32
          %dma_start3A_296 = arith.constant 0 : i32
          %dma_start3A_297 = tpu.memref_slice %run_scoped3A[%rem3A_291, %dma_start3A_295, %dma_start3A_296] : memref<2x1x128xi32, #tpu.memory_space<vmem>> -> memref<1x1x128xi32, #tpu.memory_space<vmem>>
          %dma_start3A_298 = tpu.memref_squeeze %dma_start3A_297 : memref<1x1x128xi32, #tpu.memory_space<vmem>> -> memref<1x128xi32, #tpu.memory_space<vmem>>
          %dma_start3A_299 = arith.constant 0 : i32
          %dma_start3A_300 = tpu.memref_slice %arg3[%dma_start3A_299, %mul3A_294] : memref<1x655360xi32, #tpu.memory_space<hbm>> -> memref<1x128xi32, #tpu.memory_space<hbm>>
          %dma_start3A_301 = tpu.memref_slice %run_scoped3A_3[%rem3A_291] : memref<2x!tpu.dma_semaphore, #tpu.memory_space<semaphore_mem>> -> memref<1x!tpu.dma_semaphore, #tpu.memory_space<semaphore_mem>>
          %dma_start3A_302 = tpu.memref_squeeze %dma_start3A_301 : memref<1x!tpu.dma_semaphore, #tpu.memory_space<semaphore_mem>> -> memref<!tpu.dma_semaphore, #tpu.memory_space<semaphore_mem>>
          %dma_start3A_303 = arith.constant 0 : i32
          %dma_start3A_304 = arith.constant 0 : i32
          %dma_start3A_305 = tpu.memref_slice %run_scoped3A[%rem3A_291, %dma_start3A_303, %dma_start3A_304] : memref<2x1x128xi32, #tpu.memory_space<vmem>> -> memref<1x1x128xi32, #tpu.memory_space<vmem>>
          %dma_start3A_306 = tpu.memref_squeeze %dma_start3A_305 : memref<1x1x128xi32, #tpu.memory_space<vmem>> -> memref<1x128xi32, #tpu.memory_space<vmem>>
          %dma_start3A_307 = arith.constant 0 : i32
          %dma_start3A_308 = tpu.memref_slice %arg3[%dma_start3A_307, %mul3A_294] : memref<1x655360xi32, #tpu.memory_space<hbm>> -> memref<1x128xi32, #tpu.memory_space<hbm>>
          tpu.enqueue_dma source(%dma_start3A_308 : memref<1x128xi32, #tpu.memory_space<hbm>>) target(%dma_start3A_306 : memref<1x128xi32, #tpu.memory_space<vmem>>) target_semaphore(%dma_start3A_302 : memref<!tpu.dma_semaphore, #tpu.memory_space<semaphore_mem>>)
          "tpu.trace_stop"() : () -> ()
        } else {
        }
        %and3A_173 = arith.constant true
        %and3A_174 = arith.andi %and3A, %and3A_173 : i1
        %add3A_175 = arith.constant 1 : i32
        %add3A_176 = arith.addi %scan3A_126, %add3A_175 : i32
        %select_n3A_177 = arith.select %and3A_174, %add3A_176, %scan3A_126 : i32
        %add3A_178 = arith.addi %mul3A_2, %add3A_136 : i32
        %add3A_179 = arith.addi %mul3A_2, %add3A_156 : i32
        %ne3A_180 = arith.cmpi ne, %add3A_178, %add3A_179 : i32
        %or3A_181 = arith.constant false
        %or3A_182 = arith.ori %or3A_181, %ne3A_180 : i1
        %or3A_183 = arith.constant false
        %or3A_184 = arith.ori %or3A_182, %or3A_183 : i1
        %ge3A_185 = arith.constant 159 : i32
        %ge3A_186 = arith.cmpi sge, %scan3A_125, %ge3A_185 : i32
        %not3A_187 = arith.constant true
        %not3A_188 = arith.xori %ge3A_186, %not3A_187 : i1
        %and3A_189 = arith.andi %or3A_184, %not3A_188 : i1
        %add3A_190 = arith.addi %mul3A_2, %add3A_136 : i32
        %add3A_191 = arith.addi %mul3A_2, %add3A_146 : i32
        %ne3A_192 = arith.cmpi ne, %add3A_190, %add3A_191 : i32
        %or3A_193 = arith.constant false
        %or3A_194 = arith.ori %or3A_193, %ne3A_192 : i1
        %or3A_195 = arith.ori %or3A_194, %eq3A_132 : i1
        %convert_element_type3A_196 = arith.extui %or3A_195 : i1 to i32
        %cond3A_197 = arith.constant 0 : i32
        %cond3A_198 = arith.cmpi ne, %convert_element_type3A_196, %cond3A_197 : i32
        scf.if %cond3A_198 {
          "tpu.trace_start"() <{level = 10 : i32, message = "ep_wait_in"}> : () -> ()
          %add3A_290 = arith.addi %mul3A_2, %add3A_136 : i32
          %mul3A_291 = arith.constant 128 : i32
          %mul3A_292 = arith.muli %mul3A_291, %add3A_290 : i32
          %rem3A_293 = arith.constant 2 : i32
          %rem3A_294 = arith.remui %scan3A_127, %rem3A_293 : i32
          %dma_wait3A_295 = arith.constant 0 : i32
          %dma_wait3A_296 = arith.constant 0 : i32
          %dma_wait3A_297 = tpu.memref_slice %run_scoped3A[%rem3A_294, %dma_wait3A_295, %dma_wait3A_296] : memref<2x1x128xi32, #tpu.memory_space<vmem>> -> memref<1x1x128xi32, #tpu.memory_space<vmem>>
          %dma_wait3A_298 = tpu.memref_squeeze %dma_wait3A_297 : memref<1x1x128xi32, #tpu.memory_space<vmem>> -> memref<1x128xi32, #tpu.memory_space<vmem>>
          %dma_wait3A_299 = arith.constant 0 : i32
          %dma_wait3A_300 = tpu.memref_slice %arg3[%dma_wait3A_299, %mul3A_292] : memref<1x655360xi32, #tpu.memory_space<hbm>> -> memref<1x128xi32, #tpu.memory_space<hbm>>
          %dma_wait3A_301 = tpu.memref_slice %run_scoped3A_3[%rem3A_294] : memref<2x!tpu.dma_semaphore, #tpu.memory_space<semaphore_mem>> -> memref<1x!tpu.dma_semaphore, #tpu.memory_space<semaphore_mem>>
          %dma_wait3A_302 = tpu.memref_squeeze %dma_wait3A_301 : memref<1x!tpu.dma_semaphore, #tpu.memory_space<semaphore_mem>> -> memref<!tpu.dma_semaphore, #tpu.memory_space<semaphore_mem>>
          %dma_wait3A_303 = arith.constant 0 : i32
          %dma_wait3A_304 = arith.constant 0 : i32
          %dma_wait3A_305 = tpu.memref_slice %run_scoped3A[%rem3A_294, %dma_wait3A_303, %dma_wait3A_304] : memref<2x1x128xi32, #tpu.memory_space<vmem>> -> memref<1x1x128xi32, #tpu.memory_space<vmem>>
          %dma_wait3A_306 = tpu.memref_squeeze %dma_wait3A_305 : memref<1x1x128xi32, #tpu.memory_space<vmem>> -> memref<1x128xi32, #tpu.memory_space<vmem>>
          %dma_wait3A_307 = arith.constant 0 : i32
          %dma_wait3A_308 = tpu.memref_slice %arg3[%dma_wait3A_307, %mul3A_292] : memref<1x655360xi32, #tpu.memory_space<hbm>> -> memref<1x128xi32, #tpu.memory_space<hbm>>
          tpu.wait_dma2 semaphore(%dma_wait3A_302 : memref<!tpu.dma_semaphore, #tpu.memory_space<semaphore_mem>>) src(%dma_wait3A_308 : memref<1x128xi32, #tpu.memory_space<hbm>>) dst(%dma_wait3A_306 : memref<1x128xi32, #tpu.memory_space<vmem>>)
          "tpu.trace_stop"() : () -> ()
        } else {
        }
        %add3A_199 = arith.addi %mul3A_2, %add3A_136 : i32
        %add3A_200 = arith.addi %mul3A_2, %add3A_146 : i32
        %ne3A_201 = arith.cmpi ne, %add3A_199, %add3A_200 : i32
        %or3A_202 = arith.constant false
        %or3A_203 = arith.ori %or3A_202, %ne3A_201 : i1
        %or3A_204 = arith.constant false
        %or3A_205 = arith.ori %or3A_203, %or3A_204 : i1
        %or3A_206 = arith.ori %or3A_205, %eq3A_132 : i1
        %convert_element_type3A_207 = arith.extui %or3A_206 : i1 to i32
        %cond3A_208 = arith.constant 0 : i32
        %cond3A_209 = arith.cmpi ne, %convert_element_type3A_207, %cond3A_208 : i32
        scf.if %cond3A_209 {
        } else {
        }
        %rem3A_210 = arith.constant 2 : i32
        %rem3A_211 = arith.remui %scan3A_127, %rem3A_210 : i32
        %rem3A_212 = arith.constant 2 : i32
        %rem3A_213 = arith.remui %scan3A_128, %rem3A_212 : i32
        %run_scoped3A_214 = arith.constant 0 : i32
        "tpu.trace_start"() <{level = 10 : i32, message = "ep_run_kernel"}> : () -> ()
        "tpu.region"() ({
          %run_scoped3A_290 = tpu.sem_alloc : memref<!tpu.dma_semaphore, #tpu.memory_space<semaphore_mem>>
          %dma_start3A_291 = arith.constant 0 : i32
          %dma_start3A_292 = arith.constant 0 : i32
          %dma_start3A_293 = tpu.memref_slice %run_scoped3A_4[%rem3A_213, %dma_start3A_291, %dma_start3A_292] : memref<2x128x384xf32, #tpu.memory_space<vmem>> -> memref<1x128x384xf32, #tpu.memory_space<vmem>>
          %dma_start3A_294 = tpu.memref_squeeze %dma_start3A_293 : memref<1x128x384xf32, #tpu.memory_space<vmem>> -> memref<128x384xf32, #tpu.memory_space<vmem>>
          %dma_start3A_295 = arith.constant 0 : i32
          %dma_start3A_296 = arith.constant 0 : i32
          %dma_start3A_297 = tpu.memref_slice %run_scoped3A[%rem3A_211, %dma_start3A_295, %dma_start3A_296] : memref<2x1x128xi32, #tpu.memory_space<vmem>> -> memref<1x1x128xi32, #tpu.memory_space<vmem>>
          %dma_start3A_298 = tpu.memref_squeeze %dma_start3A_297 : memref<1x1x128xi32, #tpu.memory_space<vmem>> -> memref<1x128xi32, #tpu.memory_space<vmem>>
          %dma_start3A_299 = arith.constant 0 : i32
          %dma_start3A_300 = tpu.memref_slice %dma_start3A_298[%run_scoped3A_214, %dma_start3A_299] : memref<1x128xi32, #tpu.memory_space<vmem>> -> memref<1x128xi32, #tpu.memory_space<vmem>>
          %dma_start3A_301 = tpu.memref_squeeze %dma_start3A_300 : memref<1x128xi32, #tpu.memory_space<vmem>> -> memref<128xi32, #tpu.memory_space<vmem>>
          %dma_start3A_302 = arith.constant 0 : i32
          %dma_start3A_303 = arith.constant 0 : i32
          %dma_start3A_304 = tpu.memref_slice %arg2[%dma_start3A_302, %dma_start3A_303] : memref<10240x384xf32, #tpu.memory_space<hbm>> -> memref<10240x384xf32, #tpu.memory_space<hbm>>
          tpu.enqueue_indirect_dma source(%dma_start3A_304 : memref<10240x384xf32, #tpu.memory_space<hbm>>) target(%dma_start3A_294 : memref<128x384xf32, #tpu.memory_space<vmem>>) offsets(%dma_start3A_301 : memref<128xi32, #tpu.memory_space<vmem>>) semaphore(%run_scoped3A_290 : memref<!tpu.dma_semaphore, #tpu.memory_space<semaphore_mem>>)
          %dma_wait3A_305 = arith.constant 0 : i32
          %dma_wait3A_306 = arith.constant 0 : i32
          %dma_wait3A_307 = tpu.memref_slice %run_scoped3A_4[%rem3A_213, %dma_wait3A_305, %dma_wait3A_306] : memref<2x128x384xf32, #tpu.memory_space<vmem>> -> memref<1x128x384xf32, #tpu.memory_space<vmem>>
          %dma_wait3A_308 = tpu.memref_squeeze %dma_wait3A_307 : memref<1x128x384xf32, #tpu.memory_space<vmem>> -> memref<128x384xf32, #tpu.memory_space<vmem>>
          %dma_wait3A_309 = arith.constant 0 : i32
          %dma_wait3A_310 = arith.constant 0 : i32
          %dma_wait3A_311 = tpu.memref_slice %run_scoped3A[%rem3A_211, %dma_wait3A_309, %dma_wait3A_310] : memref<2x1x128xi32, #tpu.memory_space<vmem>> -> memref<1x1x128xi32, #tpu.memory_space<vmem>>
          %dma_wait3A_312 = tpu.memref_squeeze %dma_wait3A_311 : memref<1x1x128xi32, #tpu.memory_space<vmem>> -> memref<1x128xi32, #tpu.memory_space<vmem>>
          %dma_wait3A_313 = arith.constant 0 : i32
          %dma_wait3A_314 = tpu.memref_slice %dma_wait3A_312[%run_scoped3A_214, %dma_wait3A_313] : memref<1x128xi32, #tpu.memory_space<vmem>> -> memref<1x128xi32, #tpu.memory_space<vmem>>
          %dma_wait3A_315 = tpu.memref_squeeze %dma_wait3A_314 : memref<1x128xi32, #tpu.memory_space<vmem>> -> memref<128xi32, #tpu.memory_space<vmem>>
          %dma_wait3A_316 = arith.constant 0 : i32
          %dma_wait3A_317 = arith.constant 0 : i32
          %dma_wait3A_318 = tpu.memref_slice %arg2[%dma_wait3A_316, %dma_wait3A_317] : memref<10240x384xf32, #tpu.memory_space<hbm>> -> memref<10240x384xf32, #tpu.memory_space<hbm>>
          tpu.wait_indirect_dma semaphore(%run_scoped3A_290 : memref<!tpu.dma_semaphore, #tpu.memory_space<semaphore_mem>>) src(%dma_wait3A_318 : memref<10240x384xf32, #tpu.memory_space<hbm>>) dst(%dma_wait3A_308 : memref<128x384xf32, #tpu.memory_space<vmem>>)
          tpu.yield
        }) : () -> ()
        "tpu.trace_stop"() : () -> ()
        %add3A_215 = arith.addi %mul3A_2, %add3A_136 : i32
        %add3A_216 = arith.addi %mul3A_2, %add3A_156 : i32
        %ne3A_217 = arith.cmpi ne, %add3A_215, %add3A_216 : i32
        %or3A_218 = arith.constant false
        %or3A_219 = arith.ori %or3A_218, %ne3A_217 : i1
        %or3A_220 = arith.ori %or3A_219, %eq3A_134 : i1
        %convert_element_type3A_221 = arith.extui %or3A_220 : i1 to i32
        %cond3A_222 = arith.constant 0 : i32
        %cond3A_223 = arith.cmpi ne, %convert_element_type3A_221, %cond3A_222 : i32
        scf.if %cond3A_223 {
        } else {
        }
        %and3A_224 = arith.constant false
        %and3A_225 = arith.andi %or3A_220, %and3A_224 : i1
        %add3A_226 = arith.addi %mul3A_2, %add3A_136 : i32
        %add3A_227 = arith.addi %mul3A_2, %add3A_156 : i32
        %ne3A_228 = arith.cmpi ne, %add3A_226, %add3A_227 : i32
        %or3A_229 = arith.constant false
        %or3A_230 = arith.ori %or3A_229, %ne3A_228 : i1
        %or3A_231 = arith.constant false
        %or3A_232 = arith.ori %or3A_230, %or3A_231 : i1
        %or3A_233 = arith.ori %or3A_232, %eq3A_134 : i1
        %convert_element_type3A_234 = arith.extui %or3A_233 : i1 to i32
        %cond3A_235 = arith.constant 0 : i32
        %cond3A_236 = arith.cmpi ne, %convert_element_type3A_234, %cond3A_235 : i32
        scf.if %cond3A_236 {
          "tpu.trace_start"() <{level = 10 : i32, message = "ep_copy_out"}> : () -> ()
          %rem3A_290 = arith.constant 2 : i32
          %rem3A_291 = arith.remui %scan3A_128, %rem3A_290 : i32
          %add3A_292 = arith.addi %mul3A_2, %add3A_136 : i32
          %mul3A_293 = arith.constant 128 : i32
          %mul3A_294 = arith.muli %mul3A_293, %add3A_292 : i32
          %dma_start3A_295 = arith.constant 0 : i32
          %dma_start3A_296 = arith.constant 0 : i32
          %dma_start3A_297 = tpu.memref_slice %run_scoped3A_4[%rem3A_291, %dma_start3A_295, %dma_start3A_296] : memref<2x128x384xf32, #tpu.memory_space<vmem>> -> memref<1x128x384xf32, #tpu.memory_space<vmem>>
          %dma_start3A_298 = tpu.memref_squeeze %dma_start3A_297 : memref<1x128x384xf32, #tpu.memory_space<vmem>> -> memref<128x384xf32, #tpu.memory_space<vmem>>
          %dma_start3A_299 = arith.constant 0 : i32
          %dma_start3A_300 = tpu.memref_slice %arg4[%mul3A_294, %dma_start3A_299] : memref<655360x384xf32, #tpu.memory_space<hbm>> -> memref<128x384xf32, #tpu.memory_space<hbm>>
          %dma_start3A_301 = tpu.memref_slice %run_scoped3A_5[%rem3A_291] : memref<2x!tpu.dma_semaphore, #tpu.memory_space<semaphore_mem>> -> memref<1x!tpu.dma_semaphore, #tpu.memory_space<semaphore_mem>>
          %dma_start3A_302 = tpu.memref_squeeze %dma_start3A_301 : memref<1x!tpu.dma_semaphore, #tpu.memory_space<semaphore_mem>> -> memref<!tpu.dma_semaphore, #tpu.memory_space<semaphore_mem>>
          %dma_start3A_303 = arith.constant 0 : i32
          %dma_start3A_304 = tpu.memref_slice %arg4[%mul3A_294, %dma_start3A_303] : memref<655360x384xf32, #tpu.memory_space<hbm>> -> memref<128x384xf32, #tpu.memory_space<hbm>>
          %dma_start3A_305 = arith.constant 0 : i32
          %dma_start3A_306 = arith.constant 0 : i32
          %dma_start3A_307 = tpu.memref_slice %run_scoped3A_4[%rem3A_291, %dma_start3A_305, %dma_start3A_306] : memref<2x128x384xf32, #tpu.memory_space<vmem>> -> memref<1x128x384xf32, #tpu.memory_space<vmem>>
          %dma_start3A_308 = tpu.memref_squeeze %dma_start3A_307 : memref<1x128x384xf32, #tpu.memory_space<vmem>> -> memref<128x384xf32, #tpu.memory_space<vmem>>
          tpu.enqueue_dma source(%dma_start3A_308 : memref<128x384xf32, #tpu.memory_space<vmem>>) target(%dma_start3A_304 : memref<128x384xf32, #tpu.memory_space<hbm>>) target_semaphore(%dma_start3A_302 : memref<!tpu.dma_semaphore, #tpu.memory_space<semaphore_mem>>)
          "tpu.trace_stop"() : () -> ()
        } else {
        }
        %and3A_237 = arith.constant true
        %and3A_238 = arith.andi %or3A_233, %and3A_237 : i1
        %add3A_239 = arith.constant 1 : i32
        %add3A_240 = arith.addi %scan3A_128, %add3A_239 : i32
        %select_n3A_241 = arith.select %and3A_238, %add3A_240, %scan3A_128 : i32
        %add3A_242 = arith.addi %mul3A_2, %add3A_136 : i32
        %add3A_243 = arith.addi %mul3A_2, %add3A_146 : i32
        %ne3A_244 = arith.cmpi ne, %add3A_242, %add3A_243 : i32
        %or3A_245 = arith.constant false
        %or3A_246 = arith.ori %or3A_245, %ne3A_244 : i1
        %not3A_247 = arith.constant true
        %not3A_248 = arith.xori %eq3A_132, %not3A_247 : i1
        %and3A_249 = arith.andi %or3A_246, %not3A_248 : i1
        %convert_element_type3A_250 = arith.extui %and3A_249 : i1 to i32
        %cond3A_251 = arith.constant 0 : i32
        %cond3A_252 = arith.cmpi ne, %convert_element_type3A_250, %cond3A_251 : i32
        scf.if %cond3A_252 {
        } else {
        }
        %and3A_253 = arith.constant false
        %and3A_254 = arith.andi %and3A_249, %and3A_253 : i1
        %add3A_255 = arith.addi %mul3A_2, %add3A_136 : i32
        %add3A_256 = arith.addi %mul3A_2, %add3A_146 : i32
        %ne3A_257 = arith.cmpi ne, %add3A_255, %add3A_256 : i32
        %or3A_258 = arith.constant false
        %or3A_259 = arith.ori %or3A_258, %ne3A_257 : i1
        %or3A_260 = arith.constant false
        %or3A_261 = arith.ori %or3A_259, %or3A_260 : i1
        %not3A_262 = arith.constant true
        %not3A_263 = arith.xori %eq3A_132, %not3A_262 : i1
        %and3A_264 = arith.andi %or3A_261, %not3A_263 : i1
        %convert_element_type3A_265 = arith.extui %and3A_264 : i1 to i32
        %cond3A_266 = arith.constant 0 : i32
        %cond3A_267 = arith.cmpi ne, %convert_element_type3A_265, %cond3A_266 : i32
        scf.if %cond3A_267 {
          "tpu.trace_start"() <{level = 10 : i32, message = "ep_wait_out"}> : () -> ()
          %rem3A_290 = arith.constant 2 : i32
          %rem3A_291 = arith.remui %scan3A_129, %rem3A_290 : i32
          %add3A_292 = arith.addi %mul3A_2, %add3A_146 : i32
          %mul3A_293 = arith.constant 128 : i32
          %mul3A_294 = arith.muli %mul3A_293, %add3A_292 : i32
          %dma_wait3A_295 = arith.constant 0 : i32
          %dma_wait3A_296 = arith.constant 0 : i32
          %dma_wait3A_297 = tpu.memref_slice %run_scoped3A_4[%rem3A_291, %dma_wait3A_295, %dma_wait3A_296] : memref<2x128x384xf32, #tpu.memory_space<vmem>> -> memref<1x128x384xf32, #tpu.memory_space<vmem>>
          %dma_wait3A_298 = tpu.memref_squeeze %dma_wait3A_297 : memref<1x128x384xf32, #tpu.memory_space<vmem>> -> memref<128x384xf32, #tpu.memory_space<vmem>>
          %dma_wait3A_299 = arith.constant 0 : i32
          %dma_wait3A_300 = tpu.memref_slice %arg4[%mul3A_294, %dma_wait3A_299] : memref<655360x384xf32, #tpu.memory_space<hbm>> -> memref<128x384xf32, #tpu.memory_space<hbm>>
          %dma_wait3A_301 = tpu.memref_slice %run_scoped3A_5[%rem3A_291] : memref<2x!tpu.dma_semaphore, #tpu.memory_space<semaphore_mem>> -> memref<1x!tpu.dma_semaphore, #tpu.memory_space<semaphore_mem>>
          %dma_wait3A_302 = tpu.memref_squeeze %dma_wait3A_301 : memref<1x!tpu.dma_semaphore, #tpu.memory_space<semaphore_mem>> -> memref<!tpu.dma_semaphore, #tpu.memory_space<semaphore_mem>>
          %dma_wait3A_303 = arith.constant 0 : i32
          %dma_wait3A_304 = tpu.memref_slice %arg4[%mul3A_294, %dma_wait3A_303] : memref<655360x384xf32, #tpu.memory_space<hbm>> -> memref<128x384xf32, #tpu.memory_space<hbm>>
          %dma_wait3A_305 = arith.constant 0 : i32
          %dma_wait3A_306 = arith.constant 0 : i32
          %dma_wait3A_307 = tpu.memref_slice %run_scoped3A_4[%rem3A_291, %dma_wait3A_305, %dma_wait3A_306] : memref<2x128x384xf32, #tpu.memory_space<vmem>> -> memref<1x128x384xf32, #tpu.memory_space<vmem>>
          %dma_wait3A_308 = tpu.memref_squeeze %dma_wait3A_307 : memref<1x128x384xf32, #tpu.memory_space<vmem>> -> memref<128x384xf32, #tpu.memory_space<vmem>>
          tpu.wait_dma2 semaphore(%dma_wait3A_302 : memref<!tpu.dma_semaphore, #tpu.memory_space<semaphore_mem>>) src(%dma_wait3A_308 : memref<128x384xf32, #tpu.memory_space<vmem>>) dst(%dma_wait3A_304 : memref<128x384xf32, #tpu.memory_space<hbm>>)
          "tpu.trace_stop"() : () -> ()
        } else {
        }
        %and3A_268 = arith.constant true
        %and3A_269 = arith.andi %and3A_264, %and3A_268 : i1
        %add3A_270 = arith.constant 1 : i32
        %add3A_271 = arith.addi %scan3A_129, %add3A_270 : i32
        %select_n3A_272 = arith.select %and3A_269, %add3A_271, %scan3A_129 : i32
        %add3A_273 = arith.addi %mul3A_2, %add3A_136 : i32
        %add3A_274 = arith.addi %mul3A_2, %add3A_156 : i32
        %ne3A_275 = arith.cmpi ne, %add3A_273, %add3A_274 : i32
        %or3A_276 = arith.constant false
        %or3A_277 = arith.ori %or3A_276, %ne3A_275 : i1
        %or3A_278 = arith.ori %or3A_277, %eq3A_134 : i1
        %add3A_279 = arith.constant 1 : i32
        %add3A_280 = arith.addi %scan3A_127, %add3A_279 : i32
        %select_n3A_281 = arith.select %or3A_278, %add3A_280, %scan3A_127 : i32
        %add3A_282 = arith.constant 1 : i32
        %add3A_283 = arith.addi %scan3A_130, %add3A_282 : i32
        %select_n3A_284 = arith.constant true
        %select_n3A_285 = arith.select %select_n3A_284, %add3A_283, %scan3A_130 : i32
        %eq3A_286 = arith.constant 160 : i32
        %eq3A_287 = arith.cmpi eq, %select_n3A_285, %eq3A_286 : i32
        %select_n3A_288 = arith.constant 0 : i32
        %select_n3A_289 = arith.select %eq3A_287, %select_n3A_288, %select_n3A_285 : i32
        scf.yield %select_n3A_177, %select_n3A_281, %select_n3A_241, %select_n3A_272, %select_n3A_289 : i32, i32, i32, i32, i32
      }
      %scan3A_67 = arith.constant 160 : i32
      %sub3A = arith.constant 1 : i32
      %sub3A_68 = arith.subi %scan3A_66#4, %sub3A : i32
      %select_n3A_69 = arith.constant true
      %select_n3A_70 = arith.select %select_n3A_69, %sub3A_68, %scan3A_66#4 : i32
      %eq3A_71 = arith.constant -1 : i32
      %eq3A_72 = arith.cmpi eq, %select_n3A_70, %eq3A_71 : i32
      %select_n3A_73 = arith.constant 159 : i32
      %select_n3A_74 = arith.select %eq3A_72, %select_n3A_73, %select_n3A_70 : i32
      %add3A_75 = arith.constant 0 : i32
      %add3A_76 = arith.addi %select_n3A_74, %add3A_75 : i32
      %sub3A_77 = arith.constant 1 : i32
      %sub3A_78 = arith.subi %select_n3A_74, %sub3A_77 : i32
      %select_n3A_79 = arith.constant true
      %select_n3A_80 = arith.select %select_n3A_79, %sub3A_78, %select_n3A_74 : i32
      %eq3A_81 = arith.constant -1 : i32
      %eq3A_82 = arith.cmpi eq, %select_n3A_80, %eq3A_81 : i32
      %select_n3A_83 = arith.constant 159 : i32
      %select_n3A_84 = arith.select %eq3A_82, %select_n3A_83, %select_n3A_80 : i32
      %add3A_85 = arith.constant 0 : i32
      %add3A_86 = arith.addi %select_n3A_84, %add3A_85 : i32
      %add3A_87 = arith.constant 1 : i32
      %add3A_88 = arith.addi %select_n3A_74, %add3A_87 : i32
      %select_n3A_89 = arith.constant true
      %select_n3A_90 = arith.select %select_n3A_89, %add3A_88, %select_n3A_74 : i32
      %eq3A_91 = arith.constant 160 : i32
      %eq3A_92 = arith.cmpi eq, %select_n3A_90, %eq3A_91 : i32
      %select_n3A_93 = arith.constant 0 : i32
      %select_n3A_94 = arith.select %eq3A_92, %select_n3A_93, %select_n3A_90 : i32
      %add3A_95 = arith.constant 0 : i32
      %add3A_96 = arith.addi %select_n3A_94, %add3A_95 : i32
      %add3A_97 = arith.constant 1 : i32
      %add3A_98 = arith.addi %select_n3A_94, %add3A_97 : i32
      %select_n3A_99 = arith.constant true
      %select_n3A_100 = arith.select %select_n3A_99, %add3A_98, %select_n3A_94 : i32
      %eq3A_101 = arith.constant 160 : i32
      %eq3A_102 = arith.cmpi eq, %select_n3A_100, %eq3A_101 : i32
      %select_n3A_103 = arith.constant 0 : i32
      %select_n3A_104 = arith.select %eq3A_102, %select_n3A_103, %select_n3A_100 : i32
      %add3A_105 = arith.constant 0 : i32
      %add3A_106 = arith.addi %select_n3A_104, %add3A_105 : i32
      "tpu.trace_start"() <{level = 10 : i32, message = "ep_finalize"}> : () -> ()
      %rem3A_107 = arith.constant 2 : i32
      %rem3A_108 = arith.remui %scan3A_66#3, %rem3A_107 : i32
      %add3A_109 = arith.addi %mul3A_2, %add3A_76 : i32
      %mul3A_110 = arith.constant 128 : i32
      %mul3A_111 = arith.muli %mul3A_110, %add3A_109 : i32
      %dma_wait3A = arith.constant 0 : i32
      %dma_wait3A_112 = arith.constant 0 : i32
      %dma_wait3A_113 = tpu.memref_slice %run_scoped3A_4[%rem3A_108, %dma_wait3A, %dma_wait3A_112] : memref<2x128x384xf32, #tpu.memory_space<vmem>> -> memref<1x128x384xf32, #tpu.memory_space<vmem>>
      %dma_wait3A_114 = tpu.memref_squeeze %dma_wait3A_113 : memref<1x128x384xf32, #tpu.memory_space<vmem>> -> memref<128x384xf32, #tpu.memory_space<vmem>>
      %dma_wait3A_115 = arith.constant 0 : i32
      %dma_wait3A_116 = tpu.memref_slice %arg4[%mul3A_111, %dma_wait3A_115] : memref<655360x384xf32, #tpu.memory_space<hbm>> -> memref<128x384xf32, #tpu.memory_space<hbm>>
      %dma_wait3A_117 = tpu.memref_slice %run_scoped3A_5[%rem3A_108] : memref<2x!tpu.dma_semaphore, #tpu.memory_space<semaphore_mem>> -> memref<1x!tpu.dma_semaphore, #tpu.memory_space<semaphore_mem>>
      %dma_wait3A_118 = tpu.memref_squeeze %dma_wait3A_117 : memref<1x!tpu.dma_semaphore, #tpu.memory_space<semaphore_mem>> -> memref<!tpu.dma_semaphore, #tpu.memory_space<semaphore_mem>>
      %dma_wait3A_119 = arith.constant 0 : i32
      %dma_wait3A_120 = tpu.memref_slice %arg4[%mul3A_111, %dma_wait3A_119] : memref<655360x384xf32, #tpu.memory_space<hbm>> -> memref<128x384xf32, #tpu.memory_space<hbm>>
      %dma_wait3A_121 = arith.constant 0 : i32
      %dma_wait3A_122 = arith.constant 0 : i32
      %dma_wait3A_123 = tpu.memref_slice %run_scoped3A_4[%rem3A_108, %dma_wait3A_121, %dma_wait3A_122] : memref<2x128x384xf32, #tpu.memory_space<vmem>> -> memref<1x128x384xf32, #tpu.memory_space<vmem>>
      %dma_wait3A_124 = tpu.memref_squeeze %dma_wait3A_123 : memref<1x128x384xf32, #tpu.memory_space<vmem>> -> memref<128x384xf32, #tpu.memory_space<vmem>>
      tpu.wait_dma2 semaphore(%dma_wait3A_118 : memref<!tpu.dma_semaphore, #tpu.memory_space<semaphore_mem>>) src(%dma_wait3A_124 : memref<128x384xf32, #tpu.memory_space<vmem>>) dst(%dma_wait3A_120 : memref<128x384xf32, #tpu.memory_space<hbm>>)
      "tpu.trace_stop"() : () -> ()
      tpu.yield
    }) : () -> ()
    return
  }
}

#map = affine_map<(d0, d1) -> (0, 0)>
module attributes {stable_mosaic.version = 14 : i64} {
  func.func @k(%arg0: i32, %arg1: i32, %arg2: memref<10240x384xf32, #tpu.memory_space<hbm>>, %arg3: memref<1x655360xi32, #tpu.memory_space<hbm>>, %arg4: memref<655360x384xf32, #tpu.memory_space<hbm>>) attributes {dimension_semantics = [#tpu.dimension_semantics<core_parallel>, #tpu.dimension_semantics<subcore_parallel>], iteration_bounds = array<i64: 2, 16>, scalar_prefetch = 0 : i64, scratch_operands = 0 : i64, tpu.core_type = #tpu.core_type<sc_vector_subcore>, window_params = [{transform_indices = #map}, {transform_indices = #map}, {transform_indices = #map}]} {
    %mul3A = arith.constant 2 : i32
    %mul3A_0 = arith.muli %arg1, %mul3A : i32
    %add3A = arith.addi %mul3A_0, %arg0 : i32
    %mul3A_1 = arith.constant 160 : i32
    %mul3A_2 = arith.muli %add3A, %mul3A_1 : i32
    "tpu.region"() ({
      %run_scoped3A = memref.alloca() : memref<2x1x128xi32, #tpu.memory_space<vmem>>
      %run_scoped3A_3 = tpu.sem_alloc : memref<2x!tpu.dma_semaphore, #tpu.memory_space<semaphore_mem>>
      %run_scoped3A_4 = memref.alloca() : memref<2x128x384xf32, #tpu.memory_space<vmem>>
      %run_scoped3A_5 = tpu.sem_alloc : memref<2x!tpu.dma_semaphore, #tpu.memory_space<semaphore_mem>>
      %select_n3A = arith.constant true
      %select_n3A_6 = arith.constant 0 : i32
      %select_n3A_7 = arith.constant -1 : i32
      %select_n3A_8 = arith.select %select_n3A, %select_n3A_7, %select_n3A_6 : i32
      %eq3A = arith.constant -1 : i32
      %eq3A_9 = arith.cmpi eq, %select_n3A_8, %eq3A : i32
      %select_n3A_10 = arith.constant 159 : i32
      %select_n3A_11 = arith.select %eq3A_9, %select_n3A_10, %select_n3A_8 : i32
      %add3A_12 = arith.constant 0 : i32
      %add3A_13 = arith.addi %select_n3A_11, %add3A_12 : i32
      %select_n3A_14 = arith.constant true
      %select_n3A_15 = arith.constant 0 : i32
      %select_n3A_16 = arith.constant 1 : i32
      %select_n3A_17 = arith.select %select_n3A_14, %select_n3A_16, %select_n3A_15 : i32
      %eq3A_18 = arith.constant 160 : i32
      %eq3A_19 = arith.cmpi eq, %select_n3A_17, %eq3A_18 : i32
      %select_n3A_20 = arith.constant 0 : i32
      %select_n3A_21 = arith.select %eq3A_19, %select_n3A_20, %select_n3A_17 : i32
      %add3A_22 = arith.constant 0 : i32
      %add3A_23 = arith.addi %select_n3A_21, %add3A_22 : i32
      %add3A_24 = arith.constant 1 : i32
      %add3A_25 = arith.addi %select_n3A_21, %add3A_24 : i32
      %select_n3A_26 = arith.constant true
      %select_n3A_27 = arith.select %select_n3A_26, %add3A_25, %select_n3A_21 : i32
      %eq3A_28 = arith.constant 160 : i32
      %eq3A_29 = arith.cmpi eq, %select_n3A_27, %eq3A_28 : i32
      %select_n3A_30 = arith.constant 0 : i32
      %select_n3A_31 = arith.select %eq3A_29, %select_n3A_30, %select_n3A_27 : i32
      %add3A_32 = arith.constant 0 : i32
      %add3A_33 = arith.addi %select_n3A_31, %add3A_32 : i32
      "tpu.trace_start"() <{level = 10 : i32, message = "ep_initialize_0"}> : () -> ()
      %rem3A = arith.constant 0 : i32
      %rem3A_34 = arith.constant 2 : i32
      %rem3A_35 = arith.remui %rem3A, %rem3A_34 : i32
      %add3A_36 = arith.constant 0 : i32
      %add3A_37 = arith.addi %mul3A_2, %add3A_36 : i32
      %mul3A_38 = arith.constant 128 : i32
      %mul3A_39 = arith.muli %mul3A_38, %add3A_37 : i32
      %dma_start3A = arith.constant 0 : i32
      %dma_start3A_40 = arith.constant 0 : i32
      %dma_start3A_41 = tpu.memref_slice %run_scoped3A[%rem3A_35, %dma_start3A, %dma_start3A_40] : memref<2x1x128xi32, #tpu.memory_space<vmem>> -> memref<1x1x128xi32, #tpu.memory_space<vmem>>
      %dma_start3A_42 = tpu.memref_squeeze %dma_start3A_41 : memref<1x1x128xi32, #tpu.memory_space<vmem>> -> memref<1x128xi32, #tpu.memory_space<vmem>>
      %dma_start3A_43 = arith.constant 0 : i32
      %dma_start3A_44 = tpu.memref_slice %arg3[%dma_start3A_43, %mul3A_39] : memref<1x655360xi32, #tpu.memory_space<hbm>> -> memref<1x128xi32, #tpu.memory_space<hbm>>
      %dma_start3A_45 = tpu.memref_slice %run_scoped3A_3[%rem3A_35] : memref<2x!tpu.dma_semaphore, #tpu.memory_space<semaphore_mem>> -> memref<1x!tpu.dma_semaphore, #tpu.memory_space<semaphore_mem>>
      %dma_start3A_46 = tpu.memref_squeeze %dma_start3A_45 : memref<1x!tpu.dma_semaphore, #tpu.memory_space<semaphore_mem>> -> memref<!tpu.dma_semaphore, #tpu.memory_space<semaphore_mem>>
      %dma_start3A_47 = arith.constant 0 : i32
      %dma_start3A_48 = arith.constant 0 : i32
      %dma_start3A_49 = tpu.memref_slice %run_scoped3A[%rem3A_35, %dma_start3A_47, %dma_start3A_48] : memref<2x1x128xi32, #tpu.memory_space<vmem>> -> memref<1x1x128xi32, #tpu.memory_space<vmem>>
      %dma_start3A_50 = tpu.memref_squeeze %dma_start3A_49 : memref<1x1x128xi32, #tpu.memory_space<vmem>> -> memref<1x128xi32, #tpu.memory_space<vmem>>
      %dma_start3A_51 = arith.constant 0 : i32
      %dma_start3A_52 = tpu.memref_slice %arg3[%dma_start3A_51, %mul3A_39] : memref<1x655360xi32, #tpu.memory_space<hbm>> -> memref<1x128xi32, #tpu.memory_space<hbm>>
      tpu.enqueue_dma source(%dma_start3A_52 : memref<1x128xi32, #tpu.memory_space<hbm>>) target(%dma_start3A_50 : memref<1x128xi32, #tpu.memory_space<vmem>>) target_semaphore(%dma_start3A_46 : memref<!tpu.dma_semaphore, #tpu.memory_space<semaphore_mem>>)
      %add3A_53 = arith.constant 0 : i32
      %add3A_54 = arith.constant 1 : i32
      %add3A_55 = arith.addi %add3A_53, %add3A_54 : i32
      %select_n3A_56 = arith.constant true
      %select_n3A_57 = arith.constant 0 : i32
      %select_n3A_58 = arith.select %select_n3A_56, %add3A_55, %select_n3A_57 : i32
      "tpu.trace_stop"() : () -> ()
      %scan3A = arith.constant 0 : i32
      %scan3A_59 = arith.constant 0 : i32
      %scan3A_60 = arith.constant 0 : i32
      %scan3A_61 = arith.constant 0 : i32
      %scan3A_62 = arith.constant 0 : i32
      %scan3A_63 = arith.constant 160 : i32
      %scan3A_64 = arith.addi %scan3A_62, %scan3A_63 : i32
      %scan3A_65 = arith.constant 1 : i32
      %scan3A_66:5 = scf.for %scan3A_125 = %scan3A_62 to %scan3A_64 step %scan3A_65 iter_args(%scan3A_126 = %select_n3A_58, %scan3A_127 = %scan3A, %scan3A_128 = %scan3A_59, %scan3A_129 = %scan3A_60, %scan3A_130 = %scan3A_61) -> (i32, i32, i32, i32, i32)  : i32 {
        %eq3A_131 = arith.constant 0 : i32
        %eq3A_132 = arith.cmpi eq, %scan3A_125, %eq3A_131 : i32
        %eq3A_133 = arith.constant 159 : i32
        %eq3A_134 = arith.cmpi eq, %scan3A_125, %eq3A_133 : i32
        %add3A_135 = arith.constant 0 : i32
        %add3A_136 = arith.addi %scan3A_130, %add3A_135 : i32
        %sub3A_137 = arith.constant 1 : i32
        %sub3A_138 = arith.subi %scan3A_130, %sub3A_137 : i32
        %select_n3A_139 = arith.constant true
        %select_n3A_140 = arith.select %select_n3A_139, %sub3A_138, %scan3A_130 : i32
        %eq3A_141 = arith.constant -1 : i32
        %eq3A_142 = arith.cmpi eq, %select_n3A_140, %eq3A_141 : i32
        %select_n3A_143 = arith.constant 159 : i32
        %select_n3A_144 = arith.select %eq3A_142, %select_n3A_143, %select_n3A_140 : i32
        %add3A_145 = arith.constant 0 : i32
        %add3A_146 = arith.addi %select_n3A_144, %add3A_145 : i32
        %add3A_147 = arith.constant 1 : i32
        %add3A_148 = arith.addi %scan3A_130, %add3A_147 : i32
        %select_n3A_149 = arith.constant true
        %select_n3A_150 = arith.select %select_n3A_149, %add3A_148, %scan3A_130 : i32
        %eq3A_151 = arith.constant 160 : i32
        %eq3A_152 = arith.cmpi eq, %select_n3A_150, %eq3A_151 : i32
        %select_n3A_153 = arith.constant 0 : i32
        %select_n3A_154 = arith.select %eq3A_152, %select_n3A_153, %select_n3A_150 : i32
        %add3A_155 = arith.constant 0 : i32
        %add3A_156 = arith.addi %select_n3A_154, %add3A_155 : i32
        %add3A_157 = arith.constant 1 : i32
        %add3A_158 = arith.addi %select_n3A_154, %add3A_157 : i32
        %select_n3A_159 = arith.constant true
        %select_n3A_160 = arith.select %select_n3A_159, %add3A_158, %select_n3A_154 : i32
        %eq3A_161 = arith.constant 160 : i32
        %eq3A_162 = arith.cmpi eq, %select_n3A_160, %eq3A_161 : i32
        %select_n3A_163 = arith.constant 0 : i32
        %select_n3A_164 = arith.select %eq3A_162, %select_n3A_163, %select_n3A_160 : i32
        %add3A_165 = arith.constant 0 : i32
        %add3A_166 = arith.addi %select_n3A_164, %add3A_165 : i32
        %add3A_167 = arith.addi %mul3A_2, %add3A_136 : i32
        %add3A_168 = arith.addi %mul3A_2, %add3A_156 : i32
        %ne3A = arith.cmpi ne, %add3A_167, %add3A_168 : i32
        %or3A = arith.constant false
        %or3A_169 = arith.ori %or3A, %ne3A : i1
        %ge3A = arith.constant 159 : i32
        %ge3A_170 = arith.cmpi sge, %scan3A_125, %ge3A : i32
        %not3A = arith.constant true
        %not3A_171 = arith.xori %ge3A_170, %not3A : i1
        %and3A = arith.andi %or3A_169, %not3A_171 : i1
        %convert_element_type3A = arith.extui %and3A : i1 to i32
        %cond3A = arith.constant 0 : i32
        %cond3A_172 = arith.cmpi ne, %convert_element_type3A, %cond3A : i32
        scf.if %cond3A_172 {
          "tpu.trace_start"() <{level = 10 : i32, message = "ep_copy_in"}> : () -> ()
          %rem3A_290 = arith.constant 2 : i32
          %rem3A_291 = arith.remui %scan3A_126, %rem3A_290 : i32
          %add3A_292 = arith.addi %mul3A_2, %add3A_156 : i32
          %mul3A_293 = arith.constant 128 : i32
          %mul3A_294 = arith.muli %mul3A_293, %add3A_292 : i32
          %dma_start3A_295 = arith.constant 0 : i32
          %dma_start3A_296 = arith.constant 0 : i32
          %dma_start3A_297 = tpu.memref_slice %run_scoped3A[%rem3A_291, %dma_start3A_295, %dma_start3A_296] : memref<2x1x128xi32, #tpu.memory_space<vmem>> -> memref<1x1x128xi32, #tpu.memory_space<vmem>>
          %dma_start3A_298 = tpu.memref_squeeze %dma_start3A_297 : memref<1x1x128xi32, #tpu.memory_space<vmem>> -> memref<1x128xi32, #tpu.memory_space<vmem>>
          %dma_start3A_299 = arith.constant 0 : i32
          %dma_start3A_300 = tpu.memref_slice %arg3[%dma_start3A_299, %mul3A_294] : memref<1x655360xi32, #tpu.memory_space<hbm>> -> memref<1x128xi32, #tpu.memory_space<hbm>>
          %dma_start3A_301 = tpu.memref_slice %run_scoped3A_3[%rem3A_291] : memref<2x!tpu.dma_semaphore, #tpu.memory_space<semaphore_mem>> -> memref<1x!tpu.dma_semaphore, #tpu.memory_space<semaphore_mem>>
          %dma_start3A_302 = tpu.memref_squeeze %dma_start3A_301 : memref<1x!tpu.dma_semaphore, #tpu.memory_space<semaphore_mem>> -> memref<!tpu.dma_semaphore, #tpu.memory_space<semaphore_mem>>
          %dma_start3A_303 = arith.constant 0 : i32
          %dma_start3A_304 = arith.constant 0 : i32
          %dma_start3A_305 = tpu.memref_slice %run_scoped3A[%rem3A_291, %dma_start3A_303, %dma_start3A_304] : memref<2x1x128xi32, #tpu.memory_space<vmem>> -> memref<1x1x128xi32, #tpu.memory_space<vmem>>
          %dma_start3A_306 = tpu.memref_squeeze %dma_start3A_305 : memref<1x1x128xi32, #tpu.memory_space<vmem>> -> memref<1x128xi32, #tpu.memory_space<vmem>>
          %dma_start3A_307 = arith.constant 0 : i32
          %dma_start3A_308 = tpu.memref_slice %arg3[%dma_start3A_307, %mul3A_294] : memref<1x655360xi32, #tpu.memory_space<hbm>> -> memref<1x128xi32, #tpu.memory_space<hbm>>
          tpu.enqueue_dma source(%dma_start3A_308 : memref<1x128xi32, #tpu.memory_space<hbm>>) target(%dma_start3A_306 : memref<1x128xi32, #tpu.memory_space<vmem>>) target_semaphore(%dma_start3A_302 : memref<!tpu.dma_semaphore, #tpu.memory_space<semaphore_mem>>)
          "tpu.trace_stop"() : () -> ()
        } else {
        }
        %and3A_173 = arith.constant true
        %and3A_174 = arith.andi %and3A, %and3A_173 : i1
        %add3A_175 = arith.constant 1 : i32
        %add3A_176 = arith.addi %scan3A_126, %add3A_175 : i32
        %select_n3A_177 = arith.select %and3A_174, %add3A_176, %scan3A_126 : i32
        %add3A_178 = arith.addi %mul3A_2, %add3A_136 : i32
        %add3A_179 = arith.addi %mul3A_2, %add3A_156 : i32
        %ne3A_180 = arith.cmpi ne, %add3A_178, %add3A_179 : i32
        %or3A_181 = arith.constant false
        %or3A_182 = arith.ori %or3A_181, %ne3A_180 : i1
        %or3A_183 = arith.constant false
        %or3A_184 = arith.ori %or3A_182, %or3A_183 : i1
        %ge3A_185 = arith.constant 159 : i32
        %ge3A_186 = arith.cmpi sge, %scan3A_125, %ge3A_185 : i32
        %not3A_187 = arith.constant true
        %not3A_188 = arith.xori %ge3A_186, %not3A_187 : i1
        %and3A_189 = arith.andi %or3A_184, %not3A_188 : i1
        %add3A_190 = arith.addi %mul3A_2, %add3A_136 : i32
        %add3A_191 = arith.addi %mul3A_2, %add3A_146 : i32
        %ne3A_192 = arith.cmpi ne, %add3A_190, %add3A_191 : i32
        %or3A_193 = arith.constant false
        %or3A_194 = arith.ori %or3A_193, %ne3A_192 : i1
        %or3A_195 = arith.ori %or3A_194, %eq3A_132 : i1
        %convert_element_type3A_196 = arith.extui %or3A_195 : i1 to i32
        %cond3A_197 = arith.constant 0 : i32
        %cond3A_198 = arith.cmpi ne, %convert_element_type3A_196, %cond3A_197 : i32
        scf.if %cond3A_198 {
          "tpu.trace_start"() <{level = 10 : i32, message = "ep_wait_in"}> : () -> ()
          %add3A_290 = arith.addi %mul3A_2, %add3A_136 : i32
          %mul3A_291 = arith.constant 128 : i32
          %mul3A_292 = arith.muli %mul3A_291, %add3A_290 : i32
          %rem3A_293 = arith.constant 2 : i32
          %rem3A_294 = arith.remui %scan3A_127, %rem3A_293 : i32
          %dma_wait3A_295 = arith.constant 0 : i32
          %dma_wait3A_296 = arith.constant 0 : i32
          %dma_wait3A_297 = tpu.memref_slice %run_scoped3A[%rem3A_294, %dma_wait3A_295, %dma_wait3A_296] : memref<2x1x128xi32, #tpu.memory_space<vmem>> -> memref<1x1x128xi32, #tpu.memory_space<vmem>>
          %dma_wait3A_298 = tpu.memref_squeeze %dma_wait3A_297 : memref<1x1x128xi32, #tpu.memory_space<vmem>> -> memref<1x128xi32, #tpu.memory_space<vmem>>
          %dma_wait3A_299 = arith.constant 0 : i32
          %dma_wait3A_300 = tpu.memref_slice %arg3[%dma_wait3A_299, %mul3A_292] : memref<1x655360xi32, #tpu.memory_space<hbm>> -> memref<1x128xi32, #tpu.memory_space<hbm>>
          %dma_wait3A_301 = tpu.memref_slice %run_scoped3A_3[%rem3A_294] : memref<2x!tpu.dma_semaphore, #tpu.memory_space<semaphore_mem>> -> memref<1x!tpu.dma_semaphore, #tpu.memory_space<semaphore_mem>>
          %dma_wait3A_302 = tpu.memref_squeeze %dma_wait3A_301 : memref<1x!tpu.dma_semaphore, #tpu.memory_space<semaphore_mem>> -> memref<!tpu.dma_semaphore, #tpu.memory_space<semaphore_mem>>
          %dma_wait3A_303 = arith.constant 0 : i32
          %dma_wait3A_304 = arith.constant 0 : i32
          %dma_wait3A_305 = tpu.memref_slice %run_scoped3A[%rem3A_294, %dma_wait3A_303, %dma_wait3A_304] : memref<2x1x128xi32, #tpu.memory_space<vmem>> -> memref<1x1x128xi32, #tpu.memory_space<vmem>>
          %dma_wait3A_306 = tpu.memref_squeeze %dma_wait3A_305 : memref<1x1x128xi32, #tpu.memory_space<vmem>> -> memref<1x128xi32, #tpu.memory_space<vmem>>
          %dma_wait3A_307 = arith.constant 0 : i32
          %dma_wait3A_308 = tpu.memref_slice %arg3[%dma_wait3A_307, %mul3A_292] : memref<1x655360xi32, #tpu.memory_space<hbm>> -> memref<1x128xi32, #tpu.memory_space<hbm>>
          tpu.wait_dma2 semaphore(%dma_wait3A_302 : memref<!tpu.dma_semaphore, #tpu.memory_space<semaphore_mem>>) src(%dma_wait3A_308 : memref<1x128xi32, #tpu.memory_space<hbm>>) dst(%dma_wait3A_306 : memref<1x128xi32, #tpu.memory_space<vmem>>)
          "tpu.trace_stop"() : () -> ()
        } else {
        }
        %add3A_199 = arith.addi %mul3A_2, %add3A_136 : i32
        %add3A_200 = arith.addi %mul3A_2, %add3A_146 : i32
        %ne3A_201 = arith.cmpi ne, %add3A_199, %add3A_200 : i32
        %or3A_202 = arith.constant false
        %or3A_203 = arith.ori %or3A_202, %ne3A_201 : i1
        %or3A_204 = arith.constant false
        %or3A_205 = arith.ori %or3A_203, %or3A_204 : i1
        %or3A_206 = arith.ori %or3A_205, %eq3A_132 : i1
        %convert_element_type3A_207 = arith.extui %or3A_206 : i1 to i32
        %cond3A_208 = arith.constant 0 : i32
        %cond3A_209 = arith.cmpi ne, %convert_element_type3A_207, %cond3A_208 : i32
        scf.if %cond3A_209 {
        } else {
        }
        %rem3A_210 = arith.constant 2 : i32
        %rem3A_211 = arith.remui %scan3A_127, %rem3A_210 : i32
        %rem3A_212 = arith.constant 2 : i32
        %rem3A_213 = arith.remui %scan3A_128, %rem3A_212 : i32
        %run_scoped3A_214 = arith.constant 0 : i32
        "tpu.trace_start"() <{level = 10 : i32, message = "ep_run_kernel"}> : () -> ()
        "tpu.region"() ({
          %run_scoped3A_290 = tpu.sem_alloc : memref<!tpu.dma_semaphore, #tpu.memory_space<semaphore_mem>>
          %dma_start3A_291 = arith.constant 0 : i32
          %dma_start3A_292 = arith.constant 0 : i32
          %dma_start3A_293 = tpu.memref_slice %run_scoped3A_4[%rem3A_213, %dma_start3A_291, %dma_start3A_292] : memref<2x128x384xf32, #tpu.memory_space<vmem>> -> memref<1x128x384xf32, #tpu.memory_space<vmem>>
          %dma_start3A_294 = tpu.memref_squeeze %dma_start3A_293 : memref<1x128x384xf32, #tpu.memory_space<vmem>> -> memref<128x384xf32, #tpu.memory_space<vmem>>
          %dma_start3A_295 = arith.constant 0 : i32
          %dma_start3A_296 = arith.constant 0 : i32
          %dma_start3A_297 = tpu.memref_slice %run_scoped3A[%rem3A_211, %dma_start3A_295, %dma_start3A_296] : memref<2x1x128xi32, #tpu.memory_space<vmem>> -> memref<1x1x128xi32, #tpu.memory_space<vmem>>
          %dma_start3A_298 = tpu.memref_squeeze %dma_start3A_297 : memref<1x1x128xi32, #tpu.memory_space<vmem>> -> memref<1x128xi32, #tpu.memory_space<vmem>>
          %dma_start3A_299 = arith.constant 0 : i32
          %dma_start3A_300 = tpu.memref_slice %dma_start3A_298[%run_scoped3A_214, %dma_start3A_299] : memref<1x128xi32, #tpu.memory_space<vmem>> -> memref<1x128xi32, #tpu.memory_space<vmem>>
          %dma_start3A_301 = tpu.memref_squeeze %dma_start3A_300 : memref<1x128xi32, #tpu.memory_space<vmem>> -> memref<128xi32, #tpu.memory_space<vmem>>
          %dma_start3A_302 = arith.constant 0 : i32
          %dma_start3A_303 = arith.constant 0 : i32
          %dma_start3A_304 = tpu.memref_slice %arg2[%dma_start3A_302, %dma_start3A_303] : memref<10240x384xf32, #tpu.memory_space<hbm>> -> memref<10240x384xf32, #tpu.memory_space<hbm>>
          tpu.enqueue_indirect_dma source(%dma_start3A_304 : memref<10240x384xf32, #tpu.memory_space<hbm>>) target(%dma_start3A_294 : memref<128x384xf32, #tpu.memory_space<vmem>>) offsets(%dma_start3A_301 : memref<128xi32, #tpu.memory_space<vmem>>) semaphore(%run_scoped3A_290 : memref<!tpu.dma_semaphore, #tpu.memory_space<semaphore_mem>>)
          %dma_wait3A_305 = arith.constant 0 : i32
          %dma_wait3A_306 = arith.constant 0 : i32
          %dma_wait3A_307 = tpu.memref_slice %run_scoped3A_4[%rem3A_213, %dma_wait3A_305, %dma_wait3A_306] : memref<2x128x384xf32, #tpu.memory_space<vmem>> -> memref<1x128x384xf32, #tpu.memory_space<vmem>>
          %dma_wait3A_308 = tpu.memref_squeeze %dma_wait3A_307 : memref<1x128x384xf32, #tpu.memory_space<vmem>> -> memref<128x384xf32, #tpu.memory_space<vmem>>
          %dma_wait3A_309 = arith.constant 0 : i32
          %dma_wait3A_310 = arith.constant 0 : i32
          %dma_wait3A_311 = tpu.memref_slice %run_scoped3A[%rem3A_211, %dma_wait3A_309, %dma_wait3A_310] : memref<2x1x128xi32, #tpu.memory_space<vmem>> -> memref<1x1x128xi32, #tpu.memory_space<vmem>>
          %dma_wait3A_312 = tpu.memref_squeeze %dma_wait3A_311 : memref<1x1x128xi32, #tpu.memory_space<vmem>> -> memref<1x128xi32, #tpu.memory_space<vmem>>
          %dma_wait3A_313 = arith.constant 0 : i32
          %dma_wait3A_314 = tpu.memref_slice %dma_wait3A_312[%run_scoped3A_214, %dma_wait3A_313] : memref<1x128xi32, #tpu.memory_space<vmem>> -> memref<1x128xi32, #tpu.memory_space<vmem>>
          %dma_wait3A_315 = tpu.memref_squeeze %dma_wait3A_314 : memref<1x128xi32, #tpu.memory_space<vmem>> -> memref<128xi32, #tpu.memory_space<vmem>>
          %dma_wait3A_316 = arith.constant 0 : i32
          %dma_wait3A_317 = arith.constant 0 : i32
          %dma_wait3A_318 = tpu.memref_slice %arg2[%dma_wait3A_316, %dma_wait3A_317] : memref<10240x384xf32, #tpu.memory_space<hbm>> -> memref<10240x384xf32, #tpu.memory_space<hbm>>
          tpu.wait_indirect_dma semaphore(%run_scoped3A_290 : memref<!tpu.dma_semaphore, #tpu.memory_space<semaphore_mem>>) src(%dma_wait3A_318 : memref<10240x384xf32, #tpu.memory_space<hbm>>) dst(%dma_wait3A_308 : memref<128x384xf32, #tpu.memory_space<vmem>>)
          tpu.yield
        }) : () -> ()
        "tpu.trace_stop"() : () -> ()
        %add3A_215 = arith.addi %mul3A_2, %add3A_136 : i32
        %add3A_216 = arith.addi %mul3A_2, %add3A_156 : i32
        %ne3A_217 = arith.cmpi ne, %add3A_215, %add3A_216 : i32
        %or3A_218 = arith.constant false
        %or3A_219 = arith.ori %or3A_218, %ne3A_217 : i1
        %or3A_220 = arith.ori %or3A_219, %eq3A_134 : i1
        %convert_element_type3A_221 = arith.extui %or3A_220 : i1 to i32
        %cond3A_222 = arith.constant 0 : i32
        %cond3A_223 = arith.cmpi ne, %convert_element_type3A_221, %cond3A_222 : i32
        scf.if %cond3A_223 {
        } else {
        }
        %and3A_224 = arith.constant false
        %and3A_225 = arith.andi %or3A_220, %and3A_224 : i1
        %add3A_226 = arith.addi %mul3A_2, %add3A_136 : i32
        %add3A_227 = arith.addi %mul3A_2, %add3A_156 : i32
        %ne3A_228 = arith.cmpi ne, %add3A_226, %add3A_227 : i32
        %or3A_229 = arith.constant false
        %or3A_230 = arith.ori %or3A_229, %ne3A_228 : i1
        %or3A_231 = arith.constant false
        %or3A_232 = arith.ori %or3A_230, %or3A_231 : i1
        %or3A_233 = arith.ori %or3A_232, %eq3A_134 : i1
        %convert_element_type3A_234 = arith.extui %or3A_233 : i1 to i32
        %cond3A_235 = arith.constant 0 : i32
        %cond3A_236 = arith.cmpi ne, %convert_element_type3A_234, %cond3A_235 : i32
        scf.if %cond3A_236 {
          "tpu.trace_start"() <{level = 10 : i32, message = "ep_copy_out"}> : () -> ()
          %rem3A_290 = arith.constant 2 : i32
          %rem3A_291 = arith.remui %scan3A_128, %rem3A_290 : i32
          %add3A_292 = arith.addi %mul3A_2, %add3A_136 : i32
          %mul3A_293 = arith.constant 128 : i32
          %mul3A_294 = arith.muli %mul3A_293, %add3A_292 : i32
          %dma_start3A_295 = arith.constant 0 : i32
          %dma_start3A_296 = arith.constant 0 : i32
          %dma_start3A_297 = tpu.memref_slice %run_scoped3A_4[%rem3A_291, %dma_start3A_295, %dma_start3A_296] : memref<2x128x384xf32, #tpu.memory_space<vmem>> -> memref<1x128x384xf32, #tpu.memory_space<vmem>>
          %dma_start3A_298 = tpu.memref_squeeze %dma_start3A_297 : memref<1x128x384xf32, #tpu.memory_space<vmem>> -> memref<128x384xf32, #tpu.memory_space<vmem>>
          %dma_start3A_299 = arith.constant 0 : i32
          %dma_start3A_300 = tpu.memref_slice %arg4[%mul3A_294, %dma_start3A_299] : memref<655360x384xf32, #tpu.memory_space<hbm>> -> memref<128x384xf32, #tpu.memory_space<hbm>>
          %dma_start3A_301 = tpu.memref_slice %run_scoped3A_5[%rem3A_291] : memref<2x!tpu.dma_semaphore, #tpu.memory_space<semaphore_mem>> -> memref<1x!tpu.dma_semaphore, #tpu.memory_space<semaphore_mem>>
          %dma_start3A_302 = tpu.memref_squeeze %dma_start3A_301 : memref<1x!tpu.dma_semaphore, #tpu.memory_space<semaphore_mem>> -> memref<!tpu.dma_semaphore, #tpu.memory_space<semaphore_mem>>
          %dma_start3A_303 = arith.constant 0 : i32
          %dma_start3A_304 = tpu.memref_slice %arg4[%mul3A_294, %dma_start3A_303] : memref<655360x384xf32, #tpu.memory_space<hbm>> -> memref<128x384xf32, #tpu.memory_space<hbm>>
          %dma_start3A_305 = arith.constant 0 : i32
          %dma_start3A_306 = arith.constant 0 : i32
          %dma_start3A_307 = tpu.memref_slice %run_scoped3A_4[%rem3A_291, %dma_start3A_305, %dma_start3A_306] : memref<2x128x384xf32, #tpu.memory_space<vmem>> -> memref<1x128x384xf32, #tpu.memory_space<vmem>>
          %dma_start3A_308 = tpu.memref_squeeze %dma_start3A_307 : memref<1x128x384xf32, #tpu.memory_space<vmem>> -> memref<128x384xf32, #tpu.memory_space<vmem>>
          tpu.enqueue_dma source(%dma_start3A_308 : memref<128x384xf32, #tpu.memory_space<vmem>>) target(%dma_start3A_304 : memref<128x384xf32, #tpu.memory_space<hbm>>) target_semaphore(%dma_start3A_302 : memref<!tpu.dma_semaphore, #tpu.memory_space<semaphore_mem>>)
          "tpu.trace_stop"() : () -> ()
        } else {
        }
        %and3A_237 = arith.constant true
        %and3A_238 = arith.andi %or3A_233, %and3A_237 : i1
        %add3A_239 = arith.constant 1 : i32
        %add3A_240 = arith.addi %scan3A_128, %add3A_239 : i32
        %select_n3A_241 = arith.select %and3A_238, %add3A_240, %scan3A_128 : i32
        %add3A_242 = arith.addi %mul3A_2, %add3A_136 : i32
        %add3A_243 = arith.addi %mul3A_2, %add3A_146 : i32
        %ne3A_244 = arith.cmpi ne, %add3A_242, %add3A_243 : i32
        %or3A_245 = arith.constant false
        %or3A_246 = arith.ori %or3A_245, %ne3A_244 : i1
        %not3A_247 = arith.constant true
        %not3A_248 = arith.xori %eq3A_132, %not3A_247 : i1
        %and3A_249 = arith.andi %or3A_246, %not3A_248 : i1
        %convert_element_type3A_250 = arith.extui %and3A_249 : i1 to i32
        %cond3A_251 = arith.constant 0 : i32
        %cond3A_252 = arith.cmpi ne, %convert_element_type3A_250, %cond3A_251 : i32
        scf.if %cond3A_252 {
        } else {
        }
        %and3A_253 = arith.constant false
        %and3A_254 = arith.andi %and3A_249, %and3A_253 : i1
        %add3A_255 = arith.addi %mul3A_2, %add3A_136 : i32
        %add3A_256 = arith.addi %mul3A_2, %add3A_146 : i32
        %ne3A_257 = arith.cmpi ne, %add3A_255, %add3A_256 : i32
        %or3A_258 = arith.constant false
        %or3A_259 = arith.ori %or3A_258, %ne3A_257 : i1
        %or3A_260 = arith.constant false
        %or3A_261 = arith.ori %or3A_259, %or3A_260 : i1
        %not3A_262 = arith.constant true
        %not3A_263 = arith.xori %eq3A_132, %not3A_262 : i1
        %and3A_264 = arith.andi %or3A_261, %not3A_263 : i1
        %convert_element_type3A_265 = arith.extui %and3A_264 : i1 to i32
        %cond3A_266 = arith.constant 0 : i32
        %cond3A_267 = arith.cmpi ne, %convert_element_type3A_265, %cond3A_266 : i32
        scf.if %cond3A_267 {
          "tpu.trace_start"() <{level = 10 : i32, message = "ep_wait_out"}> : () -> ()
          %rem3A_290 = arith.constant 2 : i32
          %rem3A_291 = arith.remui %scan3A_129, %rem3A_290 : i32
          %add3A_292 = arith.addi %mul3A_2, %add3A_146 : i32
          %mul3A_293 = arith.constant 128 : i32
          %mul3A_294 = arith.muli %mul3A_293, %add3A_292 : i32
          %dma_wait3A_295 = arith.constant 0 : i32
          %dma_wait3A_296 = arith.constant 0 : i32
          %dma_wait3A_297 = tpu.memref_slice %run_scoped3A_4[%rem3A_291, %dma_wait3A_295, %dma_wait3A_296] : memref<2x128x384xf32, #tpu.memory_space<vmem>> -> memref<1x128x384xf32, #tpu.memory_space<vmem>>
          %dma_wait3A_298 = tpu.memref_squeeze %dma_wait3A_297 : memref<1x128x384xf32, #tpu.memory_space<vmem>> -> memref<128x384xf32, #tpu.memory_space<vmem>>
          %dma_wait3A_299 = arith.constant 0 : i32
          %dma_wait3A_300 = tpu.memref_slice %arg4[%mul3A_294, %dma_wait3A_299] : memref<655360x384xf32, #tpu.memory_space<hbm>> -> memref<128x384xf32, #tpu.memory_space<hbm>>
          %dma_wait3A_301 = tpu.memref_slice %run_scoped3A_5[%rem3A_291] : memref<2x!tpu.dma_semaphore, #tpu.memory_space<semaphore_mem>> -> memref<1x!tpu.dma_semaphore, #tpu.memory_space<semaphore_mem>>
          %dma_wait3A_302 = tpu.memref_squeeze %dma_wait3A_301 : memref<1x!tpu.dma_semaphore, #tpu.memory_space<semaphore_mem>> -> memref<!tpu.dma_semaphore, #tpu.memory_space<semaphore_mem>>
          %dma_wait3A_303 = arith.constant 0 : i32
          %dma_wait3A_304 = tpu.memref_slice %arg4[%mul3A_294, %dma_wait3A_303] : memref<655360x384xf32, #tpu.memory_space<hbm>> -> memref<128x384xf32, #tpu.memory_space<hbm>>
          %dma_wait3A_305 = arith.constant 0 : i32
          %dma_wait3A_306 = arith.constant 0 : i32
          %dma_wait3A_307 = tpu.memref_slice %run_scoped3A_4[%rem3A_291, %dma_wait3A_305, %dma_wait3A_306] : memref<2x128x384xf32, #tpu.memory_space<vmem>> -> memref<1x128x384xf32, #tpu.memory_space<vmem>>
          %dma_wait3A_308 = tpu.memref_squeeze %dma_wait3A_307 : memref<1x128x384xf32, #tpu.memory_space<vmem>> -> memref<128x384xf32, #tpu.memory_space<vmem>>
          tpu.wait_dma2 semaphore(%dma_wait3A_302 : memref<!tpu.dma_semaphore, #tpu.memory_space<semaphore_mem>>) src(%dma_wait3A_308 : memref<128x384xf32, #tpu.memory_space<vmem>>) dst(%dma_wait3A_304 : memref<128x384xf32, #tpu.memory_space<hbm>>)
          "tpu.trace_stop"() : () -> ()
        } else {
        }
        %and3A_268 = arith.constant true
        %and3A_269 = arith.andi %and3A_264, %and3A_268 : i1
        %add3A_270 = arith.constant 1 : i32
        %add3A_271 = arith.addi %scan3A_129, %add3A_270 : i32
        %select_n3A_272 = arith.select %and3A_269, %add3A_271, %scan3A_129 : i32
        %add3A_273 = arith.addi %mul3A_2, %add3A_136 : i32
        %add3A_274 = arith.addi %mul3A_2, %add3A_156 : i32
        %ne3A_275 = arith.cmpi ne, %add3A_273, %add3A_274 : i32
        %or3A_276 = arith.constant false
        %or3A_277 = arith.ori %or3A_276, %ne3A_275 : i1
        %or3A_278 = arith.ori %or3A_277, %eq3A_134 : i1
        %add3A_279 = arith.constant 1 : i32
        %add3A_280 = arith.addi %scan3A_127, %add3A_279 : i32
        %select_n3A_281 = arith.select %or3A_278, %add3A_280, %scan3A_127 : i32
        %add3A_282 = arith.constant 1 : i32
        %add3A_283 = arith.addi %scan3A_130, %add3A_282 : i32
        %select_n3A_284 = arith.constant true
        %select_n3A_285 = arith.select %select_n3A_284, %add3A_283, %scan3A_130 : i32
        %eq3A_286 = arith.constant 160 : i32
        %eq3A_287 = arith.cmpi eq, %select_n3A_285, %eq3A_286 : i32
        %select_n3A_288 = arith.constant 0 : i32
        %select_n3A_289 = arith.select %eq3A_287, %select_n3A_288, %select_n3A_285 : i32
        scf.yield %select_n3A_177, %select_n3A_281, %select_n3A_241, %select_n3A_272, %select_n3A_289 : i32, i32, i32, i32, i32
      }
      %scan3A_67 = arith.constant 160 : i32
      %sub3A = arith.constant 1 : i32
      %sub3A_68 = arith.subi %scan3A_66#4, %sub3A : i32
      %select_n3A_69 = arith.constant true
      %select_n3A_70 = arith.select %select_n3A_69, %sub3A_68, %scan3A_66#4 : i32
      %eq3A_71 = arith.constant -1 : i32
      %eq3A_72 = arith.cmpi eq, %select_n3A_70, %eq3A_71 : i32
      %select_n3A_73 = arith.constant 159 : i32
      %select_n3A_74 = arith.select %eq3A_72, %select_n3A_73, %select_n3A_70 : i32
      %add3A_75 = arith.constant 0 : i32
      %add3A_76 = arith.addi %select_n3A_74, %add3A_75 : i32
      %sub3A_77 = arith.constant 1 : i32
      %sub3A_78 = arith.subi %select_n3A_74, %sub3A_77 : i32
      %select_n3A_79 = arith.constant true
      %select_n3A_80 = arith.select %select_n3A_79, %sub3A_78, %select_n3A_74 : i32
      %eq3A_81 = arith.constant -1 : i32
      %eq3A_82 = arith.cmpi eq, %select_n3A_80, %eq3A_81 : i32
      %select_n3A_83 = arith.constant 159 : i32
      %select_n3A_84 = arith.select %eq3A_82, %select_n3A_83, %select_n3A_80 : i32
      %add3A_85 = arith.constant 0 : i32
      %add3A_86 = arith.addi %select_n3A_84, %add3A_85 : i32
      %add3A_87 = arith.constant 1 : i32
      %add3A_88 = arith.addi %select_n3A_74, %add3A_87 : i32
      %select_n3A_89 = arith.constant true
      %select_n3A_90 = arith.select %select_n3A_89, %add3A_88, %select_n3A_74 : i32
      %eq3A_91 = arith.constant 160 : i32
      %eq3A_92 = arith.cmpi eq, %select_n3A_90, %eq3A_91 : i32
      %select_n3A_93 = arith.constant 0 : i32
      %select_n3A_94 = arith.select %eq3A_92, %select_n3A_93, %select_n3A_90 : i32
      %add3A_95 = arith.constant 0 : i32
      %add3A_96 = arith.addi %select_n3A_94, %add3A_95 : i32
      %add3A_97 = arith.constant 1 : i32
      %add3A_98 = arith.addi %select_n3A_94, %add3A_97 : i32
      %select_n3A_99 = arith.constant true
      %select_n3A_100 = arith.select %select_n3A_99, %add3A_98, %select_n3A_94 : i32
      %eq3A_101 = arith.constant 160 : i32
      %eq3A_102 = arith.cmpi eq, %select_n3A_100, %eq3A_101 : i32
      %select_n3A_103 = arith.constant 0 : i32
      %select_n3A_104 = arith.select %eq3A_102, %select_n3A_103, %select_n3A_100 : i32
      %add3A_105 = arith.constant 0 : i32
      %add3A_106 = arith.addi %select_n3A_104, %add3A_105 : i32
      "tpu.trace_start"() <{level = 10 : i32, message = "ep_finalize"}> : () -> ()
      %rem3A_107 = arith.constant 2 : i32
      %rem3A_108 = arith.remui %scan3A_66#3, %rem3A_107 : i32
      %add3A_109 = arith.addi %mul3A_2, %add3A_76 : i32
      %mul3A_110 = arith.constant 128 : i32
      %mul3A_111 = arith.muli %mul3A_110, %add3A_109 : i32
      %dma_wait3A = arith.constant 0 : i32
      %dma_wait3A_112 = arith.constant 0 : i32
      %dma_wait3A_113 = tpu.memref_slice %run_scoped3A_4[%rem3A_108, %dma_wait3A, %dma_wait3A_112] : memref<2x128x384xf32, #tpu.memory_space<vmem>> -> memref<1x128x384xf32, #tpu.memory_space<vmem>>
      %dma_wait3A_114 = tpu.memref_squeeze %dma_wait3A_113 : memref<1x128x384xf32, #tpu.memory_space<vmem>> -> memref<128x384xf32, #tpu.memory_space<vmem>>
      %dma_wait3A_115 = arith.constant 0 : i32
      %dma_wait3A_116 = tpu.memref_slice %arg4[%mul3A_111, %dma_wait3A_115] : memref<655360x384xf32, #tpu.memory_space<hbm>> -> memref<128x384xf32, #tpu.memory_space<hbm>>
      %dma_wait3A_117 = tpu.memref_slice %run_scoped3A_5[%rem3A_108] : memref<2x!tpu.dma_semaphore, #tpu.memory_space<semaphore_mem>> -> memref<1x!tpu.dma_semaphore, #tpu.memory_space<semaphore_mem>>
      %dma_wait3A_118 = tpu.memref_squeeze %dma_wait3A_117 : memref<1x!tpu.dma_semaphore, #tpu.memory_space<semaphore_mem>> -> memref<!tpu.dma_semaphore, #tpu.memory_space<semaphore_mem>>
      %dma_wait3A_119 = arith.constant 0 : i32
      %dma_wait3A_120 = tpu.memref_slice %arg4[%mul3A_111, %dma_wait3A_119] : memref<655360x384xf32, #tpu.memory_space<hbm>> -> memref<128x384xf32, #tpu.memory_space<hbm>>
      %dma_wait3A_121 = arith.constant 0 : i32
      %dma_wait3A_122 = arith.constant 0 : i32
      %dma_wait3A_123 = tpu.memref_slice %run_scoped3A_4[%rem3A_108, %dma_wait3A_121, %dma_wait3A_122] : memref<2x128x384xf32, #tpu.memory_space<vmem>> -> memref<1x128x384xf32, #tpu.memory_space<vmem>>
      %dma_wait3A_124 = tpu.memref_squeeze %dma_wait3A_123 : memref<1x128x384xf32, #tpu.memory_space<vmem>> -> memref<128x384xf32, #tpu.memory_space<vmem>>
      tpu.wait_dma2 semaphore(%dma_wait3A_118 : memref<!tpu.dma_semaphore, #tpu.memory_space<semaphore_mem>>) src(%dma_wait3A_124 : memref<128x384xf32, #tpu.memory_space<vmem>>) dst(%dma_wait3A_120 : memref<128x384xf32, #tpu.memory_space<hbm>>)
      "tpu.trace_stop"() : () -> ()
      tpu.yield
    }) : () -> ()
    return
  }
}

#map = affine_map<(d0, d1) -> (0, 0)>
module attributes {stable_mosaic.version = 14 : i64} {
  func.func @k(%arg0: i32, %arg1: i32, %arg2: memref<10240x128xf32, #tpu.memory_space<hbm>>, %arg3: memref<1x655360xi32, #tpu.memory_space<hbm>>, %arg4: memref<655360x128xf32, #tpu.memory_space<hbm>>) attributes {dimension_semantics = [#tpu.dimension_semantics<core_parallel>, #tpu.dimension_semantics<subcore_parallel>], iteration_bounds = array<i64: 2, 16>, scalar_prefetch = 0 : i64, scratch_operands = 0 : i64, tpu.core_type = #tpu.core_type<sc_vector_subcore>, window_params = [{transform_indices = #map}, {transform_indices = #map}, {transform_indices = #map}]} {
    %mul3A = arith.constant 2 : i32
    %mul3A_0 = arith.muli %arg1, %mul3A : i32
    %add3A = arith.addi %mul3A_0, %arg0 : i32
    %mul3A_1 = arith.constant 160 : i32
    %mul3A_2 = arith.muli %add3A, %mul3A_1 : i32
    "tpu.region"() ({
      %run_scoped3A = memref.alloca() : memref<2x1x128xi32, #tpu.memory_space<vmem>>
      %run_scoped3A_3 = tpu.sem_alloc : memref<2x!tpu.dma_semaphore, #tpu.memory_space<semaphore_mem>>
      %run_scoped3A_4 = memref.alloca() : memref<2x128x128xf32, #tpu.memory_space<vmem>>
      %run_scoped3A_5 = tpu.sem_alloc : memref<2x!tpu.dma_semaphore, #tpu.memory_space<semaphore_mem>>
      %select_n3A = arith.constant true
      %select_n3A_6 = arith.constant 0 : i32
      %select_n3A_7 = arith.constant -1 : i32
      %select_n3A_8 = arith.select %select_n3A, %select_n3A_7, %select_n3A_6 : i32
      %eq3A = arith.constant -1 : i32
      %eq3A_9 = arith.cmpi eq, %select_n3A_8, %eq3A : i32
      %select_n3A_10 = arith.constant 159 : i32
      %select_n3A_11 = arith.select %eq3A_9, %select_n3A_10, %select_n3A_8 : i32
      %add3A_12 = arith.constant 0 : i32
      %add3A_13 = arith.addi %select_n3A_11, %add3A_12 : i32
      %select_n3A_14 = arith.constant true
      %select_n3A_15 = arith.constant 0 : i32
      %select_n3A_16 = arith.constant 1 : i32
      %select_n3A_17 = arith.select %select_n3A_14, %select_n3A_16, %select_n3A_15 : i32
      %eq3A_18 = arith.constant 160 : i32
      %eq3A_19 = arith.cmpi eq, %select_n3A_17, %eq3A_18 : i32
      %select_n3A_20 = arith.constant 0 : i32
      %select_n3A_21 = arith.select %eq3A_19, %select_n3A_20, %select_n3A_17 : i32
      %add3A_22 = arith.constant 0 : i32
      %add3A_23 = arith.addi %select_n3A_21, %add3A_22 : i32
      %add3A_24 = arith.constant 1 : i32
      %add3A_25 = arith.addi %select_n3A_21, %add3A_24 : i32
      %select_n3A_26 = arith.constant true
      %select_n3A_27 = arith.select %select_n3A_26, %add3A_25, %select_n3A_21 : i32
      %eq3A_28 = arith.constant 160 : i32
      %eq3A_29 = arith.cmpi eq, %select_n3A_27, %eq3A_28 : i32
      %select_n3A_30 = arith.constant 0 : i32
      %select_n3A_31 = arith.select %eq3A_29, %select_n3A_30, %select_n3A_27 : i32
      %add3A_32 = arith.constant 0 : i32
      %add3A_33 = arith.addi %select_n3A_31, %add3A_32 : i32
      "tpu.trace_start"() <{level = 10 : i32, message = "ep_initialize_0"}> : () -> ()
      %rem3A = arith.constant 0 : i32
      %rem3A_34 = arith.constant 2 : i32
      %rem3A_35 = arith.remui %rem3A, %rem3A_34 : i32
      %add3A_36 = arith.constant 0 : i32
      %add3A_37 = arith.addi %mul3A_2, %add3A_36 : i32
      %mul3A_38 = arith.constant 128 : i32
      %mul3A_39 = arith.muli %mul3A_38, %add3A_37 : i32
      %dma_start3A = arith.constant 0 : i32
      %dma_start3A_40 = arith.constant 0 : i32
      %dma_start3A_41 = tpu.memref_slice %run_scoped3A[%rem3A_35, %dma_start3A, %dma_start3A_40] : memref<2x1x128xi32, #tpu.memory_space<vmem>> -> memref<1x1x128xi32, #tpu.memory_space<vmem>>
      %dma_start3A_42 = tpu.memref_squeeze %dma_start3A_41 : memref<1x1x128xi32, #tpu.memory_space<vmem>> -> memref<1x128xi32, #tpu.memory_space<vmem>>
      %dma_start3A_43 = arith.constant 0 : i32
      %dma_start3A_44 = tpu.memref_slice %arg3[%dma_start3A_43, %mul3A_39] : memref<1x655360xi32, #tpu.memory_space<hbm>> -> memref<1x128xi32, #tpu.memory_space<hbm>>
      %dma_start3A_45 = tpu.memref_slice %run_scoped3A_3[%rem3A_35] : memref<2x!tpu.dma_semaphore, #tpu.memory_space<semaphore_mem>> -> memref<1x!tpu.dma_semaphore, #tpu.memory_space<semaphore_mem>>
      %dma_start3A_46 = tpu.memref_squeeze %dma_start3A_45 : memref<1x!tpu.dma_semaphore, #tpu.memory_space<semaphore_mem>> -> memref<!tpu.dma_semaphore, #tpu.memory_space<semaphore_mem>>
      %dma_start3A_47 = arith.constant 0 : i32
      %dma_start3A_48 = arith.constant 0 : i32
      %dma_start3A_49 = tpu.memref_slice %run_scoped3A[%rem3A_35, %dma_start3A_47, %dma_start3A_48] : memref<2x1x128xi32, #tpu.memory_space<vmem>> -> memref<1x1x128xi32, #tpu.memory_space<vmem>>
      %dma_start3A_50 = tpu.memref_squeeze %dma_start3A_49 : memref<1x1x128xi32, #tpu.memory_space<vmem>> -> memref<1x128xi32, #tpu.memory_space<vmem>>
      %dma_start3A_51 = arith.constant 0 : i32
      %dma_start3A_52 = tpu.memref_slice %arg3[%dma_start3A_51, %mul3A_39] : memref<1x655360xi32, #tpu.memory_space<hbm>> -> memref<1x128xi32, #tpu.memory_space<hbm>>
      tpu.enqueue_dma source(%dma_start3A_52 : memref<1x128xi32, #tpu.memory_space<hbm>>) target(%dma_start3A_50 : memref<1x128xi32, #tpu.memory_space<vmem>>) target_semaphore(%dma_start3A_46 : memref<!tpu.dma_semaphore, #tpu.memory_space<semaphore_mem>>)
      %add3A_53 = arith.constant 0 : i32
      %add3A_54 = arith.constant 1 : i32
      %add3A_55 = arith.addi %add3A_53, %add3A_54 : i32
      %select_n3A_56 = arith.constant true
      %select_n3A_57 = arith.constant 0 : i32
      %select_n3A_58 = arith.select %select_n3A_56, %add3A_55, %select_n3A_57 : i32
      "tpu.trace_stop"() : () -> ()
      %scan3A = arith.constant 0 : i32
      %scan3A_59 = arith.constant 0 : i32
      %scan3A_60 = arith.constant 0 : i32
      %scan3A_61 = arith.constant 0 : i32
      %scan3A_62 = arith.constant 0 : i32
      %scan3A_63 = arith.constant 160 : i32
      %scan3A_64 = arith.addi %scan3A_62, %scan3A_63 : i32
      %scan3A_65 = arith.constant 1 : i32
      %scan3A_66:5 = scf.for %scan3A_125 = %scan3A_62 to %scan3A_64 step %scan3A_65 iter_args(%scan3A_126 = %select_n3A_58, %scan3A_127 = %scan3A, %scan3A_128 = %scan3A_59, %scan3A_129 = %scan3A_60, %scan3A_130 = %scan3A_61) -> (i32, i32, i32, i32, i32)  : i32 {
        %eq3A_131 = arith.constant 0 : i32
        %eq3A_132 = arith.cmpi eq, %scan3A_125, %eq3A_131 : i32
        %eq3A_133 = arith.constant 159 : i32
        %eq3A_134 = arith.cmpi eq, %scan3A_125, %eq3A_133 : i32
        %add3A_135 = arith.constant 0 : i32
        %add3A_136 = arith.addi %scan3A_130, %add3A_135 : i32
        %sub3A_137 = arith.constant 1 : i32
        %sub3A_138 = arith.subi %scan3A_130, %sub3A_137 : i32
        %select_n3A_139 = arith.constant true
        %select_n3A_140 = arith.select %select_n3A_139, %sub3A_138, %scan3A_130 : i32
        %eq3A_141 = arith.constant -1 : i32
        %eq3A_142 = arith.cmpi eq, %select_n3A_140, %eq3A_141 : i32
        %select_n3A_143 = arith.constant 159 : i32
        %select_n3A_144 = arith.select %eq3A_142, %select_n3A_143, %select_n3A_140 : i32
        %add3A_145 = arith.constant 0 : i32
        %add3A_146 = arith.addi %select_n3A_144, %add3A_145 : i32
        %add3A_147 = arith.constant 1 : i32
        %add3A_148 = arith.addi %scan3A_130, %add3A_147 : i32
        %select_n3A_149 = arith.constant true
        %select_n3A_150 = arith.select %select_n3A_149, %add3A_148, %scan3A_130 : i32
        %eq3A_151 = arith.constant 160 : i32
        %eq3A_152 = arith.cmpi eq, %select_n3A_150, %eq3A_151 : i32
        %select_n3A_153 = arith.constant 0 : i32
        %select_n3A_154 = arith.select %eq3A_152, %select_n3A_153, %select_n3A_150 : i32
        %add3A_155 = arith.constant 0 : i32
        %add3A_156 = arith.addi %select_n3A_154, %add3A_155 : i32
        %add3A_157 = arith.constant 1 : i32
        %add3A_158 = arith.addi %select_n3A_154, %add3A_157 : i32
        %select_n3A_159 = arith.constant true
        %select_n3A_160 = arith.select %select_n3A_159, %add3A_158, %select_n3A_154 : i32
        %eq3A_161 = arith.constant 160 : i32
        %eq3A_162 = arith.cmpi eq, %select_n3A_160, %eq3A_161 : i32
        %select_n3A_163 = arith.constant 0 : i32
        %select_n3A_164 = arith.select %eq3A_162, %select_n3A_163, %select_n3A_160 : i32
        %add3A_165 = arith.constant 0 : i32
        %add3A_166 = arith.addi %select_n3A_164, %add3A_165 : i32
        %add3A_167 = arith.addi %mul3A_2, %add3A_136 : i32
        %add3A_168 = arith.addi %mul3A_2, %add3A_156 : i32
        %ne3A = arith.cmpi ne, %add3A_167, %add3A_168 : i32
        %or3A = arith.constant false
        %or3A_169 = arith.ori %or3A, %ne3A : i1
        %ge3A = arith.constant 159 : i32
        %ge3A_170 = arith.cmpi sge, %scan3A_125, %ge3A : i32
        %not3A = arith.constant true
        %not3A_171 = arith.xori %ge3A_170, %not3A : i1
        %and3A = arith.andi %or3A_169, %not3A_171 : i1
        %convert_element_type3A = arith.extui %and3A : i1 to i32
        %cond3A = arith.constant 0 : i32
        %cond3A_172 = arith.cmpi ne, %convert_element_type3A, %cond3A : i32
        scf.if %cond3A_172 {
          "tpu.trace_start"() <{level = 10 : i32, message = "ep_copy_in"}> : () -> ()
          %rem3A_290 = arith.constant 2 : i32
          %rem3A_291 = arith.remui %scan3A_126, %rem3A_290 : i32
          %add3A_292 = arith.addi %mul3A_2, %add3A_156 : i32
          %mul3A_293 = arith.constant 128 : i32
          %mul3A_294 = arith.muli %mul3A_293, %add3A_292 : i32
          %dma_start3A_295 = arith.constant 0 : i32
          %dma_start3A_296 = arith.constant 0 : i32
          %dma_start3A_297 = tpu.memref_slice %run_scoped3A[%rem3A_291, %dma_start3A_295, %dma_start3A_296] : memref<2x1x128xi32, #tpu.memory_space<vmem>> -> memref<1x1x128xi32, #tpu.memory_space<vmem>>
          %dma_start3A_298 = tpu.memref_squeeze %dma_start3A_297 : memref<1x1x128xi32, #tpu.memory_space<vmem>> -> memref<1x128xi32, #tpu.memory_space<vmem>>
          %dma_start3A_299 = arith.constant 0 : i32
          %dma_start3A_300 = tpu.memref_slice %arg3[%dma_start3A_299, %mul3A_294] : memref<1x655360xi32, #tpu.memory_space<hbm>> -> memref<1x128xi32, #tpu.memory_space<hbm>>
          %dma_start3A_301 = tpu.memref_slice %run_scoped3A_3[%rem3A_291] : memref<2x!tpu.dma_semaphore, #tpu.memory_space<semaphore_mem>> -> memref<1x!tpu.dma_semaphore, #tpu.memory_space<semaphore_mem>>
          %dma_start3A_302 = tpu.memref_squeeze %dma_start3A_301 : memref<1x!tpu.dma_semaphore, #tpu.memory_space<semaphore_mem>> -> memref<!tpu.dma_semaphore, #tpu.memory_space<semaphore_mem>>
          %dma_start3A_303 = arith.constant 0 : i32
          %dma_start3A_304 = arith.constant 0 : i32
          %dma_start3A_305 = tpu.memref_slice %run_scoped3A[%rem3A_291, %dma_start3A_303, %dma_start3A_304] : memref<2x1x128xi32, #tpu.memory_space<vmem>> -> memref<1x1x128xi32, #tpu.memory_space<vmem>>
          %dma_start3A_306 = tpu.memref_squeeze %dma_start3A_305 : memref<1x1x128xi32, #tpu.memory_space<vmem>> -> memref<1x128xi32, #tpu.memory_space<vmem>>
          %dma_start3A_307 = arith.constant 0 : i32
          %dma_start3A_308 = tpu.memref_slice %arg3[%dma_start3A_307, %mul3A_294] : memref<1x655360xi32, #tpu.memory_space<hbm>> -> memref<1x128xi32, #tpu.memory_space<hbm>>
          tpu.enqueue_dma source(%dma_start3A_308 : memref<1x128xi32, #tpu.memory_space<hbm>>) target(%dma_start3A_306 : memref<1x128xi32, #tpu.memory_space<vmem>>) target_semaphore(%dma_start3A_302 : memref<!tpu.dma_semaphore, #tpu.memory_space<semaphore_mem>>)
          "tpu.trace_stop"() : () -> ()
        } else {
        }
        %and3A_173 = arith.constant true
        %and3A_174 = arith.andi %and3A, %and3A_173 : i1
        %add3A_175 = arith.constant 1 : i32
        %add3A_176 = arith.addi %scan3A_126, %add3A_175 : i32
        %select_n3A_177 = arith.select %and3A_174, %add3A_176, %scan3A_126 : i32
        %add3A_178 = arith.addi %mul3A_2, %add3A_136 : i32
        %add3A_179 = arith.addi %mul3A_2, %add3A_156 : i32
        %ne3A_180 = arith.cmpi ne, %add3A_178, %add3A_179 : i32
        %or3A_181 = arith.constant false
        %or3A_182 = arith.ori %or3A_181, %ne3A_180 : i1
        %or3A_183 = arith.constant false
        %or3A_184 = arith.ori %or3A_182, %or3A_183 : i1
        %ge3A_185 = arith.constant 159 : i32
        %ge3A_186 = arith.cmpi sge, %scan3A_125, %ge3A_185 : i32
        %not3A_187 = arith.constant true
        %not3A_188 = arith.xori %ge3A_186, %not3A_187 : i1
        %and3A_189 = arith.andi %or3A_184, %not3A_188 : i1
        %add3A_190 = arith.addi %mul3A_2, %add3A_136 : i32
        %add3A_191 = arith.addi %mul3A_2, %add3A_146 : i32
        %ne3A_192 = arith.cmpi ne, %add3A_190, %add3A_191 : i32
        %or3A_193 = arith.constant false
        %or3A_194 = arith.ori %or3A_193, %ne3A_192 : i1
        %or3A_195 = arith.ori %or3A_194, %eq3A_132 : i1
        %convert_element_type3A_196 = arith.extui %or3A_195 : i1 to i32
        %cond3A_197 = arith.constant 0 : i32
        %cond3A_198 = arith.cmpi ne, %convert_element_type3A_196, %cond3A_197 : i32
        scf.if %cond3A_198 {
          "tpu.trace_start"() <{level = 10 : i32, message = "ep_wait_in"}> : () -> ()
          %add3A_290 = arith.addi %mul3A_2, %add3A_136 : i32
          %mul3A_291 = arith.constant 128 : i32
          %mul3A_292 = arith.muli %mul3A_291, %add3A_290 : i32
          %rem3A_293 = arith.constant 2 : i32
          %rem3A_294 = arith.remui %scan3A_127, %rem3A_293 : i32
          %dma_wait3A_295 = arith.constant 0 : i32
          %dma_wait3A_296 = arith.constant 0 : i32
          %dma_wait3A_297 = tpu.memref_slice %run_scoped3A[%rem3A_294, %dma_wait3A_295, %dma_wait3A_296] : memref<2x1x128xi32, #tpu.memory_space<vmem>> -> memref<1x1x128xi32, #tpu.memory_space<vmem>>
          %dma_wait3A_298 = tpu.memref_squeeze %dma_wait3A_297 : memref<1x1x128xi32, #tpu.memory_space<vmem>> -> memref<1x128xi32, #tpu.memory_space<vmem>>
          %dma_wait3A_299 = arith.constant 0 : i32
          %dma_wait3A_300 = tpu.memref_slice %arg3[%dma_wait3A_299, %mul3A_292] : memref<1x655360xi32, #tpu.memory_space<hbm>> -> memref<1x128xi32, #tpu.memory_space<hbm>>
          %dma_wait3A_301 = tpu.memref_slice %run_scoped3A_3[%rem3A_294] : memref<2x!tpu.dma_semaphore, #tpu.memory_space<semaphore_mem>> -> memref<1x!tpu.dma_semaphore, #tpu.memory_space<semaphore_mem>>
          %dma_wait3A_302 = tpu.memref_squeeze %dma_wait3A_301 : memref<1x!tpu.dma_semaphore, #tpu.memory_space<semaphore_mem>> -> memref<!tpu.dma_semaphore, #tpu.memory_space<semaphore_mem>>
          %dma_wait3A_303 = arith.constant 0 : i32
          %dma_wait3A_304 = arith.constant 0 : i32
          %dma_wait3A_305 = tpu.memref_slice %run_scoped3A[%rem3A_294, %dma_wait3A_303, %dma_wait3A_304] : memref<2x1x128xi32, #tpu.memory_space<vmem>> -> memref<1x1x128xi32, #tpu.memory_space<vmem>>
          %dma_wait3A_306 = tpu.memref_squeeze %dma_wait3A_305 : memref<1x1x128xi32, #tpu.memory_space<vmem>> -> memref<1x128xi32, #tpu.memory_space<vmem>>
          %dma_wait3A_307 = arith.constant 0 : i32
          %dma_wait3A_308 = tpu.memref_slice %arg3[%dma_wait3A_307, %mul3A_292] : memref<1x655360xi32, #tpu.memory_space<hbm>> -> memref<1x128xi32, #tpu.memory_space<hbm>>
          tpu.wait_dma2 semaphore(%dma_wait3A_302 : memref<!tpu.dma_semaphore, #tpu.memory_space<semaphore_mem>>) src(%dma_wait3A_308 : memref<1x128xi32, #tpu.memory_space<hbm>>) dst(%dma_wait3A_306 : memref<1x128xi32, #tpu.memory_space<vmem>>)
          "tpu.trace_stop"() : () -> ()
        } else {
        }
        %add3A_199 = arith.addi %mul3A_2, %add3A_136 : i32
        %add3A_200 = arith.addi %mul3A_2, %add3A_146 : i32
        %ne3A_201 = arith.cmpi ne, %add3A_199, %add3A_200 : i32
        %or3A_202 = arith.constant false
        %or3A_203 = arith.ori %or3A_202, %ne3A_201 : i1
        %or3A_204 = arith.constant false
        %or3A_205 = arith.ori %or3A_203, %or3A_204 : i1
        %or3A_206 = arith.ori %or3A_205, %eq3A_132 : i1
        %convert_element_type3A_207 = arith.extui %or3A_206 : i1 to i32
        %cond3A_208 = arith.constant 0 : i32
        %cond3A_209 = arith.cmpi ne, %convert_element_type3A_207, %cond3A_208 : i32
        scf.if %cond3A_209 {
        } else {
        }
        %rem3A_210 = arith.constant 2 : i32
        %rem3A_211 = arith.remui %scan3A_127, %rem3A_210 : i32
        %rem3A_212 = arith.constant 2 : i32
        %rem3A_213 = arith.remui %scan3A_128, %rem3A_212 : i32
        %run_scoped3A_214 = arith.constant 0 : i32
        "tpu.trace_start"() <{level = 10 : i32, message = "ep_run_kernel"}> : () -> ()
        "tpu.region"() ({
          %run_scoped3A_290 = tpu.sem_alloc : memref<!tpu.dma_semaphore, #tpu.memory_space<semaphore_mem>>
          %dma_start3A_291 = arith.constant 0 : i32
          %dma_start3A_292 = arith.constant 0 : i32
          %dma_start3A_293 = tpu.memref_slice %run_scoped3A_4[%rem3A_213, %dma_start3A_291, %dma_start3A_292] : memref<2x128x128xf32, #tpu.memory_space<vmem>> -> memref<1x128x128xf32, #tpu.memory_space<vmem>>
          %dma_start3A_294 = tpu.memref_squeeze %dma_start3A_293 : memref<1x128x128xf32, #tpu.memory_space<vmem>> -> memref<128x128xf32, #tpu.memory_space<vmem>>
          %dma_start3A_295 = arith.constant 0 : i32
          %dma_start3A_296 = arith.constant 0 : i32
          %dma_start3A_297 = tpu.memref_slice %run_scoped3A[%rem3A_211, %dma_start3A_295, %dma_start3A_296] : memref<2x1x128xi32, #tpu.memory_space<vmem>> -> memref<1x1x128xi32, #tpu.memory_space<vmem>>
          %dma_start3A_298 = tpu.memref_squeeze %dma_start3A_297 : memref<1x1x128xi32, #tpu.memory_space<vmem>> -> memref<1x128xi32, #tpu.memory_space<vmem>>
          %dma_start3A_299 = arith.constant 0 : i32
          %dma_start3A_300 = tpu.memref_slice %dma_start3A_298[%run_scoped3A_214, %dma_start3A_299] : memref<1x128xi32, #tpu.memory_space<vmem>> -> memref<1x128xi32, #tpu.memory_space<vmem>>
          %dma_start3A_301 = tpu.memref_squeeze %dma_start3A_300 : memref<1x128xi32, #tpu.memory_space<vmem>> -> memref<128xi32, #tpu.memory_space<vmem>>
          %dma_start3A_302 = arith.constant 0 : i32
          %dma_start3A_303 = arith.constant 0 : i32
          %dma_start3A_304 = tpu.memref_slice %arg2[%dma_start3A_302, %dma_start3A_303] : memref<10240x128xf32, #tpu.memory_space<hbm>> -> memref<10240x128xf32, #tpu.memory_space<hbm>>
          tpu.enqueue_indirect_dma source(%dma_start3A_304 : memref<10240x128xf32, #tpu.memory_space<hbm>>) target(%dma_start3A_294 : memref<128x128xf32, #tpu.memory_space<vmem>>) offsets(%dma_start3A_301 : memref<128xi32, #tpu.memory_space<vmem>>) semaphore(%run_scoped3A_290 : memref<!tpu.dma_semaphore, #tpu.memory_space<semaphore_mem>>)
          %dma_wait3A_305 = arith.constant 0 : i32
          %dma_wait3A_306 = arith.constant 0 : i32
          %dma_wait3A_307 = tpu.memref_slice %run_scoped3A_4[%rem3A_213, %dma_wait3A_305, %dma_wait3A_306] : memref<2x128x128xf32, #tpu.memory_space<vmem>> -> memref<1x128x128xf32, #tpu.memory_space<vmem>>
          %dma_wait3A_308 = tpu.memref_squeeze %dma_wait3A_307 : memref<1x128x128xf32, #tpu.memory_space<vmem>> -> memref<128x128xf32, #tpu.memory_space<vmem>>
          %dma_wait3A_309 = arith.constant 0 : i32
          %dma_wait3A_310 = arith.constant 0 : i32
          %dma_wait3A_311 = tpu.memref_slice %run_scoped3A[%rem3A_211, %dma_wait3A_309, %dma_wait3A_310] : memref<2x1x128xi32, #tpu.memory_space<vmem>> -> memref<1x1x128xi32, #tpu.memory_space<vmem>>
          %dma_wait3A_312 = tpu.memref_squeeze %dma_wait3A_311 : memref<1x1x128xi32, #tpu.memory_space<vmem>> -> memref<1x128xi32, #tpu.memory_space<vmem>>
          %dma_wait3A_313 = arith.constant 0 : i32
          %dma_wait3A_314 = tpu.memref_slice %dma_wait3A_312[%run_scoped3A_214, %dma_wait3A_313] : memref<1x128xi32, #tpu.memory_space<vmem>> -> memref<1x128xi32, #tpu.memory_space<vmem>>
          %dma_wait3A_315 = tpu.memref_squeeze %dma_wait3A_314 : memref<1x128xi32, #tpu.memory_space<vmem>> -> memref<128xi32, #tpu.memory_space<vmem>>
          %dma_wait3A_316 = arith.constant 0 : i32
          %dma_wait3A_317 = arith.constant 0 : i32
          %dma_wait3A_318 = tpu.memref_slice %arg2[%dma_wait3A_316, %dma_wait3A_317] : memref<10240x128xf32, #tpu.memory_space<hbm>> -> memref<10240x128xf32, #tpu.memory_space<hbm>>
          tpu.wait_indirect_dma semaphore(%run_scoped3A_290 : memref<!tpu.dma_semaphore, #tpu.memory_space<semaphore_mem>>) src(%dma_wait3A_318 : memref<10240x128xf32, #tpu.memory_space<hbm>>) dst(%dma_wait3A_308 : memref<128x128xf32, #tpu.memory_space<vmem>>)
          tpu.yield
        }) : () -> ()
        "tpu.trace_stop"() : () -> ()
        %add3A_215 = arith.addi %mul3A_2, %add3A_136 : i32
        %add3A_216 = arith.addi %mul3A_2, %add3A_156 : i32
        %ne3A_217 = arith.cmpi ne, %add3A_215, %add3A_216 : i32
        %or3A_218 = arith.constant false
        %or3A_219 = arith.ori %or3A_218, %ne3A_217 : i1
        %or3A_220 = arith.ori %or3A_219, %eq3A_134 : i1
        %convert_element_type3A_221 = arith.extui %or3A_220 : i1 to i32
        %cond3A_222 = arith.constant 0 : i32
        %cond3A_223 = arith.cmpi ne, %convert_element_type3A_221, %cond3A_222 : i32
        scf.if %cond3A_223 {
        } else {
        }
        %and3A_224 = arith.constant false
        %and3A_225 = arith.andi %or3A_220, %and3A_224 : i1
        %add3A_226 = arith.addi %mul3A_2, %add3A_136 : i32
        %add3A_227 = arith.addi %mul3A_2, %add3A_156 : i32
        %ne3A_228 = arith.cmpi ne, %add3A_226, %add3A_227 : i32
        %or3A_229 = arith.constant false
        %or3A_230 = arith.ori %or3A_229, %ne3A_228 : i1
        %or3A_231 = arith.constant false
        %or3A_232 = arith.ori %or3A_230, %or3A_231 : i1
        %or3A_233 = arith.ori %or3A_232, %eq3A_134 : i1
        %convert_element_type3A_234 = arith.extui %or3A_233 : i1 to i32
        %cond3A_235 = arith.constant 0 : i32
        %cond3A_236 = arith.cmpi ne, %convert_element_type3A_234, %cond3A_235 : i32
        scf.if %cond3A_236 {
          "tpu.trace_start"() <{level = 10 : i32, message = "ep_copy_out"}> : () -> ()
          %rem3A_290 = arith.constant 2 : i32
          %rem3A_291 = arith.remui %scan3A_128, %rem3A_290 : i32
          %add3A_292 = arith.addi %mul3A_2, %add3A_136 : i32
          %mul3A_293 = arith.constant 128 : i32
          %mul3A_294 = arith.muli %mul3A_293, %add3A_292 : i32
          %dma_start3A_295 = arith.constant 0 : i32
          %dma_start3A_296 = arith.constant 0 : i32
          %dma_start3A_297 = tpu.memref_slice %run_scoped3A_4[%rem3A_291, %dma_start3A_295, %dma_start3A_296] : memref<2x128x128xf32, #tpu.memory_space<vmem>> -> memref<1x128x128xf32, #tpu.memory_space<vmem>>
          %dma_start3A_298 = tpu.memref_squeeze %dma_start3A_297 : memref<1x128x128xf32, #tpu.memory_space<vmem>> -> memref<128x128xf32, #tpu.memory_space<vmem>>
          %dma_start3A_299 = arith.constant 0 : i32
          %dma_start3A_300 = tpu.memref_slice %arg4[%mul3A_294, %dma_start3A_299] : memref<655360x128xf32, #tpu.memory_space<hbm>> -> memref<128x128xf32, #tpu.memory_space<hbm>>
          %dma_start3A_301 = tpu.memref_slice %run_scoped3A_5[%rem3A_291] : memref<2x!tpu.dma_semaphore, #tpu.memory_space<semaphore_mem>> -> memref<1x!tpu.dma_semaphore, #tpu.memory_space<semaphore_mem>>
          %dma_start3A_302 = tpu.memref_squeeze %dma_start3A_301 : memref<1x!tpu.dma_semaphore, #tpu.memory_space<semaphore_mem>> -> memref<!tpu.dma_semaphore, #tpu.memory_space<semaphore_mem>>
          %dma_start3A_303 = arith.constant 0 : i32
          %dma_start3A_304 = tpu.memref_slice %arg4[%mul3A_294, %dma_start3A_303] : memref<655360x128xf32, #tpu.memory_space<hbm>> -> memref<128x128xf32, #tpu.memory_space<hbm>>
          %dma_start3A_305 = arith.constant 0 : i32
          %dma_start3A_306 = arith.constant 0 : i32
          %dma_start3A_307 = tpu.memref_slice %run_scoped3A_4[%rem3A_291, %dma_start3A_305, %dma_start3A_306] : memref<2x128x128xf32, #tpu.memory_space<vmem>> -> memref<1x128x128xf32, #tpu.memory_space<vmem>>
          %dma_start3A_308 = tpu.memref_squeeze %dma_start3A_307 : memref<1x128x128xf32, #tpu.memory_space<vmem>> -> memref<128x128xf32, #tpu.memory_space<vmem>>
          tpu.enqueue_dma source(%dma_start3A_308 : memref<128x128xf32, #tpu.memory_space<vmem>>) target(%dma_start3A_304 : memref<128x128xf32, #tpu.memory_space<hbm>>) target_semaphore(%dma_start3A_302 : memref<!tpu.dma_semaphore, #tpu.memory_space<semaphore_mem>>)
          "tpu.trace_stop"() : () -> ()
        } else {
        }
        %and3A_237 = arith.constant true
        %and3A_238 = arith.andi %or3A_233, %and3A_237 : i1
        %add3A_239 = arith.constant 1 : i32
        %add3A_240 = arith.addi %scan3A_128, %add3A_239 : i32
        %select_n3A_241 = arith.select %and3A_238, %add3A_240, %scan3A_128 : i32
        %add3A_242 = arith.addi %mul3A_2, %add3A_136 : i32
        %add3A_243 = arith.addi %mul3A_2, %add3A_146 : i32
        %ne3A_244 = arith.cmpi ne, %add3A_242, %add3A_243 : i32
        %or3A_245 = arith.constant false
        %or3A_246 = arith.ori %or3A_245, %ne3A_244 : i1
        %not3A_247 = arith.constant true
        %not3A_248 = arith.xori %eq3A_132, %not3A_247 : i1
        %and3A_249 = arith.andi %or3A_246, %not3A_248 : i1
        %convert_element_type3A_250 = arith.extui %and3A_249 : i1 to i32
        %cond3A_251 = arith.constant 0 : i32
        %cond3A_252 = arith.cmpi ne, %convert_element_type3A_250, %cond3A_251 : i32
        scf.if %cond3A_252 {
        } else {
        }
        %and3A_253 = arith.constant false
        %and3A_254 = arith.andi %and3A_249, %and3A_253 : i1
        %add3A_255 = arith.addi %mul3A_2, %add3A_136 : i32
        %add3A_256 = arith.addi %mul3A_2, %add3A_146 : i32
        %ne3A_257 = arith.cmpi ne, %add3A_255, %add3A_256 : i32
        %or3A_258 = arith.constant false
        %or3A_259 = arith.ori %or3A_258, %ne3A_257 : i1
        %or3A_260 = arith.constant false
        %or3A_261 = arith.ori %or3A_259, %or3A_260 : i1
        %not3A_262 = arith.constant true
        %not3A_263 = arith.xori %eq3A_132, %not3A_262 : i1
        %and3A_264 = arith.andi %or3A_261, %not3A_263 : i1
        %convert_element_type3A_265 = arith.extui %and3A_264 : i1 to i32
        %cond3A_266 = arith.constant 0 : i32
        %cond3A_267 = arith.cmpi ne, %convert_element_type3A_265, %cond3A_266 : i32
        scf.if %cond3A_267 {
          "tpu.trace_start"() <{level = 10 : i32, message = "ep_wait_out"}> : () -> ()
          %rem3A_290 = arith.constant 2 : i32
          %rem3A_291 = arith.remui %scan3A_129, %rem3A_290 : i32
          %add3A_292 = arith.addi %mul3A_2, %add3A_146 : i32
          %mul3A_293 = arith.constant 128 : i32
          %mul3A_294 = arith.muli %mul3A_293, %add3A_292 : i32
          %dma_wait3A_295 = arith.constant 0 : i32
          %dma_wait3A_296 = arith.constant 0 : i32
          %dma_wait3A_297 = tpu.memref_slice %run_scoped3A_4[%rem3A_291, %dma_wait3A_295, %dma_wait3A_296] : memref<2x128x128xf32, #tpu.memory_space<vmem>> -> memref<1x128x128xf32, #tpu.memory_space<vmem>>
          %dma_wait3A_298 = tpu.memref_squeeze %dma_wait3A_297 : memref<1x128x128xf32, #tpu.memory_space<vmem>> -> memref<128x128xf32, #tpu.memory_space<vmem>>
          %dma_wait3A_299 = arith.constant 0 : i32
          %dma_wait3A_300 = tpu.memref_slice %arg4[%mul3A_294, %dma_wait3A_299] : memref<655360x128xf32, #tpu.memory_space<hbm>> -> memref<128x128xf32, #tpu.memory_space<hbm>>
          %dma_wait3A_301 = tpu.memref_slice %run_scoped3A_5[%rem3A_291] : memref<2x!tpu.dma_semaphore, #tpu.memory_space<semaphore_mem>> -> memref<1x!tpu.dma_semaphore, #tpu.memory_space<semaphore_mem>>
          %dma_wait3A_302 = tpu.memref_squeeze %dma_wait3A_301 : memref<1x!tpu.dma_semaphore, #tpu.memory_space<semaphore_mem>> -> memref<!tpu.dma_semaphore, #tpu.memory_space<semaphore_mem>>
          %dma_wait3A_303 = arith.constant 0 : i32
          %dma_wait3A_304 = tpu.memref_slice %arg4[%mul3A_294, %dma_wait3A_303] : memref<655360x128xf32, #tpu.memory_space<hbm>> -> memref<128x128xf32, #tpu.memory_space<hbm>>
          %dma_wait3A_305 = arith.constant 0 : i32
          %dma_wait3A_306 = arith.constant 0 : i32
          %dma_wait3A_307 = tpu.memref_slice %run_scoped3A_4[%rem3A_291, %dma_wait3A_305, %dma_wait3A_306] : memref<2x128x128xf32, #tpu.memory_space<vmem>> -> memref<1x128x128xf32, #tpu.memory_space<vmem>>
          %dma_wait3A_308 = tpu.memref_squeeze %dma_wait3A_307 : memref<1x128x128xf32, #tpu.memory_space<vmem>> -> memref<128x128xf32, #tpu.memory_space<vmem>>
          tpu.wait_dma2 semaphore(%dma_wait3A_302 : memref<!tpu.dma_semaphore, #tpu.memory_space<semaphore_mem>>) src(%dma_wait3A_308 : memref<128x128xf32, #tpu.memory_space<vmem>>) dst(%dma_wait3A_304 : memref<128x128xf32, #tpu.memory_space<hbm>>)
          "tpu.trace_stop"() : () -> ()
        } else {
        }
        %and3A_268 = arith.constant true
        %and3A_269 = arith.andi %and3A_264, %and3A_268 : i1
        %add3A_270 = arith.constant 1 : i32
        %add3A_271 = arith.addi %scan3A_129, %add3A_270 : i32
        %select_n3A_272 = arith.select %and3A_269, %add3A_271, %scan3A_129 : i32
        %add3A_273 = arith.addi %mul3A_2, %add3A_136 : i32
        %add3A_274 = arith.addi %mul3A_2, %add3A_156 : i32
        %ne3A_275 = arith.cmpi ne, %add3A_273, %add3A_274 : i32
        %or3A_276 = arith.constant false
        %or3A_277 = arith.ori %or3A_276, %ne3A_275 : i1
        %or3A_278 = arith.ori %or3A_277, %eq3A_134 : i1
        %add3A_279 = arith.constant 1 : i32
        %add3A_280 = arith.addi %scan3A_127, %add3A_279 : i32
        %select_n3A_281 = arith.select %or3A_278, %add3A_280, %scan3A_127 : i32
        %add3A_282 = arith.constant 1 : i32
        %add3A_283 = arith.addi %scan3A_130, %add3A_282 : i32
        %select_n3A_284 = arith.constant true
        %select_n3A_285 = arith.select %select_n3A_284, %add3A_283, %scan3A_130 : i32
        %eq3A_286 = arith.constant 160 : i32
        %eq3A_287 = arith.cmpi eq, %select_n3A_285, %eq3A_286 : i32
        %select_n3A_288 = arith.constant 0 : i32
        %select_n3A_289 = arith.select %eq3A_287, %select_n3A_288, %select_n3A_285 : i32
        scf.yield %select_n3A_177, %select_n3A_281, %select_n3A_241, %select_n3A_272, %select_n3A_289 : i32, i32, i32, i32, i32
      }
      %scan3A_67 = arith.constant 160 : i32
      %sub3A = arith.constant 1 : i32
      %sub3A_68 = arith.subi %scan3A_66#4, %sub3A : i32
      %select_n3A_69 = arith.constant true
      %select_n3A_70 = arith.select %select_n3A_69, %sub3A_68, %scan3A_66#4 : i32
      %eq3A_71 = arith.constant -1 : i32
      %eq3A_72 = arith.cmpi eq, %select_n3A_70, %eq3A_71 : i32
      %select_n3A_73 = arith.constant 159 : i32
      %select_n3A_74 = arith.select %eq3A_72, %select_n3A_73, %select_n3A_70 : i32
      %add3A_75 = arith.constant 0 : i32
      %add3A_76 = arith.addi %select_n3A_74, %add3A_75 : i32
      %sub3A_77 = arith.constant 1 : i32
      %sub3A_78 = arith.subi %select_n3A_74, %sub3A_77 : i32
      %select_n3A_79 = arith.constant true
      %select_n3A_80 = arith.select %select_n3A_79, %sub3A_78, %select_n3A_74 : i32
      %eq3A_81 = arith.constant -1 : i32
      %eq3A_82 = arith.cmpi eq, %select_n3A_80, %eq3A_81 : i32
      %select_n3A_83 = arith.constant 159 : i32
      %select_n3A_84 = arith.select %eq3A_82, %select_n3A_83, %select_n3A_80 : i32
      %add3A_85 = arith.constant 0 : i32
      %add3A_86 = arith.addi %select_n3A_84, %add3A_85 : i32
      %add3A_87 = arith.constant 1 : i32
      %add3A_88 = arith.addi %select_n3A_74, %add3A_87 : i32
      %select_n3A_89 = arith.constant true
      %select_n3A_90 = arith.select %select_n3A_89, %add3A_88, %select_n3A_74 : i32
      %eq3A_91 = arith.constant 160 : i32
      %eq3A_92 = arith.cmpi eq, %select_n3A_90, %eq3A_91 : i32
      %select_n3A_93 = arith.constant 0 : i32
      %select_n3A_94 = arith.select %eq3A_92, %select_n3A_93, %select_n3A_90 : i32
      %add3A_95 = arith.constant 0 : i32
      %add3A_96 = arith.addi %select_n3A_94, %add3A_95 : i32
      %add3A_97 = arith.constant 1 : i32
      %add3A_98 = arith.addi %select_n3A_94, %add3A_97 : i32
      %select_n3A_99 = arith.constant true
      %select_n3A_100 = arith.select %select_n3A_99, %add3A_98, %select_n3A_94 : i32
      %eq3A_101 = arith.constant 160 : i32
      %eq3A_102 = arith.cmpi eq, %select_n3A_100, %eq3A_101 : i32
      %select_n3A_103 = arith.constant 0 : i32
      %select_n3A_104 = arith.select %eq3A_102, %select_n3A_103, %select_n3A_100 : i32
      %add3A_105 = arith.constant 0 : i32
      %add3A_106 = arith.addi %select_n3A_104, %add3A_105 : i32
      "tpu.trace_start"() <{level = 10 : i32, message = "ep_finalize"}> : () -> ()
      %rem3A_107 = arith.constant 2 : i32
      %rem3A_108 = arith.remui %scan3A_66#3, %rem3A_107 : i32
      %add3A_109 = arith.addi %mul3A_2, %add3A_76 : i32
      %mul3A_110 = arith.constant 128 : i32
      %mul3A_111 = arith.muli %mul3A_110, %add3A_109 : i32
      %dma_wait3A = arith.constant 0 : i32
      %dma_wait3A_112 = arith.constant 0 : i32
      %dma_wait3A_113 = tpu.memref_slice %run_scoped3A_4[%rem3A_108, %dma_wait3A, %dma_wait3A_112] : memref<2x128x128xf32, #tpu.memory_space<vmem>> -> memref<1x128x128xf32, #tpu.memory_space<vmem>>
      %dma_wait3A_114 = tpu.memref_squeeze %dma_wait3A_113 : memref<1x128x128xf32, #tpu.memory_space<vmem>> -> memref<128x128xf32, #tpu.memory_space<vmem>>
      %dma_wait3A_115 = arith.constant 0 : i32
      %dma_wait3A_116 = tpu.memref_slice %arg4[%mul3A_111, %dma_wait3A_115] : memref<655360x128xf32, #tpu.memory_space<hbm>> -> memref<128x128xf32, #tpu.memory_space<hbm>>
      %dma_wait3A_117 = tpu.memref_slice %run_scoped3A_5[%rem3A_108] : memref<2x!tpu.dma_semaphore, #tpu.memory_space<semaphore_mem>> -> memref<1x!tpu.dma_semaphore, #tpu.memory_space<semaphore_mem>>
      %dma_wait3A_118 = tpu.memref_squeeze %dma_wait3A_117 : memref<1x!tpu.dma_semaphore, #tpu.memory_space<semaphore_mem>> -> memref<!tpu.dma_semaphore, #tpu.memory_space<semaphore_mem>>
      %dma_wait3A_119 = arith.constant 0 : i32
      %dma_wait3A_120 = tpu.memref_slice %arg4[%mul3A_111, %dma_wait3A_119] : memref<655360x128xf32, #tpu.memory_space<hbm>> -> memref<128x128xf32, #tpu.memory_space<hbm>>
      %dma_wait3A_121 = arith.constant 0 : i32
      %dma_wait3A_122 = arith.constant 0 : i32
      %dma_wait3A_123 = tpu.memref_slice %run_scoped3A_4[%rem3A_108, %dma_wait3A_121, %dma_wait3A_122] : memref<2x128x128xf32, #tpu.memory_space<vmem>> -> memref<1x128x128xf32, #tpu.memory_space<vmem>>
      %dma_wait3A_124 = tpu.memref_squeeze %dma_wait3A_123 : memref<1x128x128xf32, #tpu.memory_space<vmem>> -> memref<128x128xf32, #tpu.memory_space<vmem>>
      tpu.wait_dma2 semaphore(%dma_wait3A_118 : memref<!tpu.dma_semaphore, #tpu.memory_space<semaphore_mem>>) src(%dma_wait3A_124 : memref<128x128xf32, #tpu.memory_space<vmem>>) dst(%dma_wait3A_120 : memref<128x128xf32, #tpu.memory_space<hbm>>)
      "tpu.trace_stop"() : () -> ()
      tpu.yield
    }) : () -> ()
    return
  }
}

#map = affine_map<(d0, d1) -> (0, 0)>
module attributes {stable_mosaic.version = 14 : i64} {
  func.func @k(%arg0: i32, %arg1: i32, %arg2: memref<10240x384xf32, #tpu.memory_space<hbm>>, %arg3: memref<1x655360xi32, #tpu.memory_space<hbm>>, %arg4: memref<655360x384xf32, #tpu.memory_space<hbm>>) attributes {dimension_semantics = [#tpu.dimension_semantics<core_parallel>, #tpu.dimension_semantics<subcore_parallel>], iteration_bounds = array<i64: 2, 16>, scalar_prefetch = 0 : i64, scratch_operands = 0 : i64, tpu.core_type = #tpu.core_type<sc_vector_subcore>, window_params = [{transform_indices = #map}, {transform_indices = #map}, {transform_indices = #map}]} {
    %mul3A = arith.constant 2 : i32
    %mul3A_0 = arith.muli %arg1, %mul3A : i32
    %add3A = arith.addi %mul3A_0, %arg0 : i32
    %mul3A_1 = arith.constant 160 : i32
    %mul3A_2 = arith.muli %add3A, %mul3A_1 : i32
    "tpu.region"() ({
      %run_scoped3A = memref.alloca() : memref<2x1x128xi32, #tpu.memory_space<vmem>>
      %run_scoped3A_3 = tpu.sem_alloc : memref<2x!tpu.dma_semaphore, #tpu.memory_space<semaphore_mem>>
      %run_scoped3A_4 = memref.alloca() : memref<2x128x384xf32, #tpu.memory_space<vmem>>
      %run_scoped3A_5 = tpu.sem_alloc : memref<2x!tpu.dma_semaphore, #tpu.memory_space<semaphore_mem>>
      %select_n3A = arith.constant true
      %select_n3A_6 = arith.constant 0 : i32
      %select_n3A_7 = arith.constant -1 : i32
      %select_n3A_8 = arith.select %select_n3A, %select_n3A_7, %select_n3A_6 : i32
      %eq3A = arith.constant -1 : i32
      %eq3A_9 = arith.cmpi eq, %select_n3A_8, %eq3A : i32
      %select_n3A_10 = arith.constant 159 : i32
      %select_n3A_11 = arith.select %eq3A_9, %select_n3A_10, %select_n3A_8 : i32
      %add3A_12 = arith.constant 0 : i32
      %add3A_13 = arith.addi %select_n3A_11, %add3A_12 : i32
      %select_n3A_14 = arith.constant true
      %select_n3A_15 = arith.constant 0 : i32
      %select_n3A_16 = arith.constant 1 : i32
      %select_n3A_17 = arith.select %select_n3A_14, %select_n3A_16, %select_n3A_15 : i32
      %eq3A_18 = arith.constant 160 : i32
      %eq3A_19 = arith.cmpi eq, %select_n3A_17, %eq3A_18 : i32
      %select_n3A_20 = arith.constant 0 : i32
      %select_n3A_21 = arith.select %eq3A_19, %select_n3A_20, %select_n3A_17 : i32
      %add3A_22 = arith.constant 0 : i32
      %add3A_23 = arith.addi %select_n3A_21, %add3A_22 : i32
      %add3A_24 = arith.constant 1 : i32
      %add3A_25 = arith.addi %select_n3A_21, %add3A_24 : i32
      %select_n3A_26 = arith.constant true
      %select_n3A_27 = arith.select %select_n3A_26, %add3A_25, %select_n3A_21 : i32
      %eq3A_28 = arith.constant 160 : i32
      %eq3A_29 = arith.cmpi eq, %select_n3A_27, %eq3A_28 : i32
      %select_n3A_30 = arith.constant 0 : i32
      %select_n3A_31 = arith.select %eq3A_29, %select_n3A_30, %select_n3A_27 : i32
      %add3A_32 = arith.constant 0 : i32
      %add3A_33 = arith.addi %select_n3A_31, %add3A_32 : i32
      "tpu.trace_start"() <{level = 10 : i32, message = "ep_initialize_0"}> : () -> ()
      %rem3A = arith.constant 0 : i32
      %rem3A_34 = arith.constant 2 : i32
      %rem3A_35 = arith.remui %rem3A, %rem3A_34 : i32
      %add3A_36 = arith.constant 0 : i32
      %add3A_37 = arith.addi %mul3A_2, %add3A_36 : i32
      %mul3A_38 = arith.constant 128 : i32
      %mul3A_39 = arith.muli %mul3A_38, %add3A_37 : i32
      %dma_start3A = arith.constant 0 : i32
      %dma_start3A_40 = arith.constant 0 : i32
      %dma_start3A_41 = tpu.memref_slice %run_scoped3A[%rem3A_35, %dma_start3A, %dma_start3A_40] : memref<2x1x128xi32, #tpu.memory_space<vmem>> -> memref<1x1x128xi32, #tpu.memory_space<vmem>>
      %dma_start3A_42 = tpu.memref_squeeze %dma_start3A_41 : memref<1x1x128xi32, #tpu.memory_space<vmem>> -> memref<1x128xi32, #tpu.memory_space<vmem>>
      %dma_start3A_43 = arith.constant 0 : i32
      %dma_start3A_44 = tpu.memref_slice %arg3[%dma_start3A_43, %mul3A_39] : memref<1x655360xi32, #tpu.memory_space<hbm>> -> memref<1x128xi32, #tpu.memory_space<hbm>>
      %dma_start3A_45 = tpu.memref_slice %run_scoped3A_3[%rem3A_35] : memref<2x!tpu.dma_semaphore, #tpu.memory_space<semaphore_mem>> -> memref<1x!tpu.dma_semaphore, #tpu.memory_space<semaphore_mem>>
      %dma_start3A_46 = tpu.memref_squeeze %dma_start3A_45 : memref<1x!tpu.dma_semaphore, #tpu.memory_space<semaphore_mem>> -> memref<!tpu.dma_semaphore, #tpu.memory_space<semaphore_mem>>
      %dma_start3A_47 = arith.constant 0 : i32
      %dma_start3A_48 = arith.constant 0 : i32
      %dma_start3A_49 = tpu.memref_slice %run_scoped3A[%rem3A_35, %dma_start3A_47, %dma_start3A_48] : memref<2x1x128xi32, #tpu.memory_space<vmem>> -> memref<1x1x128xi32, #tpu.memory_space<vmem>>
      %dma_start3A_50 = tpu.memref_squeeze %dma_start3A_49 : memref<1x1x128xi32, #tpu.memory_space<vmem>> -> memref<1x128xi32, #tpu.memory_space<vmem>>
      %dma_start3A_51 = arith.constant 0 : i32
      %dma_start3A_52 = tpu.memref_slice %arg3[%dma_start3A_51, %mul3A_39] : memref<1x655360xi32, #tpu.memory_space<hbm>> -> memref<1x128xi32, #tpu.memory_space<hbm>>
      tpu.enqueue_dma source(%dma_start3A_52 : memref<1x128xi32, #tpu.memory_space<hbm>>) target(%dma_start3A_50 : memref<1x128xi32, #tpu.memory_space<vmem>>) target_semaphore(%dma_start3A_46 : memref<!tpu.dma_semaphore, #tpu.memory_space<semaphore_mem>>)
      %add3A_53 = arith.constant 0 : i32
      %add3A_54 = arith.constant 1 : i32
      %add3A_55 = arith.addi %add3A_53, %add3A_54 : i32
      %select_n3A_56 = arith.constant true
      %select_n3A_57 = arith.constant 0 : i32
      %select_n3A_58 = arith.select %select_n3A_56, %add3A_55, %select_n3A_57 : i32
      "tpu.trace_stop"() : () -> ()
      %scan3A = arith.constant 0 : i32
      %scan3A_59 = arith.constant 0 : i32
      %scan3A_60 = arith.constant 0 : i32
      %scan3A_61 = arith.constant 0 : i32
      %scan3A_62 = arith.constant 0 : i32
      %scan3A_63 = arith.constant 160 : i32
      %scan3A_64 = arith.addi %scan3A_62, %scan3A_63 : i32
      %scan3A_65 = arith.constant 1 : i32
      %scan3A_66:5 = scf.for %scan3A_125 = %scan3A_62 to %scan3A_64 step %scan3A_65 iter_args(%scan3A_126 = %select_n3A_58, %scan3A_127 = %scan3A, %scan3A_128 = %scan3A_59, %scan3A_129 = %scan3A_60, %scan3A_130 = %scan3A_61) -> (i32, i32, i32, i32, i32)  : i32 {
        %eq3A_131 = arith.constant 0 : i32
        %eq3A_132 = arith.cmpi eq, %scan3A_125, %eq3A_131 : i32
        %eq3A_133 = arith.constant 159 : i32
        %eq3A_134 = arith.cmpi eq, %scan3A_125, %eq3A_133 : i32
        %add3A_135 = arith.constant 0 : i32
        %add3A_136 = arith.addi %scan3A_130, %add3A_135 : i32
        %sub3A_137 = arith.constant 1 : i32
        %sub3A_138 = arith.subi %scan3A_130, %sub3A_137 : i32
        %select_n3A_139 = arith.constant true
        %select_n3A_140 = arith.select %select_n3A_139, %sub3A_138, %scan3A_130 : i32
        %eq3A_141 = arith.constant -1 : i32
        %eq3A_142 = arith.cmpi eq, %select_n3A_140, %eq3A_141 : i32
        %select_n3A_143 = arith.constant 159 : i32
        %select_n3A_144 = arith.select %eq3A_142, %select_n3A_143, %select_n3A_140 : i32
        %add3A_145 = arith.constant 0 : i32
        %add3A_146 = arith.addi %select_n3A_144, %add3A_145 : i32
        %add3A_147 = arith.constant 1 : i32
        %add3A_148 = arith.addi %scan3A_130, %add3A_147 : i32
        %select_n3A_149 = arith.constant true
        %select_n3A_150 = arith.select %select_n3A_149, %add3A_148, %scan3A_130 : i32
        %eq3A_151 = arith.constant 160 : i32
        %eq3A_152 = arith.cmpi eq, %select_n3A_150, %eq3A_151 : i32
        %select_n3A_153 = arith.constant 0 : i32
        %select_n3A_154 = arith.select %eq3A_152, %select_n3A_153, %select_n3A_150 : i32
        %add3A_155 = arith.constant 0 : i32
        %add3A_156 = arith.addi %select_n3A_154, %add3A_155 : i32
        %add3A_157 = arith.constant 1 : i32
        %add3A_158 = arith.addi %select_n3A_154, %add3A_157 : i32
        %select_n3A_159 = arith.constant true
        %select_n3A_160 = arith.select %select_n3A_159, %add3A_158, %select_n3A_154 : i32
        %eq3A_161 = arith.constant 160 : i32
        %eq3A_162 = arith.cmpi eq, %select_n3A_160, %eq3A_161 : i32
        %select_n3A_163 = arith.constant 0 : i32
        %select_n3A_164 = arith.select %eq3A_162, %select_n3A_163, %select_n3A_160 : i32
        %add3A_165 = arith.constant 0 : i32
        %add3A_166 = arith.addi %select_n3A_164, %add3A_165 : i32
        %add3A_167 = arith.addi %mul3A_2, %add3A_136 : i32
        %add3A_168 = arith.addi %mul3A_2, %add3A_156 : i32
        %ne3A = arith.cmpi ne, %add3A_167, %add3A_168 : i32
        %or3A = arith.constant false
        %or3A_169 = arith.ori %or3A, %ne3A : i1
        %ge3A = arith.constant 159 : i32
        %ge3A_170 = arith.cmpi sge, %scan3A_125, %ge3A : i32
        %not3A = arith.constant true
        %not3A_171 = arith.xori %ge3A_170, %not3A : i1
        %and3A = arith.andi %or3A_169, %not3A_171 : i1
        %convert_element_type3A = arith.extui %and3A : i1 to i32
        %cond3A = arith.constant 0 : i32
        %cond3A_172 = arith.cmpi ne, %convert_element_type3A, %cond3A : i32
        scf.if %cond3A_172 {
          "tpu.trace_start"() <{level = 10 : i32, message = "ep_copy_in"}> : () -> ()
          %rem3A_290 = arith.constant 2 : i32
          %rem3A_291 = arith.remui %scan3A_126, %rem3A_290 : i32
          %add3A_292 = arith.addi %mul3A_2, %add3A_156 : i32
          %mul3A_293 = arith.constant 128 : i32
          %mul3A_294 = arith.muli %mul3A_293, %add3A_292 : i32
          %dma_start3A_295 = arith.constant 0 : i32
          %dma_start3A_296 = arith.constant 0 : i32
          %dma_start3A_297 = tpu.memref_slice %run_scoped3A[%rem3A_291, %dma_start3A_295, %dma_start3A_296] : memref<2x1x128xi32, #tpu.memory_space<vmem>> -> memref<1x1x128xi32, #tpu.memory_space<vmem>>
          %dma_start3A_298 = tpu.memref_squeeze %dma_start3A_297 : memref<1x1x128xi32, #tpu.memory_space<vmem>> -> memref<1x128xi32, #tpu.memory_space<vmem>>
          %dma_start3A_299 = arith.constant 0 : i32
          %dma_start3A_300 = tpu.memref_slice %arg3[%dma_start3A_299, %mul3A_294] : memref<1x655360xi32, #tpu.memory_space<hbm>> -> memref<1x128xi32, #tpu.memory_space<hbm>>
          %dma_start3A_301 = tpu.memref_slice %run_scoped3A_3[%rem3A_291] : memref<2x!tpu.dma_semaphore, #tpu.memory_space<semaphore_mem>> -> memref<1x!tpu.dma_semaphore, #tpu.memory_space<semaphore_mem>>
          %dma_start3A_302 = tpu.memref_squeeze %dma_start3A_301 : memref<1x!tpu.dma_semaphore, #tpu.memory_space<semaphore_mem>> -> memref<!tpu.dma_semaphore, #tpu.memory_space<semaphore_mem>>
          %dma_start3A_303 = arith.constant 0 : i32
          %dma_start3A_304 = arith.constant 0 : i32
          %dma_start3A_305 = tpu.memref_slice %run_scoped3A[%rem3A_291, %dma_start3A_303, %dma_start3A_304] : memref<2x1x128xi32, #tpu.memory_space<vmem>> -> memref<1x1x128xi32, #tpu.memory_space<vmem>>
          %dma_start3A_306 = tpu.memref_squeeze %dma_start3A_305 : memref<1x1x128xi32, #tpu.memory_space<vmem>> -> memref<1x128xi32, #tpu.memory_space<vmem>>
          %dma_start3A_307 = arith.constant 0 : i32
          %dma_start3A_308 = tpu.memref_slice %arg3[%dma_start3A_307, %mul3A_294] : memref<1x655360xi32, #tpu.memory_space<hbm>> -> memref<1x128xi32, #tpu.memory_space<hbm>>
          tpu.enqueue_dma source(%dma_start3A_308 : memref<1x128xi32, #tpu.memory_space<hbm>>) target(%dma_start3A_306 : memref<1x128xi32, #tpu.memory_space<vmem>>) target_semaphore(%dma_start3A_302 : memref<!tpu.dma_semaphore, #tpu.memory_space<semaphore_mem>>)
          "tpu.trace_stop"() : () -> ()
        } else {
        }
        %and3A_173 = arith.constant true
        %and3A_174 = arith.andi %and3A, %and3A_173 : i1
        %add3A_175 = arith.constant 1 : i32
        %add3A_176 = arith.addi %scan3A_126, %add3A_175 : i32
        %select_n3A_177 = arith.select %and3A_174, %add3A_176, %scan3A_126 : i32
        %add3A_178 = arith.addi %mul3A_2, %add3A_136 : i32
        %add3A_179 = arith.addi %mul3A_2, %add3A_156 : i32
        %ne3A_180 = arith.cmpi ne, %add3A_178, %add3A_179 : i32
        %or3A_181 = arith.constant false
        %or3A_182 = arith.ori %or3A_181, %ne3A_180 : i1
        %or3A_183 = arith.constant false
        %or3A_184 = arith.ori %or3A_182, %or3A_183 : i1
        %ge3A_185 = arith.constant 159 : i32
        %ge3A_186 = arith.cmpi sge, %scan3A_125, %ge3A_185 : i32
        %not3A_187 = arith.constant true
        %not3A_188 = arith.xori %ge3A_186, %not3A_187 : i1
        %and3A_189 = arith.andi %or3A_184, %not3A_188 : i1
        %add3A_190 = arith.addi %mul3A_2, %add3A_136 : i32
        %add3A_191 = arith.addi %mul3A_2, %add3A_146 : i32
        %ne3A_192 = arith.cmpi ne, %add3A_190, %add3A_191 : i32
        %or3A_193 = arith.constant false
        %or3A_194 = arith.ori %or3A_193, %ne3A_192 : i1
        %or3A_195 = arith.ori %or3A_194, %eq3A_132 : i1
        %convert_element_type3A_196 = arith.extui %or3A_195 : i1 to i32
        %cond3A_197 = arith.constant 0 : i32
        %cond3A_198 = arith.cmpi ne, %convert_element_type3A_196, %cond3A_197 : i32
        scf.if %cond3A_198 {
          "tpu.trace_start"() <{level = 10 : i32, message = "ep_wait_in"}> : () -> ()
          %add3A_290 = arith.addi %mul3A_2, %add3A_136 : i32
          %mul3A_291 = arith.constant 128 : i32
          %mul3A_292 = arith.muli %mul3A_291, %add3A_290 : i32
          %rem3A_293 = arith.constant 2 : i32
          %rem3A_294 = arith.remui %scan3A_127, %rem3A_293 : i32
          %dma_wait3A_295 = arith.constant 0 : i32
          %dma_wait3A_296 = arith.constant 0 : i32
          %dma_wait3A_297 = tpu.memref_slice %run_scoped3A[%rem3A_294, %dma_wait3A_295, %dma_wait3A_296] : memref<2x1x128xi32, #tpu.memory_space<vmem>> -> memref<1x1x128xi32, #tpu.memory_space<vmem>>
          %dma_wait3A_298 = tpu.memref_squeeze %dma_wait3A_297 : memref<1x1x128xi32, #tpu.memory_space<vmem>> -> memref<1x128xi32, #tpu.memory_space<vmem>>
          %dma_wait3A_299 = arith.constant 0 : i32
          %dma_wait3A_300 = tpu.memref_slice %arg3[%dma_wait3A_299, %mul3A_292] : memref<1x655360xi32, #tpu.memory_space<hbm>> -> memref<1x128xi32, #tpu.memory_space<hbm>>
          %dma_wait3A_301 = tpu.memref_slice %run_scoped3A_3[%rem3A_294] : memref<2x!tpu.dma_semaphore, #tpu.memory_space<semaphore_mem>> -> memref<1x!tpu.dma_semaphore, #tpu.memory_space<semaphore_mem>>
          %dma_wait3A_302 = tpu.memref_squeeze %dma_wait3A_301 : memref<1x!tpu.dma_semaphore, #tpu.memory_space<semaphore_mem>> -> memref<!tpu.dma_semaphore, #tpu.memory_space<semaphore_mem>>
          %dma_wait3A_303 = arith.constant 0 : i32
          %dma_wait3A_304 = arith.constant 0 : i32
          %dma_wait3A_305 = tpu.memref_slice %run_scoped3A[%rem3A_294, %dma_wait3A_303, %dma_wait3A_304] : memref<2x1x128xi32, #tpu.memory_space<vmem>> -> memref<1x1x128xi32, #tpu.memory_space<vmem>>
          %dma_wait3A_306 = tpu.memref_squeeze %dma_wait3A_305 : memref<1x1x128xi32, #tpu.memory_space<vmem>> -> memref<1x128xi32, #tpu.memory_space<vmem>>
          %dma_wait3A_307 = arith.constant 0 : i32
          %dma_wait3A_308 = tpu.memref_slice %arg3[%dma_wait3A_307, %mul3A_292] : memref<1x655360xi32, #tpu.memory_space<hbm>> -> memref<1x128xi32, #tpu.memory_space<hbm>>
          tpu.wait_dma2 semaphore(%dma_wait3A_302 : memref<!tpu.dma_semaphore, #tpu.memory_space<semaphore_mem>>) src(%dma_wait3A_308 : memref<1x128xi32, #tpu.memory_space<hbm>>) dst(%dma_wait3A_306 : memref<1x128xi32, #tpu.memory_space<vmem>>)
          "tpu.trace_stop"() : () -> ()
        } else {
        }
        %add3A_199 = arith.addi %mul3A_2, %add3A_136 : i32
        %add3A_200 = arith.addi %mul3A_2, %add3A_146 : i32
        %ne3A_201 = arith.cmpi ne, %add3A_199, %add3A_200 : i32
        %or3A_202 = arith.constant false
        %or3A_203 = arith.ori %or3A_202, %ne3A_201 : i1
        %or3A_204 = arith.constant false
        %or3A_205 = arith.ori %or3A_203, %or3A_204 : i1
        %or3A_206 = arith.ori %or3A_205, %eq3A_132 : i1
        %convert_element_type3A_207 = arith.extui %or3A_206 : i1 to i32
        %cond3A_208 = arith.constant 0 : i32
        %cond3A_209 = arith.cmpi ne, %convert_element_type3A_207, %cond3A_208 : i32
        scf.if %cond3A_209 {
        } else {
        }
        %rem3A_210 = arith.constant 2 : i32
        %rem3A_211 = arith.remui %scan3A_127, %rem3A_210 : i32
        %rem3A_212 = arith.constant 2 : i32
        %rem3A_213 = arith.remui %scan3A_128, %rem3A_212 : i32
        %run_scoped3A_214 = arith.constant 0 : i32
        "tpu.trace_start"() <{level = 10 : i32, message = "ep_run_kernel"}> : () -> ()
        "tpu.region"() ({
          %run_scoped3A_290 = tpu.sem_alloc : memref<!tpu.dma_semaphore, #tpu.memory_space<semaphore_mem>>
          %dma_start3A_291 = arith.constant 0 : i32
          %dma_start3A_292 = arith.constant 0 : i32
          %dma_start3A_293 = tpu.memref_slice %run_scoped3A_4[%rem3A_213, %dma_start3A_291, %dma_start3A_292] : memref<2x128x384xf32, #tpu.memory_space<vmem>> -> memref<1x128x384xf32, #tpu.memory_space<vmem>>
          %dma_start3A_294 = tpu.memref_squeeze %dma_start3A_293 : memref<1x128x384xf32, #tpu.memory_space<vmem>> -> memref<128x384xf32, #tpu.memory_space<vmem>>
          %dma_start3A_295 = arith.constant 0 : i32
          %dma_start3A_296 = arith.constant 0 : i32
          %dma_start3A_297 = tpu.memref_slice %run_scoped3A[%rem3A_211, %dma_start3A_295, %dma_start3A_296] : memref<2x1x128xi32, #tpu.memory_space<vmem>> -> memref<1x1x128xi32, #tpu.memory_space<vmem>>
          %dma_start3A_298 = tpu.memref_squeeze %dma_start3A_297 : memref<1x1x128xi32, #tpu.memory_space<vmem>> -> memref<1x128xi32, #tpu.memory_space<vmem>>
          %dma_start3A_299 = arith.constant 0 : i32
          %dma_start3A_300 = tpu.memref_slice %dma_start3A_298[%run_scoped3A_214, %dma_start3A_299] : memref<1x128xi32, #tpu.memory_space<vmem>> -> memref<1x128xi32, #tpu.memory_space<vmem>>
          %dma_start3A_301 = tpu.memref_squeeze %dma_start3A_300 : memref<1x128xi32, #tpu.memory_space<vmem>> -> memref<128xi32, #tpu.memory_space<vmem>>
          %dma_start3A_302 = arith.constant 0 : i32
          %dma_start3A_303 = arith.constant 0 : i32
          %dma_start3A_304 = tpu.memref_slice %arg2[%dma_start3A_302, %dma_start3A_303] : memref<10240x384xf32, #tpu.memory_space<hbm>> -> memref<10240x384xf32, #tpu.memory_space<hbm>>
          tpu.enqueue_indirect_dma source(%dma_start3A_304 : memref<10240x384xf32, #tpu.memory_space<hbm>>) target(%dma_start3A_294 : memref<128x384xf32, #tpu.memory_space<vmem>>) offsets(%dma_start3A_301 : memref<128xi32, #tpu.memory_space<vmem>>) semaphore(%run_scoped3A_290 : memref<!tpu.dma_semaphore, #tpu.memory_space<semaphore_mem>>)
          %dma_wait3A_305 = arith.constant 0 : i32
          %dma_wait3A_306 = arith.constant 0 : i32
          %dma_wait3A_307 = tpu.memref_slice %run_scoped3A_4[%rem3A_213, %dma_wait3A_305, %dma_wait3A_306] : memref<2x128x384xf32, #tpu.memory_space<vmem>> -> memref<1x128x384xf32, #tpu.memory_space<vmem>>
          %dma_wait3A_308 = tpu.memref_squeeze %dma_wait3A_307 : memref<1x128x384xf32, #tpu.memory_space<vmem>> -> memref<128x384xf32, #tpu.memory_space<vmem>>
          %dma_wait3A_309 = arith.constant 0 : i32
          %dma_wait3A_310 = arith.constant 0 : i32
          %dma_wait3A_311 = tpu.memref_slice %run_scoped3A[%rem3A_211, %dma_wait3A_309, %dma_wait3A_310] : memref<2x1x128xi32, #tpu.memory_space<vmem>> -> memref<1x1x128xi32, #tpu.memory_space<vmem>>
          %dma_wait3A_312 = tpu.memref_squeeze %dma_wait3A_311 : memref<1x1x128xi32, #tpu.memory_space<vmem>> -> memref<1x128xi32, #tpu.memory_space<vmem>>
          %dma_wait3A_313 = arith.constant 0 : i32
          %dma_wait3A_314 = tpu.memref_slice %dma_wait3A_312[%run_scoped3A_214, %dma_wait3A_313] : memref<1x128xi32, #tpu.memory_space<vmem>> -> memref<1x128xi32, #tpu.memory_space<vmem>>
          %dma_wait3A_315 = tpu.memref_squeeze %dma_wait3A_314 : memref<1x128xi32, #tpu.memory_space<vmem>> -> memref<128xi32, #tpu.memory_space<vmem>>
          %dma_wait3A_316 = arith.constant 0 : i32
          %dma_wait3A_317 = arith.constant 0 : i32
          %dma_wait3A_318 = tpu.memref_slice %arg2[%dma_wait3A_316, %dma_wait3A_317] : memref<10240x384xf32, #tpu.memory_space<hbm>> -> memref<10240x384xf32, #tpu.memory_space<hbm>>
          tpu.wait_indirect_dma semaphore(%run_scoped3A_290 : memref<!tpu.dma_semaphore, #tpu.memory_space<semaphore_mem>>) src(%dma_wait3A_318 : memref<10240x384xf32, #tpu.memory_space<hbm>>) dst(%dma_wait3A_308 : memref<128x384xf32, #tpu.memory_space<vmem>>)
          tpu.yield
        }) : () -> ()
        "tpu.trace_stop"() : () -> ()
        %add3A_215 = arith.addi %mul3A_2, %add3A_136 : i32
        %add3A_216 = arith.addi %mul3A_2, %add3A_156 : i32
        %ne3A_217 = arith.cmpi ne, %add3A_215, %add3A_216 : i32
        %or3A_218 = arith.constant false
        %or3A_219 = arith.ori %or3A_218, %ne3A_217 : i1
        %or3A_220 = arith.ori %or3A_219, %eq3A_134 : i1
        %convert_element_type3A_221 = arith.extui %or3A_220 : i1 to i32
        %cond3A_222 = arith.constant 0 : i32
        %cond3A_223 = arith.cmpi ne, %convert_element_type3A_221, %cond3A_222 : i32
        scf.if %cond3A_223 {
        } else {
        }
        %and3A_224 = arith.constant false
        %and3A_225 = arith.andi %or3A_220, %and3A_224 : i1
        %add3A_226 = arith.addi %mul3A_2, %add3A_136 : i32
        %add3A_227 = arith.addi %mul3A_2, %add3A_156 : i32
        %ne3A_228 = arith.cmpi ne, %add3A_226, %add3A_227 : i32
        %or3A_229 = arith.constant false
        %or3A_230 = arith.ori %or3A_229, %ne3A_228 : i1
        %or3A_231 = arith.constant false
        %or3A_232 = arith.ori %or3A_230, %or3A_231 : i1
        %or3A_233 = arith.ori %or3A_232, %eq3A_134 : i1
        %convert_element_type3A_234 = arith.extui %or3A_233 : i1 to i32
        %cond3A_235 = arith.constant 0 : i32
        %cond3A_236 = arith.cmpi ne, %convert_element_type3A_234, %cond3A_235 : i32
        scf.if %cond3A_236 {
          "tpu.trace_start"() <{level = 10 : i32, message = "ep_copy_out"}> : () -> ()
          %rem3A_290 = arith.constant 2 : i32
          %rem3A_291 = arith.remui %scan3A_128, %rem3A_290 : i32
          %add3A_292 = arith.addi %mul3A_2, %add3A_136 : i32
          %mul3A_293 = arith.constant 128 : i32
          %mul3A_294 = arith.muli %mul3A_293, %add3A_292 : i32
          %dma_start3A_295 = arith.constant 0 : i32
          %dma_start3A_296 = arith.constant 0 : i32
          %dma_start3A_297 = tpu.memref_slice %run_scoped3A_4[%rem3A_291, %dma_start3A_295, %dma_start3A_296] : memref<2x128x384xf32, #tpu.memory_space<vmem>> -> memref<1x128x384xf32, #tpu.memory_space<vmem>>
          %dma_start3A_298 = tpu.memref_squeeze %dma_start3A_297 : memref<1x128x384xf32, #tpu.memory_space<vmem>> -> memref<128x384xf32, #tpu.memory_space<vmem>>
          %dma_start3A_299 = arith.constant 0 : i32
          %dma_start3A_300 = tpu.memref_slice %arg4[%mul3A_294, %dma_start3A_299] : memref<655360x384xf32, #tpu.memory_space<hbm>> -> memref<128x384xf32, #tpu.memory_space<hbm>>
          %dma_start3A_301 = tpu.memref_slice %run_scoped3A_5[%rem3A_291] : memref<2x!tpu.dma_semaphore, #tpu.memory_space<semaphore_mem>> -> memref<1x!tpu.dma_semaphore, #tpu.memory_space<semaphore_mem>>
          %dma_start3A_302 = tpu.memref_squeeze %dma_start3A_301 : memref<1x!tpu.dma_semaphore, #tpu.memory_space<semaphore_mem>> -> memref<!tpu.dma_semaphore, #tpu.memory_space<semaphore_mem>>
          %dma_start3A_303 = arith.constant 0 : i32
          %dma_start3A_304 = tpu.memref_slice %arg4[%mul3A_294, %dma_start3A_303] : memref<655360x384xf32, #tpu.memory_space<hbm>> -> memref<128x384xf32, #tpu.memory_space<hbm>>
          %dma_start3A_305 = arith.constant 0 : i32
          %dma_start3A_306 = arith.constant 0 : i32
          %dma_start3A_307 = tpu.memref_slice %run_scoped3A_4[%rem3A_291, %dma_start3A_305, %dma_start3A_306] : memref<2x128x384xf32, #tpu.memory_space<vmem>> -> memref<1x128x384xf32, #tpu.memory_space<vmem>>
          %dma_start3A_308 = tpu.memref_squeeze %dma_start3A_307 : memref<1x128x384xf32, #tpu.memory_space<vmem>> -> memref<128x384xf32, #tpu.memory_space<vmem>>
          tpu.enqueue_dma source(%dma_start3A_308 : memref<128x384xf32, #tpu.memory_space<vmem>>) target(%dma_start3A_304 : memref<128x384xf32, #tpu.memory_space<hbm>>) target_semaphore(%dma_start3A_302 : memref<!tpu.dma_semaphore, #tpu.memory_space<semaphore_mem>>)
          "tpu.trace_stop"() : () -> ()
        } else {
        }
        %and3A_237 = arith.constant true
        %and3A_238 = arith.andi %or3A_233, %and3A_237 : i1
        %add3A_239 = arith.constant 1 : i32
        %add3A_240 = arith.addi %scan3A_128, %add3A_239 : i32
        %select_n3A_241 = arith.select %and3A_238, %add3A_240, %scan3A_128 : i32
        %add3A_242 = arith.addi %mul3A_2, %add3A_136 : i32
        %add3A_243 = arith.addi %mul3A_2, %add3A_146 : i32
        %ne3A_244 = arith.cmpi ne, %add3A_242, %add3A_243 : i32
        %or3A_245 = arith.constant false
        %or3A_246 = arith.ori %or3A_245, %ne3A_244 : i1
        %not3A_247 = arith.constant true
        %not3A_248 = arith.xori %eq3A_132, %not3A_247 : i1
        %and3A_249 = arith.andi %or3A_246, %not3A_248 : i1
        %convert_element_type3A_250 = arith.extui %and3A_249 : i1 to i32
        %cond3A_251 = arith.constant 0 : i32
        %cond3A_252 = arith.cmpi ne, %convert_element_type3A_250, %cond3A_251 : i32
        scf.if %cond3A_252 {
        } else {
        }
        %and3A_253 = arith.constant false
        %and3A_254 = arith.andi %and3A_249, %and3A_253 : i1
        %add3A_255 = arith.addi %mul3A_2, %add3A_136 : i32
        %add3A_256 = arith.addi %mul3A_2, %add3A_146 : i32
        %ne3A_257 = arith.cmpi ne, %add3A_255, %add3A_256 : i32
        %or3A_258 = arith.constant false
        %or3A_259 = arith.ori %or3A_258, %ne3A_257 : i1
        %or3A_260 = arith.constant false
        %or3A_261 = arith.ori %or3A_259, %or3A_260 : i1
        %not3A_262 = arith.constant true
        %not3A_263 = arith.xori %eq3A_132, %not3A_262 : i1
        %and3A_264 = arith.andi %or3A_261, %not3A_263 : i1
        %convert_element_type3A_265 = arith.extui %and3A_264 : i1 to i32
        %cond3A_266 = arith.constant 0 : i32
        %cond3A_267 = arith.cmpi ne, %convert_element_type3A_265, %cond3A_266 : i32
        scf.if %cond3A_267 {
          "tpu.trace_start"() <{level = 10 : i32, message = "ep_wait_out"}> : () -> ()
          %rem3A_290 = arith.constant 2 : i32
          %rem3A_291 = arith.remui %scan3A_129, %rem3A_290 : i32
          %add3A_292 = arith.addi %mul3A_2, %add3A_146 : i32
          %mul3A_293 = arith.constant 128 : i32
          %mul3A_294 = arith.muli %mul3A_293, %add3A_292 : i32
          %dma_wait3A_295 = arith.constant 0 : i32
          %dma_wait3A_296 = arith.constant 0 : i32
          %dma_wait3A_297 = tpu.memref_slice %run_scoped3A_4[%rem3A_291, %dma_wait3A_295, %dma_wait3A_296] : memref<2x128x384xf32, #tpu.memory_space<vmem>> -> memref<1x128x384xf32, #tpu.memory_space<vmem>>
          %dma_wait3A_298 = tpu.memref_squeeze %dma_wait3A_297 : memref<1x128x384xf32, #tpu.memory_space<vmem>> -> memref<128x384xf32, #tpu.memory_space<vmem>>
          %dma_wait3A_299 = arith.constant 0 : i32
          %dma_wait3A_300 = tpu.memref_slice %arg4[%mul3A_294, %dma_wait3A_299] : memref<655360x384xf32, #tpu.memory_space<hbm>> -> memref<128x384xf32, #tpu.memory_space<hbm>>
          %dma_wait3A_301 = tpu.memref_slice %run_scoped3A_5[%rem3A_291] : memref<2x!tpu.dma_semaphore, #tpu.memory_space<semaphore_mem>> -> memref<1x!tpu.dma_semaphore, #tpu.memory_space<semaphore_mem>>
          %dma_wait3A_302 = tpu.memref_squeeze %dma_wait3A_301 : memref<1x!tpu.dma_semaphore, #tpu.memory_space<semaphore_mem>> -> memref<!tpu.dma_semaphore, #tpu.memory_space<semaphore_mem>>
          %dma_wait3A_303 = arith.constant 0 : i32
          %dma_wait3A_304 = tpu.memref_slice %arg4[%mul3A_294, %dma_wait3A_303] : memref<655360x384xf32, #tpu.memory_space<hbm>> -> memref<128x384xf32, #tpu.memory_space<hbm>>
          %dma_wait3A_305 = arith.constant 0 : i32
          %dma_wait3A_306 = arith.constant 0 : i32
          %dma_wait3A_307 = tpu.memref_slice %run_scoped3A_4[%rem3A_291, %dma_wait3A_305, %dma_wait3A_306] : memref<2x128x384xf32, #tpu.memory_space<vmem>> -> memref<1x128x384xf32, #tpu.memory_space<vmem>>
          %dma_wait3A_308 = tpu.memref_squeeze %dma_wait3A_307 : memref<1x128x384xf32, #tpu.memory_space<vmem>> -> memref<128x384xf32, #tpu.memory_space<vmem>>
          tpu.wait_dma2 semaphore(%dma_wait3A_302 : memref<!tpu.dma_semaphore, #tpu.memory_space<semaphore_mem>>) src(%dma_wait3A_308 : memref<128x384xf32, #tpu.memory_space<vmem>>) dst(%dma_wait3A_304 : memref<128x384xf32, #tpu.memory_space<hbm>>)
          "tpu.trace_stop"() : () -> ()
        } else {
        }
        %and3A_268 = arith.constant true
        %and3A_269 = arith.andi %and3A_264, %and3A_268 : i1
        %add3A_270 = arith.constant 1 : i32
        %add3A_271 = arith.addi %scan3A_129, %add3A_270 : i32
        %select_n3A_272 = arith.select %and3A_269, %add3A_271, %scan3A_129 : i32
        %add3A_273 = arith.addi %mul3A_2, %add3A_136 : i32
        %add3A_274 = arith.addi %mul3A_2, %add3A_156 : i32
        %ne3A_275 = arith.cmpi ne, %add3A_273, %add3A_274 : i32
        %or3A_276 = arith.constant false
        %or3A_277 = arith.ori %or3A_276, %ne3A_275 : i1
        %or3A_278 = arith.ori %or3A_277, %eq3A_134 : i1
        %add3A_279 = arith.constant 1 : i32
        %add3A_280 = arith.addi %scan3A_127, %add3A_279 : i32
        %select_n3A_281 = arith.select %or3A_278, %add3A_280, %scan3A_127 : i32
        %add3A_282 = arith.constant 1 : i32
        %add3A_283 = arith.addi %scan3A_130, %add3A_282 : i32
        %select_n3A_284 = arith.constant true
        %select_n3A_285 = arith.select %select_n3A_284, %add3A_283, %scan3A_130 : i32
        %eq3A_286 = arith.constant 160 : i32
        %eq3A_287 = arith.cmpi eq, %select_n3A_285, %eq3A_286 : i32
        %select_n3A_288 = arith.constant 0 : i32
        %select_n3A_289 = arith.select %eq3A_287, %select_n3A_288, %select_n3A_285 : i32
        scf.yield %select_n3A_177, %select_n3A_281, %select_n3A_241, %select_n3A_272, %select_n3A_289 : i32, i32, i32, i32, i32
      }
      %scan3A_67 = arith.constant 160 : i32
      %sub3A = arith.constant 1 : i32
      %sub3A_68 = arith.subi %scan3A_66#4, %sub3A : i32
      %select_n3A_69 = arith.constant true
      %select_n3A_70 = arith.select %select_n3A_69, %sub3A_68, %scan3A_66#4 : i32
      %eq3A_71 = arith.constant -1 : i32
      %eq3A_72 = arith.cmpi eq, %select_n3A_70, %eq3A_71 : i32
      %select_n3A_73 = arith.constant 159 : i32
      %select_n3A_74 = arith.select %eq3A_72, %select_n3A_73, %select_n3A_70 : i32
      %add3A_75 = arith.constant 0 : i32
      %add3A_76 = arith.addi %select_n3A_74, %add3A_75 : i32
      %sub3A_77 = arith.constant 1 : i32
      %sub3A_78 = arith.subi %select_n3A_74, %sub3A_77 : i32
      %select_n3A_79 = arith.constant true
      %select_n3A_80 = arith.select %select_n3A_79, %sub3A_78, %select_n3A_74 : i32
      %eq3A_81 = arith.constant -1 : i32
      %eq3A_82 = arith.cmpi eq, %select_n3A_80, %eq3A_81 : i32
      %select_n3A_83 = arith.constant 159 : i32
      %select_n3A_84 = arith.select %eq3A_82, %select_n3A_83, %select_n3A_80 : i32
      %add3A_85 = arith.constant 0 : i32
      %add3A_86 = arith.addi %select_n3A_84, %add3A_85 : i32
      %add3A_87 = arith.constant 1 : i32
      %add3A_88 = arith.addi %select_n3A_74, %add3A_87 : i32
      %select_n3A_89 = arith.constant true
      %select_n3A_90 = arith.select %select_n3A_89, %add3A_88, %select_n3A_74 : i32
      %eq3A_91 = arith.constant 160 : i32
      %eq3A_92 = arith.cmpi eq, %select_n3A_90, %eq3A_91 : i32
      %select_n3A_93 = arith.constant 0 : i32
      %select_n3A_94 = arith.select %eq3A_92, %select_n3A_93, %select_n3A_90 : i32
      %add3A_95 = arith.constant 0 : i32
      %add3A_96 = arith.addi %select_n3A_94, %add3A_95 : i32
      %add3A_97 = arith.constant 1 : i32
      %add3A_98 = arith.addi %select_n3A_94, %add3A_97 : i32
      %select_n3A_99 = arith.constant true
      %select_n3A_100 = arith.select %select_n3A_99, %add3A_98, %select_n3A_94 : i32
      %eq3A_101 = arith.constant 160 : i32
      %eq3A_102 = arith.cmpi eq, %select_n3A_100, %eq3A_101 : i32
      %select_n3A_103 = arith.constant 0 : i32
      %select_n3A_104 = arith.select %eq3A_102, %select_n3A_103, %select_n3A_100 : i32
      %add3A_105 = arith.constant 0 : i32
      %add3A_106 = arith.addi %select_n3A_104, %add3A_105 : i32
      "tpu.trace_start"() <{level = 10 : i32, message = "ep_finalize"}> : () -> ()
      %rem3A_107 = arith.constant 2 : i32
      %rem3A_108 = arith.remui %scan3A_66#3, %rem3A_107 : i32
      %add3A_109 = arith.addi %mul3A_2, %add3A_76 : i32
      %mul3A_110 = arith.constant 128 : i32
      %mul3A_111 = arith.muli %mul3A_110, %add3A_109 : i32
      %dma_wait3A = arith.constant 0 : i32
      %dma_wait3A_112 = arith.constant 0 : i32
      %dma_wait3A_113 = tpu.memref_slice %run_scoped3A_4[%rem3A_108, %dma_wait3A, %dma_wait3A_112] : memref<2x128x384xf32, #tpu.memory_space<vmem>> -> memref<1x128x384xf32, #tpu.memory_space<vmem>>
      %dma_wait3A_114 = tpu.memref_squeeze %dma_wait3A_113 : memref<1x128x384xf32, #tpu.memory_space<vmem>> -> memref<128x384xf32, #tpu.memory_space<vmem>>
      %dma_wait3A_115 = arith.constant 0 : i32
      %dma_wait3A_116 = tpu.memref_slice %arg4[%mul3A_111, %dma_wait3A_115] : memref<655360x384xf32, #tpu.memory_space<hbm>> -> memref<128x384xf32, #tpu.memory_space<hbm>>
      %dma_wait3A_117 = tpu.memref_slice %run_scoped3A_5[%rem3A_108] : memref<2x!tpu.dma_semaphore, #tpu.memory_space<semaphore_mem>> -> memref<1x!tpu.dma_semaphore, #tpu.memory_space<semaphore_mem>>
      %dma_wait3A_118 = tpu.memref_squeeze %dma_wait3A_117 : memref<1x!tpu.dma_semaphore, #tpu.memory_space<semaphore_mem>> -> memref<!tpu.dma_semaphore, #tpu.memory_space<semaphore_mem>>
      %dma_wait3A_119 = arith.constant 0 : i32
      %dma_wait3A_120 = tpu.memref_slice %arg4[%mul3A_111, %dma_wait3A_119] : memref<655360x384xf32, #tpu.memory_space<hbm>> -> memref<128x384xf32, #tpu.memory_space<hbm>>
      %dma_wait3A_121 = arith.constant 0 : i32
      %dma_wait3A_122 = arith.constant 0 : i32
      %dma_wait3A_123 = tpu.memref_slice %run_scoped3A_4[%rem3A_108, %dma_wait3A_121, %dma_wait3A_122] : memref<2x128x384xf32, #tpu.memory_space<vmem>> -> memref<1x128x384xf32, #tpu.memory_space<vmem>>
      %dma_wait3A_124 = tpu.memref_squeeze %dma_wait3A_123 : memref<1x128x384xf32, #tpu.memory_space<vmem>> -> memref<128x384xf32, #tpu.memory_space<vmem>>
      tpu.wait_dma2 semaphore(%dma_wait3A_118 : memref<!tpu.dma_semaphore, #tpu.memory_space<semaphore_mem>>) src(%dma_wait3A_124 : memref<128x384xf32, #tpu.memory_space<vmem>>) dst(%dma_wait3A_120 : memref<128x384xf32, #tpu.memory_space<hbm>>)
      "tpu.trace_stop"() : () -> ()
      tpu.yield
    }) : () -> ()
    return
  }
}

#map = affine_map<(d0, d1) -> (0, 0)>
module attributes {stable_mosaic.version = 14 : i64} {
  func.func @k(%arg0: i32, %arg1: i32, %arg2: memref<10240x384xf32, #tpu.memory_space<hbm>>, %arg3: memref<1x655360xi32, #tpu.memory_space<hbm>>, %arg4: memref<655360x384xf32, #tpu.memory_space<hbm>>) attributes {dimension_semantics = [#tpu.dimension_semantics<core_parallel>, #tpu.dimension_semantics<subcore_parallel>], iteration_bounds = array<i64: 2, 16>, scalar_prefetch = 0 : i64, scratch_operands = 0 : i64, tpu.core_type = #tpu.core_type<sc_vector_subcore>, window_params = [{transform_indices = #map}, {transform_indices = #map}, {transform_indices = #map}]} {
    %mul3A = arith.constant 2 : i32
    %mul3A_0 = arith.muli %arg1, %mul3A : i32
    %add3A = arith.addi %mul3A_0, %arg0 : i32
    %mul3A_1 = arith.constant 160 : i32
    %mul3A_2 = arith.muli %add3A, %mul3A_1 : i32
    "tpu.region"() ({
      %run_scoped3A = memref.alloca() : memref<2x1x128xi32, #tpu.memory_space<vmem>>
      %run_scoped3A_3 = tpu.sem_alloc : memref<2x!tpu.dma_semaphore, #tpu.memory_space<semaphore_mem>>
      %run_scoped3A_4 = memref.alloca() : memref<2x128x384xf32, #tpu.memory_space<vmem>>
      %run_scoped3A_5 = tpu.sem_alloc : memref<2x!tpu.dma_semaphore, #tpu.memory_space<semaphore_mem>>
      %select_n3A = arith.constant true
      %select_n3A_6 = arith.constant 0 : i32
      %select_n3A_7 = arith.constant -1 : i32
      %select_n3A_8 = arith.select %select_n3A, %select_n3A_7, %select_n3A_6 : i32
      %eq3A = arith.constant -1 : i32
      %eq3A_9 = arith.cmpi eq, %select_n3A_8, %eq3A : i32
      %select_n3A_10 = arith.constant 159 : i32
      %select_n3A_11 = arith.select %eq3A_9, %select_n3A_10, %select_n3A_8 : i32
      %add3A_12 = arith.constant 0 : i32
      %add3A_13 = arith.addi %select_n3A_11, %add3A_12 : i32
      %select_n3A_14 = arith.constant true
      %select_n3A_15 = arith.constant 0 : i32
      %select_n3A_16 = arith.constant 1 : i32
      %select_n3A_17 = arith.select %select_n3A_14, %select_n3A_16, %select_n3A_15 : i32
      %eq3A_18 = arith.constant 160 : i32
      %eq3A_19 = arith.cmpi eq, %select_n3A_17, %eq3A_18 : i32
      %select_n3A_20 = arith.constant 0 : i32
      %select_n3A_21 = arith.select %eq3A_19, %select_n3A_20, %select_n3A_17 : i32
      %add3A_22 = arith.constant 0 : i32
      %add3A_23 = arith.addi %select_n3A_21, %add3A_22 : i32
      %add3A_24 = arith.constant 1 : i32
      %add3A_25 = arith.addi %select_n3A_21, %add3A_24 : i32
      %select_n3A_26 = arith.constant true
      %select_n3A_27 = arith.select %select_n3A_26, %add3A_25, %select_n3A_21 : i32
      %eq3A_28 = arith.constant 160 : i32
      %eq3A_29 = arith.cmpi eq, %select_n3A_27, %eq3A_28 : i32
      %select_n3A_30 = arith.constant 0 : i32
      %select_n3A_31 = arith.select %eq3A_29, %select_n3A_30, %select_n3A_27 : i32
      %add3A_32 = arith.constant 0 : i32
      %add3A_33 = arith.addi %select_n3A_31, %add3A_32 : i32
      "tpu.trace_start"() <{level = 10 : i32, message = "ep_initialize_0"}> : () -> ()
      %rem3A = arith.constant 0 : i32
      %rem3A_34 = arith.constant 2 : i32
      %rem3A_35 = arith.remui %rem3A, %rem3A_34 : i32
      %add3A_36 = arith.constant 0 : i32
      %add3A_37 = arith.addi %mul3A_2, %add3A_36 : i32
      %mul3A_38 = arith.constant 128 : i32
      %mul3A_39 = arith.muli %mul3A_38, %add3A_37 : i32
      %dma_start3A = arith.constant 0 : i32
      %dma_start3A_40 = arith.constant 0 : i32
      %dma_start3A_41 = tpu.memref_slice %run_scoped3A[%rem3A_35, %dma_start3A, %dma_start3A_40] : memref<2x1x128xi32, #tpu.memory_space<vmem>> -> memref<1x1x128xi32, #tpu.memory_space<vmem>>
      %dma_start3A_42 = tpu.memref_squeeze %dma_start3A_41 : memref<1x1x128xi32, #tpu.memory_space<vmem>> -> memref<1x128xi32, #tpu.memory_space<vmem>>
      %dma_start3A_43 = arith.constant 0 : i32
      %dma_start3A_44 = tpu.memref_slice %arg3[%dma_start3A_43, %mul3A_39] : memref<1x655360xi32, #tpu.memory_space<hbm>> -> memref<1x128xi32, #tpu.memory_space<hbm>>
      %dma_start3A_45 = tpu.memref_slice %run_scoped3A_3[%rem3A_35] : memref<2x!tpu.dma_semaphore, #tpu.memory_space<semaphore_mem>> -> memref<1x!tpu.dma_semaphore, #tpu.memory_space<semaphore_mem>>
      %dma_start3A_46 = tpu.memref_squeeze %dma_start3A_45 : memref<1x!tpu.dma_semaphore, #tpu.memory_space<semaphore_mem>> -> memref<!tpu.dma_semaphore, #tpu.memory_space<semaphore_mem>>
      %dma_start3A_47 = arith.constant 0 : i32
      %dma_start3A_48 = arith.constant 0 : i32
      %dma_start3A_49 = tpu.memref_slice %run_scoped3A[%rem3A_35, %dma_start3A_47, %dma_start3A_48] : memref<2x1x128xi32, #tpu.memory_space<vmem>> -> memref<1x1x128xi32, #tpu.memory_space<vmem>>
      %dma_start3A_50 = tpu.memref_squeeze %dma_start3A_49 : memref<1x1x128xi32, #tpu.memory_space<vmem>> -> memref<1x128xi32, #tpu.memory_space<vmem>>
      %dma_start3A_51 = arith.constant 0 : i32
      %dma_start3A_52 = tpu.memref_slice %arg3[%dma_start3A_51, %mul3A_39] : memref<1x655360xi32, #tpu.memory_space<hbm>> -> memref<1x128xi32, #tpu.memory_space<hbm>>
      tpu.enqueue_dma source(%dma_start3A_52 : memref<1x128xi32, #tpu.memory_space<hbm>>) target(%dma_start3A_50 : memref<1x128xi32, #tpu.memory_space<vmem>>) target_semaphore(%dma_start3A_46 : memref<!tpu.dma_semaphore, #tpu.memory_space<semaphore_mem>>)
      %add3A_53 = arith.constant 0 : i32
      %add3A_54 = arith.constant 1 : i32
      %add3A_55 = arith.addi %add3A_53, %add3A_54 : i32
      %select_n3A_56 = arith.constant true
      %select_n3A_57 = arith.constant 0 : i32
      %select_n3A_58 = arith.select %select_n3A_56, %add3A_55, %select_n3A_57 : i32
      "tpu.trace_stop"() : () -> ()
      %scan3A = arith.constant 0 : i32
      %scan3A_59 = arith.constant 0 : i32
      %scan3A_60 = arith.constant 0 : i32
      %scan3A_61 = arith.constant 0 : i32
      %scan3A_62 = arith.constant 0 : i32
      %scan3A_63 = arith.constant 160 : i32
      %scan3A_64 = arith.addi %scan3A_62, %scan3A_63 : i32
      %scan3A_65 = arith.constant 1 : i32
      %scan3A_66:5 = scf.for %scan3A_125 = %scan3A_62 to %scan3A_64 step %scan3A_65 iter_args(%scan3A_126 = %select_n3A_58, %scan3A_127 = %scan3A, %scan3A_128 = %scan3A_59, %scan3A_129 = %scan3A_60, %scan3A_130 = %scan3A_61) -> (i32, i32, i32, i32, i32)  : i32 {
        %eq3A_131 = arith.constant 0 : i32
        %eq3A_132 = arith.cmpi eq, %scan3A_125, %eq3A_131 : i32
        %eq3A_133 = arith.constant 159 : i32
        %eq3A_134 = arith.cmpi eq, %scan3A_125, %eq3A_133 : i32
        %add3A_135 = arith.constant 0 : i32
        %add3A_136 = arith.addi %scan3A_130, %add3A_135 : i32
        %sub3A_137 = arith.constant 1 : i32
        %sub3A_138 = arith.subi %scan3A_130, %sub3A_137 : i32
        %select_n3A_139 = arith.constant true
        %select_n3A_140 = arith.select %select_n3A_139, %sub3A_138, %scan3A_130 : i32
        %eq3A_141 = arith.constant -1 : i32
        %eq3A_142 = arith.cmpi eq, %select_n3A_140, %eq3A_141 : i32
        %select_n3A_143 = arith.constant 159 : i32
        %select_n3A_144 = arith.select %eq3A_142, %select_n3A_143, %select_n3A_140 : i32
        %add3A_145 = arith.constant 0 : i32
        %add3A_146 = arith.addi %select_n3A_144, %add3A_145 : i32
        %add3A_147 = arith.constant 1 : i32
        %add3A_148 = arith.addi %scan3A_130, %add3A_147 : i32
        %select_n3A_149 = arith.constant true
        %select_n3A_150 = arith.select %select_n3A_149, %add3A_148, %scan3A_130 : i32
        %eq3A_151 = arith.constant 160 : i32
        %eq3A_152 = arith.cmpi eq, %select_n3A_150, %eq3A_151 : i32
        %select_n3A_153 = arith.constant 0 : i32
        %select_n3A_154 = arith.select %eq3A_152, %select_n3A_153, %select_n3A_150 : i32
        %add3A_155 = arith.constant 0 : i32
        %add3A_156 = arith.addi %select_n3A_154, %add3A_155 : i32
        %add3A_157 = arith.constant 1 : i32
        %add3A_158 = arith.addi %select_n3A_154, %add3A_157 : i32
        %select_n3A_159 = arith.constant true
        %select_n3A_160 = arith.select %select_n3A_159, %add3A_158, %select_n3A_154 : i32
        %eq3A_161 = arith.constant 160 : i32
        %eq3A_162 = arith.cmpi eq, %select_n3A_160, %eq3A_161 : i32
        %select_n3A_163 = arith.constant 0 : i32
        %select_n3A_164 = arith.select %eq3A_162, %select_n3A_163, %select_n3A_160 : i32
        %add3A_165 = arith.constant 0 : i32
        %add3A_166 = arith.addi %select_n3A_164, %add3A_165 : i32
        %add3A_167 = arith.addi %mul3A_2, %add3A_136 : i32
        %add3A_168 = arith.addi %mul3A_2, %add3A_156 : i32
        %ne3A = arith.cmpi ne, %add3A_167, %add3A_168 : i32
        %or3A = arith.constant false
        %or3A_169 = arith.ori %or3A, %ne3A : i1
        %ge3A = arith.constant 159 : i32
        %ge3A_170 = arith.cmpi sge, %scan3A_125, %ge3A : i32
        %not3A = arith.constant true
        %not3A_171 = arith.xori %ge3A_170, %not3A : i1
        %and3A = arith.andi %or3A_169, %not3A_171 : i1
        %convert_element_type3A = arith.extui %and3A : i1 to i32
        %cond3A = arith.constant 0 : i32
        %cond3A_172 = arith.cmpi ne, %convert_element_type3A, %cond3A : i32
        scf.if %cond3A_172 {
          "tpu.trace_start"() <{level = 10 : i32, message = "ep_copy_in"}> : () -> ()
          %rem3A_290 = arith.constant 2 : i32
          %rem3A_291 = arith.remui %scan3A_126, %rem3A_290 : i32
          %add3A_292 = arith.addi %mul3A_2, %add3A_156 : i32
          %mul3A_293 = arith.constant 128 : i32
          %mul3A_294 = arith.muli %mul3A_293, %add3A_292 : i32
          %dma_start3A_295 = arith.constant 0 : i32
          %dma_start3A_296 = arith.constant 0 : i32
          %dma_start3A_297 = tpu.memref_slice %run_scoped3A[%rem3A_291, %dma_start3A_295, %dma_start3A_296] : memref<2x1x128xi32, #tpu.memory_space<vmem>> -> memref<1x1x128xi32, #tpu.memory_space<vmem>>
          %dma_start3A_298 = tpu.memref_squeeze %dma_start3A_297 : memref<1x1x128xi32, #tpu.memory_space<vmem>> -> memref<1x128xi32, #tpu.memory_space<vmem>>
          %dma_start3A_299 = arith.constant 0 : i32
          %dma_start3A_300 = tpu.memref_slice %arg3[%dma_start3A_299, %mul3A_294] : memref<1x655360xi32, #tpu.memory_space<hbm>> -> memref<1x128xi32, #tpu.memory_space<hbm>>
          %dma_start3A_301 = tpu.memref_slice %run_scoped3A_3[%rem3A_291] : memref<2x!tpu.dma_semaphore, #tpu.memory_space<semaphore_mem>> -> memref<1x!tpu.dma_semaphore, #tpu.memory_space<semaphore_mem>>
          %dma_start3A_302 = tpu.memref_squeeze %dma_start3A_301 : memref<1x!tpu.dma_semaphore, #tpu.memory_space<semaphore_mem>> -> memref<!tpu.dma_semaphore, #tpu.memory_space<semaphore_mem>>
          %dma_start3A_303 = arith.constant 0 : i32
          %dma_start3A_304 = arith.constant 0 : i32
          %dma_start3A_305 = tpu.memref_slice %run_scoped3A[%rem3A_291, %dma_start3A_303, %dma_start3A_304] : memref<2x1x128xi32, #tpu.memory_space<vmem>> -> memref<1x1x128xi32, #tpu.memory_space<vmem>>
          %dma_start3A_306 = tpu.memref_squeeze %dma_start3A_305 : memref<1x1x128xi32, #tpu.memory_space<vmem>> -> memref<1x128xi32, #tpu.memory_space<vmem>>
          %dma_start3A_307 = arith.constant 0 : i32
          %dma_start3A_308 = tpu.memref_slice %arg3[%dma_start3A_307, %mul3A_294] : memref<1x655360xi32, #tpu.memory_space<hbm>> -> memref<1x128xi32, #tpu.memory_space<hbm>>
          tpu.enqueue_dma source(%dma_start3A_308 : memref<1x128xi32, #tpu.memory_space<hbm>>) target(%dma_start3A_306 : memref<1x128xi32, #tpu.memory_space<vmem>>) target_semaphore(%dma_start3A_302 : memref<!tpu.dma_semaphore, #tpu.memory_space<semaphore_mem>>)
          "tpu.trace_stop"() : () -> ()
        } else {
        }
        %and3A_173 = arith.constant true
        %and3A_174 = arith.andi %and3A, %and3A_173 : i1
        %add3A_175 = arith.constant 1 : i32
        %add3A_176 = arith.addi %scan3A_126, %add3A_175 : i32
        %select_n3A_177 = arith.select %and3A_174, %add3A_176, %scan3A_126 : i32
        %add3A_178 = arith.addi %mul3A_2, %add3A_136 : i32
        %add3A_179 = arith.addi %mul3A_2, %add3A_156 : i32
        %ne3A_180 = arith.cmpi ne, %add3A_178, %add3A_179 : i32
        %or3A_181 = arith.constant false
        %or3A_182 = arith.ori %or3A_181, %ne3A_180 : i1
        %or3A_183 = arith.constant false
        %or3A_184 = arith.ori %or3A_182, %or3A_183 : i1
        %ge3A_185 = arith.constant 159 : i32
        %ge3A_186 = arith.cmpi sge, %scan3A_125, %ge3A_185 : i32
        %not3A_187 = arith.constant true
        %not3A_188 = arith.xori %ge3A_186, %not3A_187 : i1
        %and3A_189 = arith.andi %or3A_184, %not3A_188 : i1
        %add3A_190 = arith.addi %mul3A_2, %add3A_136 : i32
        %add3A_191 = arith.addi %mul3A_2, %add3A_146 : i32
        %ne3A_192 = arith.cmpi ne, %add3A_190, %add3A_191 : i32
        %or3A_193 = arith.constant false
        %or3A_194 = arith.ori %or3A_193, %ne3A_192 : i1
        %or3A_195 = arith.ori %or3A_194, %eq3A_132 : i1
        %convert_element_type3A_196 = arith.extui %or3A_195 : i1 to i32
        %cond3A_197 = arith.constant 0 : i32
        %cond3A_198 = arith.cmpi ne, %convert_element_type3A_196, %cond3A_197 : i32
        scf.if %cond3A_198 {
          "tpu.trace_start"() <{level = 10 : i32, message = "ep_wait_in"}> : () -> ()
          %add3A_290 = arith.addi %mul3A_2, %add3A_136 : i32
          %mul3A_291 = arith.constant 128 : i32
          %mul3A_292 = arith.muli %mul3A_291, %add3A_290 : i32
          %rem3A_293 = arith.constant 2 : i32
          %rem3A_294 = arith.remui %scan3A_127, %rem3A_293 : i32
          %dma_wait3A_295 = arith.constant 0 : i32
          %dma_wait3A_296 = arith.constant 0 : i32
          %dma_wait3A_297 = tpu.memref_slice %run_scoped3A[%rem3A_294, %dma_wait3A_295, %dma_wait3A_296] : memref<2x1x128xi32, #tpu.memory_space<vmem>> -> memref<1x1x128xi32, #tpu.memory_space<vmem>>
          %dma_wait3A_298 = tpu.memref_squeeze %dma_wait3A_297 : memref<1x1x128xi32, #tpu.memory_space<vmem>> -> memref<1x128xi32, #tpu.memory_space<vmem>>
          %dma_wait3A_299 = arith.constant 0 : i32
          %dma_wait3A_300 = tpu.memref_slice %arg3[%dma_wait3A_299, %mul3A_292] : memref<1x655360xi32, #tpu.memory_space<hbm>> -> memref<1x128xi32, #tpu.memory_space<hbm>>
          %dma_wait3A_301 = tpu.memref_slice %run_scoped3A_3[%rem3A_294] : memref<2x!tpu.dma_semaphore, #tpu.memory_space<semaphore_mem>> -> memref<1x!tpu.dma_semaphore, #tpu.memory_space<semaphore_mem>>
          %dma_wait3A_302 = tpu.memref_squeeze %dma_wait3A_301 : memref<1x!tpu.dma_semaphore, #tpu.memory_space<semaphore_mem>> -> memref<!tpu.dma_semaphore, #tpu.memory_space<semaphore_mem>>
          %dma_wait3A_303 = arith.constant 0 : i32
          %dma_wait3A_304 = arith.constant 0 : i32
          %dma_wait3A_305 = tpu.memref_slice %run_scoped3A[%rem3A_294, %dma_wait3A_303, %dma_wait3A_304] : memref<2x1x128xi32, #tpu.memory_space<vmem>> -> memref<1x1x128xi32, #tpu.memory_space<vmem>>
          %dma_wait3A_306 = tpu.memref_squeeze %dma_wait3A_305 : memref<1x1x128xi32, #tpu.memory_space<vmem>> -> memref<1x128xi32, #tpu.memory_space<vmem>>
          %dma_wait3A_307 = arith.constant 0 : i32
          %dma_wait3A_308 = tpu.memref_slice %arg3[%dma_wait3A_307, %mul3A_292] : memref<1x655360xi32, #tpu.memory_space<hbm>> -> memref<1x128xi32, #tpu.memory_space<hbm>>
          tpu.wait_dma2 semaphore(%dma_wait3A_302 : memref<!tpu.dma_semaphore, #tpu.memory_space<semaphore_mem>>) src(%dma_wait3A_308 : memref<1x128xi32, #tpu.memory_space<hbm>>) dst(%dma_wait3A_306 : memref<1x128xi32, #tpu.memory_space<vmem>>)
          "tpu.trace_stop"() : () -> ()
        } else {
        }
        %add3A_199 = arith.addi %mul3A_2, %add3A_136 : i32
        %add3A_200 = arith.addi %mul3A_2, %add3A_146 : i32
        %ne3A_201 = arith.cmpi ne, %add3A_199, %add3A_200 : i32
        %or3A_202 = arith.constant false
        %or3A_203 = arith.ori %or3A_202, %ne3A_201 : i1
        %or3A_204 = arith.constant false
        %or3A_205 = arith.ori %or3A_203, %or3A_204 : i1
        %or3A_206 = arith.ori %or3A_205, %eq3A_132 : i1
        %convert_element_type3A_207 = arith.extui %or3A_206 : i1 to i32
        %cond3A_208 = arith.constant 0 : i32
        %cond3A_209 = arith.cmpi ne, %convert_element_type3A_207, %cond3A_208 : i32
        scf.if %cond3A_209 {
        } else {
        }
        %rem3A_210 = arith.constant 2 : i32
        %rem3A_211 = arith.remui %scan3A_127, %rem3A_210 : i32
        %rem3A_212 = arith.constant 2 : i32
        %rem3A_213 = arith.remui %scan3A_128, %rem3A_212 : i32
        %run_scoped3A_214 = arith.constant 0 : i32
        "tpu.trace_start"() <{level = 10 : i32, message = "ep_run_kernel"}> : () -> ()
        "tpu.region"() ({
          %run_scoped3A_290 = tpu.sem_alloc : memref<!tpu.dma_semaphore, #tpu.memory_space<semaphore_mem>>
          %dma_start3A_291 = arith.constant 0 : i32
          %dma_start3A_292 = arith.constant 0 : i32
          %dma_start3A_293 = tpu.memref_slice %run_scoped3A_4[%rem3A_213, %dma_start3A_291, %dma_start3A_292] : memref<2x128x384xf32, #tpu.memory_space<vmem>> -> memref<1x128x384xf32, #tpu.memory_space<vmem>>
          %dma_start3A_294 = tpu.memref_squeeze %dma_start3A_293 : memref<1x128x384xf32, #tpu.memory_space<vmem>> -> memref<128x384xf32, #tpu.memory_space<vmem>>
          %dma_start3A_295 = arith.constant 0 : i32
          %dma_start3A_296 = arith.constant 0 : i32
          %dma_start3A_297 = tpu.memref_slice %run_scoped3A[%rem3A_211, %dma_start3A_295, %dma_start3A_296] : memref<2x1x128xi32, #tpu.memory_space<vmem>> -> memref<1x1x128xi32, #tpu.memory_space<vmem>>
          %dma_start3A_298 = tpu.memref_squeeze %dma_start3A_297 : memref<1x1x128xi32, #tpu.memory_space<vmem>> -> memref<1x128xi32, #tpu.memory_space<vmem>>
          %dma_start3A_299 = arith.constant 0 : i32
          %dma_start3A_300 = tpu.memref_slice %dma_start3A_298[%run_scoped3A_214, %dma_start3A_299] : memref<1x128xi32, #tpu.memory_space<vmem>> -> memref<1x128xi32, #tpu.memory_space<vmem>>
          %dma_start3A_301 = tpu.memref_squeeze %dma_start3A_300 : memref<1x128xi32, #tpu.memory_space<vmem>> -> memref<128xi32, #tpu.memory_space<vmem>>
          %dma_start3A_302 = arith.constant 0 : i32
          %dma_start3A_303 = arith.constant 0 : i32
          %dma_start3A_304 = tpu.memref_slice %arg2[%dma_start3A_302, %dma_start3A_303] : memref<10240x384xf32, #tpu.memory_space<hbm>> -> memref<10240x384xf32, #tpu.memory_space<hbm>>
          tpu.enqueue_indirect_dma source(%dma_start3A_304 : memref<10240x384xf32, #tpu.memory_space<hbm>>) target(%dma_start3A_294 : memref<128x384xf32, #tpu.memory_space<vmem>>) offsets(%dma_start3A_301 : memref<128xi32, #tpu.memory_space<vmem>>) semaphore(%run_scoped3A_290 : memref<!tpu.dma_semaphore, #tpu.memory_space<semaphore_mem>>)
          %dma_wait3A_305 = arith.constant 0 : i32
          %dma_wait3A_306 = arith.constant 0 : i32
          %dma_wait3A_307 = tpu.memref_slice %run_scoped3A_4[%rem3A_213, %dma_wait3A_305, %dma_wait3A_306] : memref<2x128x384xf32, #tpu.memory_space<vmem>> -> memref<1x128x384xf32, #tpu.memory_space<vmem>>
          %dma_wait3A_308 = tpu.memref_squeeze %dma_wait3A_307 : memref<1x128x384xf32, #tpu.memory_space<vmem>> -> memref<128x384xf32, #tpu.memory_space<vmem>>
          %dma_wait3A_309 = arith.constant 0 : i32
          %dma_wait3A_310 = arith.constant 0 : i32
          %dma_wait3A_311 = tpu.memref_slice %run_scoped3A[%rem3A_211, %dma_wait3A_309, %dma_wait3A_310] : memref<2x1x128xi32, #tpu.memory_space<vmem>> -> memref<1x1x128xi32, #tpu.memory_space<vmem>>
          %dma_wait3A_312 = tpu.memref_squeeze %dma_wait3A_311 : memref<1x1x128xi32, #tpu.memory_space<vmem>> -> memref<1x128xi32, #tpu.memory_space<vmem>>
          %dma_wait3A_313 = arith.constant 0 : i32
          %dma_wait3A_314 = tpu.memref_slice %dma_wait3A_312[%run_scoped3A_214, %dma_wait3A_313] : memref<1x128xi32, #tpu.memory_space<vmem>> -> memref<1x128xi32, #tpu.memory_space<vmem>>
          %dma_wait3A_315 = tpu.memref_squeeze %dma_wait3A_314 : memref<1x128xi32, #tpu.memory_space<vmem>> -> memref<128xi32, #tpu.memory_space<vmem>>
          %dma_wait3A_316 = arith.constant 0 : i32
          %dma_wait3A_317 = arith.constant 0 : i32
          %dma_wait3A_318 = tpu.memref_slice %arg2[%dma_wait3A_316, %dma_wait3A_317] : memref<10240x384xf32, #tpu.memory_space<hbm>> -> memref<10240x384xf32, #tpu.memory_space<hbm>>
          tpu.wait_indirect_dma semaphore(%run_scoped3A_290 : memref<!tpu.dma_semaphore, #tpu.memory_space<semaphore_mem>>) src(%dma_wait3A_318 : memref<10240x384xf32, #tpu.memory_space<hbm>>) dst(%dma_wait3A_308 : memref<128x384xf32, #tpu.memory_space<vmem>>)
          tpu.yield
        }) : () -> ()
        "tpu.trace_stop"() : () -> ()
        %add3A_215 = arith.addi %mul3A_2, %add3A_136 : i32
        %add3A_216 = arith.addi %mul3A_2, %add3A_156 : i32
        %ne3A_217 = arith.cmpi ne, %add3A_215, %add3A_216 : i32
        %or3A_218 = arith.constant false
        %or3A_219 = arith.ori %or3A_218, %ne3A_217 : i1
        %or3A_220 = arith.ori %or3A_219, %eq3A_134 : i1
        %convert_element_type3A_221 = arith.extui %or3A_220 : i1 to i32
        %cond3A_222 = arith.constant 0 : i32
        %cond3A_223 = arith.cmpi ne, %convert_element_type3A_221, %cond3A_222 : i32
        scf.if %cond3A_223 {
        } else {
        }
        %and3A_224 = arith.constant false
        %and3A_225 = arith.andi %or3A_220, %and3A_224 : i1
        %add3A_226 = arith.addi %mul3A_2, %add3A_136 : i32
        %add3A_227 = arith.addi %mul3A_2, %add3A_156 : i32
        %ne3A_228 = arith.cmpi ne, %add3A_226, %add3A_227 : i32
        %or3A_229 = arith.constant false
        %or3A_230 = arith.ori %or3A_229, %ne3A_228 : i1
        %or3A_231 = arith.constant false
        %or3A_232 = arith.ori %or3A_230, %or3A_231 : i1
        %or3A_233 = arith.ori %or3A_232, %eq3A_134 : i1
        %convert_element_type3A_234 = arith.extui %or3A_233 : i1 to i32
        %cond3A_235 = arith.constant 0 : i32
        %cond3A_236 = arith.cmpi ne, %convert_element_type3A_234, %cond3A_235 : i32
        scf.if %cond3A_236 {
          "tpu.trace_start"() <{level = 10 : i32, message = "ep_copy_out"}> : () -> ()
          %rem3A_290 = arith.constant 2 : i32
          %rem3A_291 = arith.remui %scan3A_128, %rem3A_290 : i32
          %add3A_292 = arith.addi %mul3A_2, %add3A_136 : i32
          %mul3A_293 = arith.constant 128 : i32
          %mul3A_294 = arith.muli %mul3A_293, %add3A_292 : i32
          %dma_start3A_295 = arith.constant 0 : i32
          %dma_start3A_296 = arith.constant 0 : i32
          %dma_start3A_297 = tpu.memref_slice %run_scoped3A_4[%rem3A_291, %dma_start3A_295, %dma_start3A_296] : memref<2x128x384xf32, #tpu.memory_space<vmem>> -> memref<1x128x384xf32, #tpu.memory_space<vmem>>
          %dma_start3A_298 = tpu.memref_squeeze %dma_start3A_297 : memref<1x128x384xf32, #tpu.memory_space<vmem>> -> memref<128x384xf32, #tpu.memory_space<vmem>>
          %dma_start3A_299 = arith.constant 0 : i32
          %dma_start3A_300 = tpu.memref_slice %arg4[%mul3A_294, %dma_start3A_299] : memref<655360x384xf32, #tpu.memory_space<hbm>> -> memref<128x384xf32, #tpu.memory_space<hbm>>
          %dma_start3A_301 = tpu.memref_slice %run_scoped3A_5[%rem3A_291] : memref<2x!tpu.dma_semaphore, #tpu.memory_space<semaphore_mem>> -> memref<1x!tpu.dma_semaphore, #tpu.memory_space<semaphore_mem>>
          %dma_start3A_302 = tpu.memref_squeeze %dma_start3A_301 : memref<1x!tpu.dma_semaphore, #tpu.memory_space<semaphore_mem>> -> memref<!tpu.dma_semaphore, #tpu.memory_space<semaphore_mem>>
          %dma_start3A_303 = arith.constant 0 : i32
          %dma_start3A_304 = tpu.memref_slice %arg4[%mul3A_294, %dma_start3A_303] : memref<655360x384xf32, #tpu.memory_space<hbm>> -> memref<128x384xf32, #tpu.memory_space<hbm>>
          %dma_start3A_305 = arith.constant 0 : i32
          %dma_start3A_306 = arith.constant 0 : i32
          %dma_start3A_307 = tpu.memref_slice %run_scoped3A_4[%rem3A_291, %dma_start3A_305, %dma_start3A_306] : memref<2x128x384xf32, #tpu.memory_space<vmem>> -> memref<1x128x384xf32, #tpu.memory_space<vmem>>
          %dma_start3A_308 = tpu.memref_squeeze %dma_start3A_307 : memref<1x128x384xf32, #tpu.memory_space<vmem>> -> memref<128x384xf32, #tpu.memory_space<vmem>>
          tpu.enqueue_dma source(%dma_start3A_308 : memref<128x384xf32, #tpu.memory_space<vmem>>) target(%dma_start3A_304 : memref<128x384xf32, #tpu.memory_space<hbm>>) target_semaphore(%dma_start3A_302 : memref<!tpu.dma_semaphore, #tpu.memory_space<semaphore_mem>>)
          "tpu.trace_stop"() : () -> ()
        } else {
        }
        %and3A_237 = arith.constant true
        %and3A_238 = arith.andi %or3A_233, %and3A_237 : i1
        %add3A_239 = arith.constant 1 : i32
        %add3A_240 = arith.addi %scan3A_128, %add3A_239 : i32
        %select_n3A_241 = arith.select %and3A_238, %add3A_240, %scan3A_128 : i32
        %add3A_242 = arith.addi %mul3A_2, %add3A_136 : i32
        %add3A_243 = arith.addi %mul3A_2, %add3A_146 : i32
        %ne3A_244 = arith.cmpi ne, %add3A_242, %add3A_243 : i32
        %or3A_245 = arith.constant false
        %or3A_246 = arith.ori %or3A_245, %ne3A_244 : i1
        %not3A_247 = arith.constant true
        %not3A_248 = arith.xori %eq3A_132, %not3A_247 : i1
        %and3A_249 = arith.andi %or3A_246, %not3A_248 : i1
        %convert_element_type3A_250 = arith.extui %and3A_249 : i1 to i32
        %cond3A_251 = arith.constant 0 : i32
        %cond3A_252 = arith.cmpi ne, %convert_element_type3A_250, %cond3A_251 : i32
        scf.if %cond3A_252 {
        } else {
        }
        %and3A_253 = arith.constant false
        %and3A_254 = arith.andi %and3A_249, %and3A_253 : i1
        %add3A_255 = arith.addi %mul3A_2, %add3A_136 : i32
        %add3A_256 = arith.addi %mul3A_2, %add3A_146 : i32
        %ne3A_257 = arith.cmpi ne, %add3A_255, %add3A_256 : i32
        %or3A_258 = arith.constant false
        %or3A_259 = arith.ori %or3A_258, %ne3A_257 : i1
        %or3A_260 = arith.constant false
        %or3A_261 = arith.ori %or3A_259, %or3A_260 : i1
        %not3A_262 = arith.constant true
        %not3A_263 = arith.xori %eq3A_132, %not3A_262 : i1
        %and3A_264 = arith.andi %or3A_261, %not3A_263 : i1
        %convert_element_type3A_265 = arith.extui %and3A_264 : i1 to i32
        %cond3A_266 = arith.constant 0 : i32
        %cond3A_267 = arith.cmpi ne, %convert_element_type3A_265, %cond3A_266 : i32
        scf.if %cond3A_267 {
          "tpu.trace_start"() <{level = 10 : i32, message = "ep_wait_out"}> : () -> ()
          %rem3A_290 = arith.constant 2 : i32
          %rem3A_291 = arith.remui %scan3A_129, %rem3A_290 : i32
          %add3A_292 = arith.addi %mul3A_2, %add3A_146 : i32
          %mul3A_293 = arith.constant 128 : i32
          %mul3A_294 = arith.muli %mul3A_293, %add3A_292 : i32
          %dma_wait3A_295 = arith.constant 0 : i32
          %dma_wait3A_296 = arith.constant 0 : i32
          %dma_wait3A_297 = tpu.memref_slice %run_scoped3A_4[%rem3A_291, %dma_wait3A_295, %dma_wait3A_296] : memref<2x128x384xf32, #tpu.memory_space<vmem>> -> memref<1x128x384xf32, #tpu.memory_space<vmem>>
          %dma_wait3A_298 = tpu.memref_squeeze %dma_wait3A_297 : memref<1x128x384xf32, #tpu.memory_space<vmem>> -> memref<128x384xf32, #tpu.memory_space<vmem>>
          %dma_wait3A_299 = arith.constant 0 : i32
          %dma_wait3A_300 = tpu.memref_slice %arg4[%mul3A_294, %dma_wait3A_299] : memref<655360x384xf32, #tpu.memory_space<hbm>> -> memref<128x384xf32, #tpu.memory_space<hbm>>
          %dma_wait3A_301 = tpu.memref_slice %run_scoped3A_5[%rem3A_291] : memref<2x!tpu.dma_semaphore, #tpu.memory_space<semaphore_mem>> -> memref<1x!tpu.dma_semaphore, #tpu.memory_space<semaphore_mem>>
          %dma_wait3A_302 = tpu.memref_squeeze %dma_wait3A_301 : memref<1x!tpu.dma_semaphore, #tpu.memory_space<semaphore_mem>> -> memref<!tpu.dma_semaphore, #tpu.memory_space<semaphore_mem>>
          %dma_wait3A_303 = arith.constant 0 : i32
          %dma_wait3A_304 = tpu.memref_slice %arg4[%mul3A_294, %dma_wait3A_303] : memref<655360x384xf32, #tpu.memory_space<hbm>> -> memref<128x384xf32, #tpu.memory_space<hbm>>
          %dma_wait3A_305 = arith.constant 0 : i32
          %dma_wait3A_306 = arith.constant 0 : i32
          %dma_wait3A_307 = tpu.memref_slice %run_scoped3A_4[%rem3A_291, %dma_wait3A_305, %dma_wait3A_306] : memref<2x128x384xf32, #tpu.memory_space<vmem>> -> memref<1x128x384xf32, #tpu.memory_space<vmem>>
          %dma_wait3A_308 = tpu.memref_squeeze %dma_wait3A_307 : memref<1x128x384xf32, #tpu.memory_space<vmem>> -> memref<128x384xf32, #tpu.memory_space<vmem>>
          tpu.wait_dma2 semaphore(%dma_wait3A_302 : memref<!tpu.dma_semaphore, #tpu.memory_space<semaphore_mem>>) src(%dma_wait3A_308 : memref<128x384xf32, #tpu.memory_space<vmem>>) dst(%dma_wait3A_304 : memref<128x384xf32, #tpu.memory_space<hbm>>)
          "tpu.trace_stop"() : () -> ()
        } else {
        }
        %and3A_268 = arith.constant true
        %and3A_269 = arith.andi %and3A_264, %and3A_268 : i1
        %add3A_270 = arith.constant 1 : i32
        %add3A_271 = arith.addi %scan3A_129, %add3A_270 : i32
        %select_n3A_272 = arith.select %and3A_269, %add3A_271, %scan3A_129 : i32
        %add3A_273 = arith.addi %mul3A_2, %add3A_136 : i32
        %add3A_274 = arith.addi %mul3A_2, %add3A_156 : i32
        %ne3A_275 = arith.cmpi ne, %add3A_273, %add3A_274 : i32
        %or3A_276 = arith.constant false
        %or3A_277 = arith.ori %or3A_276, %ne3A_275 : i1
        %or3A_278 = arith.ori %or3A_277, %eq3A_134 : i1
        %add3A_279 = arith.constant 1 : i32
        %add3A_280 = arith.addi %scan3A_127, %add3A_279 : i32
        %select_n3A_281 = arith.select %or3A_278, %add3A_280, %scan3A_127 : i32
        %add3A_282 = arith.constant 1 : i32
        %add3A_283 = arith.addi %scan3A_130, %add3A_282 : i32
        %select_n3A_284 = arith.constant true
        %select_n3A_285 = arith.select %select_n3A_284, %add3A_283, %scan3A_130 : i32
        %eq3A_286 = arith.constant 160 : i32
        %eq3A_287 = arith.cmpi eq, %select_n3A_285, %eq3A_286 : i32
        %select_n3A_288 = arith.constant 0 : i32
        %select_n3A_289 = arith.select %eq3A_287, %select_n3A_288, %select_n3A_285 : i32
        scf.yield %select_n3A_177, %select_n3A_281, %select_n3A_241, %select_n3A_272, %select_n3A_289 : i32, i32, i32, i32, i32
      }
      %scan3A_67 = arith.constant 160 : i32
      %sub3A = arith.constant 1 : i32
      %sub3A_68 = arith.subi %scan3A_66#4, %sub3A : i32
      %select_n3A_69 = arith.constant true
      %select_n3A_70 = arith.select %select_n3A_69, %sub3A_68, %scan3A_66#4 : i32
      %eq3A_71 = arith.constant -1 : i32
      %eq3A_72 = arith.cmpi eq, %select_n3A_70, %eq3A_71 : i32
      %select_n3A_73 = arith.constant 159 : i32
      %select_n3A_74 = arith.select %eq3A_72, %select_n3A_73, %select_n3A_70 : i32
      %add3A_75 = arith.constant 0 : i32
      %add3A_76 = arith.addi %select_n3A_74, %add3A_75 : i32
      %sub3A_77 = arith.constant 1 : i32
      %sub3A_78 = arith.subi %select_n3A_74, %sub3A_77 : i32
      %select_n3A_79 = arith.constant true
      %select_n3A_80 = arith.select %select_n3A_79, %sub3A_78, %select_n3A_74 : i32
      %eq3A_81 = arith.constant -1 : i32
      %eq3A_82 = arith.cmpi eq, %select_n3A_80, %eq3A_81 : i32
      %select_n3A_83 = arith.constant 159 : i32
      %select_n3A_84 = arith.select %eq3A_82, %select_n3A_83, %select_n3A_80 : i32
      %add3A_85 = arith.constant 0 : i32
      %add3A_86 = arith.addi %select_n3A_84, %add3A_85 : i32
      %add3A_87 = arith.constant 1 : i32
      %add3A_88 = arith.addi %select_n3A_74, %add3A_87 : i32
      %select_n3A_89 = arith.constant true
      %select_n3A_90 = arith.select %select_n3A_89, %add3A_88, %select_n3A_74 : i32
      %eq3A_91 = arith.constant 160 : i32
      %eq3A_92 = arith.cmpi eq, %select_n3A_90, %eq3A_91 : i32
      %select_n3A_93 = arith.constant 0 : i32
      %select_n3A_94 = arith.select %eq3A_92, %select_n3A_93, %select_n3A_90 : i32
      %add3A_95 = arith.constant 0 : i32
      %add3A_96 = arith.addi %select_n3A_94, %add3A_95 : i32
      %add3A_97 = arith.constant 1 : i32
      %add3A_98 = arith.addi %select_n3A_94, %add3A_97 : i32
      %select_n3A_99 = arith.constant true
      %select_n3A_100 = arith.select %select_n3A_99, %add3A_98, %select_n3A_94 : i32
      %eq3A_101 = arith.constant 160 : i32
      %eq3A_102 = arith.cmpi eq, %select_n3A_100, %eq3A_101 : i32
      %select_n3A_103 = arith.constant 0 : i32
      %select_n3A_104 = arith.select %eq3A_102, %select_n3A_103, %select_n3A_100 : i32
      %add3A_105 = arith.constant 0 : i32
      %add3A_106 = arith.addi %select_n3A_104, %add3A_105 : i32
      "tpu.trace_start"() <{level = 10 : i32, message = "ep_finalize"}> : () -> ()
      %rem3A_107 = arith.constant 2 : i32
      %rem3A_108 = arith.remui %scan3A_66#3, %rem3A_107 : i32
      %add3A_109 = arith.addi %mul3A_2, %add3A_76 : i32
      %mul3A_110 = arith.constant 128 : i32
      %mul3A_111 = arith.muli %mul3A_110, %add3A_109 : i32
      %dma_wait3A = arith.constant 0 : i32
      %dma_wait3A_112 = arith.constant 0 : i32
      %dma_wait3A_113 = tpu.memref_slice %run_scoped3A_4[%rem3A_108, %dma_wait3A, %dma_wait3A_112] : memref<2x128x384xf32, #tpu.memory_space<vmem>> -> memref<1x128x384xf32, #tpu.memory_space<vmem>>
      %dma_wait3A_114 = tpu.memref_squeeze %dma_wait3A_113 : memref<1x128x384xf32, #tpu.memory_space<vmem>> -> memref<128x384xf32, #tpu.memory_space<vmem>>
      %dma_wait3A_115 = arith.constant 0 : i32
      %dma_wait3A_116 = tpu.memref_slice %arg4[%mul3A_111, %dma_wait3A_115] : memref<655360x384xf32, #tpu.memory_space<hbm>> -> memref<128x384xf32, #tpu.memory_space<hbm>>
      %dma_wait3A_117 = tpu.memref_slice %run_scoped3A_5[%rem3A_108] : memref<2x!tpu.dma_semaphore, #tpu.memory_space<semaphore_mem>> -> memref<1x!tpu.dma_semaphore, #tpu.memory_space<semaphore_mem>>
      %dma_wait3A_118 = tpu.memref_squeeze %dma_wait3A_117 : memref<1x!tpu.dma_semaphore, #tpu.memory_space<semaphore_mem>> -> memref<!tpu.dma_semaphore, #tpu.memory_space<semaphore_mem>>
      %dma_wait3A_119 = arith.constant 0 : i32
      %dma_wait3A_120 = tpu.memref_slice %arg4[%mul3A_111, %dma_wait3A_119] : memref<655360x384xf32, #tpu.memory_space<hbm>> -> memref<128x384xf32, #tpu.memory_space<hbm>>
      %dma_wait3A_121 = arith.constant 0 : i32
      %dma_wait3A_122 = arith.constant 0 : i32
      %dma_wait3A_123 = tpu.memref_slice %run_scoped3A_4[%rem3A_108, %dma_wait3A_121, %dma_wait3A_122] : memref<2x128x384xf32, #tpu.memory_space<vmem>> -> memref<1x128x384xf32, #tpu.memory_space<vmem>>
      %dma_wait3A_124 = tpu.memref_squeeze %dma_wait3A_123 : memref<1x128x384xf32, #tpu.memory_space<vmem>> -> memref<128x384xf32, #tpu.memory_space<vmem>>
      tpu.wait_dma2 semaphore(%dma_wait3A_118 : memref<!tpu.dma_semaphore, #tpu.memory_space<semaphore_mem>>) src(%dma_wait3A_124 : memref<128x384xf32, #tpu.memory_space<vmem>>) dst(%dma_wait3A_120 : memref<128x384xf32, #tpu.memory_space<hbm>>)
      "tpu.trace_stop"() : () -> ()
      tpu.yield
    }) : () -> ()
    return
  }
}

module attributes {stable_mosaic.version = 14 : i64} {
  func.func @_embed_kernel(%arg0: i32, %arg1: memref<256x1xi32, #tpu.memory_space<vmem>>, %arg2: memref<32x128xf32, #tpu.memory_space<vmem>>, %arg3: memref<256x128xf32, #tpu.memory_space<vmem>>) attributes {dimension_semantics = [#tpu.dimension_semantics<arbitrary>], iteration_bounds = array<i64: 40>, scalar_prefetch = 0 : i64, scratch_operands = 0 : i64, tpu.core_type = #tpu.core_type<tc>, window_params = [{transform_indices = @transform_0, window_bounds = array<i64: 256, 1>}, {pipeline_mode = #tpu.pipeline_mode<synchronous>, transform_indices = @transform_1, window_bounds = array<i64: 32, 128>}, {transform_indices = @transform_2, window_bounds = array<i64: 256, 128>}]} {
    %get3A = arith.constant 0 : index
    %get3A_0 = arith.constant 0 : index
    %get3A_1 = vector.load %arg1[%get3A, %get3A_0] : memref<256x1xi32, #tpu.memory_space<vmem>>, vector<256x1xi32>
    %iota3A = tpu.iota {dimensions = array<i32: 1>} : vector<256x32xi32>
    %eq3A = vector.broadcast %get3A_1 : vector<256x1xi32> to vector<256x32xi32>
    %eq3A_2 = arith.cmpi eq, %eq3A, %iota3A : vector<256x32xi32>
    %convert_element_type3A = arith.extui %eq3A_2 : vector<256x32xi1> to vector<256x32xi32>
    %convert_element_type3A_3 = arith.sitofp %convert_element_type3A : vector<256x32xi32> to vector<256x32xf32>
    %get3A_4 = arith.constant 0 : index
    %get3A_5 = arith.constant 0 : index
    %get3A_6 = vector.load %arg2[%get3A_4, %get3A_5] : memref<32x128xf32, #tpu.memory_space<vmem>>, vector<32x128xf32>
    %dot_general3A = arith.constant dense<0.000000e+00> : vector<256x128xf32>
    %dot_general3A_7 = tpu.matmul %convert_element_type3A_3, %get3A_6, %dot_general3A {dimension_numbers = #tpu.dot_dimension_numbers<[1], [0], [0], [1], [0, 0, 1, 1], [], []>, transpose_lhs_hint = false} : vector<256x32xf32>, vector<32x128xf32>, vector<256x128xf32> -> vector<256x128xf32>
    %swap3A = arith.constant 0 : index
    %swap3A_8 = arith.constant 0 : index
    %swap3A_9 = vector.load %arg3[%swap3A, %swap3A_8] : memref<256x128xf32, #tpu.memory_space<vmem>>, vector<256x128xf32>
    tpu.vector_store %arg3[%swap3A, %swap3A_8], %dot_general3A_7 {strides = array<i32>} : memref<256x128xf32, #tpu.memory_space<vmem>>, vector<256x128xf32>,
    return
  }
  func.func @transform_0(%arg0: i32) -> (i32, i32) {
    %c0_i32 = arith.constant 0 : i32
    %c0_i32_0 = arith.constant 0 : i32
    return %arg0, %c0_i32 : i32, i32
  }
  func.func @transform_1(%arg0: i32) -> (i32, i32) {
    %c0_i32 = arith.constant 0 : i32
    %c0_i32_0 = arith.constant 0 : i32
    %c0_i32_1 = arith.constant 0 : i32
    return %c0_i32, %c0_i32_0 : i32, i32
  }
  func.func @transform_2(%arg0: i32) -> (i32, i32) {
    %c0_i32 = arith.constant 0 : i32
    %c0_i32_0 = arith.constant 0 : i32
    return %arg0, %c0_i32 : i32, i32
  }
}

module attributes {stable_mosaic.version = 14 : i64} {
  func.func @_phi_kernel(%arg0: i32, %arg1: memref<256x128xf32, #tpu.memory_space<vmem>>, %arg2: memref<128x128xf32, #tpu.memory_space<vmem>>, %arg3: memref<1x128xf32, #tpu.memory_space<vmem>>, %arg4: memref<128x384xf32, #tpu.memory_space<vmem>>, %arg5: memref<1x384xf32, #tpu.memory_space<vmem>>, %arg6: memref<256x384xf32, #tpu.memory_space<vmem>>) attributes {dimension_semantics = [#tpu.dimension_semantics<arbitrary>], iteration_bounds = array<i64: 40>, scalar_prefetch = 0 : i64, scratch_operands = 0 : i64, tpu.core_type = #tpu.core_type<tc>, window_params = [{transform_indices = @transform_0, window_bounds = array<i64: 256, 128>}, {pipeline_mode = #tpu.pipeline_mode<synchronous>, transform_indices = @transform_1, window_bounds = array<i64: 128, 128>}, {pipeline_mode = #tpu.pipeline_mode<synchronous>, transform_indices = @transform_2, window_bounds = array<i64: 1, 128>}, {pipeline_mode = #tpu.pipeline_mode<synchronous>, transform_indices = @transform_3, window_bounds = array<i64: 128, 384>}, {pipeline_mode = #tpu.pipeline_mode<synchronous>, transform_indices = @transform_4, window_bounds = array<i64: 1, 384>}, {transform_indices = @transform_5, window_bounds = array<i64: 256, 384>}]} {
    %get3A = arith.constant 0 : index
    %get3A_0 = arith.constant 0 : index
    %get3A_1 = vector.load %arg1[%get3A, %get3A_0] : memref<256x128xf32, #tpu.memory_space<vmem>>, vector<256x128xf32>
    %get3A_2 = arith.constant 0 : index
    %get3A_3 = arith.constant 0 : index
    %get3A_4 = vector.load %arg2[%get3A_2, %get3A_3] : memref<128x128xf32, #tpu.memory_space<vmem>>, vector<128x128xf32>
    %dot_general3A = arith.constant dense<0.000000e+00> : vector<256x128xf32>
    %dot_general3A_5 = tpu.matmul %get3A_1, %get3A_4, %dot_general3A {dimension_numbers = #tpu.dot_dimension_numbers<[1], [0], [0], [1], [0, 0, 1, 1], [], []>, transpose_lhs_hint = false} : vector<256x128xf32>, vector<128x128xf32>, vector<256x128xf32> -> vector<256x128xf32>
    %get3A_6 = arith.constant 0 : index
    %get3A_7 = arith.constant 0 : index
    %get3A_8 = vector.load %arg3[%get3A_6, %get3A_7] : memref<1x128xf32, #tpu.memory_space<vmem>>, vector<1x128xf32>
    %add3A = vector.broadcast %get3A_8 : vector<1x128xf32> to vector<256x128xf32>
    %add3A_9 = arith.addf %dot_general3A_5, %add3A : vector<256x128xf32>
    %logistic3A = arith.negf %add3A_9 : vector<256x128xf32>
    %logistic3A_10 = math.exp %logistic3A : vector<256x128xf32>
    %logistic3A_11 = arith.constant 1.000000e+00 : f32
    %logistic3A_12 = vector.broadcast %logistic3A_11 : f32 to vector<256x128xf32>
    %logistic3A_13 = arith.addf %logistic3A_12, %logistic3A_10 : vector<256x128xf32>
    %logistic3A_14 = arith.divf %logistic3A_12, %logistic3A_13 : vector<256x128xf32>
    %mul3A = arith.mulf %add3A_9, %logistic3A_14 : vector<256x128xf32>
    %get3A_15 = arith.constant 0 : index
    %get3A_16 = arith.constant 0 : index
    %get3A_17 = vector.load %arg4[%get3A_15, %get3A_16] : memref<128x384xf32, #tpu.memory_space<vmem>>, vector<128x384xf32>
    %dot_general3A_18 = arith.constant dense<0.000000e+00> : vector<256x384xf32>
    %dot_general3A_19 = tpu.matmul %mul3A, %get3A_17, %dot_general3A_18 {dimension_numbers = #tpu.dot_dimension_numbers<[1], [0], [0], [1], [0, 0, 1, 1], [], []>, transpose_lhs_hint = false} : vector<256x128xf32>, vector<128x384xf32>, vector<256x384xf32> -> vector<256x384xf32>
    %get3A_20 = arith.constant 0 : index
    %get3A_21 = arith.constant 0 : index
    %get3A_22 = vector.load %arg5[%get3A_20, %get3A_21] : memref<1x384xf32, #tpu.memory_space<vmem>>, vector<1x384xf32>
    %add3A_23 = vector.broadcast %get3A_22 : vector<1x384xf32> to vector<256x384xf32>
    %add3A_24 = arith.addf %dot_general3A_19, %add3A_23 : vector<256x384xf32>
    %swap3A = arith.constant 0 : index
    %swap3A_25 = arith.constant 0 : index
    %swap3A_26 = vector.load %arg6[%swap3A, %swap3A_25] : memref<256x384xf32, #tpu.memory_space<vmem>>, vector<256x384xf32>
    tpu.vector_store %arg6[%swap3A, %swap3A_25], %add3A_24 {strides = array<i32>} : memref<256x384xf32, #tpu.memory_space<vmem>>, vector<256x384xf32>,
    return
  }
  func.func @transform_0(%arg0: i32) -> (i32, i32) {
    %c0_i32 = arith.constant 0 : i32
    %c0_i32_0 = arith.constant 0 : i32
    return %arg0, %c0_i32 : i32, i32
  }
  func.func @transform_1(%arg0: i32) -> (i32, i32) {
    %c0_i32 = arith.constant 0 : i32
    %c0_i32_0 = arith.constant 0 : i32
    %c0_i32_1 = arith.constant 0 : i32
    return %c0_i32, %c0_i32_0 : i32, i32
  }
  func.func @transform_2(%arg0: i32) -> (i32, i32) {
    %c0_i32 = arith.constant 0 : i32
    %c0_i32_0 = arith.constant 0 : i32
    %c0_i32_1 = arith.constant 0 : i32
    return %c0_i32, %c0_i32_0 : i32, i32
  }
  func.func @transform_3(%arg0: i32) -> (i32, i32) {
    %c0_i32 = arith.constant 0 : i32
    %c0_i32_0 = arith.constant 0 : i32
    %c0_i32_1 = arith.constant 0 : i32
    return %c0_i32, %c0_i32_0 : i32, i32
  }
  func.func @transform_4(%arg0: i32) -> (i32, i32) {
    %c0_i32 = arith.constant 0 : i32
    %c0_i32_0 = arith.constant 0 : i32
    %c0_i32_1 = arith.constant 0 : i32
    return %c0_i32, %c0_i32_0 : i32, i32
  }
  func.func @transform_5(%arg0: i32) -> (i32, i32) {
    %c0_i32 = arith.constant 0 : i32
    %c0_i32_0 = arith.constant 0 : i32
    return %arg0, %c0_i32 : i32, i32
  }
}

module attributes {stable_mosaic.version = 14 : i64} {
  func.func @_geometry_kernel(%arg0: i32, %arg1: memref<2048x128xf32, #tpu.memory_space<vmem>>, %arg2: memref<2048x4xf32, #tpu.memory_space<vmem>>, %arg3: memref<2048x1xf32, #tpu.memory_space<vmem>>, %arg4: memref<2048x24xf32, #tpu.memory_space<vmem>>) attributes {dimension_semantics = [#tpu.dimension_semantics<arbitrary>], iteration_bounds = array<i64: 320>, scalar_prefetch = 0 : i64, scratch_operands = 0 : i64, tpu.core_type = #tpu.core_type<tc>, window_params = [{transform_indices = @transform_0, window_bounds = array<i64: 2048, 128>}, {transform_indices = @transform_1, window_bounds = array<i64: 2048, 4>}, {transform_indices = @transform_2, window_bounds = array<i64: 2048, 1>}, {transform_indices = @transform_3, window_bounds = array<i64: 2048, 24>}]} {
    %get3A = arith.constant 0 : index
    %get3A_0 = arith.constant 0 : index
    %get3A_1 = vector.load %arg1[%get3A, %get3A_0] : memref<2048x128xf32, #tpu.memory_space<vmem>>, vector<2048x128xf32>
    %get3A_2 = arith.constant 0 : index
    %get3A_3 = arith.constant 0 : index
    %get3A_4 = vector.load %arg2[%get3A_2, %get3A_3] : memref<2048x4xf32, #tpu.memory_space<vmem>>, vector<2048x4xf32>
    %slice3A = vector.extract_strided_slice %get3A_1 {offsets = [0, 0], sizes = [2048, 3], strides = [1, 1]} : vector<2048x128xf32> to vector<2048x3xf32>
    %slice3A_5 = vector.extract_strided_slice %get3A_4 {offsets = [0, 0], sizes = [2048, 3], strides = [1, 1]} : vector<2048x4xf32> to vector<2048x3xf32>
    %sub3A = arith.subf %slice3A, %slice3A_5 : vector<2048x3xf32>
    %mul3A = arith.mulf %sub3A, %sub3A : vector<2048x3xf32>
    %reduce_sum3A = arith.constant dense<0.000000e+00> : vector<2048xf32>
    %reduce_sum3A_6 = vector.multi_reduction <add>, %mul3A, %reduce_sum3A [1] : vector<2048x3xf32> to vector<2048xf32>
    %broadcast_in_dim3A = vector.shape_cast %reduce_sum3A_6 : vector<2048xf32> to vector<2048x1xf32>
    %add3A = arith.constant 9.99999996E-13 : f32
    %add3A_7 = vector.broadcast %add3A : f32 to vector<2048x1xf32>
    %add3A_8 = arith.addf %broadcast_in_dim3A, %add3A_7 : vector<2048x1xf32>
    %sqrt3A = math.sqrt %add3A_8 : vector<2048x1xf32>
    %div3A = vector.broadcast %sqrt3A : vector<2048x1xf32> to vector<2048x3xf32>
    %div3A_9 = arith.divf %sub3A, %div3A : vector<2048x3xf32>
    %iota3A = tpu.iota {dimensions = array<i32: 1>} : vector<1x24xi32>
    %convert_element_type3A = arith.sitofp %iota3A : vector<1x24xi32> to vector<1x24xf32>
    %mul3A_10 = arith.constant 0.263157904 : f32
    %mul3A_11 = vector.broadcast %mul3A_10 : f32 to vector<1x24xf32>
    %mul3A_12 = arith.mulf %convert_element_type3A, %mul3A_11 : vector<1x24xf32>
    %sub3A_13 = vector.broadcast %sqrt3A : vector<2048x1xf32> to vector<2048x24xf32>
    %sub3A_14 = vector.broadcast %mul3A_12 : vector<1x24xf32> to vector<2048x24xf32>
    %sub3A_15 = arith.subf %sub3A_13, %sub3A_14 : vector<2048x24xf32>
    %integer_pow3A = arith.mulf %sub3A_15, %sub3A_15 : vector<2048x24xf32>
    %mul3A_16 = arith.constant -1.000000e+01 : f32
    %mul3A_17 = vector.broadcast %mul3A_16 : f32 to vector<2048x24xf32>
    %mul3A_18 = arith.mulf %mul3A_17, %integer_pow3A : vector<2048x24xf32>
    %exp3A = math.exp %mul3A_18 : vector<2048x24xf32>
    %div3A_19 = arith.constant 5.000000e+00 : f32
    %div3A_20 = vector.broadcast %div3A_19 : f32 to vector<2048x1xf32>
    %div3A_21 = arith.divf %sqrt3A, %div3A_20 : vector<2048x1xf32>
    %jit3A = arith.constant 0.000000e+00 : f32
    %jit3A_22 = arith.constant 1.000000e+00 : f32
    %max3A = vector.broadcast %jit3A : f32 to vector<2048x1xf32>
    %max3A_23 = arith.maximumf %max3A, %div3A_21 : vector<2048x1xf32>
    %min3A = vector.broadcast %jit3A_22 : f32 to vector<2048x1xf32>
    %min3A_24 = arith.minimumf %min3A, %max3A_23 : vector<2048x1xf32>
    %mul3A_25 = arith.constant 3.14159274 : f32
    %mul3A_26 = vector.broadcast %mul3A_25 : f32 to vector<2048x1xf32>
    %mul3A_27 = arith.mulf %mul3A_26, %min3A_24 : vector<2048x1xf32>
    %cos3A = math.cos %mul3A_27 : vector<2048x1xf32>
    %add3A_28 = arith.constant 1.000000e+00 : f32
    %add3A_29 = vector.broadcast %add3A_28 : f32 to vector<2048x1xf32>
    %add3A_30 = arith.addf %cos3A, %add3A_29 : vector<2048x1xf32>
    %mul3A_31 = arith.constant 5.000000e-01 : f32
    %mul3A_32 = vector.broadcast %mul3A_31 : f32 to vector<2048x1xf32>
    %mul3A_33 = arith.mulf %mul3A_32, %add3A_30 : vector<2048x1xf32>
    %get3A_34 = arith.constant 0 : index
    %get3A_35 = arith.constant 0 : index
    %get3A_36 = vector.load %arg3[%get3A_34, %get3A_35] : memref<2048x1xf32, #tpu.memory_space<vmem>>, vector<2048x1xf32>
    %gt3A = arith.constant 0.000000e+00 : f32
    %gt3A_37 = vector.broadcast %gt3A : f32 to vector<2048x1xf32>
    %gt3A_38 = arith.cmpf ogt, %get3A_36, %gt3A_37 : vector<2048x1xf32>
    %mul3A_39 = vector.broadcast %mul3A_33 : vector<2048x1xf32> to vector<2048x24xf32>
    %mul3A_40 = arith.mulf %exp3A, %mul3A_39 : vector<2048x24xf32>
    %jit3A_41 = arith.constant 0.000000e+00 : f32
    %broadcast_in_dim3A_42 = vector.shape_cast %gt3A_38 : vector<2048x1xi1> to vector<2048x1xi1>
    %broadcast_in_dim3A_43 = vector.broadcast %broadcast_in_dim3A_42 : vector<2048x1xi1> to vector<2048x24xi1>
    %broadcast_in_dim3A_44 = vector.broadcast %jit3A_41 : f32 to vector<2048x24xf32>
    %select_n3A = arith.select %broadcast_in_dim3A_43, %mul3A_40, %broadcast_in_dim3A_44 : vector<2048x24xi1>, vector<2048x24xf32>
    %slice3A_45 = vector.extract_strided_slice %select_n3A {offsets = [0, 0], sizes = [2048, 20], strides = [1, 1]} : vector<2048x24xf32> to vector<2048x20xf32>
    %swap3A = arith.constant 0 : index
    %swap3A_46 = arith.constant 0 : index
    %swap3A_47 = vector.load %arg4[%swap3A, %swap3A_46] : memref<2048x24xf32, #tpu.memory_space<vmem>>, vector<2048x20xf32>
    tpu.vector_store %arg4[%swap3A, %swap3A_46], %slice3A_45 {strides = array<i32>} : memref<2048x24xf32, #tpu.memory_space<vmem>>, vector<2048x20xf32>,
    %jit3A_48 = arith.constant 0.000000e+00 : f32
    %broadcast_in_dim3A_49 = vector.broadcast %jit3A_48 : f32 to vector<2048x1xf32>
    %select_n3A_50 = arith.select %gt3A_38, %mul3A_33, %broadcast_in_dim3A_49 : vector<2048x1xi1>, vector<2048x1xf32>
    %swap3A_51 = arith.constant 0 : index
    %swap3A_52 = arith.constant 20 : index
    %swap3A_53 = vector.load %arg4[%swap3A_51, %swap3A_52] : memref<2048x24xf32, #tpu.memory_space<vmem>>, vector<2048x1xf32>
    tpu.vector_store %arg4[%swap3A_51, %swap3A_52], %select_n3A_50 {strides = array<i32>} : memref<2048x24xf32, #tpu.memory_space<vmem>>, vector<2048x1xf32>,
    %jit3A_54 = arith.constant 0.000000e+00 : f32
    %broadcast_in_dim3A_55 = vector.shape_cast %gt3A_38 : vector<2048x1xi1> to vector<2048x1xi1>
    %broadcast_in_dim3A_56 = vector.broadcast %broadcast_in_dim3A_55 : vector<2048x1xi1> to vector<2048x3xi1>
    %broadcast_in_dim3A_57 = vector.broadcast %jit3A_54 : f32 to vector<2048x3xf32>
    %select_n3A_58 = arith.select %broadcast_in_dim3A_56, %div3A_9, %broadcast_in_dim3A_57 : vector<2048x3xi1>, vector<2048x3xf32>
    %swap3A_59 = arith.constant 0 : index
    %swap3A_60 = arith.constant 21 : index
    %swap3A_61 = vector.load %arg4[%swap3A_59, %swap3A_60] : memref<2048x24xf32, #tpu.memory_space<vmem>>, vector<2048x3xf32>
    tpu.vector_store %arg4[%swap3A_59, %swap3A_60], %select_n3A_58 {strides = array<i32>} : memref<2048x24xf32, #tpu.memory_space<vmem>>, vector<2048x3xf32>,
    return
  }
  func.func @transform_0(%arg0: i32) -> (i32, i32) {
    %c0_i32 = arith.constant 0 : i32
    %c0_i32_0 = arith.constant 0 : i32
    return %arg0, %c0_i32 : i32, i32
  }
  func.func @transform_1(%arg0: i32) -> (i32, i32) {
    %c0_i32 = arith.constant 0 : i32
    %c0_i32_0 = arith.constant 0 : i32
    return %arg0, %c0_i32 : i32, i32
  }
  func.func @transform_2(%arg0: i32) -> (i32, i32) {
    %c0_i32 = arith.constant 0 : i32
    %c0_i32_0 = arith.constant 0 : i32
    return %arg0, %c0_i32 : i32, i32
  }
  func.func @transform_3(%arg0: i32) -> (i32, i32) {
    %c0_i32 = arith.constant 0 : i32
    %c0_i32_0 = arith.constant 0 : i32
    return %arg0, %c0_i32 : i32, i32
  }
}

module attributes {stable_mosaic.version = 14 : i64} {
  func.func @_edge_kernel(%arg0: i32, %arg1: memref<2048x24xf32, #tpu.memory_space<vmem>>, %arg2: memref<2048x384xf32, #tpu.memory_space<vmem>>, %arg3: memref<2048x1xf32, #tpu.memory_space<vmem>>, %arg4: memref<24x384xf32, #tpu.memory_space<vmem>>, %arg5: memref<32x128xf32, #tpu.memory_space<vmem>>, %arg6: memref<32x384xf32, #tpu.memory_space<vmem>>) attributes {dimension_semantics = [#tpu.dimension_semantics<arbitrary>], iteration_bounds = array<i64: 320>, scalar_prefetch = 0 : i64, scratch_operands = 0 : i64, tpu.core_type = #tpu.core_type<tc>, window_params = [{transform_indices = @transform_0, window_bounds = array<i64: 2048, 24>}, {transform_indices = @transform_1, window_bounds = array<i64: 2048, 384>}, {transform_indices = @transform_2, window_bounds = array<i64: 2048, 1>}, {pipeline_mode = #tpu.pipeline_mode<synchronous>, transform_indices = @transform_3, window_bounds = array<i64: 24, 384>}, {transform_indices = @transform_4, window_bounds = array<i64: 32, 128>}, {transform_indices = @transform_5, window_bounds = array<i64: 32, 384>}]} {
    %get3A = arith.constant 0 : index
    %get3A_0 = arith.constant 0 : index
    %get3A_1 = vector.load %arg1[%get3A, %get3A_0] : memref<2048x24xf32, #tpu.memory_space<vmem>>, vector<2048x24xf32>
    %get3A_2 = arith.constant 0 : index
    %get3A_3 = arith.constant 0 : index
    %get3A_4 = vector.load %arg3[%get3A_2, %get3A_3] : memref<2048x1xf32, #tpu.memory_space<vmem>>, vector<2048x1xf32>
    %gt3A = arith.constant 0.000000e+00 : f32
    %gt3A_5 = vector.broadcast %gt3A : f32 to vector<2048x1xf32>
    %gt3A_6 = arith.cmpf ogt, %get3A_4, %gt3A_5 : vector<2048x1xf32>
    %get3A_7 = arith.constant 0 : index
    %get3A_8 = arith.constant 0 : index
    %get3A_9 = vector.load %arg4[%get3A_7, %get3A_8] : memref<24x384xf32, #tpu.memory_space<vmem>>, vector<24x384xf32>
    %dot_general3A = arith.constant dense<0.000000e+00> : vector<2048x384xf32>
    %dot_general3A_10 = tpu.matmul %get3A_1, %get3A_9, %dot_general3A {dimension_numbers = #tpu.dot_dimension_numbers<[1], [0], [0], [1], [0, 0, 1, 1], [], []>, transpose_lhs_hint = false} : vector<2048x24xf32>, vector<24x384xf32>, vector<2048x384xf32> -> vector<2048x384xf32>
    %get3A_11 = arith.constant 0 : index
    %get3A_12 = arith.constant 0 : index
    %get3A_13 = vector.load %arg2[%get3A_11, %get3A_12] : memref<2048x384xf32, #tpu.memory_space<vmem>>, vector<2048x384xf32>
    %mul3A = arith.mulf %get3A_13, %dot_general3A_10 : vector<2048x384xf32>
    %jit3A = arith.constant 0.000000e+00 : f32
    %broadcast_in_dim3A = vector.shape_cast %gt3A_6 : vector<2048x1xi1> to vector<2048x1xi1>
    %broadcast_in_dim3A_14 = vector.broadcast %broadcast_in_dim3A : vector<2048x1xi1> to vector<2048x384xi1>
    %broadcast_in_dim3A_15 = vector.broadcast %jit3A : f32 to vector<2048x384xf32>
    %select_n3A = arith.select %broadcast_in_dim3A_14, %mul3A, %broadcast_in_dim3A_15 : vector<2048x384xi1>, vector<2048x384xf32>
    %slice3A = vector.extract_strided_slice %select_n3A {offsets = [0, 0], sizes = [2048, 128], strides = [1, 1]} : vector<2048x384xf32> to vector<2048x128xf32>
    %slice3A_16 = vector.extract_strided_slice %select_n3A {offsets = [0, 128], sizes = [2048, 128], strides = [1, 1]} : vector<2048x384xf32> to vector<2048x128xf32>
    %slice3A_17 = vector.extract_strided_slice %get3A_1 {offsets = [0, 21], sizes = [2048, 1], strides = [1, 1]} : vector<2048x24xf32> to vector<2048x1xf32>
    %slice3A_18 = vector.extract_strided_slice %get3A_1 {offsets = [0, 22], sizes = [2048, 1], strides = [1, 1]} : vector<2048x24xf32> to vector<2048x1xf32>
    %slice3A_19 = vector.extract_strided_slice %get3A_1 {offsets = [0, 23], sizes = [2048, 1], strides = [1, 1]} : vector<2048x24xf32> to vector<2048x1xf32>
    %mul3A_20 = vector.broadcast %slice3A_17 : vector<2048x1xf32> to vector<2048x128xf32>
    %mul3A_21 = arith.mulf %slice3A_16, %mul3A_20 : vector<2048x128xf32>
    %mul3A_22 = vector.broadcast %slice3A_18 : vector<2048x1xf32> to vector<2048x128xf32>
    %mul3A_23 = arith.mulf %slice3A_16, %mul3A_22 : vector<2048x128xf32>
    %mul3A_24 = vector.broadcast %slice3A_19 : vector<2048x1xf32> to vector<2048x128xf32>
    %mul3A_25 = arith.mulf %slice3A_16, %mul3A_24 : vector<2048x128xf32>
    %reshape3A = vector.shape_cast %slice3A : vector<2048x128xf32> to vector<32x64x128xf32>
    %reduce_sum3A = arith.constant dense<0.000000e+00> : vector<32x128xf32>
    %reduce_sum3A_26 = vector.multi_reduction <add>, %reshape3A, %reduce_sum3A [1] : vector<32x64x128xf32> to vector<32x128xf32>
    %swap3A = arith.constant 0 : index
    %swap3A_27 = arith.constant 0 : index
    %swap3A_28 = vector.load %arg5[%swap3A, %swap3A_27] : memref<32x128xf32, #tpu.memory_space<vmem>>, vector<32x128xf32>
    tpu.vector_store %arg5[%swap3A, %swap3A_27], %reduce_sum3A_26 {strides = array<i32>} : memref<32x128xf32, #tpu.memory_space<vmem>>, vector<32x128xf32>,
    %reshape3A_29 = vector.shape_cast %mul3A_21 : vector<2048x128xf32> to vector<32x64x128xf32>
    %reduce_sum3A_30 = arith.constant dense<0.000000e+00> : vector<32x128xf32>
    %reduce_sum3A_31 = vector.multi_reduction <add>, %reshape3A_29, %reduce_sum3A_30 [1] : vector<32x64x128xf32> to vector<32x128xf32>
    %swap3A_32 = arith.constant 0 : index
    %swap3A_33 = arith.constant 0 : index
    %swap3A_34 = vector.load %arg6[%swap3A_32, %swap3A_33] : memref<32x384xf32, #tpu.memory_space<vmem>>, vector<32x128xf32>
    tpu.vector_store %arg6[%swap3A_32, %swap3A_33], %reduce_sum3A_31 {strides = array<i32>} : memref<32x384xf32, #tpu.memory_space<vmem>>, vector<32x128xf32>,
    %reshape3A_35 = vector.shape_cast %mul3A_23 : vector<2048x128xf32> to vector<32x64x128xf32>
    %reduce_sum3A_36 = arith.constant dense<0.000000e+00> : vector<32x128xf32>
    %reduce_sum3A_37 = vector.multi_reduction <add>, %reshape3A_35, %reduce_sum3A_36 [1] : vector<32x64x128xf32> to vector<32x128xf32>
    %swap3A_38 = arith.constant 0 : index
    %swap3A_39 = arith.constant 128 : index
    %swap3A_40 = vector.load %arg6[%swap3A_38, %swap3A_39] : memref<32x384xf32, #tpu.memory_space<vmem>>, vector<32x128xf32>
    tpu.vector_store %arg6[%swap3A_38, %swap3A_39], %reduce_sum3A_37 {strides = array<i32>} : memref<32x384xf32, #tpu.memory_space<vmem>>, vector<32x128xf32>,
    %reshape3A_41 = vector.shape_cast %mul3A_25 : vector<2048x128xf32> to vector<32x64x128xf32>
    %reduce_sum3A_42 = arith.constant dense<0.000000e+00> : vector<32x128xf32>
    %reduce_sum3A_43 = vector.multi_reduction <add>, %reshape3A_41, %reduce_sum3A_42 [1] : vector<32x64x128xf32> to vector<32x128xf32>
    %swap3A_44 = arith.constant 0 : index
    %swap3A_45 = arith.constant 256 : index
    %swap3A_46 = vector.load %arg6[%swap3A_44, %swap3A_45] : memref<32x384xf32, #tpu.memory_space<vmem>>, vector<32x128xf32>
    tpu.vector_store %arg6[%swap3A_44, %swap3A_45], %reduce_sum3A_43 {strides = array<i32>} : memref<32x384xf32, #tpu.memory_space<vmem>>, vector<32x128xf32>,
    return
  }
  func.func @transform_0(%arg0: i32) -> (i32, i32) {
    %c0_i32 = arith.constant 0 : i32
    %c0_i32_0 = arith.constant 0 : i32
    return %arg0, %c0_i32 : i32, i32
  }
  func.func @transform_1(%arg0: i32) -> (i32, i32) {
    %c0_i32 = arith.constant 0 : i32
    %c0_i32_0 = arith.constant 0 : i32
    return %arg0, %c0_i32 : i32, i32
  }
  func.func @transform_2(%arg0: i32) -> (i32, i32) {
    %c0_i32 = arith.constant 0 : i32
    %c0_i32_0 = arith.constant 0 : i32
    return %arg0, %c0_i32 : i32, i32
  }
  func.func @transform_3(%arg0: i32) -> (i32, i32) {
    %c0_i32 = arith.constant 0 : i32
    %c0_i32_0 = arith.constant 0 : i32
    %c0_i32_1 = arith.constant 0 : i32
    return %c0_i32, %c0_i32_0 : i32, i32
  }
  func.func @transform_4(%arg0: i32) -> (i32, i32) {
    %c0_i32 = arith.constant 0 : i32
    %c0_i32_0 = arith.constant 0 : i32
    return %arg0, %c0_i32 : i32, i32
  }
  func.func @transform_5(%arg0: i32) -> (i32, i32) {
    %c0_i32 = arith.constant 0 : i32
    %c0_i32_0 = arith.constant 0 : i32
    return %arg0, %c0_i32 : i32, i32
  }
}

module attributes {stable_mosaic.version = 14 : i64} {
  func.func @_update_kernel(%arg0: i32, %arg1: memref<256x128xf32, #tpu.memory_space<vmem>>, %arg2: memref<256x384xf32, #tpu.memory_space<vmem>>, %arg3: memref<256x128xf32, #tpu.memory_space<vmem>>, %arg4: memref<256x384xf32, #tpu.memory_space<vmem>>, %arg5: memref<128x128xf32, #tpu.memory_space<vmem>>, %arg6: memref<128x128xf32, #tpu.memory_space<vmem>>, %arg7: memref<128x128xf32, #tpu.memory_space<vmem>>, %arg8: memref<128x128xf32, #tpu.memory_space<vmem>>, %arg9: memref<1x128xf32, #tpu.memory_space<vmem>>, %arg10: memref<128x384xf32, #tpu.memory_space<vmem>>, %arg11: memref<1x384xf32, #tpu.memory_space<vmem>>, %arg12: memref<256x128xf32, #tpu.memory_space<vmem>>, %arg13: memref<256x384xf32, #tpu.memory_space<vmem>>) attributes {dimension_semantics = [#tpu.dimension_semantics<arbitrary>], iteration_bounds = array<i64: 40>, scalar_prefetch = 0 : i64, scratch_operands = 0 : i64, tpu.core_type = #tpu.core_type<tc>, window_params = [{transform_indices = @transform_0, window_bounds = array<i64: 256, 128>}, {transform_indices = @transform_1, window_bounds = array<i64: 256, 384>}, {transform_indices = @transform_2, window_bounds = array<i64: 256, 128>}, {transform_indices = @transform_3, window_bounds = array<i64: 256, 384>}, {pipeline_mode = #tpu.pipeline_mode<synchronous>, transform_indices = @transform_4, window_bounds = array<i64: 128, 128>}, {pipeline_mode = #tpu.pipeline_mode<synchronous>, transform_indices = @transform_5, window_bounds = array<i64: 128, 128>}, {pipeline_mode = #tpu.pipeline_mode<synchronous>, transform_indices = @transform_6, window_bounds = array<i64: 128, 128>}, {pipeline_mode = #tpu.pipeline_mode<synchronous>, transform_indices = @transform_7, window_bounds = array<i64: 128, 128>}, {pipeline_mode = #tpu.pipeline_mode<synchronous>, transform_indices = @transform_8, window_bounds = array<i64: 1, 128>}, {pipeline_mode = #tpu.pipeline_mode<synchronous>, transform_indices = @transform_9, window_bounds = array<i64: 128, 384>}, {pipeline_mode = #tpu.pipeline_mode<synchronous>, transform_indices = @transform_10, window_bounds = array<i64: 1, 384>}, {transform_indices = @transform_11, window_bounds = array<i64: 256, 128>}, {transform_indices = @transform_12, window_bounds = array<i64: 256, 384>}]} {
    %get3A = arith.constant 0 : index
    %get3A_0 = arith.constant 0 : index
    %get3A_1 = vector.load %arg1[%get3A, %get3A_0] : memref<256x128xf32, #tpu.memory_space<vmem>>, vector<256x128xf32>
    %get3A_2 = arith.constant 0 : index
    %get3A_3 = arith.constant 0 : index
    %get3A_4 = vector.load %arg3[%get3A_2, %get3A_3] : memref<256x128xf32, #tpu.memory_space<vmem>>, vector<256x128xf32>
    %add3A = arith.addf %get3A_1, %get3A_4 : vector<256x128xf32>
    %get3A_5 = arith.constant 0 : index
    %get3A_6 = arith.constant 0 : index
    %get3A_7 = vector.load %arg2[%get3A_5, %get3A_6] : memref<256x384xf32, #tpu.memory_space<vmem>>, vector<256x384xf32>
    %get3A_8 = arith.constant 0 : index
    %get3A_9 = arith.constant 0 : index
    %get3A_10 = vector.load %arg4[%get3A_8, %get3A_9] : memref<256x384xf32, #tpu.memory_space<vmem>>, vector<256x384xf32>
    %add3A_11 = arith.addf %get3A_7, %get3A_10 : vector<256x384xf32>
    %get3A_12 = arith.constant 0 : index
    %get3A_13 = arith.constant 0 : index
    %get3A_14 = vector.load %arg5[%get3A_12, %get3A_13] : memref<128x128xf32, #tpu.memory_space<vmem>>, vector<128x128xf32>
    %get3A_15 = arith.constant 0 : index
    %get3A_16 = arith.constant 0 : index
    %get3A_17 = vector.load %arg6[%get3A_15, %get3A_16] : memref<128x128xf32, #tpu.memory_space<vmem>>, vector<128x128xf32>
    %slice3A = vector.extract_strided_slice %add3A_11 {offsets = [0, 0], sizes = [256, 128], strides = [1, 1]} : vector<256x384xf32> to vector<256x128xf32>
    %slice3A_18 = vector.extract_strided_slice %add3A_11 {offsets = [0, 128], sizes = [256, 128], strides = [1, 1]} : vector<256x384xf32> to vector<256x128xf32>
    %slice3A_19 = vector.extract_strided_slice %add3A_11 {offsets = [0, 256], sizes = [256, 128], strides = [1, 1]} : vector<256x384xf32> to vector<256x128xf32>
    %dot_general3A = arith.constant dense<0.000000e+00> : vector<256x128xf32>
    %dot_general3A_20 = tpu.matmul %slice3A, %get3A_14, %dot_general3A {dimension_numbers = #tpu.dot_dimension_numbers<[1], [0], [0], [1], [0, 0, 1, 1], [], []>, transpose_lhs_hint = false} : vector<256x128xf32>, vector<128x128xf32>, vector<256x128xf32> -> vector<256x128xf32>
    %dot_general3A_21 = arith.constant dense<0.000000e+00> : vector<256x128xf32>
    %dot_general3A_22 = tpu.matmul %slice3A_18, %get3A_14, %dot_general3A_21 {dimension_numbers = #tpu.dot_dimension_numbers<[1], [0], [0], [1], [0, 0, 1, 1], [], []>, transpose_lhs_hint = false} : vector<256x128xf32>, vector<128x128xf32>, vector<256x128xf32> -> vector<256x128xf32>
    %dot_general3A_23 = arith.constant dense<0.000000e+00> : vector<256x128xf32>
    %dot_general3A_24 = tpu.matmul %slice3A_19, %get3A_14, %dot_general3A_23 {dimension_numbers = #tpu.dot_dimension_numbers<[1], [0], [0], [1], [0, 0, 1, 1], [], []>, transpose_lhs_hint = false} : vector<256x128xf32>, vector<128x128xf32>, vector<256x128xf32> -> vector<256x128xf32>
    %dot_general3A_25 = arith.constant dense<0.000000e+00> : vector<256x128xf32>
    %dot_general3A_26 = tpu.matmul %slice3A, %get3A_17, %dot_general3A_25 {dimension_numbers = #tpu.dot_dimension_numbers<[1], [0], [0], [1], [0, 0, 1, 1], [], []>, transpose_lhs_hint = false} : vector<256x128xf32>, vector<128x128xf32>, vector<256x128xf32> -> vector<256x128xf32>
    %dot_general3A_27 = arith.constant dense<0.000000e+00> : vector<256x128xf32>
    %dot_general3A_28 = tpu.matmul %slice3A_18, %get3A_17, %dot_general3A_27 {dimension_numbers = #tpu.dot_dimension_numbers<[1], [0], [0], [1], [0, 0, 1, 1], [], []>, transpose_lhs_hint = false} : vector<256x128xf32>, vector<128x128xf32>, vector<256x128xf32> -> vector<256x128xf32>
    %dot_general3A_29 = arith.constant dense<0.000000e+00> : vector<256x128xf32>
    %dot_general3A_30 = tpu.matmul %slice3A_19, %get3A_17, %dot_general3A_29 {dimension_numbers = #tpu.dot_dimension_numbers<[1], [0], [0], [1], [0, 0, 1, 1], [], []>, transpose_lhs_hint = false} : vector<256x128xf32>, vector<128x128xf32>, vector<256x128xf32> -> vector<256x128xf32>
    %mul3A = arith.mulf %dot_general3A_26, %dot_general3A_26 : vector<256x128xf32>
    %mul3A_31 = arith.mulf %dot_general3A_28, %dot_general3A_28 : vector<256x128xf32>
    %add3A_32 = arith.addf %mul3A, %mul3A_31 : vector<256x128xf32>
    %mul3A_33 = arith.mulf %dot_general3A_30, %dot_general3A_30 : vector<256x128xf32>
    %add3A_34 = arith.addf %add3A_32, %mul3A_33 : vector<256x128xf32>
    %add3A_35 = arith.constant 9.99999996E-13 : f32
    %add3A_36 = vector.broadcast %add3A_35 : f32 to vector<256x128xf32>
    %add3A_37 = arith.addf %add3A_34, %add3A_36 : vector<256x128xf32>
    %sqrt3A = math.sqrt %add3A_37 : vector<256x128xf32>
    %get3A_38 = arith.constant 0 : index
    %get3A_39 = arith.constant 0 : index
    %get3A_40 = vector.load %arg7[%get3A_38, %get3A_39] : memref<128x128xf32, #tpu.memory_space<vmem>>, vector<128x128xf32>
    %dot_general3A_41 = arith.constant dense<0.000000e+00> : vector<256x128xf32>
    %dot_general3A_42 = tpu.matmul %add3A, %get3A_40, %dot_general3A_41 {dimension_numbers = #tpu.dot_dimension_numbers<[1], [0], [0], [1], [0, 0, 1, 1], [], []>, transpose_lhs_hint = false} : vector<256x128xf32>, vector<128x128xf32>, vector<256x128xf32> -> vector<256x128xf32>
    %get3A_43 = arith.constant 0 : index
    %get3A_44 = arith.constant 0 : index
    %get3A_45 = vector.load %arg8[%get3A_43, %get3A_44] : memref<128x128xf32, #tpu.memory_space<vmem>>, vector<128x128xf32>
    %dot_general3A_46 = arith.constant dense<0.000000e+00> : vector<256x128xf32>
    %dot_general3A_47 = tpu.matmul %sqrt3A, %get3A_45, %dot_general3A_46 {dimension_numbers = #tpu.dot_dimension_numbers<[1], [0], [0], [1], [0, 0, 1, 1], [], []>, transpose_lhs_hint = false} : vector<256x128xf32>, vector<128x128xf32>, vector<256x128xf32> -> vector<256x128xf32>
    %add3A_48 = arith.addf %dot_general3A_42, %dot_general3A_47 : vector<256x128xf32>
    %get3A_49 = arith.constant 0 : index
    %get3A_50 = arith.constant 0 : index
    %get3A_51 = vector.load %arg9[%get3A_49, %get3A_50] : memref<1x128xf32, #tpu.memory_space<vmem>>, vector<1x128xf32>
    %add3A_52 = vector.broadcast %get3A_51 : vector<1x128xf32> to vector<256x128xf32>
    %add3A_53 = arith.addf %add3A_48, %add3A_52 : vector<256x128xf32>
    %logistic3A = arith.negf %add3A_53 : vector<256x128xf32>
    %logistic3A_54 = math.exp %logistic3A : vector<256x128xf32>
    %logistic3A_55 = arith.constant 1.000000e+00 : f32
    %logistic3A_56 = vector.broadcast %logistic3A_55 : f32 to vector<256x128xf32>
    %logistic3A_57 = arith.addf %logistic3A_56, %logistic3A_54 : vector<256x128xf32>
    %logistic3A_58 = arith.divf %logistic3A_56, %logistic3A_57 : vector<256x128xf32>
    %mul3A_59 = arith.mulf %add3A_53, %logistic3A_58 : vector<256x128xf32>
    %get3A_60 = arith.constant 0 : index
    %get3A_61 = arith.constant 0 : index
    %get3A_62 = vector.load %arg10[%get3A_60, %get3A_61] : memref<128x384xf32, #tpu.memory_space<vmem>>, vector<128x384xf32>
    %dot_general3A_63 = arith.constant dense<0.000000e+00> : vector<256x384xf32>
    %dot_general3A_64 = tpu.matmul %mul3A_59, %get3A_62, %dot_general3A_63 {dimension_numbers = #tpu.dot_dimension_numbers<[1], [0], [0], [1], [0, 0, 1, 1], [], []>, transpose_lhs_hint = false} : vector<256x128xf32>, vector<128x384xf32>, vector<256x384xf32> -> vector<256x384xf32>
    %get3A_65 = arith.constant 0 : index
    %get3A_66 = arith.constant 0 : index
    %get3A_67 = vector.load %arg11[%get3A_65, %get3A_66] : memref<1x384xf32, #tpu.memory_space<vmem>>, vector<1x384xf32>
    %add3A_68 = vector.broadcast %get3A_67 : vector<1x384xf32> to vector<256x384xf32>
    %add3A_69 = arith.addf %dot_general3A_64, %add3A_68 : vector<256x384xf32>
    %slice3A_70 = vector.extract_strided_slice %add3A_69 {offsets = [0, 0], sizes = [256, 128], strides = [1, 1]} : vector<256x384xf32> to vector<256x128xf32>
    %slice3A_71 = vector.extract_strided_slice %add3A_69 {offsets = [0, 128], sizes = [256, 128], strides = [1, 1]} : vector<256x384xf32> to vector<256x128xf32>
    %slice3A_72 = vector.extract_strided_slice %add3A_69 {offsets = [0, 256], sizes = [256, 128], strides = [1, 1]} : vector<256x384xf32> to vector<256x128xf32>
    %mul3A_73 = arith.mulf %dot_general3A_20, %dot_general3A_26 : vector<256x128xf32>
    %mul3A_74 = arith.mulf %dot_general3A_22, %dot_general3A_28 : vector<256x128xf32>
    %add3A_75 = arith.addf %mul3A_73, %mul3A_74 : vector<256x128xf32>
    %mul3A_76 = arith.mulf %dot_general3A_24, %dot_general3A_30 : vector<256x128xf32>
    %add3A_77 = arith.addf %add3A_75, %mul3A_76 : vector<256x128xf32>
    %add3A_78 = arith.addf %add3A, %slice3A_70 : vector<256x128xf32>
    %mul3A_79 = arith.mulf %slice3A_71, %add3A_77 : vector<256x128xf32>
    %add3A_80 = arith.addf %add3A_78, %mul3A_79 : vector<256x128xf32>
    %swap3A = arith.constant 0 : index
    %swap3A_81 = arith.constant 0 : index
    %swap3A_82 = vector.load %arg12[%swap3A, %swap3A_81] : memref<256x128xf32, #tpu.memory_space<vmem>>, vector<256x128xf32>
    tpu.vector_store %arg12[%swap3A, %swap3A_81], %add3A_80 {strides = array<i32>} : memref<256x128xf32, #tpu.memory_space<vmem>>, vector<256x128xf32>,
    %mul3A_83 = arith.mulf %slice3A_72, %dot_general3A_20 : vector<256x128xf32>
    %add3A_84 = arith.addf %slice3A, %mul3A_83 : vector<256x128xf32>
    %swap3A_85 = arith.constant 0 : index
    %swap3A_86 = arith.constant 0 : index
    %swap3A_87 = vector.load %arg13[%swap3A_85, %swap3A_86] : memref<256x384xf32, #tpu.memory_space<vmem>>, vector<256x128xf32>
    tpu.vector_store %arg13[%swap3A_85, %swap3A_86], %add3A_84 {strides = array<i32>} : memref<256x384xf32, #tpu.memory_space<vmem>>, vector<256x128xf32>,
    %mul3A_88 = arith.mulf %slice3A_72, %dot_general3A_22 : vector<256x128xf32>
    %add3A_89 = arith.addf %slice3A_18, %mul3A_88 : vector<256x128xf32>
    %swap3A_90 = arith.constant 0 : index
    %swap3A_91 = arith.constant 128 : index
    %swap3A_92 = vector.load %arg13[%swap3A_90, %swap3A_91] : memref<256x384xf32, #tpu.memory_space<vmem>>, vector<256x128xf32>
    tpu.vector_store %arg13[%swap3A_90, %swap3A_91], %add3A_89 {strides = array<i32>} : memref<256x384xf32, #tpu.memory_space<vmem>>, vector<256x128xf32>,
    %mul3A_93 = arith.mulf %slice3A_72, %dot_general3A_24 : vector<256x128xf32>
    %add3A_94 = arith.addf %slice3A_19, %mul3A_93 : vector<256x128xf32>
    %swap3A_95 = arith.constant 0 : index
    %swap3A_96 = arith.constant 256 : index
    %swap3A_97 = vector.load %arg13[%swap3A_95, %swap3A_96] : memref<256x384xf32, #tpu.memory_space<vmem>>, vector<256x128xf32>
    tpu.vector_store %arg13[%swap3A_95, %swap3A_96], %add3A_94 {strides = array<i32>} : memref<256x384xf32, #tpu.memory_space<vmem>>, vector<256x128xf32>,
    return
  }
  func.func @transform_0(%arg0: i32) -> (i32, i32) {
    %c0_i32 = arith.constant 0 : i32
    %c0_i32_0 = arith.constant 0 : i32
    return %arg0, %c0_i32 : i32, i32
  }
  func.func @transform_1(%arg0: i32) -> (i32, i32) {
    %c0_i32 = arith.constant 0 : i32
    %c0_i32_0 = arith.constant 0 : i32
    return %arg0, %c0_i32 : i32, i32
  }
  func.func @transform_2(%arg0: i32) -> (i32, i32) {
    %c0_i32 = arith.constant 0 : i32
    %c0_i32_0 = arith.constant 0 : i32
    return %arg0, %c0_i32 : i32, i32
  }
  func.func @transform_3(%arg0: i32) -> (i32, i32) {
    %c0_i32 = arith.constant 0 : i32
    %c0_i32_0 = arith.constant 0 : i32
    return %arg0, %c0_i32 : i32, i32
  }
  func.func @transform_4(%arg0: i32) -> (i32, i32) {
    %c0_i32 = arith.constant 0 : i32
    %c0_i32_0 = arith.constant 0 : i32
    %c0_i32_1 = arith.constant 0 : i32
    return %c0_i32, %c0_i32_0 : i32, i32
  }
  func.func @transform_5(%arg0: i32) -> (i32, i32) {
    %c0_i32 = arith.constant 0 : i32
    %c0_i32_0 = arith.constant 0 : i32
    %c0_i32_1 = arith.constant 0 : i32
    return %c0_i32, %c0_i32_0 : i32, i32
  }
  func.func @transform_6(%arg0: i32) -> (i32, i32) {
    %c0_i32 = arith.constant 0 : i32
    %c0_i32_0 = arith.constant 0 : i32
    %c0_i32_1 = arith.constant 0 : i32
    return %c0_i32, %c0_i32_0 : i32, i32
  }
  func.func @transform_7(%arg0: i32) -> (i32, i32) {
    %c0_i32 = arith.constant 0 : i32
    %c0_i32_0 = arith.constant 0 : i32
    %c0_i32_1 = arith.constant 0 : i32
    return %c0_i32, %c0_i32_0 : i32, i32
  }
  func.func @transform_8(%arg0: i32) -> (i32, i32) {
    %c0_i32 = arith.constant 0 : i32
    %c0_i32_0 = arith.constant 0 : i32
    %c0_i32_1 = arith.constant 0 : i32
    return %c0_i32, %c0_i32_0 : i32, i32
  }
  func.func @transform_9(%arg0: i32) -> (i32, i32) {
    %c0_i32 = arith.constant 0 : i32
    %c0_i32_0 = arith.constant 0 : i32
    %c0_i32_1 = arith.constant 0 : i32
    return %c0_i32, %c0_i32_0 : i32, i32
  }
  func.func @transform_10(%arg0: i32) -> (i32, i32) {
    %c0_i32 = arith.constant 0 : i32
    %c0_i32_0 = arith.constant 0 : i32
    %c0_i32_1 = arith.constant 0 : i32
    return %c0_i32, %c0_i32_0 : i32, i32
  }
  func.func @transform_11(%arg0: i32) -> (i32, i32) {
    %c0_i32 = arith.constant 0 : i32
    %c0_i32_0 = arith.constant 0 : i32
    return %arg0, %c0_i32 : i32, i32
  }
  func.func @transform_12(%arg0: i32) -> (i32, i32) {
    %c0_i32 = arith.constant 0 : i32
    %c0_i32_0 = arith.constant 0 : i32
    return %arg0, %c0_i32 : i32, i32
  }
}

module attributes {stable_mosaic.version = 14 : i64} {
  func.func @_edge_kernel(%arg0: i32, %arg1: memref<2048x24xf32, #tpu.memory_space<vmem>>, %arg2: memref<2048x384xf32, #tpu.memory_space<vmem>>, %arg3: memref<2048x384xf32, #tpu.memory_space<vmem>>, %arg4: memref<2048x1xf32, #tpu.memory_space<vmem>>, %arg5: memref<24x384xf32, #tpu.memory_space<vmem>>, %arg6: memref<32x128xf32, #tpu.memory_space<vmem>>, %arg7: memref<32x384xf32, #tpu.memory_space<vmem>>) attributes {dimension_semantics = [#tpu.dimension_semantics<arbitrary>], iteration_bounds = array<i64: 320>, scalar_prefetch = 0 : i64, scratch_operands = 0 : i64, tpu.core_type = #tpu.core_type<tc>, window_params = [{transform_indices = @transform_0, window_bounds = array<i64: 2048, 24>}, {transform_indices = @transform_1, window_bounds = array<i64: 2048, 384>}, {transform_indices = @transform_2, window_bounds = array<i64: 2048, 384>}, {transform_indices = @transform_3, window_bounds = array<i64: 2048, 1>}, {pipeline_mode = #tpu.pipeline_mode<synchronous>, transform_indices = @transform_4, window_bounds = array<i64: 24, 384>}, {transform_indices = @transform_5, window_bounds = array<i64: 32, 128>}, {transform_indices = @transform_6, window_bounds = array<i64: 32, 384>}]} {
    %get3A = arith.constant 0 : index
    %get3A_0 = arith.constant 0 : index
    %get3A_1 = vector.load %arg1[%get3A, %get3A_0] : memref<2048x24xf32, #tpu.memory_space<vmem>>, vector<2048x24xf32>
    %get3A_2 = arith.constant 0 : index
    %get3A_3 = arith.constant 0 : index
    %get3A_4 = vector.load %arg4[%get3A_2, %get3A_3] : memref<2048x1xf32, #tpu.memory_space<vmem>>, vector<2048x1xf32>
    %gt3A = arith.constant 0.000000e+00 : f32
    %gt3A_5 = vector.broadcast %gt3A : f32 to vector<2048x1xf32>
    %gt3A_6 = arith.cmpf ogt, %get3A_4, %gt3A_5 : vector<2048x1xf32>
    %get3A_7 = arith.constant 0 : index
    %get3A_8 = arith.constant 0 : index
    %get3A_9 = vector.load %arg5[%get3A_7, %get3A_8] : memref<24x384xf32, #tpu.memory_space<vmem>>, vector<24x384xf32>
    %dot_general3A = arith.constant dense<0.000000e+00> : vector<2048x384xf32>
    %dot_general3A_10 = tpu.matmul %get3A_1, %get3A_9, %dot_general3A {dimension_numbers = #tpu.dot_dimension_numbers<[1], [0], [0], [1], [0, 0, 1, 1], [], []>, transpose_lhs_hint = false} : vector<2048x24xf32>, vector<24x384xf32>, vector<2048x384xf32> -> vector<2048x384xf32>
    %get3A_11 = arith.constant 0 : index
    %get3A_12 = arith.constant 0 : index
    %get3A_13 = vector.load %arg2[%get3A_11, %get3A_12] : memref<2048x384xf32, #tpu.memory_space<vmem>>, vector<2048x384xf32>
    %mul3A = arith.mulf %get3A_13, %dot_general3A_10 : vector<2048x384xf32>
    %jit3A = arith.constant 0.000000e+00 : f32
    %broadcast_in_dim3A = vector.shape_cast %gt3A_6 : vector<2048x1xi1> to vector<2048x1xi1>
    %broadcast_in_dim3A_14 = vector.broadcast %broadcast_in_dim3A : vector<2048x1xi1> to vector<2048x384xi1>
    %broadcast_in_dim3A_15 = vector.broadcast %jit3A : f32 to vector<2048x384xf32>
    %select_n3A = arith.select %broadcast_in_dim3A_14, %mul3A, %broadcast_in_dim3A_15 : vector<2048x384xi1>, vector<2048x384xf32>
    %slice3A = vector.extract_strided_slice %select_n3A {offsets = [0, 0], sizes = [2048, 128], strides = [1, 1]} : vector<2048x384xf32> to vector<2048x128xf32>
    %slice3A_16 = vector.extract_strided_slice %select_n3A {offsets = [0, 128], sizes = [2048, 128], strides = [1, 1]} : vector<2048x384xf32> to vector<2048x128xf32>
    %slice3A_17 = vector.extract_strided_slice %select_n3A {offsets = [0, 256], sizes = [2048, 128], strides = [1, 1]} : vector<2048x384xf32> to vector<2048x128xf32>
    %slice3A_18 = vector.extract_strided_slice %get3A_1 {offsets = [0, 21], sizes = [2048, 1], strides = [1, 1]} : vector<2048x24xf32> to vector<2048x1xf32>
    %slice3A_19 = vector.extract_strided_slice %get3A_1 {offsets = [0, 22], sizes = [2048, 1], strides = [1, 1]} : vector<2048x24xf32> to vector<2048x1xf32>
    %slice3A_20 = vector.extract_strided_slice %get3A_1 {offsets = [0, 23], sizes = [2048, 1], strides = [1, 1]} : vector<2048x24xf32> to vector<2048x1xf32>
    %get3A_21 = arith.constant 0 : index
    %get3A_22 = arith.constant 0 : index
    %get3A_23 = vector.load %arg3[%get3A_21, %get3A_22] : memref<2048x384xf32, #tpu.memory_space<vmem>>, vector<2048x384xf32>
    %mul3A_24 = vector.broadcast %slice3A_18 : vector<2048x1xf32> to vector<2048x128xf32>
    %mul3A_25 = arith.mulf %slice3A_16, %mul3A_24 : vector<2048x128xf32>
    %slice3A_26 = vector.extract_strided_slice %get3A_23 {offsets = [0, 0], sizes = [2048, 128], strides = [1, 1]} : vector<2048x384xf32> to vector<2048x128xf32>
    %mul3A_27 = arith.mulf %slice3A_17, %slice3A_26 : vector<2048x128xf32>
    %add3A = arith.addf %mul3A_25, %mul3A_27 : vector<2048x128xf32>
    %jit3A_28 = arith.constant 0.000000e+00 : f32
    %broadcast_in_dim3A_29 = vector.shape_cast %gt3A_6 : vector<2048x1xi1> to vector<2048x1xi1>
    %broadcast_in_dim3A_30 = vector.broadcast %broadcast_in_dim3A_29 : vector<2048x1xi1> to vector<2048x128xi1>
    %broadcast_in_dim3A_31 = vector.broadcast %jit3A_28 : f32 to vector<2048x128xf32>
    %select_n3A_32 = arith.select %broadcast_in_dim3A_30, %add3A, %broadcast_in_dim3A_31 : vector<2048x128xi1>, vector<2048x128xf32>
    %mul3A_33 = vector.broadcast %slice3A_19 : vector<2048x1xf32> to vector<2048x128xf32>
    %mul3A_34 = arith.mulf %slice3A_16, %mul3A_33 : vector<2048x128xf32>
    %slice3A_35 = vector.extract_strided_slice %get3A_23 {offsets = [0, 128], sizes = [2048, 128], strides = [1, 1]} : vector<2048x384xf32> to vector<2048x128xf32>
    %mul3A_36 = arith.mulf %slice3A_17, %slice3A_35 : vector<2048x128xf32>
    %add3A_37 = arith.addf %mul3A_34, %mul3A_36 : vector<2048x128xf32>
    %jit3A_38 = arith.constant 0.000000e+00 : f32
    %broadcast_in_dim3A_39 = vector.shape_cast %gt3A_6 : vector<2048x1xi1> to vector<2048x1xi1>
    %broadcast_in_dim3A_40 = vector.broadcast %broadcast_in_dim3A_39 : vector<2048x1xi1> to vector<2048x128xi1>
    %broadcast_in_dim3A_41 = vector.broadcast %jit3A_38 : f32 to vector<2048x128xf32>
    %select_n3A_42 = arith.select %broadcast_in_dim3A_40, %add3A_37, %broadcast_in_dim3A_41 : vector<2048x128xi1>, vector<2048x128xf32>
    %mul3A_43 = vector.broadcast %slice3A_20 : vector<2048x1xf32> to vector<2048x128xf32>
    %mul3A_44 = arith.mulf %slice3A_16, %mul3A_43 : vector<2048x128xf32>
    %slice3A_45 = vector.extract_strided_slice %get3A_23 {offsets = [0, 256], sizes = [2048, 128], strides = [1, 1]} : vector<2048x384xf32> to vector<2048x128xf32>
    %mul3A_46 = arith.mulf %slice3A_17, %slice3A_45 : vector<2048x128xf32>
    %add3A_47 = arith.addf %mul3A_44, %mul3A_46 : vector<2048x128xf32>
    %jit3A_48 = arith.constant 0.000000e+00 : f32
    %broadcast_in_dim3A_49 = vector.shape_cast %gt3A_6 : vector<2048x1xi1> to vector<2048x1xi1>
    %broadcast_in_dim3A_50 = vector.broadcast %broadcast_in_dim3A_49 : vector<2048x1xi1> to vector<2048x128xi1>
    %broadcast_in_dim3A_51 = vector.broadcast %jit3A_48 : f32 to vector<2048x128xf32>
    %select_n3A_52 = arith.select %broadcast_in_dim3A_50, %add3A_47, %broadcast_in_dim3A_51 : vector<2048x128xi1>, vector<2048x128xf32>
    %reshape3A = vector.shape_cast %slice3A : vector<2048x128xf32> to vector<32x64x128xf32>
    %reduce_sum3A = arith.constant dense<0.000000e+00> : vector<32x128xf32>
    %reduce_sum3A_53 = vector.multi_reduction <add>, %reshape3A, %reduce_sum3A [1] : vector<32x64x128xf32> to vector<32x128xf32>
    %swap3A = arith.constant 0 : index
    %swap3A_54 = arith.constant 0 : index
    %swap3A_55 = vector.load %arg6[%swap3A, %swap3A_54] : memref<32x128xf32, #tpu.memory_space<vmem>>, vector<32x128xf32>
    tpu.vector_store %arg6[%swap3A, %swap3A_54], %reduce_sum3A_53 {strides = array<i32>} : memref<32x128xf32, #tpu.memory_space<vmem>>, vector<32x128xf32>,
    %reshape3A_56 = vector.shape_cast %select_n3A_32 : vector<2048x128xf32> to vector<32x64x128xf32>
    %reduce_sum3A_57 = arith.constant dense<0.000000e+00> : vector<32x128xf32>
    %reduce_sum3A_58 = vector.multi_reduction <add>, %reshape3A_56, %reduce_sum3A_57 [1] : vector<32x64x128xf32> to vector<32x128xf32>
    %swap3A_59 = arith.constant 0 : index
    %swap3A_60 = arith.constant 0 : index
    %swap3A_61 = vector.load %arg7[%swap3A_59, %swap3A_60] : memref<32x384xf32, #tpu.memory_space<vmem>>, vector<32x128xf32>
    tpu.vector_store %arg7[%swap3A_59, %swap3A_60], %reduce_sum3A_58 {strides = array<i32>} : memref<32x384xf32, #tpu.memory_space<vmem>>, vector<32x128xf32>,
    %reshape3A_62 = vector.shape_cast %select_n3A_42 : vector<2048x128xf32> to vector<32x64x128xf32>
    %reduce_sum3A_63 = arith.constant dense<0.000000e+00> : vector<32x128xf32>
    %reduce_sum3A_64 = vector.multi_reduction <add>, %reshape3A_62, %reduce_sum3A_63 [1] : vector<32x64x128xf32> to vector<32x128xf32>
    %swap3A_65 = arith.constant 0 : index
    %swap3A_66 = arith.constant 128 : index
    %swap3A_67 = vector.load %arg7[%swap3A_65, %swap3A_66] : memref<32x384xf32, #tpu.memory_space<vmem>>, vector<32x128xf32>
    tpu.vector_store %arg7[%swap3A_65, %swap3A_66], %reduce_sum3A_64 {strides = array<i32>} : memref<32x384xf32, #tpu.memory_space<vmem>>, vector<32x128xf32>,
    %reshape3A_68 = vector.shape_cast %select_n3A_52 : vector<2048x128xf32> to vector<32x64x128xf32>
    %reduce_sum3A_69 = arith.constant dense<0.000000e+00> : vector<32x128xf32>
    %reduce_sum3A_70 = vector.multi_reduction <add>, %reshape3A_68, %reduce_sum3A_69 [1] : vector<32x64x128xf32> to vector<32x128xf32>
    %swap3A_71 = arith.constant 0 : index
    %swap3A_72 = arith.constant 256 : index
    %swap3A_73 = vector.load %arg7[%swap3A_71, %swap3A_72] : memref<32x384xf32, #tpu.memory_space<vmem>>, vector<32x128xf32>
    tpu.vector_store %arg7[%swap3A_71, %swap3A_72], %reduce_sum3A_70 {strides = array<i32>} : memref<32x384xf32, #tpu.memory_space<vmem>>, vector<32x128xf32>,
    return
  }
  func.func @transform_0(%arg0: i32) -> (i32, i32) {
    %c0_i32 = arith.constant 0 : i32
    %c0_i32_0 = arith.constant 0 : i32
    return %arg0, %c0_i32 : i32, i32
  }
  func.func @transform_1(%arg0: i32) -> (i32, i32) {
    %c0_i32 = arith.constant 0 : i32
    %c0_i32_0 = arith.constant 0 : i32
    return %arg0, %c0_i32 : i32, i32
  }
  func.func @transform_2(%arg0: i32) -> (i32, i32) {
    %c0_i32 = arith.constant 0 : i32
    %c0_i32_0 = arith.constant 0 : i32
    return %arg0, %c0_i32 : i32, i32
  }
  func.func @transform_3(%arg0: i32) -> (i32, i32) {
    %c0_i32 = arith.constant 0 : i32
    %c0_i32_0 = arith.constant 0 : i32
    return %arg0, %c0_i32 : i32, i32
  }
  func.func @transform_4(%arg0: i32) -> (i32, i32) {
    %c0_i32 = arith.constant 0 : i32
    %c0_i32_0 = arith.constant 0 : i32
    %c0_i32_1 = arith.constant 0 : i32
    return %c0_i32, %c0_i32_0 : i32, i32
  }
  func.func @transform_5(%arg0: i32) -> (i32, i32) {
    %c0_i32 = arith.constant 0 : i32
    %c0_i32_0 = arith.constant 0 : i32
    return %arg0, %c0_i32 : i32, i32
  }
  func.func @transform_6(%arg0: i32) -> (i32, i32) {
    %c0_i32 = arith.constant 0 : i32
    %c0_i32_0 = arith.constant 0 : i32
    return %arg0, %c0_i32 : i32, i32
  }
}

module attributes {stable_mosaic.version = 14 : i64} {
  func.func @_head_kernel(%arg0: i32, %arg1: memref<256x128xf32, #tpu.memory_space<vmem>>, %arg2: memref<256x1xi32, #tpu.memory_space<vmem>>, %arg3: memref<256x1xf32, #tpu.memory_space<vmem>>, %arg4: memref<128x64xf32, #tpu.memory_space<vmem>>, %arg5: memref<1x64xf32, #tpu.memory_space<vmem>>, %arg6: memref<64x1xf32, #tpu.memory_space<vmem>>, %arg7: memref<1x1xf32, #tpu.memory_space<vmem>>, %arg8: memref<32x1xf32, #tpu.memory_space<vmem>>, %arg9: memref<1x1xf32, #tpu.memory_space<vmem>>) attributes {dimension_semantics = [#tpu.dimension_semantics<arbitrary>], iteration_bounds = array<i64: 40>, scalar_prefetch = 0 : i64, scratch_operands = 0 : i64, tpu.core_type = #tpu.core_type<tc>, window_params = [{transform_indices = @transform_0, window_bounds = array<i64: 256, 128>}, {transform_indices = @transform_1, window_bounds = array<i64: 256, 1>}, {transform_indices = @transform_2, window_bounds = array<i64: 256, 1>}, {pipeline_mode = #tpu.pipeline_mode<synchronous>, transform_indices = @transform_3, window_bounds = array<i64: 128, 64>}, {pipeline_mode = #tpu.pipeline_mode<synchronous>, transform_indices = @transform_4, window_bounds = array<i64: 1, 64>}, {pipeline_mode = #tpu.pipeline_mode<synchronous>, transform_indices = @transform_5, window_bounds = array<i64: 64, 1>}, {pipeline_mode = #tpu.pipeline_mode<synchronous>, transform_indices = @transform_6, window_bounds = array<i64: 1, 1>}, {pipeline_mode = #tpu.pipeline_mode<synchronous>, transform_indices = @transform_7, window_bounds = array<i64: 32, 1>}, {pipeline_mode = #tpu.pipeline_mode<synchronous>, transform_indices = @transform_8, window_bounds = array<i64: 1, 1>}]} {
    %get3A = arith.constant 0 : index
    %get3A_0 = arith.constant 0 : index
    %get3A_1 = vector.load %arg1[%get3A, %get3A_0] : memref<256x128xf32, #tpu.memory_space<vmem>>, vector<256x128xf32>
    %get3A_2 = arith.constant 0 : index
    %get3A_3 = arith.constant 0 : index
    %get3A_4 = vector.load %arg4[%get3A_2, %get3A_3] : memref<128x64xf32, #tpu.memory_space<vmem>>, vector<128x64xf32>
    %dot_general3A = arith.constant dense<0.000000e+00> : vector<256x64xf32>
    %dot_general3A_5 = tpu.matmul %get3A_1, %get3A_4, %dot_general3A {dimension_numbers = #tpu.dot_dimension_numbers<[1], [0], [0], [1], [0, 0, 1, 1], [], []>, transpose_lhs_hint = false} : vector<256x128xf32>, vector<128x64xf32>, vector<256x64xf32> -> vector<256x64xf32>
    %get3A_6 = arith.constant 0 : index
    %get3A_7 = arith.constant 0 : index
    %get3A_8 = vector.load %arg5[%get3A_6, %get3A_7] : memref<1x64xf32, #tpu.memory_space<vmem>>, vector<1x64xf32>
    %add3A = vector.broadcast %get3A_8 : vector<1x64xf32> to vector<256x64xf32>
    %add3A_9 = arith.addf %dot_general3A_5, %add3A : vector<256x64xf32>
    %logistic3A = arith.negf %add3A_9 : vector<256x64xf32>
    %logistic3A_10 = math.exp %logistic3A : vector<256x64xf32>
    %logistic3A_11 = arith.constant 1.000000e+00 : f32
    %logistic3A_12 = vector.broadcast %logistic3A_11 : f32 to vector<256x64xf32>
    %logistic3A_13 = arith.addf %logistic3A_12, %logistic3A_10 : vector<256x64xf32>
    %logistic3A_14 = arith.divf %logistic3A_12, %logistic3A_13 : vector<256x64xf32>
    %mul3A = arith.mulf %add3A_9, %logistic3A_14 : vector<256x64xf32>
    %get3A_15 = arith.constant 0 : index
    %get3A_16 = arith.constant 0 : index
    %get3A_17 = vector.load %arg6[%get3A_15, %get3A_16] : memref<64x1xf32, #tpu.memory_space<vmem>>, vector<64x1xf32>
    %dot_general3A_18 = arith.constant dense<0.000000e+00> : vector<256x1xf32>
    %dot_general3A_19 = tpu.matmul %mul3A, %get3A_17, %dot_general3A_18 {dimension_numbers = #tpu.dot_dimension_numbers<[1], [0], [0], [1], [0, 0, 1, 1], [], []>, transpose_lhs_hint = false} : vector<256x64xf32>, vector<64x1xf32>, vector<256x1xf32> -> vector<256x1xf32>
    %get3A_20 = arith.constant 0 : index
    %get3A_21 = arith.constant 0 : index
    %get3A_22 = vector.load %arg7[%get3A_20, %get3A_21] : memref<1x1xf32, #tpu.memory_space<vmem>>, vector<1x1xf32>
    %add3A_23 = vector.broadcast %get3A_22 : vector<1x1xf32> to vector<256x1xf32>
    %add3A_24 = arith.addf %dot_general3A_19, %add3A_23 : vector<256x1xf32>
    %get3A_25 = arith.constant 0 : index
    %get3A_26 = arith.constant 0 : index
    %get3A_27 = vector.load %arg3[%get3A_25, %get3A_26] : memref<256x1xf32, #tpu.memory_space<vmem>>, vector<256x1xf32>
    %mul3A_28 = arith.mulf %add3A_24, %get3A_27 : vector<256x1xf32>
    %iota3A = tpu.iota {dimensions = array<i32: 1>} : vector<256x32xi32>
    %get3A_29 = arith.constant 0 : index
    %get3A_30 = arith.constant 0 : index
    %get3A_31 = vector.load %arg2[%get3A_29, %get3A_30] : memref<256x1xi32, #tpu.memory_space<vmem>>, vector<256x1xi32>
    %eq3A = vector.broadcast %get3A_31 : vector<256x1xi32> to vector<256x32xi32>
    %eq3A_32 = arith.cmpi eq, %eq3A, %iota3A : vector<256x32xi32>
    %convert_element_type3A = arith.extui %eq3A_32 : vector<256x32xi1> to vector<256x32xi32>
    %convert_element_type3A_33 = arith.sitofp %convert_element_type3A : vector<256x32xi32> to vector<256x32xf32>
    %get3A_34 = arith.constant 0 : index
    %get3A_35 = arith.constant 0 : index
    %get3A_36 = vector.load %arg8[%get3A_34, %get3A_35] : memref<32x1xf32, #tpu.memory_space<vmem>>, vector<32x1xf32>
    %dot_general3A_37 = arith.constant dense<0.000000e+00> : vector<256x1xf32>
    %dot_general3A_38 = tpu.matmul %convert_element_type3A_33, %get3A_36, %dot_general3A_37 {dimension_numbers = #tpu.dot_dimension_numbers<[1], [0], [0], [1], [0, 0, 1, 1], [], []>, transpose_lhs_hint = false} : vector<256x32xf32>, vector<32x1xf32>, vector<256x1xf32> -> vector<256x1xf32>
    %add3A_39 = arith.addf %mul3A_28, %dot_general3A_38 : vector<256x1xf32>
    %reduce_sum3A = vector.shape_cast %add3A_39 : vector<256x1xf32> to vector<1x256x1xf32>
    %reduce_sum3A_40 = arith.constant dense<0.000000e+00> : vector<1xf32>
    %reduce_sum3A_41 = vector.multi_reduction <add>, %reduce_sum3A, %reduce_sum3A_40 [1, 2] : vector<1x256x1xf32> to vector<1xf32>
    %reduce_sum3A_42 = vector.shape_cast %reduce_sum3A_41 : vector<1xf32> to vector<1x1x1xf32>
    %reduce_sum3A_43 = vector.extract %reduce_sum3A_42[0, 0, 0] : f32 from vector<1x1x1xf32>
    %eq3A_44 = arith.constant 0 : i32
    %eq3A_45 = arith.cmpi eq, %arg0, %eq3A_44 : i32
    %convert_element_type3A_46 = arith.extui %eq3A_45 : i1 to i32
    %cond3A = arith.constant 0 : i32
    %cond3A_47 = arith.cmpi ne, %convert_element_type3A_46, %cond3A : i32
    scf.if %cond3A_47 {
      %broadcast_in_dim3A = arith.constant 0.000000e+00 : f32
      %broadcast_in_dim3A_55 = vector.broadcast %broadcast_in_dim3A : f32 to vector<1x1xf32>
      %swap3A_56 = arith.constant 0 : index
      %swap3A_57 = arith.constant 0 : index
      %swap3A_58 = vector.load %arg9[%swap3A_56, %swap3A_57] : memref<1x1xf32, #tpu.memory_space<vmem>>, vector<1x1xf32>
      tpu.vector_store %arg9[%swap3A_56, %swap3A_57], %broadcast_in_dim3A_55 {strides = array<i32>} : memref<1x1xf32, #tpu.memory_space<vmem>>, vector<1x1xf32>,
    } else {
    }
    %get3A_48 = arith.constant 0 : index
    %get3A_49 = arith.constant 0 : index
    %get3A_50 = vector.load %arg9[%get3A_48, %get3A_49] : memref<1x1xf32, #tpu.memory_space<vmem>>, vector<1x1xf32>
    %add3A_51 = vector.broadcast %reduce_sum3A_43 : f32 to vector<1x1xf32>
    %add3A_52 = arith.addf %get3A_50, %add3A_51 : vector<1x1xf32>
    %swap3A = arith.constant 0 : index
    %swap3A_53 = arith.constant 0 : index
    %swap3A_54 = vector.load %arg9[%swap3A, %swap3A_53] : memref<1x1xf32, #tpu.memory_space<vmem>>, vector<1x1xf32>
    tpu.vector_store %arg9[%swap3A, %swap3A_53], %add3A_52 {strides = array<i32>} : memref<1x1xf32, #tpu.memory_space<vmem>>, vector<1x1xf32>,
    return
  }
  func.func @transform_0(%arg0: i32) -> (i32, i32) {
    %c0_i32 = arith.constant 0 : i32
    %c0_i32_0 = arith.constant 0 : i32
    return %arg0, %c0_i32 : i32, i32
  }
  func.func @transform_1(%arg0: i32) -> (i32, i32) {
    %c0_i32 = arith.constant 0 : i32
    %c0_i32_0 = arith.constant 0 : i32
    return %arg0, %c0_i32 : i32, i32
  }
  func.func @transform_2(%arg0: i32) -> (i32, i32) {
    %c0_i32 = arith.constant 0 : i32
    %c0_i32_0 = arith.constant 0 : i32
    return %arg0, %c0_i32 : i32, i32
  }
  func.func @transform_3(%arg0: i32) -> (i32, i32) {
    %c0_i32 = arith.constant 0 : i32
    %c0_i32_0 = arith.constant 0 : i32
    %c0_i32_1 = arith.constant 0 : i32
    return %c0_i32, %c0_i32_0 : i32, i32
  }
  func.func @transform_4(%arg0: i32) -> (i32, i32) {
    %c0_i32 = arith.constant 0 : i32
    %c0_i32_0 = arith.constant 0 : i32
    %c0_i32_1 = arith.constant 0 : i32
    return %c0_i32, %c0_i32_0 : i32, i32
  }
  func.func @transform_5(%arg0: i32) -> (i32, i32) {
    %c0_i32 = arith.constant 0 : i32
    %c0_i32_0 = arith.constant 0 : i32
    %c0_i32_1 = arith.constant 0 : i32
    return %c0_i32, %c0_i32_0 : i32, i32
  }
  func.func @transform_6(%arg0: i32) -> (i32, i32) {
    %c0_i32 = arith.constant 0 : i32
    %c0_i32_0 = arith.constant 0 : i32
    %c0_i32_1 = arith.constant 0 : i32
    return %c0_i32, %c0_i32_0 : i32, i32
  }
  func.func @transform_7(%arg0: i32) -> (i32, i32) {
    %c0_i32 = arith.constant 0 : i32
    %c0_i32_0 = arith.constant 0 : i32
    %c0_i32_1 = arith.constant 0 : i32
    return %c0_i32, %c0_i32_0 : i32, i32
  }
  func.func @transform_8(%arg0: i32) -> (i32, i32) {
    %c0_i32 = arith.constant 0 : i32
    %c0_i32_0 = arith.constant 0 : i32
    %c0_i32_1 = arith.constant 0 : i32
    return %c0_i32, %c0_i32_0 : i32, i32
  }
}

</mosaic_0001>

<sc_bundles>
// kernel: kernel.20.cloned.1.call-start
scs
__scs_entry_jumppad:
0x0: {  	(pc) =	sbr.rel $0x88, $3  }
0x1: {  	(tag) =	ssettag $0x0;
	lr =	simm.s32 $0x1  }
0x2: {  	[smem:$0x3F72] =	sst lr;
	_ =	strace $0xD0000000  }
0x3: {  	_ = 	snop  }
0x4: {  	_ = 	snop  }
0x5: {  	_ = 	snop  }
0x6: {  	_ = 	snop  }
0x7: {  	_ = 	snop  }
__scs_overlays_trampoline_lowered:
0x8: {  	[smem:$0x3F81] =	sst s0  }
0x9: {  	[smem:$0x3F82] =	sst s1  }
0xa: {  	[smem:$0x3F83] =	sst s2  }
0xb: {  	[smem:$0x3F84] =	sst s3  }
0xc: {  	[smem:$0x3F85] =	sst s4  }
0xd: {  	[smem:$0x3F86] =	sst s5  }
0xe: {  	[smem:$0x3F87] =	sst s6  }
0xf: {  	[smem:$0x3F88] =	sst s7  }
0x10: {  	[smem:$0x3F89] =	sst s8  }
0x11: {  	[smem:$0x3F8A] =	sst s9;
	s0 =	simm.s32 @!p0 $0x0  }
0x12: {  	s1 =	sld [smem:$0x3F70];
	s0 =	simm.s32 @p0 $0x1  }
0x13: {  	[smem:$0x3F8B] =	sst s0;
	s0 =	simm.s32 @!p1 $0x0  }
0x14: {  	s2 =	sld [smem:$0x3F6F];
	s0 =	simm.s32 @p1 $0x1  }
0x15: {  	[smem:$0x3F8C] =	sst s0;
	s0 =	simm.s32 @!p2 $0x0  }
0x16: {  	s3 =	sld [smem:$0x3FDB];
	s0 =	simm.s32 @p2 $0x1  }
0x17: {  	s4 =	simm.s32 $0x1BF5;
	[smem:$0x3F8E] =	sst s0  }
0x18: {  	s0 =	sld [smem:$0x3F71];
	_ =	swait.ge [sflag:s4], $0x0  }
0x19: {  	s7 =	sld [smem:$0x3F72]  }
0x1a: {  	s8 =	sadd.s32 $0xFFFFE003, lr  }
0x1b: {  	s9 =	sadd.s32 $0xFFFFFEF7, lr;
	s5 =	simm.s32 $0xFFFFFFFF;
	p2 =	slt.u32 s8, $0xFFFFF086  }
0x1c: {  	p1 =	slt.u32 s9, $0xF7A;
	s5 =	simm.s32 @!p2 $0x0  }
0x1d: {  	s5 =	simm.s32 @p1 $0x1;
	p0 =	seq.s32 s7, s2  }
0x1e: {  	s7 =	smul.u32 @!p0 $0xF7A, s2;
	p2 =	seq.s32 @!p0 s5, $0x0  }
0x1f: {  	s9 =	smul.u32 $0xF7A, s1;
	s8 =	simm.s32 @!p0 $0x1BF5;
	p2 =	por !p2, p0  }
0x20: {  	[sflag:s8] =	ssyncset.s32 @!p0 $0xFFFFF086;
	s6 =	sadd.s32 @!p0 s3, s7;
	s7 =	simm.s32 @!p0 $0x108  }
0x21: {  	s3 =	sadd.s32 s3, s9;
	s6 =	sadd.s32 @!p0 $0x88, s6;
	s7 =	simm.s32 @p2 $0x1082  }
0x22: {  	[simem:s7], [sflag:s8] =	dma.local @!p0 [hbm:s6], $0xF7A  }
0x23: {  	s9 =	sor.u32 $0xD0000000, s2;
	s6 =	simm.s32 $0x108;
	_ =	swait.ge @!p0 [sflag:s8], $0x0  }
0x24: {  	s3 =	sadd.s32 $0x88, s3;
	s6 =	simm.s32 @!p1 $0x1082;
	[sflag:s4] =	ssyncset.s32 $0xFFFFF086  }
0x25: {  	[simem:s6], [sflag:s4] =	dma.local [hbm:s3], $0xF7A  }
0x26: {  	[smem:$0x3F72] =	sst s1;
	(tag) =	ssettag s2;
	_ =	strace s9  }
0x27: {  	s1 =	sld [smem:$0x3F82]  }
0x28: {  	s2 =	sld [smem:$0x3F83]  }
0x29: {  	s4 =	sld [smem:$0x3F85]  }
0x2a: {  	p0 =	seq.s32 s5, $0x0;
	s5 =	sld [smem:$0x3F86]  }
0x2b: {  	s6 =	sld [smem:$0x3F87]  }
0x2c: {  	s7 =	sld [smem:$0x3F88]  }
0x2d: {  	s3 =	simm.s32 $0x108;
	s8 =	sld [smem:$0x3F89]  }
0x2e: {  	s3 =	simm.s32 @!p0 $0x1082;
	s9 =	sld [smem:$0x3F8A]  }
0x2f: {  	lr =	sadd.s32 s0, s3;
	s0 =	sld [smem:$0x3F81]  }
0x30: {  	s3 =	sld [smem:$0x3F84]  }
0x31: {  	[smem:$0x3F8D] =	sst s10  }
0x32: {  	s10 =	sld [smem:$0x3F8B];
	_ =	sdelay $0x3  }
0x33: {  	p0 =	seq.s32 s10, $0x1;
	s10 =	sld [smem:$0x3F8D];
	_ =	sdelay $0x3  }
0x34: {  	[smem:$0x3F8D] =	sst s10  }
0x35: {  	s10 =	sld [smem:$0x3F8C];
	_ =	sdelay $0x3  }
0x36: {  	p1 =	seq.s32 s10, $0x1;
	s10 =	sld [smem:$0x3F8D];
	_ =	sdelay $0x3  }
0x37: {  	[smem:$0x3F8D] =	sst s10  }
0x38: {  	s10 =	sld [smem:$0x3F8E]  }
0x39: {  	_ = 	snop;
	(pc) =	sbr.ind lr, $3  }
0x3a: {  	_ = 	snop  }
0x3b: {  	_ = 	snop  }
0x3c: {  	p2 =	seq.s32 s10, $0x1;
	s10 =	sld [smem:$0x3F8D]  }
0x3d: {  	_ =	shalt  }
0x3e: {  	_ =	shalt  }
0x3f: {  	_ =	shalt  }
0x40: {  	_ =	shalt  }
0x41: {  	_ =	shalt  }
0x42: {  	_ =	shalt  }
0x43: {  	_ =	shalt  }
0x44: {  	_ =	shalt  }
0x45: {  	_ =	shalt  }
0x46: {  	_ =	shalt  }
0x47: {  	_ =	shalt  }
0x48: {  	_ =	shalt  }
0x49: {  	_ =	shalt  }
0x4a: {  	_ =	shalt  }
0x4b: {  	_ =	shalt  }
0x4c: {  	_ =	shalt  }
0x4d: {  	_ =	shalt  }
0x4e: {  	_ =	shalt  }
0x4f: {  	_ =	shalt  }
0x50: {  	_ =	shalt  }
0x51: {  	_ =	shalt  }
0x52: {  	_ =	shalt  }
0x53: {  	_ =	shalt  }
0x54: {  	_ =	shalt  }
0x55: {  	_ =	shalt  }
0x56: {  	_ =	shalt  }
0x57: {  	_ =	shalt  }
0x58: {  	_ =	shalt  }
0x59: {  	_ =	shalt  }
0x5a: {  	_ =	shalt  }
0x5b: {  	_ =	shalt  }
0x5c: {  	_ =	shalt  }
0x5d: {  	_ =	shalt  }
0x5e: {  	_ =	shalt  }
0x5f: {  	_ =	shalt  }
0x60: {  	_ =	shalt  }
0x61: {  	_ =	shalt  }
0x62: {  	_ =	shalt  }
0x63: {  	_ =	shalt  }
0x64: {  	_ =	shalt  }
0x65: {  	_ =	shalt  }
0x66: {  	_ =	shalt  }
0x67: {  	_ =	shalt  }
0x68: {  	_ =	shalt  }
0x69: {  	_ =	shalt  }
0x6a: {  	_ =	shalt  }
0x6b: {  	_ =	shalt  }
0x6c: {  	_ =	shalt  }
0x6d: {  	_ =	shalt  }
0x6e: {  	_ =	shalt  }
0x6f: {  	_ =	shalt  }
0x70: {  	_ =	shalt  }
0x71: {  	_ =	shalt  }
0x72: {  	_ =	shalt  }
0x73: {  	_ =	shalt  }
0x74: {  	_ =	shalt  }
0x75: {  	_ =	shalt  }
0x76: {  	_ =	shalt  }
0x77: {  	_ =	shalt  }
0x78: {  	_ =	shalt  }
0x79: {  	_ =	shalt  }
0x7a: {  	_ =	shalt  }
0x7b: {  	_ =	shalt  }
0x7c: {  	_ =	shalt  }
0x7d: {  	_ =	shalt  }
0x7e: {  	_ =	shalt  }
0x7f: {  	_ =	shalt  }
0x80: {  	_ =	shalt  }
0x81: {  	_ =	shalt  }
0x82: {  	_ =	shalt  }
0x83: {  	_ =	shalt  }
0x84: {  	_ =	shalt  }
0x85: {  	_ =	shalt  }
0x86: {  	_ =	shalt  }
0x87: {  	_ =	shalt  }
.Lfunc_end0:
.L_simem_size_0:
called_computation_lowered:
.L_overlay_start_0:
0x88: {  	s2 =	sld [smem:$0x3FD9]  }
0x89: {  	s3 =	sld [smem:$0x3FFE];
	_ =	sdelay $0x1  }
0x8a: {  	s1 =	srdreg.scid  }
0x8b: {  	s0 =	sand.u32 $0x1, s1  }
0x8c: {  	s16 =	sshll.u32 s0, $0xA;
	s2 =	sadd.s32 s3, s2  }
0x8d: {  	s2 =	sadd.s32 s2, s16  }
0x8e: {  	[smem:$0x3F99] =	sst s2  }
0x8f: {  	_ = 	snop  }
0x90: {  	(tm) =	ssettm $0x1  }
0x91: {  	s17 =	sld [smem:$0x3FFB];
	_ =	sdelay $0x3  }
0x92: {  	_ =	strace s17  }
0x93: {  	s2 =	sld [smem:$0x3FFC];
	_ =	sdelay $0x3  }
0x94: {  	_ =	strace s2  }
0x95: {  	s2 =	sld [smem:$0x3FFD];
	_ =	sdelay $0x3  }
0x96: {  	_ =	strace s2  }
0x97: {  	_ =	strace $0x8FFFFFFF  }
0x98: {  	s18 =	sld [smem:$0x3FDB];
	_ =	sdelay $0x1  }
0x99: {  	s19 =	simm.s32 $_scs_section_size  }
0x9a: {  	s4 =	simm.s32 $_size__tile_overlayer_lowered;
	s5 =	simm.s32 $_tile_overlayer_lowered  }
0x9b: {  	s22 =	simm.s32 $0x1BFF;
	s21 =	sshll.u32 s5, $0x1;
	s2 =	sadd.s32 s19, s18  }
0x9c: {  	s6 =	simm.s32 $0x0;
	s20 =	sshll.u32 s4, $0x1;
	s4 =	sadd.s32 s21, s2  }
0x9d: {  	[timem:s6], [sflag:s22] =	dma.local [hbm:s4], s20  }
0x9e: {  	_ =	swait.ge [sflag:s22], s20  }
0x9f: {  	s3 =	ssub.s32 $0x0, s20;
	[sflag:s22] =	ssyncset.done $0x0  }
0xa0: {  	[sflag:s22] =	ssyncadd.s32 s3;
	_ =	sdelay $0x1  }
0xa1: {  	s23 =	simm.s32 $0x1B8B  }
0xa2: {  	_ =	swait.ge [sflag:s23], $0x1  }
0xa3: {  	[sflag:s23] =	ssyncset.done $0x0  }
0xa4: {  	s25 =	simm.s32 $0x1B8E;
	s24 =	sld [smem:$0x3FFE];
	[sflag:s23] =	ssyncadd.s32 $0xFFFFFFFF  }
0xa5: {  	s26 =	simm.s32 $execute0_lowered;
	[smem:$0x3FD2] =	sst s25  }
0xa6: {  	s4 =	sshll.u32 s26, $0x1;
	_ =	strace $0x80000046;
	[dreg:$0x1] =	wrdreg $0xFFFFFFFF  }
0xa7: {  	s28 =	simm.s32 $_size_execute0_lowered;
	s2 =	sadd.s32 s2, s4;
	[dreg:$0x0] =	wrdreg $0x0  }
0xa8: {  	s4 =	sshll.u32 s28, $0x1;
	[dreg:$0x2] =	wrdreg s2  }
0xa9: {  	[dreg:$0x3] =	wrdreg s4  }
0xaa: {  	[dreg:$0x4] =	wrdreg $0xC0  }
0xab: {  	_ =	task [dreg:s6], $0x5FFFF  }
0xac: {  	[dreg:$0x1] =	wrdreg $0xFFFFFFFF  }
0xad: {  	[dreg:$0x0] =	wrdreg $0x60  }
0xae: {  	[dreg:$0x2] =	wrdreg s24  }
0xaf: {  	[dreg:$0x3] =	wrdreg $0x9  }
0xb0: {  	_ =	task.clear_ibuf [dreg:s6], $0x4FFFF;
	_ =	strace $0x90000046  }
0xb1: {  	s29 =	simm.s32 $0x9;
	_ =	strace $0x8000004F  }
0xb2: {  	_ =	swait.ge [sflag:s29], $0x1  }
0xb3: {  	[sflag:s29] =	ssyncadd.s32 $0xFFFFFFFF  }
0xb4: {  	_ =	strace $0x9000004F  }
0xb5: {  	_ =	sfence  }
0xb6: {  	s30 =	sld [smem:$0x0];
	_ =	sdelay $0x2  }
0xb7: {  	s31 =	sshll.u32 s1, $0xD;
	s1 =	sshrl.u32 s1, $0x2  }
0xb8: {  	s3 =	sand.u32 $0x4000, s31;
	s1 =	sadd.s32 s1, s30  }
0xb9: {  	s0 =	sor.u32 s3, s0;
	s1 =	sshll.u32 s1, $0x11  }
0xba: {  	s0 =	sor.u32 s1, s0  }
0xbb: {  	s0 =	sadd.s32 $0x8F2B, s0  }
0xbc: {  	[sflag:s0] =	ssyncadd.remote.s32 $0x1  }
0xbd: {  	_ =	sfence.sel $0xFFFF  }
0xbe: {  	[dreg:$0x0] =	wrdreg $0xFFFFFFFF;
	(pc) =	sbr.abs _section_cstart, $3  }
0xbf: {  	[dreg:$0x1] =	wrdreg $0xFFFFFFFF  }
0xc0: {  	_ =	task.clear_ibuf [dreg:s6], $0x2FFFF;
	_ =	strace $0x9FFFFFFF  }
0xc1: {  	(tm) =	ssettm $0x7FFFFFFF  }
tec
execute0_lowered:
.L_overlay_start_1:
0x0: {  	(tag) =	ssettag $0x1  }
0x1: {  	s3 =	rddreg [dreg:$0x0]  }
0x2: {  	s0 =	rddreg [dreg:$0x1];
	s2 =	simm.s32 $0x0  }
0x3: {  	s4 =	srdreg.scid;
	s1 =	stileid.u32;
	s8 =	simm.s32 $0x80  }
0x4: {  	s9 =	simm.s32 $0x0;
	[smem:$0x7FF] =	sst s2;
	s5 =	sadd.s32 $0x29600, s3  }
0x5: {  	s4 =	sand.u32 $0x1, s4;
	s6 =	sshll.u32 s1, $0x1;
	s30 =	sadd.s32 $0x51600, s3  }
0x6: {  	s3 =	sadd.s32 $0x15600, s3;
	_ =	strace $0x80000047;
	[dreg:$0x2] =	wrdreg s5  }
0x7: {  	s29 =	sor.u32 s4, s6;
	s4 =	ssub.s32 $0x2, s4;
	[dreg:$0x4] =	wrdreg s30  }
0x8: {  	[dreg:$0x3] =	wrdreg s8;
	s7 =	smul.u32 $0xA00, s29;
	s31 =	sshrl.u32 s4, $0x1  }
0x9: {  	s8 =	simm.s32 $0x5;
	s6 =	ssub.s32 s4, s31;
	s4 =	smul.u32 $0xA0, s29  }
0xa: {  	s5 =	sadd.s32 s3, s7;
	s6 =	smax.u32 s6, $0x1;
	s7 =	simm.s32 $0x1  }
.LBB2_1:
0xb: {  	_ =	strace $0x80000048;
	s10 =	simm.s32 $0x1;
	p0 =	por $0x0, $0x0  }
0xc: {  	[tilespmem:s2], [sflag:$0x1] =	stream.linear.gather [hbm4b:s5+s2], $0x80, $0x200038;
	[tilespmem:$0x8100] =	vst v63  }
0xd: {  	s10 =	simm.s32 @p0 $0x0  }
0xe: {  	p4 =	por $0x1, $0x1;
	s19 =	sand.u32 $0x1, s2;
	p1 =	sne.s32 s10, $0x0  }
0xf: {  	p2 =	por $0x1, $0x1;
	s17 =	simm.s32 $0x9E;
	p0 =	por !p4, !p1  }
0x10: {  	s15 =	simm.s32 $0x0;
	p5 =	por $0x0, $0x0;
	p0 =	por !p0, !p0  }
0x11: {  	s22 =	sadd.s32 $0x0, s4;
	s30 =	sadd.s32 $0x1, s19;
	s11 =	sadd.s32 @p0 s4, s10  }
0x12: {  	_ =	strace $0x90000048;
	s12 =	sand.u32 @p0 $0x1, s7;
	s11 =	sshll.u32 @p0 s11, $0x4  }
0x13: {  	_ =	strace @p0 $0x80000049;
	s14 =	simm.s32 @p0 $0x0;
	s11 =	sand.u32 @p0 $0x1FFFFFF0, s11  }
0x14: {  	s13 =	sshll.u32 @p0 s12, $0x7;
	s12 =	sadd.s32 @p0 $0x1, s12;
	s11 =	sadd.s32 @p0 s3, s11  }
0x15: {  	[tilespmem:s13], [sflag:s12] =	stream.linear.gather @p0 [hbm4b:s11+s14], $0x80, $0x200038;
	[tilespmem:$0x8100] =	vst v63  }
0x16: {  	p3 =	por p2, p2;
	s20 =	sshll.u32 s19, $0xE;
	_ =	strace @p0 $0x90000049  }
0x17: {  	s15 =	sand.u32 $0x80, s15;
	p2 =	por p5, p5;
	_ =	strace $0x8000004A  }
0x18: {  	s16 =	sadd.s32 $0x1, s10;
	s21 =	sor.u32 $0x100, s20;
	_ =	swait.ge [sflag:s30], $0x80  }
0x19: {  	s20 =	simm.s32 $0x1;
	p6 =	por p1, p1;
	[sflag:s30] =	ssyncset.done $0x0  }
0x1a: {  	p1 =	por p3, p3;
	p4 =	por $0x1, $0x1;
	[sflag:s30] =	ssyncadd.s32 $0xFFFFFF80  }
0x1b: {  	s11 =	simm.s32 $0x9F;
	s14 =	sand.u32 @!p3 $0x1, s2;
	_ =	strace $0x9000004A  }
0x1c: {  	s12 =	simm.s32 $0x1;
	p3 =	seq.s32 s16, $0xA0;
	_ =	strace $0x8000004B  }
0x1d: {  	s12 =	simm.s32 @!p0 $0x0;
	s16 =	simm.s32 @p3 $0x0;
	s18 =	rddreg [dreg:$0x3]  }
0x1e: {  	p0 =	por $0x0, $0x0;
	s13 =	sadd.s32 $0x1, s12;
	s31 =	rddreg [dreg:$0x2]  }
0x1f: {  	[tilespmem:s21], [sflag:$0x5] =	stream.indirect.gather [hbm4b:s31+s18], $0x80, s15, s18, $0x2000b8;
	[tilespmem:$0x8100] =	vst v63  }
0x20: {  	p3 =	sne.s32 s10, s16;
	s20 =	simm.s32 @!p0 $0x0;
	_ =	swait.ge [sflag:s8], $0x4000  }
0x21: {  	p5 =	por !p4, !p3;
	p4 =	por $0x0, $0x0;
	[sflag:s8] =	ssyncset.done $0x0  }
0x22: {  	s12 =	simm.s32 $0x0;
	p6 =	por p4, p6;
	[sflag:s8] =	ssyncadd.s32 $0xFFFFC000  }
0x23: {  	s15 =	simm.s32 $0x0;
	s18 =	simm.s32 $0x0;
	_ =	strace $0x9000004B  }
.LBB2_2:
0x24: {  	_ =	strace @p6 $0x8000004C;
	s30 =	smov.u32 s11  }
0x25: {  	s11 =	smov.u32 s17;
	s17 =	sadd.s32 $0xFFFFFFFF, s17;
	p0 =	por p3, p3  }
0x26: {  	s26 =	sshll.u32 @p6 s22, $0xB;
	s19 =	sadd.s32 @p6 $0x3, s19;
	s23 =	simm.s32 @!p0 $0x0  }
0x27: {  	s24 =	rddreg [dreg:$0x4];
	s26 =	sand.u32 @p6 $0x1FFFF800, s26;
	s23 =	simm.s32 @p0 $0x1  }
0x28: {  	s24 =	sadd.s32 @p6 s24, s26;
	s26 =	simm.s32 @p6 $0x0;
	p0 =	sne.s32 s17, $0x0  }
0x29: {  	[hbm4b:s24+s26] =	stream.linear.scatter @p6 [tilespmem:s21], [sflag:s19], $0x4000, $0x200038;
	[tilespmem:$0x8100] =	vst v63  }
0x2a: {  	s12 =	sadd.s32 s20, s12;
	s19 =	sadd.s32 @!p1 $0x3, s14;
	s14 =	simm.s32 @!p0 $0x0  }
0x2b: {  	s25 =	simm.s32 $0x1;
	[smem:$0x7FC] =	sst s23;
	s14 =	simm.s32 @p0 $0x1  }
0x2c: {  	s25 =	simm.s32 @!p6 $0x0;
	_ =	strace @p6 $0x9000004C;
	[smem:$0x7FD] =	sst s14  }
0x2d: {  	p5 =	por !p5, !p5;
	s18 =	sadd.s32 s25, s18;
	_ =	strace @!p1 $0x8000004D  }
0x2e: {  	s23 =	sand.u32 @!p2 $0x1, s12;
	s21 =	sand.u32 @p5 $0x1, s13;
	_ =	swait.ge @!p1 [sflag:s19], $0x4000  }
0x2f: {  	s14 =	smov.u32 s23;
	s23 =	sadd.s32 @p5 s4, s16;
	[sflag:s19] =	ssyncset.done @!p1 $0x0  }
0x30: {  	s24 =	sshll.u32 @p5 s21, $0x7;
	s23 =	sshll.u32 @p5 s23, $0x4;
	[sflag:s19] =	ssyncadd.s32 @!p1 $0xFFFFC000  }
0x31: {  	s19 =	sadd.s32 @p5 $0x1, s21;
	s21 =	sand.u32 @p5 $0x1FFFFFF0, s23;
	_ =	strace @!p1 $0x9000004D  }
0x32: {  	s23 =	simm.s32 @p5 $0x0;
	s21 =	sadd.s32 @p5 s3, s21;
	_ =	strace @p5 $0x80000049  }
0x33: {  	[tilespmem:s24], [sflag:s19] =	stream.linear.gather @p5 [hbm4b:s21+s23], $0x80, $0x200038;
	[tilespmem:$0x8100] =	vst v63  }
0x34: {  	s15 =	sadd.s32 s25, s15;
	s25 =	sand.u32 $0x1, s18;
	_ =	strace @p5 $0x90000049  }
0x35: {  	s23 =	sadd.s32 $0x1, s25;
	_ =	strace $0x8000004A  }
0x36: {  	_ =	swait.ge [sflag:s23], $0x80  }
0x37: {  	[sflag:s23] =	ssyncset.done $0x0  }
0x38: {  	s19 =	simm.s32 $0x1;
	[sflag:s23] =	ssyncadd.s32 $0xFFFFFF80  }
0x39: {  	s19 =	simm.s32 @!p5 $0x0;
	_ =	strace $0x9000004A  }
0x3a: {  	s13 =	sadd.s32 s19, s13;
	s19 =	sand.u32 $0x1, s15;
	_ =	strace $0x8000004B  }
0x3b: {  	s31 =	sshll.u32 s18, $0x7;
	s24 =	sshll.u32 s19, $0xE;
	s25 =	rddreg [dreg:$0x3]  }
0x3c: {  	s29 =	sand.u32 $0x80, s31;
	s21 =	sor.u32 $0x100, s24;
	s26 =	rddreg [dreg:$0x2]  }
0x3d: {  	[tilespmem:s21], [sflag:$0x5] =	stream.indirect.gather [hbm4b:s26+s25], $0x80, s29, s25, $0x2000b8;
	[tilespmem:$0x8100] =	vst v63  }
0x3e: {  	_ =	swait.ge [sflag:s8], $0x4000  }
0x3f: {  	[sflag:s8] =	ssyncset.done $0x0  }
0x40: {  	s28 =	sadd.s32 $0x1, s16;
	[sflag:s8] =	ssyncadd.s32 $0xFFFFC000  }
0x41: {  	s22 =	sadd.s32 s4, s10;
	s10 =	smov.u32 s16;
	_ =	strace $0x9000004B  }
0x42: {  	p3 =	seq.s32 s28, $0xA0;
	s16 =	smov.u32 s28;
	s31 =	sld [smem:$0x7FD]  }
0x43: {  	s20 =	simm.s32 $0x1;
	s16 =	simm.s32 @p3 $0x0  }
0x44: {  	p6 =	sne.s32 s11, $0x1;
	p0 =	sne.s32 s30, $0xA0;
	p3 =	sne.s32 s10, s16  }
0x45: {  	s20 =	simm.s32 @!p0 $0x0;
	p5 =	por !p6, !p3;
	p0 =	seq.s32 s31, $0x1  }
.Ltmp0:
0x46: {  	p6 =	seq.s32 s30, $0x1;
	s30 =	sld [smem:$0x7FC];
	(pc) =	sbr.rel @p0 .LBB2_2-.Ltmp0, $4  }
0x47: {  	_ = 	snop  }
0x48: {  	p4 =	seq.s32 s11, $0xA0  }
0x49: {  	p1 =	por p2, p2;
	p2 =	por p4, p4;
	p4 =	seq.s32 s30, $0x1  }
0x4a: {  	p6 =	por p6, p4  }
0x4b: {  	_ =	strace @p6 $0x8000004C;
	s22 =	sshll.u32 @p6 s22, $0xB  }
0x4c: {  	s17 =	rddreg [dreg:$0x4];
	s22 =	sand.u32 @p6 $0x1FFFF800, s22  }
0x4d: {  	s19 =	sadd.s32 @p6 $0x3, s19;
	s17 =	sadd.s32 @p6 s17, s22;
	s22 =	simm.s32 @p6 $0x0  }
0x4e: {  	[hbm4b:s17+s22] =	stream.linear.scatter @p6 [tilespmem:s21], [sflag:s19], $0x4000, $0x200038;
	[tilespmem:$0x8100] =	vst v63  }
0x4f: {  	p0 =	por !p5, !p5;
	_ =	strace @p6 $0x9000004C  }
0x50: {  	s14 =	sadd.s32 @!p1 $0x3, s14;
	s16 =	sadd.s32 @p0 s4, s16;
	_ =	strace @!p1 $0x8000004D  }
0x51: {  	s13 =	sand.u32 @p0 $0x1, s13;
	s16 =	sshll.u32 @p0 s16, $0x4;
	_ =	swait.ge @!p1 [sflag:s14], $0x4000  }
0x52: {  	s17 =	simm.s32 $0x1;
	s19 =	sshll.u32 @p0 s13, $0x7;
	[sflag:s14] =	ssyncset.done @!p1 $0x0  }
0x53: {  	s13 =	sadd.s32 @p0 $0x1, s13;
	s17 =	simm.s32 @!p6 $0x0;
	[sflag:s14] =	ssyncadd.s32 @!p1 $0xFFFFC000  }
0x54: {  	s18 =	sadd.s32 s17, s18;
	s14 =	sand.u32 @p0 $0x1FFFFFF0, s16;
	_ =	strace @!p1 $0x9000004D  }
0x55: {  	s16 =	simm.s32 @p0 $0x0;
	s14 =	sadd.s32 @p0 s3, s14;
	_ =	strace @p0 $0x80000049  }
0x56: {  	[tilespmem:s19], [sflag:s13] =	stream.linear.gather @p0 [hbm4b:s14+s16], $0x80, $0x200038;
	[tilespmem:$0x8100] =	vst v63  }
0x57: {  	s24 =	sand.u32 $0x1, s18;
	_ =	strace @p0 $0x90000049  }
0x58: {  	s13 =	sadd.s32 $0x1, s24;
	_ =	strace $0x8000004A  }
0x59: {  	_ =	swait.ge [sflag:s13], $0x80  }
0x5a: {  	[sflag:s13] =	ssyncset.done $0x0  }
0x5b: {  	[sflag:s13] =	ssyncadd.s32 $0xFFFFFF80  }
0x5c: {  	s25 =	sadd.s32 s17, s15;
	_ =	strace $0x9000004A  }
0x5d: {  	s13 =	sand.u32 $0x1, s25;
	_ =	strace $0x8000004B  }
0x5e: {  	s29 =	sshll.u32 s18, $0x7;
	s30 =	sshll.u32 s13, $0xE;
	s26 =	rddreg [dreg:$0x3]  }
0x5f: {  	s16 =	sand.u32 $0x80, s29;
	s17 =	sor.u32 $0x100, s30;
	s28 =	rddreg [dreg:$0x2]  }
0x60: {  	[tilespmem:s17], [sflag:$0x5] =	stream.indirect.gather [hbm4b:s28+s26], $0x80, s16, s26, $0x2000b8;
	[tilespmem:$0x8100] =	vst v63  }
0x61: {  	_ =	swait.ge [sflag:s8], $0x4000  }
0x62: {  	[sflag:s8] =	ssyncset.done $0x0  }
0x63: {  	p5 =	por p3, p3;
	p6 =	seq.s32 s11, $0x1;
	[sflag:s8] =	ssyncadd.s32 $0xFFFFC000  }
0x64: {  	s10 =	sadd.s32 s4, s10;
	p0 =	por p6, p5;
	_ =	strace $0x9000004B  }
0x65: {  	s10 =	sshll.u32 @p0 s10, $0xB;
	_ =	strace @p0 $0x8000004C  }
0x66: {  	s12 =	sadd.s32 s20, s12;
	s10 =	sand.u32 @p0 $0x1FFFF800, s10;
	s14 =	rddreg [dreg:$0x4]  }
0x67: {  	s13 =	sadd.s32 @p0 $0x3, s13;
	s10 =	sadd.s32 @p0 s14, s10;
	s14 =	simm.s32 @p0 $0x0  }
0x68: {  	[hbm4b:s10+s14] =	stream.linear.scatter @p0 [tilespmem:s17], [sflag:s13], $0x4000, $0x200038;
	[tilespmem:$0x8100] =	vst v63  }
0x69: {  	p1 =	por p2, p2;
	s10 =	sand.u32 @!p2 $0x1, s12;
	_ =	strace @p0 $0x9000004C  }
0x6a: {  	s10 =	sadd.s32 @!p1 $0x3, s10;
	_ =	strace @!p1 $0x8000004D  }
0x6b: {  	p0 =	sne.s32 s11, $0xA0;
	s11 =	simm.s32 $0x1;
	_ =	swait.ge @!p1 [sflag:s10], $0x4000  }
0x6c: {  	s11 =	simm.s32 @!p0 $0x0;
	[sflag:s10] =	ssyncset.done @!p1 $0x0  }
0x6d: {  	s9 =	sadd.s32 $0x1, s9;
	s11 =	sadd.s32 s11, s12;
	[sflag:s10] =	ssyncadd.s32 @!p1 $0xFFFFC000  }
0x6e: {  	p0 =	sne.s32 s9, s6;
	s31 =	sand.u32 $0x1, s11;
	_ =	strace @!p1 $0x9000004D  }
.Ltmp1:
0x6f: {  	s10 =	sadd.s32 $0x3, s31;
	_ =	strace $0x8000004E;
	(pc) =	sbr.rel @p0 .LBB2_1-.Ltmp1, $4  }
0x70: {  	_ =	swait.ge [sflag:s10], $0x4000  }
0x71: {  	[sflag:s10] =	ssyncset.done $0x0  }
0x72: {  	[sflag:s10] =	ssyncadd.s32 $0xFFFFC000  }
0x73: {  	_ =	strace $0x9000004E  }
0x74: {  	_ =	sfence.sel $0x180000  }
0x75: {  	[bflag:$0x0] =	sbarrier.arrive $0xFFFF  }
0x76: {  	p0 =	sne.s32 s1, $0x0;
	_ =	strace $0x90000047  }
0x77: {  	s0 =	sadd.s32 @!p0 $0x100000, s0;
	[bflag:$0x2] =	sbarrier.arrive $0xFFFF  }
0x78: {  	[sflag:s0] =	ssyncadd.tile.s32 @!p0 $0x1;
	_ =	shalt  }
.Lfunc_end2:
_tile_overlayer_lowered:
.L_overlay_start_2:
0x79: {  	(tag) =	ssettag $0x2  }
0x7a: {  	s0 =	rddreg [dreg:$0x0];
	s2 =	stileid.u32  }
0x7b: {  	s1 =	rddreg [dreg:$0x1];
	p0 =	sne.s32 s2, $0x0  }
0x7c: {  	s3 =	rddreg [dreg:$0x2];
	[bflag:$0x3] =	sbarrier.arrive $0xFFFF;
	s2 =	simm.s32 @!p0 $0x1C01  }
0x7d: {  	[timem:s3], [sflag:s2] =	dma.local @!p0 [hbm:s0], s1  }
0x7e: {  	s0 =	simm.s32 @!p0 $0x1  }
0x7f: {  	_ =	swait.ge @!p0 [sflag:s0], s1  }
0x80: {  	s1 =	ssub.s32 @!p0 $0x0, s1;
	[sflag:s0] =	ssyncset.done @!p0 $0x0  }
0x81: {  	[sflag:s0] =	ssyncadd.s32 @!p0 s1  }
0x82: {  	[bflag:$0x3] =	sbarrier.arrive $0xFFFF  }
0x83: {  	_ =	shalt  }

// kernel: kernel.23.cloned.1.call-start
scs
__scs_entry_jumppad:
0x0: {  	(pc) =	sbr.rel $0x88, $3  }
0x1: {  	(tag) =	ssettag $0x0;
	lr =	simm.s32 $0x1  }
0x2: {  	[smem:$0x3F72] =	sst lr;
	_ =	strace $0xD0000000  }
0x3: {  	_ = 	snop  }
0x4: {  	_ = 	snop  }
0x5: {  	_ = 	snop  }
0x6: {  	_ = 	snop  }
0x7: {  	_ = 	snop  }
__scs_overlays_trampoline_lowered:
0x8: {  	[smem:$0x3F81] =	sst s0  }
0x9: {  	[smem:$0x3F82] =	sst s1  }
0xa: {  	[smem:$0x3F83] =	sst s2  }
0xb: {  	[smem:$0x3F84] =	sst s3  }
0xc: {  	[smem:$0x3F85] =	sst s4  }
0xd: {  	[smem:$0x3F86] =	sst s5  }
0xe: {  	[smem:$0x3F87] =	sst s6  }
0xf: {  	[smem:$0x3F88] =	sst s7  }
0x10: {  	[smem:$0x3F89] =	sst s8  }
0x11: {  	[smem:$0x3F8A] =	sst s9;
	s0 =	simm.s32 @!p0 $0x0  }
0x12: {  	s1 =	sld [smem:$0x3F70];
	s0 =	simm.s32 @p0 $0x1  }
0x13: {  	[smem:$0x3F8B] =	sst s0;
	s0 =	simm.s32 @!p1 $0x0  }
0x14: {  	s2 =	sld [smem:$0x3F6F];
	s0 =	simm.s32 @p1 $0x1  }
0x15: {  	[smem:$0x3F8C] =	sst s0;
	s0 =	simm.s32 @!p2 $0x0  }
0x16: {  	s3 =	sld [smem:$0x3FDB];
	s0 =	simm.s32 @p2 $0x1  }
0x17: {  	s4 =	simm.s32 $0x1BF5;
	[smem:$0x3F8E] =	sst s0  }
0x18: {  	s0 =	sld [smem:$0x3F71];
	_ =	swait.ge [sflag:s4], $0x0  }
0x19: {  	s7 =	sld [smem:$0x3F72]  }
0x1a: {  	s8 =	sadd.s32 $0xFFFFE003, lr  }
0x1b: {  	s9 =	sadd.s32 $0xFFFFFEF7, lr;
	s5 =	simm.s32 $0xFFFFFFFF;
	p2 =	slt.u32 s8, $0xFFFFF086  }
0x1c: {  	p1 =	slt.u32 s9, $0xF7A;
	s5 =	simm.s32 @!p2 $0x0  }
0x1d: {  	s5 =	simm.s32 @p1 $0x1;
	p0 =	seq.s32 s7, s2  }
0x1e: {  	s7 =	smul.u32 @!p0 $0xF7A, s2;
	p2 =	seq.s32 @!p0 s5, $0x0  }
0x1f: {  	s9 =	smul.u32 $0xF7A, s1;
	s8 =	simm.s32 @!p0 $0x1BF5;
	p2 =	por !p2, p0  }
0x20: {  	[sflag:s8] =	ssyncset.s32 @!p0 $0xFFFFF086;
	s6 =	sadd.s32 @!p0 s3, s7;
	s7 =	simm.s32 @!p0 $0x108  }
0x21: {  	s3 =	sadd.s32 s3, s9;
	s6 =	sadd.s32 @!p0 $0x88, s6;
	s7 =	simm.s32 @p2 $0x1082  }
0x22: {  	[simem:s7], [sflag:s8] =	dma.local @!p0 [hbm:s6], $0xF7A  }
0x23: {  	s9 =	sor.u32 $0xD0000000, s2;
	s6 =	simm.s32 $0x108;
	_ =	swait.ge @!p0 [sflag:s8], $0x0  }
0x24: {  	s3 =	sadd.s32 $0x88, s3;
	s6 =	simm.s32 @!p1 $0x1082;
	[sflag:s4] =	ssyncset.s32 $0xFFFFF086  }
0x25: {  	[simem:s6], [sflag:s4] =	dma.local [hbm:s3], $0xF7A  }
0x26: {  	[smem:$0x3F72] =	sst s1;
	(tag) =	ssettag s2;
	_ =	strace s9  }
0x27: {  	s1 =	sld [smem:$0x3F82]  }
0x28: {  	s2 =	sld [smem:$0x3F83]  }
0x29: {  	s4 =	sld [smem:$0x3F85]  }
0x2a: {  	p0 =	seq.s32 s5, $0x0;
	s5 =	sld [smem:$0x3F86]  }
0x2b: {  	s6 =	sld [smem:$0x3F87]  }
0x2c: {  	s7 =	sld [smem:$0x3F88]  }
0x2d: {  	s3 =	simm.s32 $0x108;
	s8 =	sld [smem:$0x3F89]  }
0x2e: {  	s3 =	simm.s32 @!p0 $0x1082;
	s9 =	sld [smem:$0x3F8A]  }
0x2f: {  	lr =	sadd.s32 s0, s3;
	s0 =	sld [smem:$0x3F81]  }
0x30: {  	s3 =	sld [smem:$0x3F84]  }
0x31: {  	[smem:$0x3F8D] =	sst s10  }
0x32: {  	s10 =	sld [smem:$0x3F8B];
	_ =	sdelay $0x3  }
0x33: {  	p0 =	seq.s32 s10, $0x1;
	s10 =	sld [smem:$0x3F8D];
	_ =	sdelay $0x3  }
0x34: {  	[smem:$0x3F8D] =	sst s10  }
0x35: {  	s10 =	sld [smem:$0x3F8C];
	_ =	sdelay $0x3  }
0x36: {  	p1 =	seq.s32 s10, $0x1;
	s10 =	sld [smem:$0x3F8D];
	_ =	sdelay $0x3  }
0x37: {  	[smem:$0x3F8D] =	sst s10  }
0x38: {  	s10 =	sld [smem:$0x3F8E]  }
0x39: {  	_ = 	snop;
	(pc) =	sbr.ind lr, $3  }
0x3a: {  	_ = 	snop  }
0x3b: {  	_ = 	snop  }
0x3c: {  	p2 =	seq.s32 s10, $0x1;
	s10 =	sld [smem:$0x3F8D]  }
0x3d: {  	_ =	shalt  }
0x3e: {  	_ =	shalt  }
0x3f: {  	_ =	shalt  }
0x40: {  	_ =	shalt  }
0x41: {  	_ =	shalt  }
0x42: {  	_ =	shalt  }
0x43: {  	_ =	shalt  }
0x44: {  	_ =	shalt  }
0x45: {  	_ =	shalt  }
0x46: {  	_ =	shalt  }
0x47: {  	_ =	shalt  }
0x48: {  	_ =	shalt  }
0x49: {  	_ =	shalt  }
0x4a: {  	_ =	shalt  }
0x4b: {  	_ =	shalt  }
0x4c: {  	_ =	shalt  }
0x4d: {  	_ =	shalt  }
0x4e: {  	_ =	shalt  }
0x4f: {  	_ =	shalt  }
0x50: {  	_ =	shalt  }
0x51: {  	_ =	shalt  }
0x52: {  	_ =	shalt  }
0x53: {  	_ =	shalt  }
0x54: {  	_ =	shalt  }
0x55: {  	_ =	shalt  }
0x56: {  	_ =	shalt  }
0x57: {  	_ =	shalt  }
0x58: {  	_ =	shalt  }
0x59: {  	_ =	shalt  }
0x5a: {  	_ =	shalt  }
0x5b: {  	_ =	shalt  }
0x5c: {  	_ =	shalt  }
0x5d: {  	_ =	shalt  }
0x5e: {  	_ =	shalt  }
0x5f: {  	_ =	shalt  }
0x60: {  	_ =	shalt  }
0x61: {  	_ =	shalt  }
0x62: {  	_ =	shalt  }
0x63: {  	_ =	shalt  }
0x64: {  	_ =	shalt  }
0x65: {  	_ =	shalt  }
0x66: {  	_ =	shalt  }
0x67: {  	_ =	shalt  }
0x68: {  	_ =	shalt  }
0x69: {  	_ =	shalt  }
0x6a: {  	_ =	shalt  }
0x6b: {  	_ =	shalt  }
0x6c: {  	_ =	shalt  }
0x6d: {  	_ =	shalt  }
0x6e: {  	_ =	shalt  }
0x6f: {  	_ =	shalt  }
0x70: {  	_ =	shalt  }
0x71: {  	_ =	shalt  }
0x72: {  	_ =	shalt  }
0x73: {  	_ =	shalt  }
0x74: {  	_ =	shalt  }
0x75: {  	_ =	shalt  }
0x76: {  	_ =	shalt  }
0x77: {  	_ =	shalt  }
0x78: {  	_ =	shalt  }
0x79: {  	_ =	shalt  }
0x7a: {  	_ =	shalt  }
0x7b: {  	_ =	shalt  }
0x7c: {  	_ =	shalt  }
0x7d: {  	_ =	shalt  }
0x7e: {  	_ =	shalt  }
0x7f: {  	_ =	shalt  }
0x80: {  	_ =	shalt  }
0x81: {  	_ =	shalt  }
0x82: {  	_ =	shalt  }
0x83: {  	_ =	shalt  }
0x84: {  	_ =	shalt  }
0x85: {  	_ =	shalt  }
0x86: {  	_ =	shalt  }
0x87: {  	_ =	shalt  }
.Lfunc_end0:
.L_simem_size_0:
called_computation.1_lowered:
.L_overlay_start_0:
0x88: {  	s2 =	sld [smem:$0x3FD9]  }
0x89: {  	s3 =	sld [smem:$0x3FFE];
	_ =	sdelay $0x1  }
0x8a: {  	s1 =	srdreg.scid  }
0x8b: {  	s0 =	sand.u32 $0x1, s1  }
0x8c: {  	s17 =	sshll.u32 s0, $0xA;
	s2 =	sadd.s32 s3, s2  }
0x8d: {  	s2 =	sadd.s32 s2, s17  }
0x8e: {  	[smem:$0x3F99] =	sst s2  }
0x8f: {  	_ = 	snop  }
0x90: {  	(tm) =	ssettm $0x1  }
0x91: {  	s18 =	sld [smem:$0x3FFB];
	_ =	sdelay $0x3  }
0x92: {  	_ =	strace s18  }
0x93: {  	s2 =	sld [smem:$0x3FFC];
	_ =	sdelay $0x3  }
0x94: {  	_ =	strace s2  }
0x95: {  	s2 =	sld [smem:$0x3FFD];
	_ =	sdelay $0x3  }
0x96: {  	_ =	strace s2  }
0x97: {  	_ =	strace $0x8FFFFFFF  }
0x98: {  	s19 =	sld [smem:$0x3FDB];
	_ =	sdelay $0x1  }
0x99: {  	s20 =	simm.s32 $_scs_section_size  }
0x9a: {  	s4 =	simm.s32 $_size__tile_overlayer_lowered;
	s5 =	simm.s32 $_tile_overlayer_lowered  }
0x9b: {  	s6 =	simm.s32 $0x1BFF;
	s21 =	sshll.u32 s5, $0x1;
	s3 =	sadd.s32 s20, s19  }
0x9c: {  	s22 =	simm.s32 $0x0;
	s4 =	sshll.u32 s4, $0x1;
	s5 =	sadd.s32 s21, s3  }
0x9d: {  	[timem:s22], [sflag:s6] =	dma.local [hbm:s5], s4  }
0x9e: {  	_ =	swait.ge [sflag:s6], s4  }
0x9f: {  	s4 =	ssub.s32 $0x0, s4;
	[sflag:s6] =	ssyncset.done $0x0  }
0xa0: {  	[sflag:s6] =	ssyncadd.s32 s4;
	_ =	sdelay $0x1  }
0xa1: {  	s23 =	simm.s32 $0x1B8B  }
0xa2: {  	_ =	swait.ge [sflag:s23], $0x1  }
0xa3: {  	[sflag:s23] =	ssyncset.done $0x0  }
0xa4: {  	[sflag:s23] =	ssyncadd.s32 $0xFFFFFFFF  }
0xa5: {  	s4 =	sld [smem:$0x0]  }
0xa6: {  	s5 =	sand.u32 $0xFFFFFFFE, s1  }
0xa7: {  	p0 =	sne.s32 s1, s5  }
0xa8: {  	s5 =	sshll.u32 @p0 s5, $0xE  }
0xa9: {  	s5 =	sadd.s32 @p0 $0x11B8D, s5;
	s6 =	sshll.u32 @p0 s4, $0x11  }
0xaa: {  	s5 =	sor.u32 @p0 s6, s5  }
0xab: {  	[sflag:s5] =	ssyncadd.remote.s32 @p0 $0x1;
	_ =	sdelay $0x1  }
0xac: {  	s5 =	simm.s32 @p0 $0x1B8D  }
0xad: {  	_ =	swait.eq @p0 [sflag:s5], $0x1  }
0xae: {  	[sflag:s5] =	ssyncadd.s32 @p0 $0xFFFFFFFF  }
0xaf: {  	s6 =	sshll.u32 @!p0 s1, $0xE  }
0xb0: {  	s6 =	sor.u32 @!p0 $0x4000, s6;
	s5 =	simm.s32 @!p0 $0x1B8D  }
0xb1: {  	s4 =	sshll.u32 @!p0 s4, $0x11;
	s6 =	sadd.s32 @!p0 $0x11B8D, s6;
	_ =	swait.eq @!p0 [sflag:s5], $0x1  }
0xb2: {  	s4 =	sor.u32 @!p0 s4, s6;
	[sflag:s5] =	ssyncadd.s32 @!p0 $0xFFFFFFFF  }
0xb3: {  	s25 =	simm.s32 $0x1B8E;
	s24 =	sld [smem:$0x3FFE];
	[sflag:s4] =	ssyncadd.remote.s32 @!p0 $0x1  }
0xb4: {  	s26 =	simm.s32 $execute0_lowered;
	[smem:$0x3FD2] =	sst s25  }
0xb5: {  	s5 =	sshll.u32 s26, $0x1;
	_ =	strace $0x80000050;
	[dreg:$0x1] =	wrdreg $0xFFFFFFFF  }
0xb6: {  	s28 =	simm.s32 $_size_execute0_lowered;
	s3 =	sadd.s32 s3, s5;
	[dreg:$0x0] =	wrdreg $0x0  }
0xb7: {  	s5 =	sshll.u32 s28, $0x1;
	[dreg:$0x2] =	wrdreg s3  }
0xb8: {  	[dreg:$0x3] =	wrdreg s5  }
0xb9: {  	[dreg:$0x4] =	wrdreg $0xC0  }
0xba: {  	_ =	task [dreg:s22], $0x5FFFF  }
0xbb: {  	[dreg:$0x1] =	wrdreg $0xFFFFFFFF  }
0xbc: {  	[dreg:$0x0] =	wrdreg $0x60  }
0xbd: {  	[dreg:$0x2] =	wrdreg s24  }
0xbe: {  	[dreg:$0x3] =	wrdreg $0xA  }
0xbf: {  	_ =	task.clear_ibuf [dreg:s22], $0x4FFFF;
	_ =	strace $0x90000050  }
0xc0: {  	s29 =	simm.s32 $0xA;
	_ =	strace $0x80000059  }
0xc1: {  	_ =	swait.ge [sflag:s29], $0x1  }
0xc2: {  	[sflag:s29] =	ssyncadd.s32 $0xFFFFFFFF  }
0xc3: {  	_ =	strace $0x90000059  }
0xc4: {  	_ =	sfence  }
0xc5: {  	s30 =	sld [smem:$0x0];
	_ =	sdelay $0x2  }
0xc6: {  	s31 =	sshll.u32 s1, $0xD;
	s1 =	sshrl.u32 s1, $0x2  }
0xc7: {  	s4 =	sand.u32 $0x4000, s31;
	s1 =	sadd.s32 s1, s30  }
0xc8: {  	s0 =	sor.u32 s4, s0;
	s1 =	sshll.u32 s1, $0x11  }
0xc9: {  	s0 =	sor.u32 s1, s0  }
0xca: {  	s0 =	sadd.s32 $0x8F2B, s0  }
0xcb: {  	[sflag:s0] =	ssyncadd.remote.s32 $0x1  }
0xcc: {  	_ =	sfence.sel $0xFFFF  }
0xcd: {  	[dreg:$0x0] =	wrdreg $0xFFFFFFFF;
	(pc) =	sbr.abs _section_cstart, $3  }
0xce: {  	[dreg:$0x1] =	wrdreg $0xFFFFFFFF  }
0xcf: {  	_ =	task.clear_ibuf [dreg:s22], $0x2FFFF;
	_ =	strace $0x9FFFFFFF  }
0xd0: {  	(tm) =	ssettm $0x7FFFFFFF  }
0xd1: {  	_ =	shalt  }
tec
execute0_lowered:
.L_overlay_start_1:
0x0: {  	(tag) =	ssettag $0x1  }
0x1: {  	s7 =	rddreg [dreg:$0x0]  }
0x2: {  	s0 =	rddreg [dreg:$0x1];
	s2 =	simm.s32 $0x0;
	s3 =	srdreg.scid  }
0x3: {  	s1 =	stileid.u32;
	[smem:$0x7FF] =	sst s2  }
0x4: {  	s4 =	sand.u32 $0x1, s3;
	s5 =	sshll.u32 s1, $0x1;
	s3 =	sadd.s32 $0xAA1600, s7  }
0x5: {  	s8 =	sadd.s32 $0xB19600, s7;
	_ =	strace $0x80000051;
	s6 =	ssub.s32 $0x2, s4  }
0x6: {  	s5 =	sor.u32 s4, s5;
	s4 =	sadd.s32 $0x15600, s7;
	[dreg:$0x2] =	wrdreg s8  }
0x7: {  	v2 =	vlaneseq.u32;
	s7 =	sadd.s32 $0xAA1700, s7;
	s9 =	sshrl.u32 s6, $0x1;
	s10 =	smul.u32 $0xA00, s5  }
0x8: {  	vm0 =	vmmov $0xffff;
	vm1 =	vmmov $0xff;
	v1 =	vshrl.u32 v2, $0x3;
	s5 =	smul.u32 $0xA0, s5;
	s31 =	ssub.s32 s6, s9;
	s9 =	simm.s32 $0x5  }
0x9: {  	v0 =	vand.u32 $0x7, v2;
	v2 =	vor.u32 $0x8, v2;
	v1 =	vmul.u32 $0x8, v1;
	s6 =	sadd.s32 s4, s10;
	s8 =	smax.u32 s31, $0x1;
	s10 =	simm.s32 $0x0  }
.LBB2_1:
0xa: {  	_ =	strace $0x80000052;
	s11 =	simm.s32 $0xA0  }
0xb: {  	s13 =	simm.s32 $0x0;
	s12 =	simm.s32 $0x0;
	s14 =	simm.s32 $0x0  }
0xc: {  	[tilespmem:s2], [sflag:$0x1] =	stream.linear.gather [hbm4b:s6+s2], $0x80, $0x200038;
	[tilespmem:$0x18100] =	vst v63  }
0xd: {  	s15 =	simm.s32 $0x0;
	s16 =	simm.s32 $0x1;
	_ =	strace $0x90000052  }
.LBB2_2:
0xe: {  	s17 =	smov.u32 s13;
	s13 =	sadd.s32 $0x1, s13  }
0xf: {  	p0 =	seq.s32 s13, $0xA0  }
0x10: {  	s13 =	simm.s32 @p0 $0x0  }
0x11: {  	p6 =	sne.s32 s11, $0x1;
	p1 =	sne.s32 s17, s13  }
0x12: {  	p0 =	por !p6, !p1  }
0x13: {  	p0 =	por !p0, !p0  }
0x14: {  	s18 =	sadd.s32 @p0 s5, s13  }
0x15: {  	s19 =	sand.u32 @p0 $0x1, s16;
	s18 =	sshll.u32 @p0 s18, $0x4  }
0x16: {  	_ =	strace @p0 $0x80000053;
	s21 =	simm.s32 @p0 $0x0;
	s18 =	sand.u32 @p0 $0x1FFFFFF0, s18  }
0x17: {  	s20 =	sshll.u32 @p0 s19, $0x7;
	s19 =	sadd.s32 @p0 $0x1, s19;
	s18 =	sadd.s32 @p0 s4, s18  }
0x18: {  	[tilespmem:s20], [sflag:s19] =	stream.linear.gather @p0 [hbm4b:s18+s21], $0x80, $0x200038;
	[tilespmem:$0x18100] =	vst v63  }
0x19: {  	s23 =	sand.u32 $0x1, s15;
	_ =	strace @p0 $0x90000053  }
0x1a: {  	s18 =	sadd.s32 $0x1, s23;
	_ =	strace $0x80000054  }
0x1b: {  	_ =	swait.ge [sflag:s18], $0x80  }
0x1c: {  	[sflag:s18] =	ssyncset.done $0x0  }
0x1d: {  	[sflag:s18] =	ssyncadd.s32 $0xFFFFFF80  }
0x1e: {  	s24 =	sshll.u32 s15, $0x7;
	_ =	strace $0x90000054  }
0x1f: {  	s21 =	sand.u32 $0x80, s24;
	_ =	strace $0x80000055  }
0x20: {  	v3 =	vld [tilespmem:s21+$0x0];
	_ =	sdelay $0x4  }
0x21: {  	v4 =	vshrl.u32 v3, $0x3  }
0x22: {  	v4 =	vmul.u32 $0x18, v4  }
0x23: {  	v3 =	vand.u32 $0x7, v3  }
0x24: {  	v3 =	vor.u32 v3, v4  }
0x25: {  	v4 =	vperm.xlane v3, v0;
	_ =	sdelay $0x1  }
0x26: {  	s18 =	sand.u32 $0x1, s14;
	v4 =	vadd.s32 v1, v4  }
0x27: {  	s25 =	smul.u32 $0x30000, s18  }
0x28: {  	v3 =	vperm.xlane v3, v2  }
0x29: {  	s20 =	sshrl.u32 s25, $0x2  }
0x2a: {  	s19 =	sor.u32 $0x100, s20;
	v3 =	vadd.s32 v1, v3  }
0x2b: {  	[tilespmem:s19], [sflag:$0x5] =	stream.indirect_vreg.gather [hbm4b:s3+s2], $0x80, v4, vm0, $0x2000b8;
	[tilespmem:$0x18100] =	vst v63  }
0x2c: {  	s22 =	sor.u32 $0x900, s20  }
0x2d: {  	[tilespmem:s22], [sflag:$0x5] =	stream.indirect_vreg.gather [hbm4b:s7+s2], $0x80, v4, vm1, $0x2000b8;
	[tilespmem:$0x18100] =	vst v63  }
0x2e: {  	s26 =	sor.u32 $0xD00, s20  }
0x2f: {  	[tilespmem:s26], [sflag:$0x5] =	stream.indirect_vreg.gather [hbm4b:s3+s2], $0x80, v3, vm0, $0x2000b8;
	[tilespmem:$0x18100] =	vst v63  }
0x30: {  	s28 =	sor.u32 $0x1500, s20  }
0x31: {  	[tilespmem:s28], [sflag:$0x5] =	stream.indirect_vreg.gather [hbm4b:s7+s2], $0x80, v3, vm1, $0x2000b8;
	[tilespmem:$0x18100] =	vst v63  }
0x32: {  	v3 =	vld [tilespmem:s21+$0x10];
	_ =	sdelay $0x4  }
0x33: {  	v57 =	vshrl.u32 v3, $0x3  }
0x34: {  	v4 =	vmul.u32 $0x18, v57  }
0x35: {  	v3 =	vand.u32 $0x7, v3  }
0x36: {  	v3 =	vor.u32 v3, v4  }
0x37: {  	v4 =	vperm.xlane v3, v0;
	_ =	sdelay $0x1  }
0x38: {  	v4 =	vadd.s32 v1, v4;
	_ =	sdelay $0x1  }
0x39: {  	v3 =	vperm.xlane v3, v2;
	_ =	sdelay $0x1  }
0x3a: {  	s29 =	sor.u32 $0x1900, s20;
	v3 =	vadd.s32 v1, v3  }
0x3b: {  	[tilespmem:s29], [sflag:$0x5] =	stream.indirect_vreg.gather [hbm4b:s3+s2], $0x80, v4, vm0, $0x2000b8;
	[tilespmem:$0x18100] =	vst v63  }
0x3c: {  	s30 =	sor.u32 $0x2100, s20  }
0x3d: {  	[tilespmem:s30], [sflag:$0x5] =	stream.indirect_vreg.gather [hbm4b:s7+s2], $0x80, v4, vm1, $0x2000b8;
	[tilespmem:$0x18100] =	vst v63  }
0x3e: {  	s31 =	sor.u32 $0x2500, s20  }
0x3f: {  	[tilespmem:s31], [sflag:$0x5] =	stream.indirect_vreg.gather [hbm4b:s3+s2], $0x80, v3, vm0, $0x2000b8;
	[tilespmem:$0x18100] =	vst v63  }
0x40: {  	s23 =	sor.u32 $0x2D00, s20  }
0x41: {  	[tilespmem:s23], [sflag:$0x5] =	stream.indirect_vreg.gather [hbm4b:s7+s2], $0x80, v3, vm1, $0x2000b8;
	[tilespmem:$0x18100] =	vst v63  }
0x42: {  	v3 =	vld [tilespmem:s21+$0x20];
	_ =	sdelay $0x4  }
0x43: {  	v58 =	vshrl.u32 v3, $0x3  }
0x44: {  	v4 =	vmul.u32 $0x18, v58  }
0x45: {  	v3 =	vand.u32 $0x7, v3  }
0x46: {  	v3 =	vor.u32 v3, v4  }
0x47: {  	v4 =	vperm.xlane v3, v0;
	_ =	sdelay $0x1  }
0x48: {  	v4 =	vadd.s32 v1, v4;
	_ =	sdelay $0x1  }
0x49: {  	v3 =	vperm.xlane v3, v2;
	_ =	sdelay $0x1  }
0x4a: {  	s24 =	sor.u32 $0x3100, s20;
	v3 =	vadd.s32 v1, v3  }
0x4b: {  	[tilespmem:s24], [sflag:$0x5] =	stream.indirect_vreg.gather [hbm4b:s3+s2], $0x80, v4, vm0, $0x2000b8;
	[tilespmem:$0x18100] =	vst v63  }
0x4c: {  	s25 =	sor.u32 $0x3900, s20  }
0x4d: {  	[tilespmem:s25], [sflag:$0x5] =	stream.indirect_vreg.gather [hbm4b:s7+s2], $0x80, v4, vm1, $0x2000b8;
	[tilespmem:$0x18100] =	vst v63  }
0x4e: {  	s26 =	sor.u32 $0x3D00, s20  }
0x4f: {  	[tilespmem:s26], [sflag:$0x5] =	stream.indirect_vreg.gather [hbm4b:s3+s2], $0x80, v3, vm0, $0x2000b8;
	[tilespmem:$0x18100] =	vst v63  }
0x50: {  	s28 =	sadd.s32 $0x4500, s20  }
0x51: {  	[tilespmem:s28], [sflag:$0x5] =	stream.indirect_vreg.gather [hbm4b:s7+s2], $0x80, v3, vm1, $0x2000b8;
	[tilespmem:$0x18100] =	vst v63  }
0x52: {  	v3 =	vld [tilespmem:s21+$0x30];
	_ =	sdelay $0x4  }
0x53: {  	v59 =	vshrl.u32 v3, $0x3  }
0x54: {  	v4 =	vmul.u32 $0x18, v59  }
0x55: {  	v3 =	vand.u32 $0x7, v3  }
0x56: {  	v3 =	vor.u32 v3, v4  }
0x57: {  	v4 =	vperm.xlane v3, v0;
	_ =	sdelay $0x1  }
0x58: {  	v4 =	vadd.s32 v1, v4;
	_ =	sdelay $0x1  }
0x59: {  	v3 =	vperm.xlane v3, v2;
	_ =	sdelay $0x1  }
0x5a: {  	s29 =	sadd.s32 $0x4900, s20;
	v3 =	vadd.s32 v1, v3  }
0x5b: {  	[tilespmem:s29], [sflag:$0x5] =	stream.indirect_vreg.gather [hbm4b:s3+s2], $0x80, v4, vm0, $0x2000b8;
	[tilespmem:$0x18100] =	vst v63  }
0x5c: {  	s30 =	sadd.s32 $0x5100, s20  }
0x5d: {  	[tilespmem:s30], [sflag:$0x5] =	stream.indirect_vreg.gather [hbm4b:s7+s2], $0x80, v4, vm1, $0x2000b8;
	[tilespmem:$0x18100] =	vst v63  }
0x5e: {  	s31 =	sadd.s32 $0x5500, s20  }
0x5f: {  	[tilespmem:s31], [sflag:$0x5] =	stream.indirect_vreg.gather [hbm4b:s3+s2], $0x80, v3, vm0, $0x2000b8;
	[tilespmem:$0x18100] =	vst v63  }
0x60: {  	s23 =	sadd.s32 $0x5D00, s20  }
0x61: {  	[tilespmem:s23], [sflag:$0x5] =	stream.indirect_vreg.gather [hbm4b:s7+s2], $0x80, v3, vm1, $0x2000b8;
	[tilespmem:$0x18100] =	vst v63  }
0x62: {  	v3 =	vld [tilespmem:s21+$0x40];
	_ =	sdelay $0x4  }
0x63: {  	v60 =	vshrl.u32 v3, $0x3  }
0x64: {  	v4 =	vmul.u32 $0x18, v60  }
0x65: {  	v3 =	vand.u32 $0x7, v3  }
0x66: {  	v3 =	vor.u32 v3, v4  }
0x67: {  	v4 =	vperm.xlane v3, v0;
	_ =	sdelay $0x1  }
0x68: {  	v4 =	vadd.s32 v1, v4;
	_ =	sdelay $0x1  }
0x69: {  	v3 =	vperm.xlane v3, v2;
	_ =	sdelay $0x1  }
0x6a: {  	s24 =	sadd.s32 $0x6100, s20;
	v3 =	vadd.s32 v1, v3  }
0x6b: {  	[tilespmem:s24], [sflag:$0x5] =	stream.indirect_vreg.gather [hbm4b:s3+s2], $0x80, v4, vm0, $0x2000b8;
	[tilespmem:$0x18100] =	vst v63  }
0x6c: {  	s25 =	sadd.s32 $0x6900, s20  }
0x6d: {  	[tilespmem:s25], [sflag:$0x5] =	stream.indirect_vreg.gather [hbm4b:s7+s2], $0x80, v4, vm1, $0x2000b8;
	[tilespmem:$0x18100] =	vst v63  }
0x6e: {  	s26 =	sadd.s32 $0x6D00, s20  }
0x6f: {  	[tilespmem:s26], [sflag:$0x5] =	stream.indirect_vreg.gather [hbm4b:s3+s2], $0x80, v3, vm0, $0x2000b8;
	[tilespmem:$0x18100] =	vst v63  }
0x70: {  	s28 =	sadd.s32 $0x7500, s20  }
0x71: {  	[tilespmem:s28], [sflag:$0x5] =	stream.indirect_vreg.gather [hbm4b:s7+s2], $0x80, v3, vm1, $0x2000b8;
	[tilespmem:$0x18100] =	vst v63  }
0x72: {  	v3 =	vld [tilespmem:s21+$0x50];
	_ =	sdelay $0x4  }
0x73: {  	v61 =	vshrl.u32 v3, $0x3  }
0x74: {  	v4 =	vmul.u32 $0x18, v61  }
0x75: {  	v3 =	vand.u32 $0x7, v3  }
0x76: {  	v3 =	vor.u32 v3, v4  }
0x77: {  	v4 =	vperm.xlane v3, v0;
	_ =	sdelay $0x1  }
0x78: {  	v4 =	vadd.s32 v1, v4;
	_ =	sdelay $0x1  }
0x79: {  	v3 =	vperm.xlane v3, v2;
	_ =	sdelay $0x1  }
0x7a: {  	s29 =	sadd.s32 $0x7900, s20;
	v3 =	vadd.s32 v1, v3  }
0x7b: {  	[tilespmem:s29], [sflag:$0x5] =	stream.indirect_vreg.gather [hbm4b:s3+s2], $0x80, v4, vm0, $0x2000b8;
	[tilespmem:$0x18100] =	vst v63  }
0x7c: {  	s30 =	sadd.s32 $0x8100, s20  }
0x7d: {  	[tilespmem:s30], [sflag:$0x5] =	stream.indirect_vreg.gather [hbm4b:s7+s2], $0x80, v4, vm1, $0x2000b8;
	[tilespmem:$0x18100] =	vst v63  }
0x7e: {  	s31 =	sadd.s32 $0x8500, s20  }
0x7f: {  	[tilespmem:s31], [sflag:$0x5] =	stream.indirect_vreg.gather [hbm4b:s3+s2], $0x80, v3, vm0, $0x2000b8;
	[tilespmem:$0x18100] =	vst v63  }
0x80: {  	s23 =	sadd.s32 $0x8D00, s20  }
0x81: {  	[tilespmem:s23], [sflag:$0x5] =	stream.indirect_vreg.gather [hbm4b:s7+s2], $0x80, v3, vm1, $0x2000b8;
	[tilespmem:$0x18100] =	vst v63  }
0x82: {  	v3 =	vld [tilespmem:s21+$0x60];
	_ =	sdelay $0x4  }
0x83: {  	v62 =	vshrl.u32 v3, $0x3  }
0x84: {  	v4 =	vmul.u32 $0x18, v62  }
0x85: {  	v3 =	vand.u32 $0x7, v3  }
0x86: {  	v3 =	vor.u32 v3, v4  }
0x87: {  	v4 =	vperm.xlane v3, v0;
	_ =	sdelay $0x1  }
0x88: {  	v4 =	vadd.s32 v1, v4;
	_ =	sdelay $0x1  }
0x89: {  	v3 =	vperm.xlane v3, v2;
	_ =	sdelay $0x1  }
0x8a: {  	s24 =	sadd.s32 $0x9100, s20;
	v3 =	vadd.s32 v1, v3  }
0x8b: {  	[tilespmem:s24], [sflag:$0x5] =	stream.indirect_vreg.gather [hbm4b:s3+s2], $0x80, v4, vm0, $0x2000b8;
	[tilespmem:$0x18100] =	vst v63  }
0x8c: {  	s25 =	sadd.s32 $0x9900, s20  }
0x8d: {  	[tilespmem:s25], [sflag:$0x5] =	stream.indirect_vreg.gather [hbm4b:s7+s2], $0x80, v4, vm1, $0x2000b8;
	[tilespmem:$0x18100] =	vst v63  }
0x8e: {  	s26 =	sadd.s32 $0x9D00, s20  }
0x8f: {  	[tilespmem:s26], [sflag:$0x5] =	stream.indirect_vreg.gather [hbm4b:s3+s2], $0x80, v3, vm0, $0x2000b8;
	[tilespmem:$0x18100] =	vst v63  }
0x90: {  	s28 =	sadd.s32 $0xA500, s20  }
0x91: {  	[tilespmem:s28], [sflag:$0x5] =	stream.indirect_vreg.gather [hbm4b:s7+s2], $0x80, v3, vm1, $0x2000b8;
	[tilespmem:$0x18100] =	vst v63  }
0x92: {  	v3 =	vld [tilespmem:s21+$0x70];
	_ =	sdelay $0x4  }
0x93: {  	v63 =	vshrl.u32 v3, $0x3  }
0x94: {  	v4 =	vmul.u32 $0x18, v63  }
0x95: {  	v3 =	vand.u32 $0x7, v3  }
0x96: {  	v3 =	vor.u32 v3, v4  }
0x97: {  	v4 =	vperm.xlane v3, v0;
	_ =	sdelay $0x1  }
0x98: {  	v4 =	vadd.s32 v1, v4;
	_ =	sdelay $0x1  }
0x99: {  	v3 =	vperm.xlane v3, v2;
	_ =	sdelay $0x1  }
0x9a: {  	s29 =	sadd.s32 $0xA900, s20;
	v3 =	vadd.s32 v1, v3  }
0x9b: {  	[tilespmem:s29], [sflag:$0x5] =	stream.indirect_vreg.gather [hbm4b:s3+s2], $0x80, v4, vm0, $0x2000b8;
	[tilespmem:$0x18100] =	vst v63  }
0x9c: {  	s30 =	sadd.s32 $0xB100, s20  }
0x9d: {  	[tilespmem:s30], [sflag:$0x5] =	stream.indirect_vreg.gather [hbm4b:s7+s2], $0x80, v4, vm1, $0x2000b8;
	[tilespmem:$0x18100] =	vst v63  }
0x9e: {  	s31 =	sadd.s32 $0xB500, s20  }
0x9f: {  	[tilespmem:s31], [sflag:$0x5] =	stream.indirect_vreg.gather [hbm4b:s3+s2], $0x80, v3, vm0, $0x2000b8;
	[tilespmem:$0x18100] =	vst v63  }
0xa0: {  	s20 =	sadd.s32 $0xBD00, s20  }
0xa1: {  	[tilespmem:s20], [sflag:$0x5] =	stream.indirect_vreg.gather [hbm4b:s7+s2], $0x80, v3, vm1, $0x2000b8;
	[tilespmem:$0x18100] =	vst v63  }
0xa2: {  	_ =	swait.ge [sflag:s9], $0xC000  }
0xa3: {  	[sflag:s9] =	ssyncset.done $0x0  }
0xa4: {  	p2 =	seq.s32 s11, $0x1;
	[sflag:s9] =	ssyncadd.s32 $0xFFFF4000  }
0xa5: {  	s17 =	sadd.s32 s5, s17;
	p1 =	por p2, p1;
	_ =	strace $0x90000055  }
0xa6: {  	s17 =	smul.u32 @p1 $0x1800, s17;
	s21 =	simm.s32 $0x1;
	_ =	strace @p1 $0x80000056  }
0xa7: {  	s18 =	sadd.s32 @p1 $0x3, s18;
	s21 =	simm.s32 @!p0 $0x0;
	s20 =	rddreg [dreg:$0x2]  }
0xa8: {  	p0 =	seq.s32 s11, $0xA0;
	s17 =	sadd.s32 @p1 s20, s17;
	s20 =	simm.s32 @p1 $0x0  }
0xa9: {  	[hbm4b:s17+s20] =	stream.linear.scatter @p1 [tilespmem:s19], [sflag:s18], $0xC000, $0x200038;
	[tilespmem:$0x18100] =	vst v63  }
0xaa: {  	s17 =	simm.s32 $0x1;
	s19 =	simm.s32 $0x1;
	_ =	strace @p1 $0x90000056  }
0xab: {  	s17 =	simm.s32 @!p1 $0x0;
	p1 =	sne.s32 s11, $0xA0;
	s11 =	sadd.s32 $0xFFFFFFFF, s11  }
0xac: {  	s18 =	sand.u32 @!p0 $0x1, s12;
	s19 =	simm.s32 @!p1 $0x0;
	p1 =	sne.s32 s11, $0x0  }
.Ltmp0:
0xad: {  	s18 =	sadd.s32 @!p0 $0x3, s18;
	_ =	strace @!p0 $0x80000057;
	(pc) =	sbr.rel @p1 .LBB2_2-.Ltmp0, $4  }
0xae: {  	_ =	swait.ge @!p0 [sflag:s18], $0xC000  }
0xaf: {  	[sflag:s18] =	ssyncset.done @!p0 $0x0  }
0xb0: {  	s16 =	sadd.s32 s21, s16;
	s14 =	sadd.s32 s17, s14;
	[sflag:s18] =	ssyncadd.s32 @!p0 $0xFFFF4000  }
0xb1: {  	s15 =	sadd.s32 s17, s15;
	s12 =	sadd.s32 s19, s12;
	_ =	strace @!p0 $0x90000057  }
0xb2: {  	s10 =	sadd.s32 $0x1, s10  }
0xb3: {  	s11 =	sand.u32 $0x1, s12;
	p0 =	sne.s32 s10, s8  }
.Ltmp1:
0xb4: {  	_ =	strace $0x80000058;
	s11 =	sadd.s32 $0x3, s11;
	(pc) =	sbr.rel @p0 .LBB2_1-.Ltmp1, $4  }
0xb5: {  	_ =	swait.ge [sflag:s11], $0xC000  }
0xb6: {  	[sflag:s11] =	ssyncset.done $0x0  }
0xb7: {  	[sflag:s11] =	ssyncadd.s32 $0xFFFF4000  }
0xb8: {  	_ =	strace $0x90000058  }
0xb9: {  	_ =	sfence.sel $0x180000  }
0xba: {  	[bflag:$0x0] =	sbarrier.arrive $0xFFFF  }
0xbb: {  	p0 =	sne.s32 s1, $0x0;
	_ =	strace $0x90000051  }
0xbc: {  	s0 =	sadd.s32 @!p0 $0x100000, s0;
	[bflag:$0x2] =	sbarrier.arrive $0xFFFF  }
0xbd: {  	[sflag:s0] =	ssyncadd.tile.s32 @!p0 $0x1;
	_ =	shalt  }
.Lfunc_end2:
_tile_overlayer_lowered:
.L_overlay_start_2:
0xbe: {  	(tag) =	ssettag $0x2  }
0xbf: {  	s0 =	rddreg [dreg:$0x0];
	s2 =	stileid.u32  }
0xc0: {  	s1 =	rddreg [dreg:$0x1];
	p0 =	sne.s32 s2, $0x0  }
0xc1: {  	s3 =	rddreg [dreg:$0x2];
	[bflag:$0x3] =	sbarrier.arrive $0xFFFF;
	s2 =	simm.s32 @!p0 $0x1C01  }
0xc2: {  	[timem:s3], [sflag:s2] =	dma.local @!p0 [hbm:s0], s1  }
0xc3: {  	s0 =	simm.s32 @!p0 $0x1  }
0xc4: {  	_ =	swait.ge @!p0 [sflag:s0], s1  }
0xc5: {  	s1 =	ssub.s32 @!p0 $0x0, s1;
	[sflag:s0] =	ssyncset.done @!p0 $0x0  }
0xc6: {  	[sflag:s0] =	ssyncadd.s32 @!p0 s1  }
0xc7: {  	[bflag:$0x3] =	sbarrier.arrive $0xFFFF  }
0xc8: {  	_ =	shalt  }

// kernel: kernel.26.cloned.1.call-start
scs
__scs_entry_jumppad:
0x0: {  	(pc) =	sbr.rel $0x88, $3  }
0x1: {  	(tag) =	ssettag $0x0;
	lr =	simm.s32 $0x1  }
0x2: {  	[smem:$0x3F72] =	sst lr;
	_ =	strace $0xD0000000  }
0x3: {  	_ = 	snop  }
0x4: {  	_ = 	snop  }
0x5: {  	_ = 	snop  }
0x6: {  	_ = 	snop  }
0x7: {  	_ = 	snop  }
__scs_overlays_trampoline_lowered:
0x8: {  	[smem:$0x3F81] =	sst s0  }
0x9: {  	[smem:$0x3F82] =	sst s1  }
0xa: {  	[smem:$0x3F83] =	sst s2  }
0xb: {  	[smem:$0x3F84] =	sst s3  }
0xc: {  	[smem:$0x3F85] =	sst s4  }
0xd: {  	[smem:$0x3F86] =	sst s5  }
0xe: {  	[smem:$0x3F87] =	sst s6  }
0xf: {  	[smem:$0x3F88] =	sst s7  }
0x10: {  	[smem:$0x3F89] =	sst s8  }
0x11: {  	[smem:$0x3F8A] =	sst s9;
	s0 =	simm.s32 @!p0 $0x0  }
0x12: {  	s1 =	sld [smem:$0x3F70];
	s0 =	simm.s32 @p0 $0x1  }
0x13: {  	[smem:$0x3F8B] =	sst s0;
	s0 =	simm.s32 @!p1 $0x0  }
0x14: {  	s2 =	sld [smem:$0x3F6F];
	s0 =	simm.s32 @p1 $0x1  }
0x15: {  	[smem:$0x3F8C] =	sst s0;
	s0 =	simm.s32 @!p2 $0x0  }
0x16: {  	s3 =	sld [smem:$0x3FDB];
	s0 =	simm.s32 @p2 $0x1  }
0x17: {  	s4 =	simm.s32 $0x1BF5;
	[smem:$0x3F8E] =	sst s0  }
0x18: {  	s0 =	sld [smem:$0x3F71];
	_ =	swait.ge [sflag:s4], $0x0  }
0x19: {  	s7 =	sld [smem:$0x3F72]  }
0x1a: {  	s8 =	sadd.s32 $0xFFFFE003, lr  }
0x1b: {  	s9 =	sadd.s32 $0xFFFFFEF7, lr;
	s5 =	simm.s32 $0xFFFFFFFF;
	p2 =	slt.u32 s8, $0xFFFFF086  }
0x1c: {  	p1 =	slt.u32 s9, $0xF7A;
	s5 =	simm.s32 @!p2 $0x0  }
0x1d: {  	s5 =	simm.s32 @p1 $0x1;
	p0 =	seq.s32 s7, s2  }
0x1e: {  	s7 =	smul.u32 @!p0 $0xF7A, s2;
	p2 =	seq.s32 @!p0 s5, $0x0  }
0x1f: {  	s9 =	smul.u32 $0xF7A, s1;
	s8 =	simm.s32 @!p0 $0x1BF5;
	p2 =	por !p2, p0  }
0x20: {  	[sflag:s8] =	ssyncset.s32 @!p0 $0xFFFFF086;
	s6 =	sadd.s32 @!p0 s3, s7;
	s7 =	simm.s32 @!p0 $0x108  }
0x21: {  	s3 =	sadd.s32 s3, s9;
	s6 =	sadd.s32 @!p0 $0x88, s6;
	s7 =	simm.s32 @p2 $0x1082  }
0x22: {  	[simem:s7], [sflag:s8] =	dma.local @!p0 [hbm:s6], $0xF7A  }
0x23: {  	s9 =	sor.u32 $0xD0000000, s2;
	s6 =	simm.s32 $0x108;
	_ =	swait.ge @!p0 [sflag:s8], $0x0  }
0x24: {  	s3 =	sadd.s32 $0x88, s3;
	s6 =	simm.s32 @!p1 $0x1082;
	[sflag:s4] =	ssyncset.s32 $0xFFFFF086  }
0x25: {  	[simem:s6], [sflag:s4] =	dma.local [hbm:s3], $0xF7A  }
0x26: {  	[smem:$0x3F72] =	sst s1;
	(tag) =	ssettag s2;
	_ =	strace s9  }
0x27: {  	s1 =	sld [smem:$0x3F82]  }
0x28: {  	s2 =	sld [smem:$0x3F83]  }
0x29: {  	s4 =	sld [smem:$0x3F85]  }
0x2a: {  	p0 =	seq.s32 s5, $0x0;
	s5 =	sld [smem:$0x3F86]  }
0x2b: {  	s6 =	sld [smem:$0x3F87]  }
0x2c: {  	s7 =	sld [smem:$0x3F88]  }
0x2d: {  	s3 =	simm.s32 $0x108;
	s8 =	sld [smem:$0x3F89]  }
0x2e: {  	s3 =	simm.s32 @!p0 $0x1082;
	s9 =	sld [smem:$0x3F8A]  }
0x2f: {  	lr =	sadd.s32 s0, s3;
	s0 =	sld [smem:$0x3F81]  }
0x30: {  	s3 =	sld [smem:$0x3F84]  }
0x31: {  	[smem:$0x3F8D] =	sst s10  }
0x32: {  	s10 =	sld [smem:$0x3F8B];
	_ =	sdelay $0x3  }
0x33: {  	p0 =	seq.s32 s10, $0x1;
	s10 =	sld [smem:$0x3F8D];
	_ =	sdelay $0x3  }
0x34: {  	[smem:$0x3F8D] =	sst s10  }
0x35: {  	s10 =	sld [smem:$0x3F8C];
	_ =	sdelay $0x3  }
0x36: {  	p1 =	seq.s32 s10, $0x1;
	s10 =	sld [smem:$0x3F8D];
	_ =	sdelay $0x3  }
0x37: {  	[smem:$0x3F8D] =	sst s10  }
0x38: {  	s10 =	sld [smem:$0x3F8E]  }
0x39: {  	_ = 	snop;
	(pc) =	sbr.ind lr, $3  }
0x3a: {  	_ = 	snop  }
0x3b: {  	_ = 	snop  }
0x3c: {  	p2 =	seq.s32 s10, $0x1;
	s10 =	sld [smem:$0x3F8D]  }
0x3d: {  	_ =	shalt  }
0x3e: {  	_ =	shalt  }
0x3f: {  	_ =	shalt  }
0x40: {  	_ =	shalt  }
0x41: {  	_ =	shalt  }
0x42: {  	_ =	shalt  }
0x43: {  	_ =	shalt  }
0x44: {  	_ =	shalt  }
0x45: {  	_ =	shalt  }
0x46: {  	_ =	shalt  }
0x47: {  	_ =	shalt  }
0x48: {  	_ =	shalt  }
0x49: {  	_ =	shalt  }
0x4a: {  	_ =	shalt  }
0x4b: {  	_ =	shalt  }
0x4c: {  	_ =	shalt  }
0x4d: {  	_ =	shalt  }
0x4e: {  	_ =	shalt  }
0x4f: {  	_ =	shalt  }
0x50: {  	_ =	shalt  }
0x51: {  	_ =	shalt  }
0x52: {  	_ =	shalt  }
0x53: {  	_ =	shalt  }
0x54: {  	_ =	shalt  }
0x55: {  	_ =	shalt  }
0x56: {  	_ =	shalt  }
0x57: {  	_ =	shalt  }
0x58: {  	_ =	shalt  }
0x59: {  	_ =	shalt  }
0x5a: {  	_ =	shalt  }
0x5b: {  	_ =	shalt  }
0x5c: {  	_ =	shalt  }
0x5d: {  	_ =	shalt  }
0x5e: {  	_ =	shalt  }
0x5f: {  	_ =	shalt  }
0x60: {  	_ =	shalt  }
0x61: {  	_ =	shalt  }
0x62: {  	_ =	shalt  }
0x63: {  	_ =	shalt  }
0x64: {  	_ =	shalt  }
0x65: {  	_ =	shalt  }
0x66: {  	_ =	shalt  }
0x67: {  	_ =	shalt  }
0x68: {  	_ =	shalt  }
0x69: {  	_ =	shalt  }
0x6a: {  	_ =	shalt  }
0x6b: {  	_ =	shalt  }
0x6c: {  	_ =	shalt  }
0x6d: {  	_ =	shalt  }
0x6e: {  	_ =	shalt  }
0x6f: {  	_ =	shalt  }
0x70: {  	_ =	shalt  }
0x71: {  	_ =	shalt  }
0x72: {  	_ =	shalt  }
0x73: {  	_ =	shalt  }
0x74: {  	_ =	shalt  }
0x75: {  	_ =	shalt  }
0x76: {  	_ =	shalt  }
0x77: {  	_ =	shalt  }
0x78: {  	_ =	shalt  }
0x79: {  	_ =	shalt  }
0x7a: {  	_ =	shalt  }
0x7b: {  	_ =	shalt  }
0x7c: {  	_ =	shalt  }
0x7d: {  	_ =	shalt  }
0x7e: {  	_ =	shalt  }
0x7f: {  	_ =	shalt  }
0x80: {  	_ =	shalt  }
0x81: {  	_ =	shalt  }
0x82: {  	_ =	shalt  }
0x83: {  	_ =	shalt  }
0x84: {  	_ =	shalt  }
0x85: {  	_ =	shalt  }
0x86: {  	_ =	shalt  }
0x87: {  	_ =	shalt  }
.Lfunc_end0:
.L_simem_size_0:
called_computation.2_lowered:
.L_overlay_start_0:
0x88: {  	s2 =	sld [smem:$0x3FD9]  }
0x89: {  	s3 =	sld [smem:$0x3FFE];
	_ =	sdelay $0x1  }
0x8a: {  	s1 =	srdreg.scid  }
0x8b: {  	s0 =	sand.u32 $0x1, s1  }
0x8c: {  	s17 =	sshll.u32 s0, $0xA;
	s2 =	sadd.s32 s3, s2  }
0x8d: {  	s2 =	sadd.s32 s2, s17  }
0x8e: {  	[smem:$0x3F99] =	sst s2  }
0x8f: {  	_ = 	snop  }
0x90: {  	(tm) =	ssettm $0x1  }
0x91: {  	s18 =	sld [smem:$0x3FFB];
	_ =	sdelay $0x3  }
0x92: {  	_ =	strace s18  }
0x93: {  	s2 =	sld [smem:$0x3FFC];
	_ =	sdelay $0x3  }
0x94: {  	_ =	strace s2  }
0x95: {  	s2 =	sld [smem:$0x3FFD];
	_ =	sdelay $0x3  }
0x96: {  	_ =	strace s2  }
0x97: {  	_ =	strace $0x8FFFFFFF  }
0x98: {  	s19 =	sld [smem:$0x3FDB];
	_ =	sdelay $0x1  }
0x99: {  	s20 =	simm.s32 $_scs_section_size  }
0x9a: {  	s4 =	simm.s32 $_size__tile_overlayer_lowered;
	s5 =	simm.s32 $_tile_overlayer_lowered  }
0x9b: {  	s6 =	simm.s32 $0x1BFF;
	s21 =	sshll.u32 s5, $0x1;
	s3 =	sadd.s32 s20, s19  }
0x9c: {  	s22 =	simm.s32 $0x0;
	s4 =	sshll.u32 s4, $0x1;
	s5 =	sadd.s32 s21, s3  }
0x9d: {  	[timem:s22], [sflag:s6] =	dma.local [hbm:s5], s4  }
0x9e: {  	_ =	swait.ge [sflag:s6], s4  }
0x9f: {  	s4 =	ssub.s32 $0x0, s4;
	[sflag:s6] =	ssyncset.done $0x0  }
0xa0: {  	[sflag:s6] =	ssyncadd.s32 s4;
	_ =	sdelay $0x1  }
0xa1: {  	s23 =	simm.s32 $0x1B8B  }
0xa2: {  	_ =	swait.ge [sflag:s23], $0x1  }
0xa3: {  	[sflag:s23] =	ssyncset.done $0x0  }
0xa4: {  	[sflag:s23] =	ssyncadd.s32 $0xFFFFFFFF  }
0xa5: {  	s4 =	sld [smem:$0x0]  }
0xa6: {  	s5 =	sand.u32 $0xFFFFFFFE, s1  }
0xa7: {  	p0 =	sne.s32 s1, s5  }
0xa8: {  	s5 =	sshll.u32 @p0 s5, $0xE  }
0xa9: {  	s5 =	sadd.s32 @p0 $0x11B8D, s5;
	s6 =	sshll.u32 @p0 s4, $0x11  }
0xaa: {  	s5 =	sor.u32 @p0 s6, s5  }
0xab: {  	[sflag:s5] =	ssyncadd.remote.s32 @p0 $0x1;
	_ =	sdelay $0x1  }
0xac: {  	s5 =	simm.s32 @p0 $0x1B8D  }
0xad: {  	_ =	swait.eq @p0 [sflag:s5], $0x1  }
0xae: {  	[sflag:s5] =	ssyncadd.s32 @p0 $0xFFFFFFFF  }
0xaf: {  	s6 =	sshll.u32 @!p0 s1, $0xE  }
0xb0: {  	s6 =	sor.u32 @!p0 $0x4000, s6;
	s5 =	simm.s32 @!p0 $0x1B8D  }
0xb1: {  	s4 =	sshll.u32 @!p0 s4, $0x11;
	s6 =	sadd.s32 @!p0 $0x11B8D, s6;
	_ =	swait.eq @!p0 [sflag:s5], $0x1  }
0xb2: {  	s4 =	sor.u32 @!p0 s4, s6;
	[sflag:s5] =	ssyncadd.s32 @!p0 $0xFFFFFFFF  }
0xb3: {  	s25 =	simm.s32 $0x1B8E;
	s24 =	sld [smem:$0x3FFE];
	[sflag:s4] =	ssyncadd.remote.s32 @!p0 $0x1  }
0xb4: {  	s26 =	simm.s32 $execute0_lowered;
	[smem:$0x3FD2] =	sst s25  }
0xb5: {  	s5 =	sshll.u32 s26, $0x1;
	_ =	strace $0x80000064;
	[dreg:$0x1] =	wrdreg $0xFFFFFFFF  }
0xb6: {  	s28 =	simm.s32 $_size_execute0_lowered;
	s3 =	sadd.s32 s3, s5;
	[dreg:$0x0] =	wrdreg $0x0  }
0xb7: {  	s5 =	sshll.u32 s28, $0x1;
	[dreg:$0x2] =	wrdreg s3  }
0xb8: {  	[dreg:$0x3] =	wrdreg s5  }
0xb9: {  	[dreg:$0x4] =	wrdreg $0xC0  }
0xba: {  	_ =	task [dreg:s22], $0x5FFFF  }
0xbb: {  	[dreg:$0x1] =	wrdreg $0xFFFFFFFF  }
0xbc: {  	[dreg:$0x0] =	wrdreg $0x60  }
0xbd: {  	[dreg:$0x2] =	wrdreg s24  }
0xbe: {  	[dreg:$0x3] =	wrdreg $0x9  }
0xbf: {  	_ =	task.clear_ibuf [dreg:s22], $0x4FFFF;
	_ =	strace $0x90000064  }
0xc0: {  	s29 =	simm.s32 $0x9;
	_ =	strace $0x8000006D  }
0xc1: {  	_ =	swait.ge [sflag:s29], $0x1  }
0xc2: {  	[sflag:s29] =	ssyncadd.s32 $0xFFFFFFFF  }
0xc3: {  	_ =	strace $0x9000006D  }
0xc4: {  	_ =	sfence  }
0xc5: {  	s30 =	sld [smem:$0x0];
	_ =	sdelay $0x2  }
0xc6: {  	s31 =	sshll.u32 s1, $0xD;
	s1 =	sshrl.u32 s1, $0x2  }
0xc7: {  	s4 =	sand.u32 $0x4000, s31;
	s1 =	sadd.s32 s1, s30  }
0xc8: {  	s0 =	sor.u32 s4, s0;
	s1 =	sshll.u32 s1, $0x11  }
0xc9: {  	s0 =	sor.u32 s1, s0  }
0xca: {  	s0 =	sadd.s32 $0x8F2B, s0  }
0xcb: {  	[sflag:s0] =	ssyncadd.remote.s32 $0x1  }
0xcc: {  	_ =	sfence.sel $0xFFFF  }
0xcd: {  	[dreg:$0x0] =	wrdreg $0xFFFFFFFF;
	(pc) =	sbr.abs _section_cstart, $3  }
0xce: {  	[dreg:$0x1] =	wrdreg $0xFFFFFFFF  }
0xcf: {  	_ =	task.clear_ibuf [dreg:s22], $0x2FFFF;
	_ =	strace $0x9FFFFFFF  }
0xd0: {  	(tm) =	ssettm $0x7FFFFFFF  }
0xd1: {  	_ =	shalt  }
tec
execute0_lowered:
.L_overlay_start_1:
0x0: {  	(tag) =	ssettag $0x1  }
0x1: {  	s7 =	rddreg [dreg:$0x0]  }
0x2: {  	s0 =	rddreg [dreg:$0x1];
	s2 =	simm.s32 $0x0;
	s3 =	srdreg.scid  }
0x3: {  	s1 =	stileid.u32;
	[smem:$0x7FF] =	sst s2  }
0x4: {  	s4 =	sand.u32 $0x1, s3;
	s5 =	sshll.u32 s1, $0x1;
	s3 =	sadd.s32 $0x35B2600, s7  }
0x5: {  	s8 =	sadd.s32 $0x498A600, s7;
	_ =	strace $0x80000065;
	s6 =	ssub.s32 $0x2, s4  }
0x6: {  	s5 =	sor.u32 s4, s5;
	s4 =	sadd.s32 $0x15600, s7;
	[dreg:$0x2] =	wrdreg s8  }
0x7: {  	v2 =	vlaneseq.u32;
	s7 =	sadd.s32 $0x35B2700, s7;
	s9 =	sshrl.u32 s6, $0x1;
	s10 =	smul.u32 $0xA00, s5  }
0x8: {  	vm0 =	vmmov $0xffff;
	vm1 =	vmmov $0xff;
	v1 =	vshrl.u32 v2, $0x3;
	s5 =	smul.u32 $0xA0, s5;
	s31 =	ssub.s32 s6, s9;
	s9 =	simm.s32 $0x5  }
0x9: {  	v0 =	vand.u32 $0x7, v2;
	v2 =	vor.u32 $0x8, v2;
	v1 =	vmul.u32 $0x8, v1;
	s6 =	sadd.s32 s4, s10;
	s8 =	smax.u32 s31, $0x1;
	s10 =	simm.s32 $0x0  }
.LBB2_1:
0xa: {  	_ =	strace $0x80000066;
	s11 =	simm.s32 $0xA0  }
0xb: {  	s13 =	simm.s32 $0x0;
	s12 =	simm.s32 $0x0;
	s14 =	simm.s32 $0x0  }
0xc: {  	[tilespmem:s2], [sflag:$0x1] =	stream.linear.gather [hbm4b:s6+s2], $0x80, $0x200038;
	[tilespmem:$0x18100] =	vst v63  }
0xd: {  	s15 =	simm.s32 $0x0;
	s16 =	simm.s32 $0x1;
	_ =	strace $0x90000066  }
.LBB2_2:
0xe: {  	s17 =	smov.u32 s13;
	s13 =	sadd.s32 $0x1, s13  }
0xf: {  	p0 =	seq.s32 s13, $0xA0  }
0x10: {  	s13 =	simm.s32 @p0 $0x0  }
0x11: {  	p6 =	sne.s32 s11, $0x1;
	p1 =	sne.s32 s17, s13  }
0x12: {  	p0 =	por !p6, !p1  }
0x13: {  	p0 =	por !p0, !p0  }
0x14: {  	s18 =	sadd.s32 @p0 s5, s13  }
0x15: {  	s19 =	sand.u32 @p0 $0x1, s16;
	s18 =	sshll.u32 @p0 s18, $0x4  }
0x16: {  	_ =	strace @p0 $0x80000067;
	s21 =	simm.s32 @p0 $0x0;
	s18 =	sand.u32 @p0 $0x1FFFFFF0, s18  }
0x17: {  	s20 =	sshll.u32 @p0 s19, $0x7;
	s19 =	sadd.s32 @p0 $0x1, s19;
	s18 =	sadd.s32 @p0 s4, s18  }
0x18: {  	[tilespmem:s20], [sflag:s19] =	stream.linear.gather @p0 [hbm4b:s18+s21], $0x80, $0x200038;
	[tilespmem:$0x18100] =	vst v63  }
0x19: {  	s23 =	sand.u32 $0x1, s15;
	_ =	strace @p0 $0x90000067  }
0x1a: {  	s18 =	sadd.s32 $0x1, s23;
	_ =	strace $0x80000068  }
0x1b: {  	_ =	swait.ge [sflag:s18], $0x80  }
0x1c: {  	[sflag:s18] =	ssyncset.done $0x0  }
0x1d: {  	[sflag:s18] =	ssyncadd.s32 $0xFFFFFF80  }
0x1e: {  	s24 =	sshll.u32 s15, $0x7;
	_ =	strace $0x90000068  }
0x1f: {  	s21 =	sand.u32 $0x80, s24;
	_ =	strace $0x80000069  }
0x20: {  	v3 =	vld [tilespmem:s21+$0x0];
	_ =	sdelay $0x4  }
0x21: {  	v4 =	vshrl.u32 v3, $0x3  }
0x22: {  	v4 =	vmul.u32 $0x18, v4  }
0x23: {  	v3 =	vand.u32 $0x7, v3  }
0x24: {  	v3 =	vor.u32 v3, v4  }
0x25: {  	v4 =	vperm.xlane v3, v0;
	_ =	sdelay $0x1  }
0x26: {  	s18 =	sand.u32 $0x1, s14;
	v4 =	vadd.s32 v1, v4  }
0x27: {  	s25 =	smul.u32 $0x30000, s18  }
0x28: {  	v3 =	vperm.xlane v3, v2  }
0x29: {  	s20 =	sshrl.u32 s25, $0x2  }
0x2a: {  	s19 =	sor.u32 $0x100, s20;
	v3 =	vadd.s32 v1, v3  }
0x2b: {  	[tilespmem:s19], [sflag:$0x5] =	stream.indirect_vreg.gather [hbm4b:s3+s2], $0x80, v4, vm0, $0x2000b8;
	[tilespmem:$0x18100] =	vst v63  }
0x2c: {  	s22 =	sor.u32 $0x900, s20  }
0x2d: {  	[tilespmem:s22], [sflag:$0x5] =	stream.indirect_vreg.gather [hbm4b:s7+s2], $0x80, v4, vm1, $0x2000b8;
	[tilespmem:$0x18100] =	vst v63  }
0x2e: {  	s26 =	sor.u32 $0xD00, s20  }
0x2f: {  	[tilespmem:s26], [sflag:$0x5] =	stream.indirect_vreg.gather [hbm4b:s3+s2], $0x80, v3, vm0, $0x2000b8;
	[tilespmem:$0x18100] =	vst v63  }
0x30: {  	s28 =	sor.u32 $0x1500, s20  }
0x31: {  	[tilespmem:s28], [sflag:$0x5] =	stream.indirect_vreg.gather [hbm4b:s7+s2], $0x80, v3, vm1, $0x2000b8;
	[tilespmem:$0x18100] =	vst v63  }
0x32: {  	v3 =	vld [tilespmem:s21+$0x10];
	_ =	sdelay $0x4  }
0x33: {  	v57 =	vshrl.u32 v3, $0x3  }
0x34: {  	v4 =	vmul.u32 $0x18, v57  }
0x35: {  	v3 =	vand.u32 $0x7, v3  }
0x36: {  	v3 =	vor.u32 v3, v4  }
0x37: {  	v4 =	vperm.xlane v3, v0;
	_ =	sdelay $0x1  }
0x38: {  	v4 =	vadd.s32 v1, v4;
	_ =	sdelay $0x1  }
0x39: {  	v3 =	vperm.xlane v3, v2;
	_ =	sdelay $0x1  }
0x3a: {  	s29 =	sor.u32 $0x1900, s20;
	v3 =	vadd.s32 v1, v3  }
0x3b: {  	[tilespmem:s29], [sflag:$0x5] =	stream.indirect_vreg.gather [hbm4b:s3+s2], $0x80, v4, vm0, $0x2000b8;
	[tilespmem:$0x18100] =	vst v63  }
0x3c: {  	s30 =	sor.u32 $0x2100, s20  }
0x3d: {  	[tilespmem:s30], [sflag:$0x5] =	stream.indirect_vreg.gather [hbm4b:s7+s2], $0x80, v4, vm1, $0x2000b8;
	[tilespmem:$0x18100] =	vst v63  }
0x3e: {  	s31 =	sor.u32 $0x2500, s20  }
0x3f: {  	[tilespmem:s31], [sflag:$0x5] =	stream.indirect_vreg.gather [hbm4b:s3+s2], $0x80, v3, vm0, $0x2000b8;
	[tilespmem:$0x18100] =	vst v63  }
0x40: {  	s23 =	sor.u32 $0x2D00, s20  }
0x41: {  	[tilespmem:s23], [sflag:$0x5] =	stream.indirect_vreg.gather [hbm4b:s7+s2], $0x80, v3, vm1, $0x2000b8;
	[tilespmem:$0x18100] =	vst v63  }
0x42: {  	v3 =	vld [tilespmem:s21+$0x20];
	_ =	sdelay $0x4  }
0x43: {  	v58 =	vshrl.u32 v3, $0x3  }
0x44: {  	v4 =	vmul.u32 $0x18, v58  }
0x45: {  	v3 =	vand.u32 $0x7, v3  }
0x46: {  	v3 =	vor.u32 v3, v4  }
0x47: {  	v4 =	vperm.xlane v3, v0;
	_ =	sdelay $0x1  }
0x48: {  	v4 =	vadd.s32 v1, v4;
	_ =	sdelay $0x1  }
0x49: {  	v3 =	vperm.xlane v3, v2;
	_ =	sdelay $0x1  }
0x4a: {  	s24 =	sor.u32 $0x3100, s20;
	v3 =	vadd.s32 v1, v3  }
0x4b: {  	[tilespmem:s24], [sflag:$0x5] =	stream.indirect_vreg.gather [hbm4b:s3+s2], $0x80, v4, vm0, $0x2000b8;
	[tilespmem:$0x18100] =	vst v63  }
0x4c: {  	s25 =	sor.u32 $0x3900, s20  }
0x4d: {  	[tilespmem:s25], [sflag:$0x5] =	stream.indirect_vreg.gather [hbm4b:s7+s2], $0x80, v4, vm1, $0x2000b8;
	[tilespmem:$0x18100] =	vst v63  }
0x4e: {  	s26 =	sor.u32 $0x3D00, s20  }
0x4f: {  	[tilespmem:s26], [sflag:$0x5] =	stream.indirect_vreg.gather [hbm4b:s3+s2], $0x80, v3, vm0, $0x2000b8;
	[tilespmem:$0x18100] =	vst v63  }
0x50: {  	s28 =	sadd.s32 $0x4500, s20  }
0x51: {  	[tilespmem:s28], [sflag:$0x5] =	stream.indirect_vreg.gather [hbm4b:s7+s2], $0x80, v3, vm1, $0x2000b8;
	[tilespmem:$0x18100] =	vst v63  }
0x52: {  	v3 =	vld [tilespmem:s21+$0x30];
	_ =	sdelay $0x4  }
0x53: {  	v59 =	vshrl.u32 v3, $0x3  }
0x54: {  	v4 =	vmul.u32 $0x18, v59  }
0x55: {  	v3 =	vand.u32 $0x7, v3  }
0x56: {  	v3 =	vor.u32 v3, v4  }
0x57: {  	v4 =	vperm.xlane v3, v0;
	_ =	sdelay $0x1  }
0x58: {  	v4 =	vadd.s32 v1, v4;
	_ =	sdelay $0x1  }
0x59: {  	v3 =	vperm.xlane v3, v2;
	_ =	sdelay $0x1  }
0x5a: {  	s29 =	sadd.s32 $0x4900, s20;
	v3 =	vadd.s32 v1, v3  }
0x5b: {  	[tilespmem:s29], [sflag:$0x5] =	stream.indirect_vreg.gather [hbm4b:s3+s2], $0x80, v4, vm0, $0x2000b8;
	[tilespmem:$0x18100] =	vst v63  }
0x5c: {  	s30 =	sadd.s32 $0x5100, s20  }
0x5d: {  	[tilespmem:s30], [sflag:$0x5] =	stream.indirect_vreg.gather [hbm4b:s7+s2], $0x80, v4, vm1, $0x2000b8;
	[tilespmem:$0x18100] =	vst v63  }
0x5e: {  	s31 =	sadd.s32 $0x5500, s20  }
0x5f: {  	[tilespmem:s31], [sflag:$0x5] =	stream.indirect_vreg.gather [hbm4b:s3+s2], $0x80, v3, vm0, $0x2000b8;
	[tilespmem:$0x18100] =	vst v63  }
0x60: {  	s23 =	sadd.s32 $0x5D00, s20  }
0x61: {  	[tilespmem:s23], [sflag:$0x5] =	stream.indirect_vreg.gather [hbm4b:s7+s2], $0x80, v3, vm1, $0x2000b8;
	[tilespmem:$0x18100] =	vst v63  }
0x62: {  	v3 =	vld [tilespmem:s21+$0x40];
	_ =	sdelay $0x4  }
0x63: {  	v60 =	vshrl.u32 v3, $0x3  }
0x64: {  	v4 =	vmul.u32 $0x18, v60  }
0x65: {  	v3 =	vand.u32 $0x7, v3  }
0x66: {  	v3 =	vor.u32 v3, v4  }
0x67: {  	v4 =	vperm.xlane v3, v0;
	_ =	sdelay $0x1  }
0x68: {  	v4 =	vadd.s32 v1, v4;
	_ =	sdelay $0x1  }
0x69: {  	v3 =	vperm.xlane v3, v2;
	_ =	sdelay $0x1  }
0x6a: {  	s24 =	sadd.s32 $0x6100, s20;
	v3 =	vadd.s32 v1, v3  }
0x6b: {  	[tilespmem:s24], [sflag:$0x5] =	stream.indirect_vreg.gather [hbm4b:s3+s2], $0x80, v4, vm0, $0x2000b8;
	[tilespmem:$0x18100] =	vst v63  }
0x6c: {  	s25 =	sadd.s32 $0x6900, s20  }
0x6d: {  	[tilespmem:s25], [sflag:$0x5] =	stream.indirect_vreg.gather [hbm4b:s7+s2], $0x80, v4, vm1, $0x2000b8;
	[tilespmem:$0x18100] =	vst v63  }
0x6e: {  	s26 =	sadd.s32 $0x6D00, s20  }
0x6f: {  	[tilespmem:s26], [sflag:$0x5] =	stream.indirect_vreg.gather [hbm4b:s3+s2], $0x80, v3, vm0, $0x2000b8;
	[tilespmem:$0x18100] =	vst v63  }
0x70: {  	s28 =	sadd.s32 $0x7500, s20  }
0x71: {  	[tilespmem:s28], [sflag:$0x5] =	stream.indirect_vreg.gather [hbm4b:s7+s2], $0x80, v3, vm1, $0x2000b8;
	[tilespmem:$0x18100] =	vst v63  }
0x72: {  	v3 =	vld [tilespmem:s21+$0x50];
	_ =	sdelay $0x4  }
0x73: {  	v61 =	vshrl.u32 v3, $0x3  }
0x74: {  	v4 =	vmul.u32 $0x18, v61  }
0x75: {  	v3 =	vand.u32 $0x7, v3  }
0x76: {  	v3 =	vor.u32 v3, v4  }
0x77: {  	v4 =	vperm.xlane v3, v0;
	_ =	sdelay $0x1  }
0x78: {  	v4 =	vadd.s32 v1, v4;
	_ =	sdelay $0x1  }
0x79: {  	v3 =	vperm.xlane v3, v2;
	_ =	sdelay $0x1  }
0x7a: {  	s29 =	sadd.s32 $0x7900, s20;
	v3 =	vadd.s32 v1, v3  }
0x7b: {  	[tilespmem:s29], [sflag:$0x5] =	stream.indirect_vreg.gather [hbm4b:s3+s2], $0x80, v4, vm0, $0x2000b8;
	[tilespmem:$0x18100] =	vst v63  }
0x7c: {  	s30 =	sadd.s32 $0x8100, s20  }
0x7d: {  	[tilespmem:s30], [sflag:$0x5] =	stream.indirect_vreg.gather [hbm4b:s7+s2], $0x80, v4, vm1, $0x2000b8;
	[tilespmem:$0x18100] =	vst v63  }
0x7e: {  	s31 =	sadd.s32 $0x8500, s20  }
0x7f: {  	[tilespmem:s31], [sflag:$0x5] =	stream.indirect_vreg.gather [hbm4b:s3+s2], $0x80, v3, vm0, $0x2000b8;
	[tilespmem:$0x18100] =	vst v63  }
0x80: {  	s23 =	sadd.s32 $0x8D00, s20  }
0x81: {  	[tilespmem:s23], [sflag:$0x5] =	stream.indirect_vreg.gather [hbm4b:s7+s2], $0x80, v3, vm1, $0x2000b8;
	[tilespmem:$0x18100] =	vst v63  }
0x82: {  	v3 =	vld [tilespmem:s21+$0x60];
	_ =	sdelay $0x4  }
0x83: {  	v62 =	vshrl.u32 v3, $0x3  }
0x84: {  	v4 =	vmul.u32 $0x18, v62  }
0x85: {  	v3 =	vand.u32 $0x7, v3  }
0x86: {  	v3 =	vor.u32 v3, v4  }
0x87: {  	v4 =	vperm.xlane v3, v0;
	_ =	sdelay $0x1  }
0x88: {  	v4 =	vadd.s32 v1, v4;
	_ =	sdelay $0x1  }
0x89: {  	v3 =	vperm.xlane v3, v2;
	_ =	sdelay $0x1  }
0x8a: {  	s24 =	sadd.s32 $0x9100, s20;
	v3 =	vadd.s32 v1, v3  }
0x8b: {  	[tilespmem:s24], [sflag:$0x5] =	stream.indirect_vreg.gather [hbm4b:s3+s2], $0x80, v4, vm0, $0x2000b8;
	[tilespmem:$0x18100] =	vst v63  }
0x8c: {  	s25 =	sadd.s32 $0x9900, s20  }
0x8d: {  	[tilespmem:s25], [sflag:$0x5] =	stream.indirect_vreg.gather [hbm4b:s7+s2], $0x80, v4, vm1, $0x2000b8;
	[tilespmem:$0x18100] =	vst v63  }
0x8e: {  	s26 =	sadd.s32 $0x9D00, s20  }
0x8f: {  	[tilespmem:s26], [sflag:$0x5] =	stream.indirect_vreg.gather [hbm4b:s3+s2], $0x80, v3, vm0, $0x2000b8;
	[tilespmem:$0x18100] =	vst v63  }
0x90: {  	s28 =	sadd.s32 $0xA500, s20  }
0x91: {  	[tilespmem:s28], [sflag:$0x5] =	stream.indirect_vreg.gather [hbm4b:s7+s2], $0x80, v3, vm1, $0x2000b8;
	[tilespmem:$0x18100] =	vst v63  }
0x92: {  	v3 =	vld [tilespmem:s21+$0x70];
	_ =	sdelay $0x4  }
0x93: {  	v63 =	vshrl.u32 v3, $0x3  }
0x94: {  	v4 =	vmul.u32 $0x18, v63  }
0x95: {  	v3 =	vand.u32 $0x7, v3  }
0x96: {  	v3 =	vor.u32 v3, v4  }
0x97: {  	v4 =	vperm.xlane v3, v0;
	_ =	sdelay $0x1  }
0x98: {  	v4 =	vadd.s32 v1, v4;
	_ =	sdelay $0x1  }
0x99: {  	v3 =	vperm.xlane v3, v2;
	_ =	sdelay $0x1  }
0x9a: {  	s29 =	sadd.s32 $0xA900, s20;
	v3 =	vadd.s32 v1, v3  }
0x9b: {  	[tilespmem:s29], [sflag:$0x5] =	stream.indirect_vreg.gather [hbm4b:s3+s2], $0x80, v4, vm0, $0x2000b8;
	[tilespmem:$0x18100] =	vst v63  }
0x9c: {  	s30 =	sadd.s32 $0xB100, s20  }
0x9d: {  	[tilespmem:s30], [sflag:$0x5] =	stream.indirect_vreg.gather [hbm4b:s7+s2], $0x80, v4, vm1, $0x2000b8;
	[tilespmem:$0x18100] =	vst v63  }
0x9e: {  	s31 =	sadd.s32 $0xB500, s20  }
0x9f: {  	[tilespmem:s31], [sflag:$0x5] =	stream.indirect_vreg.gather [hbm4b:s3+s2], $0x80, v3, vm0, $0x2000b8;
	[tilespmem:$0x18100] =	vst v63  }
0xa0: {  	s20 =	sadd.s32 $0xBD00, s20  }
0xa1: {  	[tilespmem:s20], [sflag:$0x5] =	stream.indirect_vreg.gather [hbm4b:s7+s2], $0x80, v3, vm1, $0x2000b8;
	[tilespmem:$0x18100] =	vst v63  }
0xa2: {  	_ =	swait.ge [sflag:s9], $0xC000  }
0xa3: {  	[sflag:s9] =	ssyncset.done $0x0  }
0xa4: {  	p2 =	seq.s32 s11, $0x1;
	[sflag:s9] =	ssyncadd.s32 $0xFFFF4000  }
0xa5: {  	s17 =	sadd.s32 s5, s17;
	p1 =	por p2, p1;
	_ =	strace $0x90000069  }
0xa6: {  	s17 =	smul.u32 @p1 $0x1800, s17;
	s21 =	simm.s32 $0x1;
	_ =	strace @p1 $0x8000006A  }
0xa7: {  	s18 =	sadd.s32 @p1 $0x3, s18;
	s21 =	simm.s32 @!p0 $0x0;
	s20 =	rddreg [dreg:$0x2]  }
0xa8: {  	p0 =	seq.s32 s11, $0xA0;
	s17 =	sadd.s32 @p1 s20, s17;
	s20 =	simm.s32 @p1 $0x0  }
0xa9: {  	[hbm4b:s17+s20] =	stream.linear.scatter @p1 [tilespmem:s19], [sflag:s18], $0xC000, $0x200038;
	[tilespmem:$0x18100] =	vst v63  }
0xaa: {  	s17 =	simm.s32 $0x1;
	s19 =	simm.s32 $0x1;
	_ =	strace @p1 $0x9000006A  }
0xab: {  	s17 =	simm.s32 @!p1 $0x0;
	p1 =	sne.s32 s11, $0xA0;
	s11 =	sadd.s32 $0xFFFFFFFF, s11  }
0xac: {  	s18 =	sand.u32 @!p0 $0x1, s12;
	s19 =	simm.s32 @!p1 $0x0;
	p1 =	sne.s32 s11, $0x0  }
.Ltmp0:
0xad: {  	s18 =	sadd.s32 @!p0 $0x3, s18;
	_ =	strace @!p0 $0x8000006B;
	(pc) =	sbr.rel @p1 .LBB2_2-.Ltmp0, $4  }
0xae: {  	_ =	swait.ge @!p0 [sflag:s18], $0xC000  }
0xaf: {  	[sflag:s18] =	ssyncset.done @!p0 $0x0  }
0xb0: {  	s16 =	sadd.s32 s21, s16;
	s14 =	sadd.s32 s17, s14;
	[sflag:s18] =	ssyncadd.s32 @!p0 $0xFFFF4000  }
0xb1: {  	s15 =	sadd.s32 s17, s15;
	s12 =	sadd.s32 s19, s12;
	_ =	strace @!p0 $0x9000006B  }
0xb2: {  	s10 =	sadd.s32 $0x1, s10  }
0xb3: {  	s11 =	sand.u32 $0x1, s12;
	p0 =	sne.s32 s10, s8  }
.Ltmp1:
0xb4: {  	_ =	strace $0x8000006C;
	s11 =	sadd.s32 $0x3, s11;
	(pc) =	sbr.rel @p0 .LBB2_1-.Ltmp1, $4  }
0xb5: {  	_ =	swait.ge [sflag:s11], $0xC000  }
0xb6: {  	[sflag:s11] =	ssyncset.done $0x0  }
0xb7: {  	[sflag:s11] =	ssyncadd.s32 $0xFFFF4000  }
0xb8: {  	_ =	strace $0x9000006C  }
0xb9: {  	_ =	sfence.sel $0x180000  }
0xba: {  	[bflag:$0x0] =	sbarrier.arrive $0xFFFF  }
0xbb: {  	p0 =	sne.s32 s1, $0x0;
	_ =	strace $0x90000065  }
0xbc: {  	s0 =	sadd.s32 @!p0 $0x100000, s0;
	[bflag:$0x2] =	sbarrier.arrive $0xFFFF  }
0xbd: {  	[sflag:s0] =	ssyncadd.tile.s32 @!p0 $0x1;
	_ =	shalt  }
.Lfunc_end2:
_tile_overlayer_lowered:
.L_overlay_start_2:
0xbe: {  	(tag) =	ssettag $0x2  }
0xbf: {  	s0 =	rddreg [dreg:$0x0];
	s2 =	stileid.u32  }
0xc0: {  	s1 =	rddreg [dreg:$0x1];
	p0 =	sne.s32 s2, $0x0  }
0xc1: {  	s3 =	rddreg [dreg:$0x2];
	[bflag:$0x3] =	sbarrier.arrive $0xFFFF;
	s2 =	simm.s32 @!p0 $0x1C01  }
0xc2: {  	[timem:s3], [sflag:s2] =	dma.local @!p0 [hbm:s0], s1  }
0xc3: {  	s0 =	simm.s32 @!p0 $0x1  }
0xc4: {  	_ =	swait.ge @!p0 [sflag:s0], s1  }
0xc5: {  	s1 =	ssub.s32 @!p0 $0x0, s1;
	[sflag:s0] =	ssyncset.done @!p0 $0x0  }
0xc6: {  	[sflag:s0] =	ssyncadd.s32 @!p0 s1  }
0xc7: {  	[bflag:$0x3] =	sbarrier.arrive $0xFFFF  }
0xc8: {  	_ =	shalt  }

// kernel: kernel.29.cloned.1.call-start
scs
__scs_entry_jumppad:
0x0: {  	(pc) =	sbr.rel $0x88, $3  }
0x1: {  	(tag) =	ssettag $0x0;
	lr =	simm.s32 $0x1  }
0x2: {  	[smem:$0x3F72] =	sst lr;
	_ =	strace $0xD0000000  }
0x3: {  	_ = 	snop  }
0x4: {  	_ = 	snop  }
0x5: {  	_ = 	snop  }
0x6: {  	_ = 	snop  }
0x7: {  	_ = 	snop  }
__scs_overlays_trampoline_lowered:
0x8: {  	[smem:$0x3F81] =	sst s0  }
0x9: {  	[smem:$0x3F82] =	sst s1  }
0xa: {  	[smem:$0x3F83] =	sst s2  }
0xb: {  	[smem:$0x3F84] =	sst s3  }
0xc: {  	[smem:$0x3F85] =	sst s4  }
0xd: {  	[smem:$0x3F86] =	sst s5  }
0xe: {  	[smem:$0x3F87] =	sst s6  }
0xf: {  	[smem:$0x3F88] =	sst s7  }
0x10: {  	[smem:$0x3F89] =	sst s8  }
0x11: {  	[smem:$0x3F8A] =	sst s9;
	s0 =	simm.s32 @!p0 $0x0  }
0x12: {  	s1 =	sld [smem:$0x3F70];
	s0 =	simm.s32 @p0 $0x1  }
0x13: {  	[smem:$0x3F8B] =	sst s0;
	s0 =	simm.s32 @!p1 $0x0  }
0x14: {  	s2 =	sld [smem:$0x3F6F];
	s0 =	simm.s32 @p1 $0x1  }
0x15: {  	[smem:$0x3F8C] =	sst s0;
	s0 =	simm.s32 @!p2 $0x0  }
0x16: {  	s3 =	sld [smem:$0x3FDB];
	s0 =	simm.s32 @p2 $0x1  }
0x17: {  	s4 =	simm.s32 $0x1BF5;
	[smem:$0x3F8E] =	sst s0  }
0x18: {  	s0 =	sld [smem:$0x3F71];
	_ =	swait.ge [sflag:s4], $0x0  }
0x19: {  	s7 =	sld [smem:$0x3F72]  }
0x1a: {  	s8 =	sadd.s32 $0xFFFFE003, lr  }
0x1b: {  	s9 =	sadd.s32 $0xFFFFFEF7, lr;
	s5 =	simm.s32 $0xFFFFFFFF;
	p2 =	slt.u32 s8, $0xFFFFF086  }
0x1c: {  	p1 =	slt.u32 s9, $0xF7A;
	s5 =	simm.s32 @!p2 $0x0  }
0x1d: {  	s5 =	simm.s32 @p1 $0x1;
	p0 =	seq.s32 s7, s2  }
0x1e: {  	s7 =	smul.u32 @!p0 $0xF7A, s2;
	p2 =	seq.s32 @!p0 s5, $0x0  }
0x1f: {  	s9 =	smul.u32 $0xF7A, s1;
	s8 =	simm.s32 @!p0 $0x1BF5;
	p2 =	por !p2, p0  }
0x20: {  	[sflag:s8] =	ssyncset.s32 @!p0 $0xFFFFF086;
	s6 =	sadd.s32 @!p0 s3, s7;
	s7 =	simm.s32 @!p0 $0x108  }
0x21: {  	s3 =	sadd.s32 s3, s9;
	s6 =	sadd.s32 @!p0 $0x88, s6;
	s7 =	simm.s32 @p2 $0x1082  }
0x22: {  	[simem:s7], [sflag:s8] =	dma.local @!p0 [hbm:s6], $0xF7A  }
0x23: {  	s9 =	sor.u32 $0xD0000000, s2;
	s6 =	simm.s32 $0x108;
	_ =	swait.ge @!p0 [sflag:s8], $0x0  }
0x24: {  	s3 =	sadd.s32 $0x88, s3;
	s6 =	simm.s32 @!p1 $0x1082;
	[sflag:s4] =	ssyncset.s32 $0xFFFFF086  }
0x25: {  	[simem:s6], [sflag:s4] =	dma.local [hbm:s3], $0xF7A  }
0x26: {  	[smem:$0x3F72] =	sst s1;
	(tag) =	ssettag s2;
	_ =	strace s9  }
0x27: {  	s1 =	sld [smem:$0x3F82]  }
0x28: {  	s2 =	sld [smem:$0x3F83]  }
0x29: {  	s4 =	sld [smem:$0x3F85]  }
0x2a: {  	p0 =	seq.s32 s5, $0x0;
	s5 =	sld [smem:$0x3F86]  }
0x2b: {  	s6 =	sld [smem:$0x3F87]  }
0x2c: {  	s7 =	sld [smem:$0x3F88]  }
0x2d: {  	s3 =	simm.s32 $0x108;
	s8 =	sld [smem:$0x3F89]  }
0x2e: {  	s3 =	simm.s32 @!p0 $0x1082;
	s9 =	sld [smem:$0x3F8A]  }
0x2f: {  	lr =	sadd.s32 s0, s3;
	s0 =	sld [smem:$0x3F81]  }
0x30: {  	s3 =	sld [smem:$0x3F84]  }
0x31: {  	[smem:$0x3F8D] =	sst s10  }
0x32: {  	s10 =	sld [smem:$0x3F8B];
	_ =	sdelay $0x3  }
0x33: {  	p0 =	seq.s32 s10, $0x1;
	s10 =	sld [smem:$0x3F8D];
	_ =	sdelay $0x3  }
0x34: {  	[smem:$0x3F8D] =	sst s10  }
0x35: {  	s10 =	sld [smem:$0x3F8C];
	_ =	sdelay $0x3  }
0x36: {  	p1 =	seq.s32 s10, $0x1;
	s10 =	sld [smem:$0x3F8D];
	_ =	sdelay $0x3  }
0x37: {  	[smem:$0x3F8D] =	sst s10  }
0x38: {  	s10 =	sld [smem:$0x3F8E]  }
0x39: {  	_ = 	snop;
	(pc) =	sbr.ind lr, $3  }
0x3a: {  	_ = 	snop  }
0x3b: {  	_ = 	snop  }
0x3c: {  	p2 =	seq.s32 s10, $0x1;
	s10 =	sld [smem:$0x3F8D]  }
0x3d: {  	_ =	shalt  }
0x3e: {  	_ =	shalt  }
0x3f: {  	_ =	shalt  }
0x40: {  	_ =	shalt  }
0x41: {  	_ =	shalt  }
0x42: {  	_ =	shalt  }
0x43: {  	_ =	shalt  }
0x44: {  	_ =	shalt  }
0x45: {  	_ =	shalt  }
0x46: {  	_ =	shalt  }
0x47: {  	_ =	shalt  }
0x48: {  	_ =	shalt  }
0x49: {  	_ =	shalt  }
0x4a: {  	_ =	shalt  }
0x4b: {  	_ =	shalt  }
0x4c: {  	_ =	shalt  }
0x4d: {  	_ =	shalt  }
0x4e: {  	_ =	shalt  }
0x4f: {  	_ =	shalt  }
0x50: {  	_ =	shalt  }
0x51: {  	_ =	shalt  }
0x52: {  	_ =	shalt  }
0x53: {  	_ =	shalt  }
0x54: {  	_ =	shalt  }
0x55: {  	_ =	shalt  }
0x56: {  	_ =	shalt  }
0x57: {  	_ =	shalt  }
0x58: {  	_ =	shalt  }
0x59: {  	_ =	shalt  }
0x5a: {  	_ =	shalt  }
0x5b: {  	_ =	shalt  }
0x5c: {  	_ =	shalt  }
0x5d: {  	_ =	shalt  }
0x5e: {  	_ =	shalt  }
0x5f: {  	_ =	shalt  }
0x60: {  	_ =	shalt  }
0x61: {  	_ =	shalt  }
0x62: {  	_ =	shalt  }
0x63: {  	_ =	shalt  }
0x64: {  	_ =	shalt  }
0x65: {  	_ =	shalt  }
0x66: {  	_ =	shalt  }
0x67: {  	_ =	shalt  }
0x68: {  	_ =	shalt  }
0x69: {  	_ =	shalt  }
0x6a: {  	_ =	shalt  }
0x6b: {  	_ =	shalt  }
0x6c: {  	_ =	shalt  }
0x6d: {  	_ =	shalt  }
0x6e: {  	_ =	shalt  }
0x6f: {  	_ =	shalt  }
0x70: {  	_ =	shalt  }
0x71: {  	_ =	shalt  }
0x72: {  	_ =	shalt  }
0x73: {  	_ =	shalt  }
0x74: {  	_ =	shalt  }
0x75: {  	_ =	shalt  }
0x76: {  	_ =	shalt  }
0x77: {  	_ =	shalt  }
0x78: {  	_ =	shalt  }
0x79: {  	_ =	shalt  }
0x7a: {  	_ =	shalt  }
0x7b: {  	_ =	shalt  }
0x7c: {  	_ =	shalt  }
0x7d: {  	_ =	shalt  }
0x7e: {  	_ =	shalt  }
0x7f: {  	_ =	shalt  }
0x80: {  	_ =	shalt  }
0x81: {  	_ =	shalt  }
0x82: {  	_ =	shalt  }
0x83: {  	_ =	shalt  }
0x84: {  	_ =	shalt  }
0x85: {  	_ =	shalt  }
0x86: {  	_ =	shalt  }
0x87: {  	_ =	shalt  }
.Lfunc_end0:
.L_simem_size_0:
called_computation.3_lowered:
.L_overlay_start_0:
0x88: {  	s2 =	sld [smem:$0x3FD9]  }
0x89: {  	s3 =	sld [smem:$0x3FFE];
	_ =	sdelay $0x1  }
0x8a: {  	s1 =	srdreg.scid  }
0x8b: {  	s0 =	sand.u32 $0x1, s1  }
0x8c: {  	s16 =	sshll.u32 s0, $0xA;
	s2 =	sadd.s32 s3, s2  }
0x8d: {  	s2 =	sadd.s32 s2, s16  }
0x8e: {  	[smem:$0x3F99] =	sst s2  }
0x8f: {  	_ = 	snop  }
0x90: {  	(tm) =	ssettm $0x1  }
0x91: {  	s17 =	sld [smem:$0x3FFB];
	_ =	sdelay $0x3  }
0x92: {  	_ =	strace s17  }
0x93: {  	s2 =	sld [smem:$0x3FFC];
	_ =	sdelay $0x3  }
0x94: {  	_ =	strace s2  }
0x95: {  	s2 =	sld [smem:$0x3FFD];
	_ =	sdelay $0x3  }
0x96: {  	_ =	strace s2  }
0x97: {  	_ =	strace $0x8FFFFFFF  }
0x98: {  	s18 =	sld [smem:$0x3FDB];
	_ =	sdelay $0x1  }
0x99: {  	s19 =	simm.s32 $_scs_section_size  }
0x9a: {  	s4 =	simm.s32 $_size__tile_overlayer_lowered;
	s5 =	simm.s32 $_tile_overlayer_lowered  }
0x9b: {  	s22 =	simm.s32 $0x1BFF;
	s21 =	sshll.u32 s5, $0x1;
	s2 =	sadd.s32 s19, s18  }
0x9c: {  	s6 =	simm.s32 $0x0;
	s20 =	sshll.u32 s4, $0x1;
	s4 =	sadd.s32 s21, s2  }
0x9d: {  	[timem:s6], [sflag:s22] =	dma.local [hbm:s4], s20  }
0x9e: {  	_ =	swait.ge [sflag:s22], s20  }
0x9f: {  	s3 =	ssub.s32 $0x0, s20;
	[sflag:s22] =	ssyncset.done $0x0  }
0xa0: {  	[sflag:s22] =	ssyncadd.s32 s3;
	_ =	sdelay $0x1  }
0xa1: {  	s23 =	simm.s32 $0x1B8B  }
0xa2: {  	_ =	swait.ge [sflag:s23], $0x1  }
0xa3: {  	[sflag:s23] =	ssyncset.done $0x0  }
0xa4: {  	s25 =	simm.s32 $0x1B8E;
	s24 =	sld [smem:$0x3FFE];
	[sflag:s23] =	ssyncadd.s32 $0xFFFFFFFF  }
0xa5: {  	s26 =	simm.s32 $execute0_lowered;
	[smem:$0x3FD2] =	sst s25  }
0xa6: {  	s4 =	sshll.u32 s26, $0x1;
	_ =	strace $0x8000005A;
	[dreg:$0x1] =	wrdreg $0xFFFFFFFF  }
0xa7: {  	s28 =	simm.s32 $_size_execute0_lowered;
	s2 =	sadd.s32 s2, s4;
	[dreg:$0x0] =	wrdreg $0x0  }
0xa8: {  	s4 =	sshll.u32 s28, $0x1;
	[dreg:$0x2] =	wrdreg s2  }
0xa9: {  	[dreg:$0x3] =	wrdreg s4  }
0xaa: {  	[dreg:$0x4] =	wrdreg $0xC0  }
0xab: {  	_ =	task [dreg:s6], $0x5FFFF  }
0xac: {  	[dreg:$0x1] =	wrdreg $0xFFFFFFFF  }
0xad: {  	[dreg:$0x0] =	wrdreg $0x60  }
0xae: {  	[dreg:$0x2] =	wrdreg s24  }
0xaf: {  	[dreg:$0x3] =	wrdreg $0xA  }
0xb0: {  	_ =	task.clear_ibuf [dreg:s6], $0x4FFFF;
	_ =	strace $0x9000005A  }
0xb1: {  	s29 =	simm.s32 $0xA;
	_ =	strace $0x80000063  }
0xb2: {  	_ =	swait.ge [sflag:s29], $0x1  }
0xb3: {  	[sflag:s29] =	ssyncadd.s32 $0xFFFFFFFF  }
0xb4: {  	_ =	strace $0x90000063  }
0xb5: {  	_ =	sfence  }
0xb6: {  	s30 =	sld [smem:$0x0];
	_ =	sdelay $0x2  }
0xb7: {  	s31 =	sshll.u32 s1, $0xD;
	s1 =	sshrl.u32 s1, $0x2  }
0xb8: {  	s3 =	sand.u32 $0x4000, s31;
	s1 =	sadd.s32 s1, s30  }
0xb9: {  	s0 =	sor.u32 s3, s0;
	s1 =	sshll.u32 s1, $0x11  }
0xba: {  	s0 =	sor.u32 s1, s0  }
0xbb: {  	s0 =	sadd.s32 $0x8F2B, s0  }
0xbc: {  	[sflag:s0] =	ssyncadd.remote.s32 $0x1  }
0xbd: {  	_ =	sfence.sel $0xFFFF  }
0xbe: {  	[dreg:$0x0] =	wrdreg $0xFFFFFFFF;
	(pc) =	sbr.abs _section_cstart, $3  }
0xbf: {  	[dreg:$0x1] =	wrdreg $0xFFFFFFFF  }
0xc0: {  	_ =	task.clear_ibuf [dreg:s6], $0x2FFFF;
	_ =	strace $0x9FFFFFFF  }
0xc1: {  	(tm) =	ssettm $0x7FFFFFFF  }
tec
execute0_lowered:
.L_overlay_start_1:
0x0: {  	(tag) =	ssettag $0x1  }
0x1: {  	s7 =	rddreg [dreg:$0x0]  }
0x2: {  	s0 =	rddreg [dreg:$0x1];
	s2 =	simm.s32 $0x0;
	s3 =	srdreg.scid  }
0x3: {  	s1 =	stileid.u32;
	[smem:$0x7FF] =	sst s2  }
0x4: {  	s4 =	sand.u32 $0x1, s3;
	s5 =	sshll.u32 s1, $0x1;
	s3 =	sadd.s32 $0x367A600, s7  }
0x5: {  	s8 =	sadd.s32 $0xA79600, s7;
	_ =	strace $0x8000005B;
	s6 =	ssub.s32 $0x2, s4  }
0x6: {  	s5 =	sor.u32 s4, s5;
	s4 =	sadd.s32 $0x15600, s7;
	[dreg:$0x2] =	wrdreg s8  }
0x7: {  	v2 =	vlaneseq.u32;
	s7 =	sadd.s32 $0x367A700, s7;
	s9 =	sshrl.u32 s6, $0x1;
	s10 =	smul.u32 $0xA00, s5  }
0x8: {  	vm0 =	vmmov $0xffff;
	vm1 =	vmmov $0xff;
	v1 =	vshrl.u32 v2, $0x3;
	s5 =	smul.u32 $0xA0, s5;
	s31 =	ssub.s32 s6, s9;
	s9 =	simm.s32 $0x5  }
0x9: {  	v0 =	vand.u32 $0x7, v2;
	v2 =	vor.u32 $0x8, v2;
	v1 =	vmul.u32 $0x8, v1;
	s6 =	sadd.s32 s4, s10;
	s8 =	smax.u32 s31, $0x1;
	s10 =	simm.s32 $0x0  }
.LBB2_1:
0xa: {  	_ =	strace $0x8000005C;
	s11 =	simm.s32 $0xA0  }
0xb: {  	s13 =	simm.s32 $0x0;
	s12 =	simm.s32 $0x0;
	s14 =	simm.s32 $0x0  }
0xc: {  	[tilespmem:s2], [sflag:$0x1] =	stream.linear.gather [hbm4b:s6+s2], $0x80, $0x200038;
	[tilespmem:$0x18100] =	vst v63  }
0xd: {  	s15 =	simm.s32 $0x0;
	s16 =	simm.s32 $0x1;
	_ =	strace $0x9000005C  }
.LBB2_2:
0xe: {  	s17 =	smov.u32 s13;
	s13 =	sadd.s32 $0x1, s13  }
0xf: {  	p0 =	seq.s32 s13, $0xA0  }
0x10: {  	s13 =	simm.s32 @p0 $0x0  }
0x11: {  	p6 =	sne.s32 s11, $0x1;
	p1 =	sne.s32 s17, s13  }
0x12: {  	p0 =	por !p6, !p1  }
0x13: {  	p0 =	por !p0, !p0  }
0x14: {  	s18 =	sadd.s32 @p0 s5, s13  }
0x15: {  	s19 =	sand.u32 @p0 $0x1, s16;
	s18 =	sshll.u32 @p0 s18, $0x4  }
0x16: {  	_ =	strace @p0 $0x8000005D;
	s21 =	simm.s32 @p0 $0x0;
	s18 =	sand.u32 @p0 $0x1FFFFFF0, s18  }
0x17: {  	s20 =	sshll.u32 @p0 s19, $0x7;
	s19 =	sadd.s32 @p0 $0x1, s19;
	s18 =	sadd.s32 @p0 s4, s18  }
0x18: {  	[tilespmem:s20], [sflag:s19] =	stream.linear.gather @p0 [hbm4b:s18+s21], $0x80, $0x200038;
	[tilespmem:$0x18100] =	vst v63  }
0x19: {  	s23 =	sand.u32 $0x1, s15;
	_ =	strace @p0 $0x9000005D  }
0x1a: {  	s18 =	sadd.s32 $0x1, s23;
	_ =	strace $0x8000005E  }
0x1b: {  	_ =	swait.ge [sflag:s18], $0x80  }
0x1c: {  	[sflag:s18] =	ssyncset.done $0x0  }
0x1d: {  	[sflag:s18] =	ssyncadd.s32 $0xFFFFFF80  }
0x1e: {  	s24 =	sshll.u32 s15, $0x7;
	_ =	strace $0x9000005E  }
0x1f: {  	s21 =	sand.u32 $0x80, s24;
	_ =	strace $0x8000005F  }
0x20: {  	v3 =	vld [tilespmem:s21+$0x0];
	_ =	sdelay $0x4  }
0x21: {  	v4 =	vshrl.u32 v3, $0x3  }
0x22: {  	v4 =	vmul.u32 $0x18, v4  }
0x23: {  	v3 =	vand.u32 $0x7, v3  }
0x24: {  	v3 =	vor.u32 v3, v4  }
0x25: {  	v4 =	vperm.xlane v3, v0;
	_ =	sdelay $0x1  }
0x26: {  	s18 =	sand.u32 $0x1, s14;
	v4 =	vadd.s32 v1, v4  }
0x27: {  	s25 =	smul.u32 $0x30000, s18  }
0x28: {  	v3 =	vperm.xlane v3, v2  }
0x29: {  	s20 =	sshrl.u32 s25, $0x2  }
0x2a: {  	s19 =	sor.u32 $0x100, s20;
	v3 =	vadd.s32 v1, v3  }
0x2b: {  	[tilespmem:s19], [sflag:$0x5] =	stream.indirect_vreg.gather [hbm4b:s3+s2], $0x80, v4, vm0, $0x2000b8;
	[tilespmem:$0x18100] =	vst v63  }
0x2c: {  	s22 =	sor.u32 $0x900, s20  }
0x2d: {  	[tilespmem:s22], [sflag:$0x5] =	stream.indirect_vreg.gather [hbm4b:s7+s2], $0x80, v4, vm1, $0x2000b8;
	[tilespmem:$0x18100] =	vst v63  }
0x2e: {  	s26 =	sor.u32 $0xD00, s20  }
0x2f: {  	[tilespmem:s26], [sflag:$0x5] =	stream.indirect_vreg.gather [hbm4b:s3+s2], $0x80, v3, vm0, $0x2000b8;
	[tilespmem:$0x18100] =	vst v63  }
0x30: {  	s28 =	sor.u32 $0x1500, s20  }
0x31: {  	[tilespmem:s28], [sflag:$0x5] =	stream.indirect_vreg.gather [hbm4b:s7+s2], $0x80, v3, vm1, $0x2000b8;
	[tilespmem:$0x18100] =	vst v63  }
0x32: {  	v3 =	vld [tilespmem:s21+$0x10];
	_ =	sdelay $0x4  }
0x33: {  	v57 =	vshrl.u32 v3, $0x3  }
0x34: {  	v4 =	vmul.u32 $0x18, v57  }
0x35: {  	v3 =	vand.u32 $0x7, v3  }
0x36: {  	v3 =	vor.u32 v3, v4  }
0x37: {  	v4 =	vperm.xlane v3, v0;
	_ =	sdelay $0x1  }
0x38: {  	v4 =	vadd.s32 v1, v4;
	_ =	sdelay $0x1  }
0x39: {  	v3 =	vperm.xlane v3, v2;
	_ =	sdelay $0x1  }
0x3a: {  	s29 =	sor.u32 $0x1900, s20;
	v3 =	vadd.s32 v1, v3  }
0x3b: {  	[tilespmem:s29], [sflag:$0x5] =	stream.indirect_vreg.gather [hbm4b:s3+s2], $0x80, v4, vm0, $0x2000b8;
	[tilespmem:$0x18100] =	vst v63  }
0x3c: {  	s30 =	sor.u32 $0x2100, s20  }
0x3d: {  	[tilespmem:s30], [sflag:$0x5] =	stream.indirect_vreg.gather [hbm4b:s7+s2], $0x80, v4, vm1, $0x2000b8;
	[tilespmem:$0x18100] =	vst v63  }
0x3e: {  	s31 =	sor.u32 $0x2500, s20  }
0x3f: {  	[tilespmem:s31], [sflag:$0x5] =	stream.indirect_vreg.gather [hbm4b:s3+s2], $0x80, v3, vm0, $0x2000b8;
	[tilespmem:$0x18100] =	vst v63  }
0x40: {  	s23 =	sor.u32 $0x2D00, s20  }
0x41: {  	[tilespmem:s23], [sflag:$0x5] =	stream.indirect_vreg.gather [hbm4b:s7+s2], $0x80, v3, vm1, $0x2000b8;
	[tilespmem:$0x18100] =	vst v63  }
0x42: {  	v3 =	vld [tilespmem:s21+$0x20];
	_ =	sdelay $0x4  }
0x43: {  	v58 =	vshrl.u32 v3, $0x3  }
0x44: {  	v4 =	vmul.u32 $0x18, v58  }
0x45: {  	v3 =	vand.u32 $0x7, v3  }
0x46: {  	v3 =	vor.u32 v3, v4  }
0x47: {  	v4 =	vperm.xlane v3, v0;
	_ =	sdelay $0x1  }
0x48: {  	v4 =	vadd.s32 v1, v4;
	_ =	sdelay $0x1  }
0x49: {  	v3 =	vperm.xlane v3, v2;
	_ =	sdelay $0x1  }
0x4a: {  	s24 =	sor.u32 $0x3100, s20;
	v3 =	vadd.s32 v1, v3  }
0x4b: {  	[tilespmem:s24], [sflag:$0x5] =	stream.indirect_vreg.gather [hbm4b:s3+s2], $0x80, v4, vm0, $0x2000b8;
	[tilespmem:$0x18100] =	vst v63  }
0x4c: {  	s25 =	sor.u32 $0x3900, s20  }
0x4d: {  	[tilespmem:s25], [sflag:$0x5] =	stream.indirect_vreg.gather [hbm4b:s7+s2], $0x80, v4, vm1, $0x2000b8;
	[tilespmem:$0x18100] =	vst v63  }
0x4e: {  	s26 =	sor.u32 $0x3D00, s20  }
0x4f: {  	[tilespmem:s26], [sflag:$0x5] =	stream.indirect_vreg.gather [hbm4b:s3+s2], $0x80, v3, vm0, $0x2000b8;
	[tilespmem:$0x18100] =	vst v63  }
0x50: {  	s28 =	sadd.s32 $0x4500, s20  }
0x51: {  	[tilespmem:s28], [sflag:$0x5] =	stream.indirect_vreg.gather [hbm4b:s7+s2], $0x80, v3, vm1, $0x2000b8;
	[tilespmem:$0x18100] =	vst v63  }
0x52: {  	v3 =	vld [tilespmem:s21+$0x30];
	_ =	sdelay $0x4  }
0x53: {  	v59 =	vshrl.u32 v3, $0x3  }
0x54: {  	v4 =	vmul.u32 $0x18, v59  }
0x55: {  	v3 =	vand.u32 $0x7, v3  }
0x56: {  	v3 =	vor.u32 v3, v4  }
0x57: {  	v4 =	vperm.xlane v3, v0;
	_ =	sdelay $0x1  }
0x58: {  	v4 =	vadd.s32 v1, v4;
	_ =	sdelay $0x1  }
0x59: {  	v3 =	vperm.xlane v3, v2;
	_ =	sdelay $0x1  }
0x5a: {  	s29 =	sadd.s32 $0x4900, s20;
	v3 =	vadd.s32 v1, v3  }
0x5b: {  	[tilespmem:s29], [sflag:$0x5] =	stream.indirect_vreg.gather [hbm4b:s3+s2], $0x80, v4, vm0, $0x2000b8;
	[tilespmem:$0x18100] =	vst v63  }
0x5c: {  	s30 =	sadd.s32 $0x5100, s20  }
0x5d: {  	[tilespmem:s30], [sflag:$0x5] =	stream.indirect_vreg.gather [hbm4b:s7+s2], $0x80, v4, vm1, $0x2000b8;
	[tilespmem:$0x18100] =	vst v63  }
0x5e: {  	s31 =	sadd.s32 $0x5500, s20  }
0x5f: {  	[tilespmem:s31], [sflag:$0x5] =	stream.indirect_vreg.gather [hbm4b:s3+s2], $0x80, v3, vm0, $0x2000b8;
	[tilespmem:$0x18100] =	vst v63  }
0x60: {  	s23 =	sadd.s32 $0x5D00, s20  }
0x61: {  	[tilespmem:s23], [sflag:$0x5] =	stream.indirect_vreg.gather [hbm4b:s7+s2], $0x80, v3, vm1, $0x2000b8;
	[tilespmem:$0x18100] =	vst v63  }
0x62: {  	v3 =	vld [tilespmem:s21+$0x40];
	_ =	sdelay $0x4  }
0x63: {  	v60 =	vshrl.u32 v3, $0x3  }
0x64: {  	v4 =	vmul.u32 $0x18, v60  }
0x65: {  	v3 =	vand.u32 $0x7, v3  }
0x66: {  	v3 =	vor.u32 v3, v4  }
0x67: {  	v4 =	vperm.xlane v3, v0;
	_ =	sdelay $0x1  }
0x68: {  	v4 =	vadd.s32 v1, v4;
	_ =	sdelay $0x1  }
0x69: {  	v3 =	vperm.xlane v3, v2;
	_ =	sdelay $0x1  }
0x6a: {  	s24 =	sadd.s32 $0x6100, s20;
	v3 =	vadd.s32 v1, v3  }
0x6b: {  	[tilespmem:s24], [sflag:$0x5] =	stream.indirect_vreg.gather [hbm4b:s3+s2], $0x80, v4, vm0, $0x2000b8;
	[tilespmem:$0x18100] =	vst v63  }
0x6c: {  	s25 =	sadd.s32 $0x6900, s20  }
0x6d: {  	[tilespmem:s25], [sflag:$0x5] =	stream.indirect_vreg.gather [hbm4b:s7+s2], $0x80, v4, vm1, $0x2000b8;
	[tilespmem:$0x18100] =	vst v63  }
0x6e: {  	s26 =	sadd.s32 $0x6D00, s20  }
0x6f: {  	[tilespmem:s26], [sflag:$0x5] =	stream.indirect_vreg.gather [hbm4b:s3+s2], $0x80, v3, vm0, $0x2000b8;
	[tilespmem:$0x18100] =	vst v63  }
0x70: {  	s28 =	sadd.s32 $0x7500, s20  }
0x71: {  	[tilespmem:s28], [sflag:$0x5] =	stream.indirect_vreg.gather [hbm4b:s7+s2], $0x80, v3, vm1, $0x2000b8;
	[tilespmem:$0x18100] =	vst v63  }
0x72: {  	v3 =	vld [tilespmem:s21+$0x50];
	_ =	sdelay $0x4  }
0x73: {  	v61 =	vshrl.u32 v3, $0x3  }
0x74: {  	v4 =	vmul.u32 $0x18, v61  }
0x75: {  	v3 =	vand.u32 $0x7, v3  }
0x76: {  	v3 =	vor.u32 v3, v4  }
0x77: {  	v4 =	vperm.xlane v3, v0;
	_ =	sdelay $0x1  }
0x78: {  	v4 =	vadd.s32 v1, v4;
	_ =	sdelay $0x1  }
0x79: {  	v3 =	vperm.xlane v3, v2;
	_ =	sdelay $0x1  }
0x7a: {  	s29 =	sadd.s32 $0x7900, s20;
	v3 =	vadd.s32 v1, v3  }
0x7b: {  	[tilespmem:s29], [sflag:$0x5] =	stream.indirect_vreg.gather [hbm4b:s3+s2], $0x80, v4, vm0, $0x2000b8;
	[tilespmem:$0x18100] =	vst v63  }
0x7c: {  	s30 =	sadd.s32 $0x8100, s20  }
0x7d: {  	[tilespmem:s30], [sflag:$0x5] =	stream.indirect_vreg.gather [hbm4b:s7+s2], $0x80, v4, vm1, $0x2000b8;
	[tilespmem:$0x18100] =	vst v63  }
0x7e: {  	s31 =	sadd.s32 $0x8500, s20  }
0x7f: {  	[tilespmem:s31], [sflag:$0x5] =	stream.indirect_vreg.gather [hbm4b:s3+s2], $0x80, v3, vm0, $0x2000b8;
	[tilespmem:$0x18100] =	vst v63  }
0x80: {  	s23 =	sadd.s32 $0x8D00, s20  }
0x81: {  	[tilespmem:s23], [sflag:$0x5] =	stream.indirect_vreg.gather [hbm4b:s7+s2], $0x80, v3, vm1, $0x2000b8;
	[tilespmem:$0x18100] =	vst v63  }
0x82: {  	v3 =	vld [tilespmem:s21+$0x60];
	_ =	sdelay $0x4  }
0x83: {  	v62 =	vshrl.u32 v3, $0x3  }
0x84: {  	v4 =	vmul.u32 $0x18, v62  }
0x85: {  	v3 =	vand.u32 $0x7, v3  }
0x86: {  	v3 =	vor.u32 v3, v4  }
0x87: {  	v4 =	vperm.xlane v3, v0;
	_ =	sdelay $0x1  }
0x88: {  	v4 =	vadd.s32 v1, v4;
	_ =	sdelay $0x1  }
0x89: {  	v3 =	vperm.xlane v3, v2;
	_ =	sdelay $0x1  }
0x8a: {  	s24 =	sadd.s32 $0x9100, s20;
	v3 =	vadd.s32 v1, v3  }
0x8b: {  	[tilespmem:s24], [sflag:$0x5] =	stream.indirect_vreg.gather [hbm4b:s3+s2], $0x80, v4, vm0, $0x2000b8;
	[tilespmem:$0x18100] =	vst v63  }
0x8c: {  	s25 =	sadd.s32 $0x9900, s20  }
0x8d: {  	[tilespmem:s25], [sflag:$0x5] =	stream.indirect_vreg.gather [hbm4b:s7+s2], $0x80, v4, vm1, $0x2000b8;
	[tilespmem:$0x18100] =	vst v63  }
0x8e: {  	s26 =	sadd.s32 $0x9D00, s20  }
0x8f: {  	[tilespmem:s26], [sflag:$0x5] =	stream.indirect_vreg.gather [hbm4b:s3+s2], $0x80, v3, vm0, $0x2000b8;
	[tilespmem:$0x18100] =	vst v63  }
0x90: {  	s28 =	sadd.s32 $0xA500, s20  }
0x91: {  	[tilespmem:s28], [sflag:$0x5] =	stream.indirect_vreg.gather [hbm4b:s7+s2], $0x80, v3, vm1, $0x2000b8;
	[tilespmem:$0x18100] =	vst v63  }
0x92: {  	v3 =	vld [tilespmem:s21+$0x70];
	_ =	sdelay $0x4  }
0x93: {  	v63 =	vshrl.u32 v3, $0x3  }
0x94: {  	v4 =	vmul.u32 $0x18, v63  }
0x95: {  	v3 =	vand.u32 $0x7, v3  }
0x96: {  	v3 =	vor.u32 v3, v4  }
0x97: {  	v4 =	vperm.xlane v3, v0;
	_ =	sdelay $0x1  }
0x98: {  	v4 =	vadd.s32 v1, v4;
	_ =	sdelay $0x1  }
0x99: {  	v3 =	vperm.xlane v3, v2;
	_ =	sdelay $0x1  }
0x9a: {  	s29 =	sadd.s32 $0xA900, s20;
	v3 =	vadd.s32 v1, v3  }
0x9b: {  	[tilespmem:s29], [sflag:$0x5] =	stream.indirect_vreg.gather [hbm4b:s3+s2], $0x80, v4, vm0, $0x2000b8;
	[tilespmem:$0x18100] =	vst v63  }
0x9c: {  	s30 =	sadd.s32 $0xB100, s20  }
0x9d: {  	[tilespmem:s30], [sflag:$0x5] =	stream.indirect_vreg.gather [hbm4b:s7+s2], $0x80, v4, vm1, $0x2000b8;
	[tilespmem:$0x18100] =	vst v63  }
0x9e: {  	s31 =	sadd.s32 $0xB500, s20  }
0x9f: {  	[tilespmem:s31], [sflag:$0x5] =	stream.indirect_vreg.gather [hbm4b:s3+s2], $0x80, v3, vm0, $0x2000b8;
	[tilespmem:$0x18100] =	vst v63  }
0xa0: {  	s20 =	sadd.s32 $0xBD00, s20  }
0xa1: {  	[tilespmem:s20], [sflag:$0x5] =	stream.indirect_vreg.gather [hbm4b:s7+s2], $0x80, v3, vm1, $0x2000b8;
	[tilespmem:$0x18100] =	vst v63  }
0xa2: {  	_ =	swait.ge [sflag:s9], $0xC000  }
0xa3: {  	[sflag:s9] =	ssyncset.done $0x0  }
0xa4: {  	p2 =	seq.s32 s11, $0x1;
	[sflag:s9] =	ssyncadd.s32 $0xFFFF4000  }
0xa5: {  	s17 =	sadd.s32 s5, s17;
	p1 =	por p2, p1;
	_ =	strace $0x9000005F  }
0xa6: {  	s17 =	smul.u32 @p1 $0x1800, s17;
	s21 =	simm.s32 $0x1;
	_ =	strace @p1 $0x80000060  }
0xa7: {  	s18 =	sadd.s32 @p1 $0x3, s18;
	s21 =	simm.s32 @!p0 $0x0;
	s20 =	rddreg [dreg:$0x2]  }
0xa8: {  	p0 =	seq.s32 s11, $0xA0;
	s17 =	sadd.s32 @p1 s20, s17;
	s20 =	simm.s32 @p1 $0x0  }
0xa9: {  	[hbm4b:s17+s20] =	stream.linear.scatter @p1 [tilespmem:s19], [sflag:s18], $0xC000, $0x200038;
	[tilespmem:$0x18100] =	vst v63  }
0xaa: {  	s17 =	simm.s32 $0x1;
	s19 =	simm.s32 $0x1;
	_ =	strace @p1 $0x90000060  }
0xab: {  	s17 =	simm.s32 @!p1 $0x0;
	p1 =	sne.s32 s11, $0xA0;
	s11 =	sadd.s32 $0xFFFFFFFF, s11  }
0xac: {  	s18 =	sand.u32 @!p0 $0x1, s12;
	s19 =	simm.s32 @!p1 $0x0;
	p1 =	sne.s32 s11, $0x0  }
.Ltmp0:
0xad: {  	s18 =	sadd.s32 @!p0 $0x3, s18;
	_ =	strace @!p0 $0x80000061;
	(pc) =	sbr.rel @p1 .LBB2_2-.Ltmp0, $4  }
0xae: {  	_ =	swait.ge @!p0 [sflag:s18], $0xC000  }
0xaf: {  	[sflag:s18] =	ssyncset.done @!p0 $0x0  }
0xb0: {  	s16 =	sadd.s32 s21, s16;
	s14 =	sadd.s32 s17, s14;
	[sflag:s18] =	ssyncadd.s32 @!p0 $0xFFFF4000  }
0xb1: {  	s15 =	sadd.s32 s17, s15;
	s12 =	sadd.s32 s19, s12;
	_ =	strace @!p0 $0x90000061  }
0xb2: {  	s10 =	sadd.s32 $0x1, s10  }
0xb3: {  	s11 =	sand.u32 $0x1, s12;
	p0 =	sne.s32 s10, s8  }
.Ltmp1:
0xb4: {  	_ =	strace $0x80000062;
	s11 =	sadd.s32 $0x3, s11;
	(pc) =	sbr.rel @p0 .LBB2_1-.Ltmp1, $4  }
0xb5: {  	_ =	swait.ge [sflag:s11], $0xC000  }
0xb6: {  	[sflag:s11] =	ssyncset.done $0x0  }
0xb7: {  	[sflag:s11] =	ssyncadd.s32 $0xFFFF4000  }
0xb8: {  	_ =	strace $0x90000062  }
0xb9: {  	_ =	sfence.sel $0x180000  }
0xba: {  	[bflag:$0x0] =	sbarrier.arrive $0xFFFF  }
0xbb: {  	p0 =	sne.s32 s1, $0x0;
	_ =	strace $0x9000005B  }
0xbc: {  	s0 =	sadd.s32 @!p0 $0x100000, s0;
	[bflag:$0x2] =	sbarrier.arrive $0xFFFF  }
0xbd: {  	[sflag:s0] =	ssyncadd.tile.s32 @!p0 $0x1;
	_ =	shalt  }
.Lfunc_end2:
_tile_overlayer_lowered:
.L_overlay_start_2:
0xbe: {  	(tag) =	ssettag $0x2  }
0xbf: {  	s0 =	rddreg [dreg:$0x0];
	s2 =	stileid.u32  }
0xc0: {  	s1 =	rddreg [dreg:$0x1];
	p0 =	sne.s32 s2, $0x0  }
0xc1: {  	s3 =	rddreg [dreg:$0x2];
	[bflag:$0x3] =	sbarrier.arrive $0xFFFF;
	s2 =	simm.s32 @!p0 $0x1C01  }
0xc2: {  	[timem:s3], [sflag:s2] =	dma.local @!p0 [hbm:s0], s1  }
0xc3: {  	s0 =	simm.s32 @!p0 $0x1  }
0xc4: {  	_ =	swait.ge @!p0 [sflag:s0], s1  }
0xc5: {  	s1 =	ssub.s32 @!p0 $0x0, s1;
	[sflag:s0] =	ssyncset.done @!p0 $0x0  }
0xc6: {  	[sflag:s0] =	ssyncadd.s32 @!p0 s1  }
0xc7: {  	[bflag:$0x3] =	sbarrier.arrive $0xFFFF  }
0xc8: {  	_ =	shalt  }

// kernel: kernel.32.cloned.1.call-start
scs
__scs_entry_jumppad:
0x0: {  	(pc) =	sbr.rel $0x88, $3  }
0x1: {  	(tag) =	ssettag $0x0;
	lr =	simm.s32 $0x1  }
0x2: {  	[smem:$0x3F72] =	sst lr;
	_ =	strace $0xD0000000  }
0x3: {  	_ = 	snop  }
0x4: {  	_ = 	snop  }
0x5: {  	_ = 	snop  }
0x6: {  	_ = 	snop  }
0x7: {  	_ = 	snop  }
__scs_overlays_trampoline_lowered:
0x8: {  	[smem:$0x3F81] =	sst s0  }
0x9: {  	[smem:$0x3F82] =	sst s1  }
0xa: {  	[smem:$0x3F83] =	sst s2  }
0xb: {  	[smem:$0x3F84] =	sst s3  }
0xc: {  	[smem:$0x3F85] =	sst s4  }
0xd: {  	[smem:$0x3F86] =	sst s5  }
0xe: {  	[smem:$0x3F87] =	sst s6  }
0xf: {  	[smem:$0x3F88] =	sst s7  }
0x10: {  	[smem:$0x3F89] =	sst s8  }
0x11: {  	[smem:$0x3F8A] =	sst s9;
	s0 =	simm.s32 @!p0 $0x0  }
0x12: {  	s1 =	sld [smem:$0x3F70];
	s0 =	simm.s32 @p0 $0x1  }
0x13: {  	[smem:$0x3F8B] =	sst s0;
	s0 =	simm.s32 @!p1 $0x0  }
0x14: {  	s2 =	sld [smem:$0x3F6F];
	s0 =	simm.s32 @p1 $0x1  }
0x15: {  	[smem:$0x3F8C] =	sst s0;
	s0 =	simm.s32 @!p2 $0x0  }
0x16: {  	s3 =	sld [smem:$0x3FDB];
	s0 =	simm.s32 @p2 $0x1  }
0x17: {  	s4 =	simm.s32 $0x1BF5;
	[smem:$0x3F8E] =	sst s0  }
0x18: {  	s0 =	sld [smem:$0x3F71];
	_ =	swait.ge [sflag:s4], $0x0  }
0x19: {  	s7 =	sld [smem:$0x3F72]  }
0x1a: {  	s8 =	sadd.s32 $0xFFFFE003, lr  }
0x1b: {  	s9 =	sadd.s32 $0xFFFFFEF7, lr;
	s5 =	simm.s32 $0xFFFFFFFF;
	p2 =	slt.u32 s8, $0xFFFFF086  }
0x1c: {  	p1 =	slt.u32 s9, $0xF7A;
	s5 =	simm.s32 @!p2 $0x0  }
0x1d: {  	s5 =	simm.s32 @p1 $0x1;
	p0 =	seq.s32 s7, s2  }
0x1e: {  	s7 =	smul.u32 @!p0 $0xF7A, s2;
	p2 =	seq.s32 @!p0 s5, $0x0  }
0x1f: {  	s9 =	smul.u32 $0xF7A, s1;
	s8 =	simm.s32 @!p0 $0x1BF5;
	p2 =	por !p2, p0  }
0x20: {  	[sflag:s8] =	ssyncset.s32 @!p0 $0xFFFFF086;
	s6 =	sadd.s32 @!p0 s3, s7;
	s7 =	simm.s32 @!p0 $0x108  }
0x21: {  	s3 =	sadd.s32 s3, s9;
	s6 =	sadd.s32 @!p0 $0x88, s6;
	s7 =	simm.s32 @p2 $0x1082  }
0x22: {  	[simem:s7], [sflag:s8] =	dma.local @!p0 [hbm:s6], $0xF7A  }
0x23: {  	s9 =	sor.u32 $0xD0000000, s2;
	s6 =	simm.s32 $0x108;
	_ =	swait.ge @!p0 [sflag:s8], $0x0  }
0x24: {  	s3 =	sadd.s32 $0x88, s3;
	s6 =	simm.s32 @!p1 $0x1082;
	[sflag:s4] =	ssyncset.s32 $0xFFFFF086  }
0x25: {  	[simem:s6], [sflag:s4] =	dma.local [hbm:s3], $0xF7A  }
0x26: {  	[smem:$0x3F72] =	sst s1;
	(tag) =	ssettag s2;
	_ =	strace s9  }
0x27: {  	s1 =	sld [smem:$0x3F82]  }
0x28: {  	s2 =	sld [smem:$0x3F83]  }
0x29: {  	s4 =	sld [smem:$0x3F85]  }
0x2a: {  	p0 =	seq.s32 s5, $0x0;
	s5 =	sld [smem:$0x3F86]  }
0x2b: {  	s6 =	sld [smem:$0x3F87]  }
0x2c: {  	s7 =	sld [smem:$0x3F88]  }
0x2d: {  	s3 =	simm.s32 $0x108;
	s8 =	sld [smem:$0x3F89]  }
0x2e: {  	s3 =	simm.s32 @!p0 $0x1082;
	s9 =	sld [smem:$0x3F8A]  }
0x2f: {  	lr =	sadd.s32 s0, s3;
	s0 =	sld [smem:$0x3F81]  }
0x30: {  	s3 =	sld [smem:$0x3F84]  }
0x31: {  	[smem:$0x3F8D] =	sst s10  }
0x32: {  	s10 =	sld [smem:$0x3F8B];
	_ =	sdelay $0x3  }
0x33: {  	p0 =	seq.s32 s10, $0x1;
	s10 =	sld [smem:$0x3F8D];
	_ =	sdelay $0x3  }
0x34: {  	[smem:$0x3F8D] =	sst s10  }
0x35: {  	s10 =	sld [smem:$0x3F8C];
	_ =	sdelay $0x3  }
0x36: {  	p1 =	seq.s32 s10, $0x1;
	s10 =	sld [smem:$0x3F8D];
	_ =	sdelay $0x3  }
0x37: {  	[smem:$0x3F8D] =	sst s10  }
0x38: {  	s10 =	sld [smem:$0x3F8E]  }
0x39: {  	_ = 	snop;
	(pc) =	sbr.ind lr, $3  }
0x3a: {  	_ = 	snop  }
0x3b: {  	_ = 	snop  }
0x3c: {  	p2 =	seq.s32 s10, $0x1;
	s10 =	sld [smem:$0x3F8D]  }
0x3d: {  	_ =	shalt  }
0x3e: {  	_ =	shalt  }
0x3f: {  	_ =	shalt  }
0x40: {  	_ =	shalt  }
0x41: {  	_ =	shalt  }
0x42: {  	_ =	shalt  }
0x43: {  	_ =	shalt  }
0x44: {  	_ =	shalt  }
0x45: {  	_ =	shalt  }
0x46: {  	_ =	shalt  }
0x47: {  	_ =	shalt  }
0x48: {  	_ =	shalt  }
0x49: {  	_ =	shalt  }
0x4a: {  	_ =	shalt  }
0x4b: {  	_ =	shalt  }
0x4c: {  	_ =	shalt  }
0x4d: {  	_ =	shalt  }
0x4e: {  	_ =	shalt  }
0x4f: {  	_ =	shalt  }
0x50: {  	_ =	shalt  }
0x51: {  	_ =	shalt  }
0x52: {  	_ =	shalt  }
0x53: {  	_ =	shalt  }
0x54: {  	_ =	shalt  }
0x55: {  	_ =	shalt  }
0x56: {  	_ =	shalt  }
0x57: {  	_ =	shalt  }
0x58: {  	_ =	shalt  }
0x59: {  	_ =	shalt  }
0x5a: {  	_ =	shalt  }
0x5b: {  	_ =	shalt  }
0x5c: {  	_ =	shalt  }
0x5d: {  	_ =	shalt  }
0x5e: {  	_ =	shalt  }
0x5f: {  	_ =	shalt  }
0x60: {  	_ =	shalt  }
0x61: {  	_ =	shalt  }
0x62: {  	_ =	shalt  }
0x63: {  	_ =	shalt  }
0x64: {  	_ =	shalt  }
0x65: {  	_ =	shalt  }
0x66: {  	_ =	shalt  }
0x67: {  	_ =	shalt  }
0x68: {  	_ =	shalt  }
0x69: {  	_ =	shalt  }
0x6a: {  	_ =	shalt  }
0x6b: {  	_ =	shalt  }
0x6c: {  	_ =	shalt  }
0x6d: {  	_ =	shalt  }
0x6e: {  	_ =	shalt  }
0x6f: {  	_ =	shalt  }
0x70: {  	_ =	shalt  }
0x71: {  	_ =	shalt  }
0x72: {  	_ =	shalt  }
0x73: {  	_ =	shalt  }
0x74: {  	_ =	shalt  }
0x75: {  	_ =	shalt  }
0x76: {  	_ =	shalt  }
0x77: {  	_ =	shalt  }
0x78: {  	_ =	shalt  }
0x79: {  	_ =	shalt  }
0x7a: {  	_ =	shalt  }
0x7b: {  	_ =	shalt  }
0x7c: {  	_ =	shalt  }
0x7d: {  	_ =	shalt  }
0x7e: {  	_ =	shalt  }
0x7f: {  	_ =	shalt  }
0x80: {  	_ =	shalt  }
0x81: {  	_ =	shalt  }
0x82: {  	_ =	shalt  }
0x83: {  	_ =	shalt  }
0x84: {  	_ =	shalt  }
0x85: {  	_ =	shalt  }
0x86: {  	_ =	shalt  }
0x87: {  	_ =	shalt  }
.Lfunc_end0:
.L_simem_size_0:
called_computation.4_lowered:
.L_overlay_start_0:
0x88: {  	s2 =	sld [smem:$0x3FD9]  }
0x89: {  	s3 =	sld [smem:$0x3FFE];
	_ =	sdelay $0x1  }
0x8a: {  	s1 =	srdreg.scid  }
0x8b: {  	s0 =	sand.u32 $0x1, s1  }
0x8c: {  	s17 =	sshll.u32 s0, $0xA;
	s2 =	sadd.s32 s3, s2  }
0x8d: {  	s2 =	sadd.s32 s2, s17  }
0x8e: {  	[smem:$0x3F99] =	sst s2  }
0x8f: {  	_ = 	snop  }
0x90: {  	(tm) =	ssettm $0x1  }
0x91: {  	s18 =	sld [smem:$0x3FFB];
	_ =	sdelay $0x3  }
0x92: {  	_ =	strace s18  }
0x93: {  	s2 =	sld [smem:$0x3FFC];
	_ =	sdelay $0x3  }
0x94: {  	_ =	strace s2  }
0x95: {  	s2 =	sld [smem:$0x3FFD];
	_ =	sdelay $0x3  }
0x96: {  	_ =	strace s2  }
0x97: {  	_ =	strace $0x8FFFFFFF  }
0x98: {  	s19 =	sld [smem:$0x3FDB];
	_ =	sdelay $0x1  }
0x99: {  	s20 =	simm.s32 $_scs_section_size  }
0x9a: {  	s4 =	simm.s32 $_size__tile_overlayer_lowered;
	s5 =	simm.s32 $_tile_overlayer_lowered  }
0x9b: {  	s6 =	simm.s32 $0x1BFF;
	s21 =	sshll.u32 s5, $0x1;
	s3 =	sadd.s32 s20, s19  }
0x9c: {  	s22 =	simm.s32 $0x0;
	s4 =	sshll.u32 s4, $0x1;
	s5 =	sadd.s32 s21, s3  }
0x9d: {  	[timem:s22], [sflag:s6] =	dma.local [hbm:s5], s4  }
0x9e: {  	_ =	swait.ge [sflag:s6], s4  }
0x9f: {  	s4 =	ssub.s32 $0x0, s4;
	[sflag:s6] =	ssyncset.done $0x0  }
0xa0: {  	[sflag:s6] =	ssyncadd.s32 s4;
	_ =	sdelay $0x1  }
0xa1: {  	s23 =	simm.s32 $0x1B8B  }
0xa2: {  	_ =	swait.ge [sflag:s23], $0x1  }
0xa3: {  	[sflag:s23] =	ssyncset.done $0x0  }
0xa4: {  	[sflag:s23] =	ssyncadd.s32 $0xFFFFFFFF  }
0xa5: {  	s4 =	sld [smem:$0x0]  }
0xa6: {  	s5 =	sand.u32 $0xFFFFFFFE, s1  }
0xa7: {  	p0 =	sne.s32 s1, s5  }
0xa8: {  	s5 =	sshll.u32 @p0 s5, $0xE  }
0xa9: {  	s5 =	sadd.s32 @p0 $0x11B8D, s5;
	s6 =	sshll.u32 @p0 s4, $0x11  }
0xaa: {  	s5 =	sor.u32 @p0 s6, s5  }
0xab: {  	[sflag:s5] =	ssyncadd.remote.s32 @p0 $0x1;
	_ =	sdelay $0x1  }
0xac: {  	s5 =	simm.s32 @p0 $0x1B8D  }
0xad: {  	_ =	swait.eq @p0 [sflag:s5], $0x1  }
0xae: {  	[sflag:s5] =	ssyncadd.s32 @p0 $0xFFFFFFFF  }
0xaf: {  	s6 =	sshll.u32 @!p0 s1, $0xE  }
0xb0: {  	s6 =	sor.u32 @!p0 $0x4000, s6;
	s5 =	simm.s32 @!p0 $0x1B8D  }
0xb1: {  	s4 =	sshll.u32 @!p0 s4, $0x11;
	s6 =	sadd.s32 @!p0 $0x11B8D, s6;
	_ =	swait.eq @!p0 [sflag:s5], $0x1  }
0xb2: {  	s4 =	sor.u32 @!p0 s4, s6;
	[sflag:s5] =	ssyncadd.s32 @!p0 $0xFFFFFFFF  }
0xb3: {  	s25 =	simm.s32 $0x1B8E;
	s24 =	sld [smem:$0x3FFE];
	[sflag:s4] =	ssyncadd.remote.s32 @!p0 $0x1  }
0xb4: {  	s26 =	simm.s32 $execute0_lowered;
	[smem:$0x3FD2] =	sst s25  }
0xb5: {  	s5 =	sshll.u32 s26, $0x1;
	_ =	strace $0x80000078;
	[dreg:$0x1] =	wrdreg $0xFFFFFFFF  }
0xb6: {  	s28 =	simm.s32 $_size_execute0_lowered;
	s3 =	sadd.s32 s3, s5;
	[dreg:$0x0] =	wrdreg $0x0  }
0xb7: {  	s5 =	sshll.u32 s28, $0x1;
	[dreg:$0x2] =	wrdreg s3  }
0xb8: {  	[dreg:$0x3] =	wrdreg s5  }
0xb9: {  	[dreg:$0x4] =	wrdreg $0xC0  }
0xba: {  	_ =	task [dreg:s22], $0x5FFFF  }
0xbb: {  	[dreg:$0x1] =	wrdreg $0xFFFFFFFF  }
0xbc: {  	[dreg:$0x0] =	wrdreg $0x60  }
0xbd: {  	[dreg:$0x2] =	wrdreg s24  }
0xbe: {  	[dreg:$0x3] =	wrdreg $0x9  }
0xbf: {  	_ =	task.clear_ibuf [dreg:s22], $0x4FFFF;
	_ =	strace $0x90000078  }
0xc0: {  	s29 =	simm.s32 $0x9;
	_ =	strace $0x80000081  }
0xc1: {  	_ =	swait.ge [sflag:s29], $0x1  }
0xc2: {  	[sflag:s29] =	ssyncadd.s32 $0xFFFFFFFF  }
0xc3: {  	_ =	strace $0x90000081  }
0xc4: {  	_ =	sfence  }
0xc5: {  	s30 =	sld [smem:$0x0];
	_ =	sdelay $0x2  }
0xc6: {  	s31 =	sshll.u32 s1, $0xD;
	s1 =	sshrl.u32 s1, $0x2  }
0xc7: {  	s4 =	sand.u32 $0x4000, s31;
	s1 =	sadd.s32 s1, s30  }
0xc8: {  	s0 =	sor.u32 s4, s0;
	s1 =	sshll.u32 s1, $0x11  }
0xc9: {  	s0 =	sor.u32 s1, s0  }
0xca: {  	s0 =	sadd.s32 $0x8F2B, s0  }
0xcb: {  	[sflag:s0] =	ssyncadd.remote.s32 $0x1  }
0xcc: {  	_ =	sfence.sel $0xFFFF  }
0xcd: {  	[dreg:$0x0] =	wrdreg $0xFFFFFFFF;
	(pc) =	sbr.abs _section_cstart, $3  }
0xce: {  	[dreg:$0x1] =	wrdreg $0xFFFFFFFF  }
0xcf: {  	_ =	task.clear_ibuf [dreg:s22], $0x2FFFF;
	_ =	strace $0x9FFFFFFF  }
0xd0: {  	(tm) =	ssettm $0x7FFFFFFF  }
0xd1: {  	_ =	shalt  }
tec
execute0_lowered:
.L_overlay_start_1:
0x0: {  	(tag) =	ssettag $0x1  }
0x1: {  	s7 =	rddreg [dreg:$0x0]  }
0x2: {  	s0 =	rddreg [dreg:$0x1];
	s2 =	simm.s32 $0x0;
	s3 =	srdreg.scid  }
0x3: {  	s1 =	stileid.u32;
	[smem:$0x7FF] =	sst s2  }
0x4: {  	s4 =	sand.u32 $0x1, s3;
	s5 =	sshll.u32 s1, $0x1;
	s3 =	sadd.s32 $0x35B2600, s7  }
0x5: {  	s8 =	sadd.s32 $0x498A600, s7;
	_ =	strace $0x80000079;
	s6 =	ssub.s32 $0x2, s4  }
0x6: {  	s5 =	sor.u32 s4, s5;
	s4 =	sadd.s32 $0x15600, s7;
	[dreg:$0x2] =	wrdreg s8  }
0x7: {  	v2 =	vlaneseq.u32;
	s7 =	sadd.s32 $0x35B2700, s7;
	s9 =	sshrl.u32 s6, $0x1;
	s10 =	smul.u32 $0xA00, s5  }
0x8: {  	vm0 =	vmmov $0xffff;
	vm1 =	vmmov $0xff;
	v1 =	vshrl.u32 v2, $0x3;
	s5 =	smul.u32 $0xA0, s5;
	s31 =	ssub.s32 s6, s9;
	s9 =	simm.s32 $0x5  }
0x9: {  	v0 =	vand.u32 $0x7, v2;
	v2 =	vor.u32 $0x8, v2;
	v1 =	vmul.u32 $0x8, v1;
	s6 =	sadd.s32 s4, s10;
	s8 =	smax.u32 s31, $0x1;
	s10 =	simm.s32 $0x0  }
.LBB2_1:
0xa: {  	_ =	strace $0x8000007A;
	s11 =	simm.s32 $0xA0  }
0xb: {  	s13 =	simm.s32 $0x0;
	s12 =	simm.s32 $0x0;
	s14 =	simm.s32 $0x0  }
0xc: {  	[tilespmem:s2], [sflag:$0x1] =	stream.linear.gather [hbm4b:s6+s2], $0x80, $0x200038;
	[tilespmem:$0x18100] =	vst v63  }
0xd: {  	s15 =	simm.s32 $0x0;
	s16 =	simm.s32 $0x1;
	_ =	strace $0x9000007A  }
.LBB2_2:
0xe: {  	s17 =	smov.u32 s13;
	s13 =	sadd.s32 $0x1, s13  }
0xf: {  	p0 =	seq.s32 s13, $0xA0  }
0x10: {  	s13 =	simm.s32 @p0 $0x0  }
0x11: {  	p6 =	sne.s32 s11, $0x1;
	p1 =	sne.s32 s17, s13  }
0x12: {  	p0 =	por !p6, !p1  }
0x13: {  	p0 =	por !p0, !p0  }
0x14: {  	s18 =	sadd.s32 @p0 s5, s13  }
0x15: {  	s19 =	sand.u32 @p0 $0x1, s16;
	s18 =	sshll.u32 @p0 s18, $0x4  }
0x16: {  	_ =	strace @p0 $0x8000007B;
	s21 =	simm.s32 @p0 $0x0;
	s18 =	sand.u32 @p0 $0x1FFFFFF0, s18  }
0x17: {  	s20 =	sshll.u32 @p0 s19, $0x7;
	s19 =	sadd.s32 @p0 $0x1, s19;
	s18 =	sadd.s32 @p0 s4, s18  }
0x18: {  	[tilespmem:s20], [sflag:s19] =	stream.linear.gather @p0 [hbm4b:s18+s21], $0x80, $0x200038;
	[tilespmem:$0x18100] =	vst v63  }
0x19: {  	s23 =	sand.u32 $0x1, s15;
	_ =	strace @p0 $0x9000007B  }
0x1a: {  	s18 =	sadd.s32 $0x1, s23;
	_ =	strace $0x8000007C  }
0x1b: {  	_ =	swait.ge [sflag:s18], $0x80  }
0x1c: {  	[sflag:s18] =	ssyncset.done $0x0  }
0x1d: {  	[sflag:s18] =	ssyncadd.s32 $0xFFFFFF80  }
0x1e: {  	s24 =	sshll.u32 s15, $0x7;
	_ =	strace $0x9000007C  }
0x1f: {  	s21 =	sand.u32 $0x80, s24;
	_ =	strace $0x8000007D  }
0x20: {  	v3 =	vld [tilespmem:s21+$0x0];
	_ =	sdelay $0x4  }
0x21: {  	v4 =	vshrl.u32 v3, $0x3  }
0x22: {  	v4 =	vmul.u32 $0x18, v4  }
0x23: {  	v3 =	vand.u32 $0x7, v3  }
0x24: {  	v3 =	vor.u32 v3, v4  }
0x25: {  	v4 =	vperm.xlane v3, v0;
	_ =	sdelay $0x1  }
0x26: {  	s18 =	sand.u32 $0x1, s14;
	v4 =	vadd.s32 v1, v4  }
0x27: {  	s25 =	smul.u32 $0x30000, s18  }
0x28: {  	v3 =	vperm.xlane v3, v2  }
0x29: {  	s20 =	sshrl.u32 s25, $0x2  }
0x2a: {  	s19 =	sor.u32 $0x100, s20;
	v3 =	vadd.s32 v1, v3  }
0x2b: {  	[tilespmem:s19], [sflag:$0x5] =	stream.indirect_vreg.gather [hbm4b:s3+s2], $0x80, v4, vm0, $0x2000b8;
	[tilespmem:$0x18100] =	vst v63  }
0x2c: {  	s22 =	sor.u32 $0x900, s20  }
0x2d: {  	[tilespmem:s22], [sflag:$0x5] =	stream.indirect_vreg.gather [hbm4b:s7+s2], $0x80, v4, vm1, $0x2000b8;
	[tilespmem:$0x18100] =	vst v63  }
0x2e: {  	s26 =	sor.u32 $0xD00, s20  }
0x2f: {  	[tilespmem:s26], [sflag:$0x5] =	stream.indirect_vreg.gather [hbm4b:s3+s2], $0x80, v3, vm0, $0x2000b8;
	[tilespmem:$0x18100] =	vst v63  }
0x30: {  	s28 =	sor.u32 $0x1500, s20  }
0x31: {  	[tilespmem:s28], [sflag:$0x5] =	stream.indirect_vreg.gather [hbm4b:s7+s2], $0x80, v3, vm1, $0x2000b8;
	[tilespmem:$0x18100] =	vst v63  }
0x32: {  	v3 =	vld [tilespmem:s21+$0x10];
	_ =	sdelay $0x4  }
0x33: {  	v57 =	vshrl.u32 v3, $0x3  }
0x34: {  	v4 =	vmul.u32 $0x18, v57  }
0x35: {  	v3 =	vand.u32 $0x7, v3  }
0x36: {  	v3 =	vor.u32 v3, v4  }
0x37: {  	v4 =	vperm.xlane v3, v0;
	_ =	sdelay $0x1  }
0x38: {  	v4 =	vadd.s32 v1, v4;
	_ =	sdelay $0x1  }
0x39: {  	v3 =	vperm.xlane v3, v2;
	_ =	sdelay $0x1  }
0x3a: {  	s29 =	sor.u32 $0x1900, s20;
	v3 =	vadd.s32 v1, v3  }
0x3b: {  	[tilespmem:s29], [sflag:$0x5] =	stream.indirect_vreg.gather [hbm4b:s3+s2], $0x80, v4, vm0, $0x2000b8;
	[tilespmem:$0x18100] =	vst v63  }
0x3c: {  	s30 =	sor.u32 $0x2100, s20  }
0x3d: {  	[tilespmem:s30], [sflag:$0x5] =	stream.indirect_vreg.gather [hbm4b:s7+s2], $0x80, v4, vm1, $0x2000b8;
	[tilespmem:$0x18100] =	vst v63  }
0x3e: {  	s31 =	sor.u32 $0x2500, s20  }
0x3f: {  	[tilespmem:s31], [sflag:$0x5] =	stream.indirect_vreg.gather [hbm4b:s3+s2], $0x80, v3, vm0, $0x2000b8;
	[tilespmem:$0x18100] =	vst v63  }
0x40: {  	s23 =	sor.u32 $0x2D00, s20  }
0x41: {  	[tilespmem:s23], [sflag:$0x5] =	stream.indirect_vreg.gather [hbm4b:s7+s2], $0x80, v3, vm1, $0x2000b8;
	[tilespmem:$0x18100] =	vst v63  }
0x42: {  	v3 =	vld [tilespmem:s21+$0x20];
	_ =	sdelay $0x4  }
0x43: {  	v58 =	vshrl.u32 v3, $0x3  }
0x44: {  	v4 =	vmul.u32 $0x18, v58  }
0x45: {  	v3 =	vand.u32 $0x7, v3  }
0x46: {  	v3 =	vor.u32 v3, v4  }
0x47: {  	v4 =	vperm.xlane v3, v0;
	_ =	sdelay $0x1  }
0x48: {  	v4 =	vadd.s32 v1, v4;
	_ =	sdelay $0x1  }
0x49: {  	v3 =	vperm.xlane v3, v2;
	_ =	sdelay $0x1  }
0x4a: {  	s24 =	sor.u32 $0x3100, s20;
	v3 =	vadd.s32 v1, v3  }
0x4b: {  	[tilespmem:s24], [sflag:$0x5] =	stream.indirect_vreg.gather [hbm4b:s3+s2], $0x80, v4, vm0, $0x2000b8;
	[tilespmem:$0x18100] =	vst v63  }
0x4c: {  	s25 =	sor.u32 $0x3900, s20  }
0x4d: {  	[tilespmem:s25], [sflag:$0x5] =	stream.indirect_vreg.gather [hbm4b:s7+s2], $0x80, v4, vm1, $0x2000b8;
	[tilespmem:$0x18100] =	vst v63  }
0x4e: {  	s26 =	sor.u32 $0x3D00, s20  }
0x4f: {  	[tilespmem:s26], [sflag:$0x5] =	stream.indirect_vreg.gather [hbm4b:s3+s2], $0x80, v3, vm0, $0x2000b8;
	[tilespmem:$0x18100] =	vst v63  }
0x50: {  	s28 =	sadd.s32 $0x4500, s20  }
0x51: {  	[tilespmem:s28], [sflag:$0x5] =	stream.indirect_vreg.gather [hbm4b:s7+s2], $0x80, v3, vm1, $0x2000b8;
	[tilespmem:$0x18100] =	vst v63  }
0x52: {  	v3 =	vld [tilespmem:s21+$0x30];
	_ =	sdelay $0x4  }
0x53: {  	v59 =	vshrl.u32 v3, $0x3  }
0x54: {  	v4 =	vmul.u32 $0x18, v59  }
0x55: {  	v3 =	vand.u32 $0x7, v3  }
0x56: {  	v3 =	vor.u32 v3, v4  }
0x57: {  	v4 =	vperm.xlane v3, v0;
	_ =	sdelay $0x1  }
0x58: {  	v4 =	vadd.s32 v1, v4;
	_ =	sdelay $0x1  }
0x59: {  	v3 =	vperm.xlane v3, v2;
	_ =	sdelay $0x1  }
0x5a: {  	s29 =	sadd.s32 $0x4900, s20;
	v3 =	vadd.s32 v1, v3  }
0x5b: {  	[tilespmem:s29], [sflag:$0x5] =	stream.indirect_vreg.gather [hbm4b:s3+s2], $0x80, v4, vm0, $0x2000b8;
	[tilespmem:$0x18100] =	vst v63  }
0x5c: {  	s30 =	sadd.s32 $0x5100, s20  }
0x5d: {  	[tilespmem:s30], [sflag:$0x5] =	stream.indirect_vreg.gather [hbm4b:s7+s2], $0x80, v4, vm1, $0x2000b8;
	[tilespmem:$0x18100] =	vst v63  }
0x5e: {  	s31 =	sadd.s32 $0x5500, s20  }
0x5f: {  	[tilespmem:s31], [sflag:$0x5] =	stream.indirect_vreg.gather [hbm4b:s3+s2], $0x80, v3, vm0, $0x2000b8;
	[tilespmem:$0x18100] =	vst v63  }
0x60: {  	s23 =	sadd.s32 $0x5D00, s20  }
0x61: {  	[tilespmem:s23], [sflag:$0x5] =	stream.indirect_vreg.gather [hbm4b:s7+s2], $0x80, v3, vm1, $0x2000b8;
	[tilespmem:$0x18100] =	vst v63  }
0x62: {  	v3 =	vld [tilespmem:s21+$0x40];
	_ =	sdelay $0x4  }
0x63: {  	v60 =	vshrl.u32 v3, $0x3  }
0x64: {  	v4 =	vmul.u32 $0x18, v60  }
0x65: {  	v3 =	vand.u32 $0x7, v3  }
0x66: {  	v3 =	vor.u32 v3, v4  }
0x67: {  	v4 =	vperm.xlane v3, v0;
	_ =	sdelay $0x1  }
0x68: {  	v4 =	vadd.s32 v1, v4;
	_ =	sdelay $0x1  }
0x69: {  	v3 =	vperm.xlane v3, v2;
	_ =	sdelay $0x1  }
0x6a: {  	s24 =	sadd.s32 $0x6100, s20;
	v3 =	vadd.s32 v1, v3  }
0x6b: {  	[tilespmem:s24], [sflag:$0x5] =	stream.indirect_vreg.gather [hbm4b:s3+s2], $0x80, v4, vm0, $0x2000b8;
	[tilespmem:$0x18100] =	vst v63  }
0x6c: {  	s25 =	sadd.s32 $0x6900, s20  }
0x6d: {  	[tilespmem:s25], [sflag:$0x5] =	stream.indirect_vreg.gather [hbm4b:s7+s2], $0x80, v4, vm1, $0x2000b8;
	[tilespmem:$0x18100] =	vst v63  }
0x6e: {  	s26 =	sadd.s32 $0x6D00, s20  }
0x6f: {  	[tilespmem:s26], [sflag:$0x5] =	stream.indirect_vreg.gather [hbm4b:s3+s2], $0x80, v3, vm0, $0x2000b8;
	[tilespmem:$0x18100] =	vst v63  }
0x70: {  	s28 =	sadd.s32 $0x7500, s20  }
0x71: {  	[tilespmem:s28], [sflag:$0x5] =	stream.indirect_vreg.gather [hbm4b:s7+s2], $0x80, v3, vm1, $0x2000b8;
	[tilespmem:$0x18100] =	vst v63  }
0x72: {  	v3 =	vld [tilespmem:s21+$0x50];
	_ =	sdelay $0x4  }
0x73: {  	v61 =	vshrl.u32 v3, $0x3  }
0x74: {  	v4 =	vmul.u32 $0x18, v61  }
0x75: {  	v3 =	vand.u32 $0x7, v3  }
0x76: {  	v3 =	vor.u32 v3, v4  }
0x77: {  	v4 =	vperm.xlane v3, v0;
	_ =	sdelay $0x1  }
0x78: {  	v4 =	vadd.s32 v1, v4;
	_ =	sdelay $0x1  }
0x79: {  	v3 =	vperm.xlane v3, v2;
	_ =	sdelay $0x1  }
0x7a: {  	s29 =	sadd.s32 $0x7900, s20;
	v3 =	vadd.s32 v1, v3  }
0x7b: {  	[tilespmem:s29], [sflag:$0x5] =	stream.indirect_vreg.gather [hbm4b:s3+s2], $0x80, v4, vm0, $0x2000b8;
	[tilespmem:$0x18100] =	vst v63  }
0x7c: {  	s30 =	sadd.s32 $0x8100, s20  }
0x7d: {  	[tilespmem:s30], [sflag:$0x5] =	stream.indirect_vreg.gather [hbm4b:s7+s2], $0x80, v4, vm1, $0x2000b8;
	[tilespmem:$0x18100] =	vst v63  }
0x7e: {  	s31 =	sadd.s32 $0x8500, s20  }
0x7f: {  	[tilespmem:s31], [sflag:$0x5] =	stream.indirect_vreg.gather [hbm4b:s3+s2], $0x80, v3, vm0, $0x2000b8;
	[tilespmem:$0x18100] =	vst v63  }
0x80: {  	s23 =	sadd.s32 $0x8D00, s20  }
0x81: {  	[tilespmem:s23], [sflag:$0x5] =	stream.indirect_vreg.gather [hbm4b:s7+s2], $0x80, v3, vm1, $0x2000b8;
	[tilespmem:$0x18100] =	vst v63  }
0x82: {  	v3 =	vld [tilespmem:s21+$0x60];
	_ =	sdelay $0x4  }
0x83: {  	v62 =	vshrl.u32 v3, $0x3  }
0x84: {  	v4 =	vmul.u32 $0x18, v62  }
0x85: {  	v3 =	vand.u32 $0x7, v3  }
0x86: {  	v3 =	vor.u32 v3, v4  }
0x87: {  	v4 =	vperm.xlane v3, v0;
	_ =	sdelay $0x1  }
0x88: {  	v4 =	vadd.s32 v1, v4;
	_ =	sdelay $0x1  }
0x89: {  	v3 =	vperm.xlane v3, v2;
	_ =	sdelay $0x1  }
0x8a: {  	s24 =	sadd.s32 $0x9100, s20;
	v3 =	vadd.s32 v1, v3  }
0x8b: {  	[tilespmem:s24], [sflag:$0x5] =	stream.indirect_vreg.gather [hbm4b:s3+s2], $0x80, v4, vm0, $0x2000b8;
	[tilespmem:$0x18100] =	vst v63  }
0x8c: {  	s25 =	sadd.s32 $0x9900, s20  }
0x8d: {  	[tilespmem:s25], [sflag:$0x5] =	stream.indirect_vreg.gather [hbm4b:s7+s2], $0x80, v4, vm1, $0x2000b8;
	[tilespmem:$0x18100] =	vst v63  }
0x8e: {  	s26 =	sadd.s32 $0x9D00, s20  }
0x8f: {  	[tilespmem:s26], [sflag:$0x5] =	stream.indirect_vreg.gather [hbm4b:s3+s2], $0x80, v3, vm0, $0x2000b8;
	[tilespmem:$0x18100] =	vst v63  }
0x90: {  	s28 =	sadd.s32 $0xA500, s20  }
0x91: {  	[tilespmem:s28], [sflag:$0x5] =	stream.indirect_vreg.gather [hbm4b:s7+s2], $0x80, v3, vm1, $0x2000b8;
	[tilespmem:$0x18100] =	vst v63  }
0x92: {  	v3 =	vld [tilespmem:s21+$0x70];
	_ =	sdelay $0x4  }
0x93: {  	v63 =	vshrl.u32 v3, $0x3  }
0x94: {  	v4 =	vmul.u32 $0x18, v63  }
0x95: {  	v3 =	vand.u32 $0x7, v3  }
0x96: {  	v3 =	vor.u32 v3, v4  }
0x97: {  	v4 =	vperm.xlane v3, v0;
	_ =	sdelay $0x1  }
0x98: {  	v4 =	vadd.s32 v1, v4;
	_ =	sdelay $0x1  }
0x99: {  	v3 =	vperm.xlane v3, v2;
	_ =	sdelay $0x1  }
0x9a: {  	s29 =	sadd.s32 $0xA900, s20;
	v3 =	vadd.s32 v1, v3  }
0x9b: {  	[tilespmem:s29], [sflag:$0x5] =	stream.indirect_vreg.gather [hbm4b:s3+s2], $0x80, v4, vm0, $0x2000b8;
	[tilespmem:$0x18100] =	vst v63  }
0x9c: {  	s30 =	sadd.s32 $0xB100, s20  }
0x9d: {  	[tilespmem:s30], [sflag:$0x5] =	stream.indirect_vreg.gather [hbm4b:s7+s2], $0x80, v4, vm1, $0x2000b8;
	[tilespmem:$0x18100] =	vst v63  }
0x9e: {  	s31 =	sadd.s32 $0xB500, s20  }
0x9f: {  	[tilespmem:s31], [sflag:$0x5] =	stream.indirect_vreg.gather [hbm4b:s3+s2], $0x80, v3, vm0, $0x2000b8;
	[tilespmem:$0x18100] =	vst v63  }
0xa0: {  	s20 =	sadd.s32 $0xBD00, s20  }
0xa1: {  	[tilespmem:s20], [sflag:$0x5] =	stream.indirect_vreg.gather [hbm4b:s7+s2], $0x80, v3, vm1, $0x2000b8;
	[tilespmem:$0x18100] =	vst v63  }
0xa2: {  	_ =	swait.ge [sflag:s9], $0xC000  }
0xa3: {  	[sflag:s9] =	ssyncset.done $0x0  }
0xa4: {  	p2 =	seq.s32 s11, $0x1;
	[sflag:s9] =	ssyncadd.s32 $0xFFFF4000  }
0xa5: {  	s17 =	sadd.s32 s5, s17;
	p1 =	por p2, p1;
	_ =	strace $0x9000007D  }
0xa6: {  	s17 =	smul.u32 @p1 $0x1800, s17;
	s21 =	simm.s32 $0x1;
	_ =	strace @p1 $0x8000007E  }
0xa7: {  	s18 =	sadd.s32 @p1 $0x3, s18;
	s21 =	simm.s32 @!p0 $0x0;
	s20 =	rddreg [dreg:$0x2]  }
0xa8: {  	p0 =	seq.s32 s11, $0xA0;
	s17 =	sadd.s32 @p1 s20, s17;
	s20 =	simm.s32 @p1 $0x0  }
0xa9: {  	[hbm4b:s17+s20] =	stream.linear.scatter @p1 [tilespmem:s19], [sflag:s18], $0xC000, $0x200038;
	[tilespmem:$0x18100] =	vst v63  }
0xaa: {  	s17 =	simm.s32 $0x1;
	s19 =	simm.s32 $0x1;
	_ =	strace @p1 $0x9000007E  }
0xab: {  	s17 =	simm.s32 @!p1 $0x0;
	p1 =	sne.s32 s11, $0xA0;
	s11 =	sadd.s32 $0xFFFFFFFF, s11  }
0xac: {  	s18 =	sand.u32 @!p0 $0x1, s12;
	s19 =	simm.s32 @!p1 $0x0;
	p1 =	sne.s32 s11, $0x0  }
.Ltmp0:
0xad: {  	s18 =	sadd.s32 @!p0 $0x3, s18;
	_ =	strace @!p0 $0x8000007F;
	(pc) =	sbr.rel @p1 .LBB2_2-.Ltmp0, $4  }
0xae: {  	_ =	swait.ge @!p0 [sflag:s18], $0xC000  }
0xaf: {  	[sflag:s18] =	ssyncset.done @!p0 $0x0  }
0xb0: {  	s16 =	sadd.s32 s21, s16;
	s14 =	sadd.s32 s17, s14;
	[sflag:s18] =	ssyncadd.s32 @!p0 $0xFFFF4000  }
0xb1: {  	s15 =	sadd.s32 s17, s15;
	s12 =	sadd.s32 s19, s12;
	_ =	strace @!p0 $0x9000007F  }
0xb2: {  	s10 =	sadd.s32 $0x1, s10  }
0xb3: {  	s11 =	sand.u32 $0x1, s12;
	p0 =	sne.s32 s10, s8  }
.Ltmp1:
0xb4: {  	_ =	strace $0x80000080;
	s11 =	sadd.s32 $0x3, s11;
	(pc) =	sbr.rel @p0 .LBB2_1-.Ltmp1, $4  }
0xb5: {  	_ =	swait.ge [sflag:s11], $0xC000  }
0xb6: {  	[sflag:s11] =	ssyncset.done $0x0  }
0xb7: {  	[sflag:s11] =	ssyncadd.s32 $0xFFFF4000  }
0xb8: {  	_ =	strace $0x90000080  }
0xb9: {  	_ =	sfence.sel $0x180000  }
0xba: {  	[bflag:$0x0] =	sbarrier.arrive $0xFFFF  }
0xbb: {  	p0 =	sne.s32 s1, $0x0;
	_ =	strace $0x90000079  }
0xbc: {  	s0 =	sadd.s32 @!p0 $0x100000, s0;
	[bflag:$0x2] =	sbarrier.arrive $0xFFFF  }
0xbd: {  	[sflag:s0] =	ssyncadd.tile.s32 @!p0 $0x1;
	_ =	shalt  }
.Lfunc_end2:
_tile_overlayer_lowered:
.L_overlay_start_2:
0xbe: {  	(tag) =	ssettag $0x2  }
0xbf: {  	s0 =	rddreg [dreg:$0x0];
	s2 =	stileid.u32  }
0xc0: {  	s1 =	rddreg [dreg:$0x1];
	p0 =	sne.s32 s2, $0x0  }
0xc1: {  	s3 =	rddreg [dreg:$0x2];
	[bflag:$0x3] =	sbarrier.arrive $0xFFFF;
	s2 =	simm.s32 @!p0 $0x1C01  }
0xc2: {  	[timem:s3], [sflag:s2] =	dma.local @!p0 [hbm:s0], s1  }
0xc3: {  	s0 =	simm.s32 @!p0 $0x1  }
0xc4: {  	_ =	swait.ge @!p0 [sflag:s0], s1  }
0xc5: {  	s1 =	ssub.s32 @!p0 $0x0, s1;
	[sflag:s0] =	ssyncset.done @!p0 $0x0  }
0xc6: {  	[sflag:s0] =	ssyncadd.s32 @!p0 s1  }
0xc7: {  	[bflag:$0x3] =	sbarrier.arrive $0xFFFF  }
0xc8: {  	_ =	shalt  }

// kernel: kernel.35.cloned.1.call-start
scs
__scs_entry_jumppad:
0x0: {  	(pc) =	sbr.rel $0x88, $3  }
0x1: {  	(tag) =	ssettag $0x0;
	lr =	simm.s32 $0x1  }
0x2: {  	[smem:$0x3F72] =	sst lr;
	_ =	strace $0xD0000000  }
0x3: {  	_ = 	snop  }
0x4: {  	_ = 	snop  }
0x5: {  	_ = 	snop  }
0x6: {  	_ = 	snop  }
0x7: {  	_ = 	snop  }
__scs_overlays_trampoline_lowered:
0x8: {  	[smem:$0x3F81] =	sst s0  }
0x9: {  	[smem:$0x3F82] =	sst s1  }
0xa: {  	[smem:$0x3F83] =	sst s2  }
0xb: {  	[smem:$0x3F84] =	sst s3  }
0xc: {  	[smem:$0x3F85] =	sst s4  }
0xd: {  	[smem:$0x3F86] =	sst s5  }
0xe: {  	[smem:$0x3F87] =	sst s6  }
0xf: {  	[smem:$0x3F88] =	sst s7  }
0x10: {  	[smem:$0x3F89] =	sst s8  }
0x11: {  	[smem:$0x3F8A] =	sst s9;
	s0 =	simm.s32 @!p0 $0x0  }
0x12: {  	s1 =	sld [smem:$0x3F70];
	s0 =	simm.s32 @p0 $0x1  }
0x13: {  	[smem:$0x3F8B] =	sst s0;
	s0 =	simm.s32 @!p1 $0x0  }
0x14: {  	s2 =	sld [smem:$0x3F6F];
	s0 =	simm.s32 @p1 $0x1  }
0x15: {  	[smem:$0x3F8C] =	sst s0;
	s0 =	simm.s32 @!p2 $0x0  }
0x16: {  	s3 =	sld [smem:$0x3FDB];
	s0 =	simm.s32 @p2 $0x1  }
0x17: {  	s4 =	simm.s32 $0x1BF5;
	[smem:$0x3F8E] =	sst s0  }
0x18: {  	s0 =	sld [smem:$0x3F71];
	_ =	swait.ge [sflag:s4], $0x0  }
0x19: {  	s7 =	sld [smem:$0x3F72]  }
0x1a: {  	s8 =	sadd.s32 $0xFFFFE003, lr  }
0x1b: {  	s9 =	sadd.s32 $0xFFFFFEF7, lr;
	s5 =	simm.s32 $0xFFFFFFFF;
	p2 =	slt.u32 s8, $0xFFFFF086  }
0x1c: {  	p1 =	slt.u32 s9, $0xF7A;
	s5 =	simm.s32 @!p2 $0x0  }
0x1d: {  	s5 =	simm.s32 @p1 $0x1;
	p0 =	seq.s32 s7, s2  }
0x1e: {  	s7 =	smul.u32 @!p0 $0xF7A, s2;
	p2 =	seq.s32 @!p0 s5, $0x0  }
0x1f: {  	s9 =	smul.u32 $0xF7A, s1;
	s8 =	simm.s32 @!p0 $0x1BF5;
	p2 =	por !p2, p0  }
0x20: {  	[sflag:s8] =	ssyncset.s32 @!p0 $0xFFFFF086;
	s6 =	sadd.s32 @!p0 s3, s7;
	s7 =	simm.s32 @!p0 $0x108  }
0x21: {  	s3 =	sadd.s32 s3, s9;
	s6 =	sadd.s32 @!p0 $0x88, s6;
	s7 =	simm.s32 @p2 $0x1082  }
0x22: {  	[simem:s7], [sflag:s8] =	dma.local @!p0 [hbm:s6], $0xF7A  }
0x23: {  	s9 =	sor.u32 $0xD0000000, s2;
	s6 =	simm.s32 $0x108;
	_ =	swait.ge @!p0 [sflag:s8], $0x0  }
0x24: {  	s3 =	sadd.s32 $0x88, s3;
	s6 =	simm.s32 @!p1 $0x1082;
	[sflag:s4] =	ssyncset.s32 $0xFFFFF086  }
0x25: {  	[simem:s6], [sflag:s4] =	dma.local [hbm:s3], $0xF7A  }
0x26: {  	[smem:$0x3F72] =	sst s1;
	(tag) =	ssettag s2;
	_ =	strace s9  }
0x27: {  	s1 =	sld [smem:$0x3F82]  }
0x28: {  	s2 =	sld [smem:$0x3F83]  }
0x29: {  	s4 =	sld [smem:$0x3F85]  }
0x2a: {  	p0 =	seq.s32 s5, $0x0;
	s5 =	sld [smem:$0x3F86]  }
0x2b: {  	s6 =	sld [smem:$0x3F87]  }
0x2c: {  	s7 =	sld [smem:$0x3F88]  }
0x2d: {  	s3 =	simm.s32 $0x108;
	s8 =	sld [smem:$0x3F89]  }
0x2e: {  	s3 =	simm.s32 @!p0 $0x1082;
	s9 =	sld [smem:$0x3F8A]  }
0x2f: {  	lr =	sadd.s32 s0, s3;
	s0 =	sld [smem:$0x3F81]  }
0x30: {  	s3 =	sld [smem:$0x3F84]  }
0x31: {  	[smem:$0x3F8D] =	sst s10  }
0x32: {  	s10 =	sld [smem:$0x3F8B];
	_ =	sdelay $0x3  }
0x33: {  	p0 =	seq.s32 s10, $0x1;
	s10 =	sld [smem:$0x3F8D];
	_ =	sdelay $0x3  }
0x34: {  	[smem:$0x3F8D] =	sst s10  }
0x35: {  	s10 =	sld [smem:$0x3F8C];
	_ =	sdelay $0x3  }
0x36: {  	p1 =	seq.s32 s10, $0x1;
	s10 =	sld [smem:$0x3F8D];
	_ =	sdelay $0x3  }
0x37: {  	[smem:$0x3F8D] =	sst s10  }
0x38: {  	s10 =	sld [smem:$0x3F8E]  }
0x39: {  	_ = 	snop;
	(pc) =	sbr.ind lr, $3  }
0x3a: {  	_ = 	snop  }
0x3b: {  	_ = 	snop  }
0x3c: {  	p2 =	seq.s32 s10, $0x1;
	s10 =	sld [smem:$0x3F8D]  }
0x3d: {  	_ =	shalt  }
0x3e: {  	_ =	shalt  }
0x3f: {  	_ =	shalt  }
0x40: {  	_ =	shalt  }
0x41: {  	_ =	shalt  }
0x42: {  	_ =	shalt  }
0x43: {  	_ =	shalt  }
0x44: {  	_ =	shalt  }
0x45: {  	_ =	shalt  }
0x46: {  	_ =	shalt  }
0x47: {  	_ =	shalt  }
0x48: {  	_ =	shalt  }
0x49: {  	_ =	shalt  }
0x4a: {  	_ =	shalt  }
0x4b: {  	_ =	shalt  }
0x4c: {  	_ =	shalt  }
0x4d: {  	_ =	shalt  }
0x4e: {  	_ =	shalt  }
0x4f: {  	_ =	shalt  }
0x50: {  	_ =	shalt  }
0x51: {  	_ =	shalt  }
0x52: {  	_ =	shalt  }
0x53: {  	_ =	shalt  }
0x54: {  	_ =	shalt  }
0x55: {  	_ =	shalt  }
0x56: {  	_ =	shalt  }
0x57: {  	_ =	shalt  }
0x58: {  	_ =	shalt  }
0x59: {  	_ =	shalt  }
0x5a: {  	_ =	shalt  }
0x5b: {  	_ =	shalt  }
0x5c: {  	_ =	shalt  }
0x5d: {  	_ =	shalt  }
0x5e: {  	_ =	shalt  }
0x5f: {  	_ =	shalt  }
0x60: {  	_ =	shalt  }
0x61: {  	_ =	shalt  }
0x62: {  	_ =	shalt  }
0x63: {  	_ =	shalt  }
0x64: {  	_ =	shalt  }
0x65: {  	_ =	shalt  }
0x66: {  	_ =	shalt  }
0x67: {  	_ =	shalt  }
0x68: {  	_ =	shalt  }
0x69: {  	_ =	shalt  }
0x6a: {  	_ =	shalt  }
0x6b: {  	_ =	shalt  }
0x6c: {  	_ =	shalt  }
0x6d: {  	_ =	shalt  }
0x6e: {  	_ =	shalt  }
0x6f: {  	_ =	shalt  }
0x70: {  	_ =	shalt  }
0x71: {  	_ =	shalt  }
0x72: {  	_ =	shalt  }
0x73: {  	_ =	shalt  }
0x74: {  	_ =	shalt  }
0x75: {  	_ =	shalt  }
0x76: {  	_ =	shalt  }
0x77: {  	_ =	shalt  }
0x78: {  	_ =	shalt  }
0x79: {  	_ =	shalt  }
0x7a: {  	_ =	shalt  }
0x7b: {  	_ =	shalt  }
0x7c: {  	_ =	shalt  }
0x7d: {  	_ =	shalt  }
0x7e: {  	_ =	shalt  }
0x7f: {  	_ =	shalt  }
0x80: {  	_ =	shalt  }
0x81: {  	_ =	shalt  }
0x82: {  	_ =	shalt  }
0x83: {  	_ =	shalt  }
0x84: {  	_ =	shalt  }
0x85: {  	_ =	shalt  }
0x86: {  	_ =	shalt  }
0x87: {  	_ =	shalt  }
.Lfunc_end0:
.L_simem_size_0:
called_computation.5_lowered:
.L_overlay_start_0:
0x88: {  	s2 =	sld [smem:$0x3FD9]  }
0x89: {  	s3 =	sld [smem:$0x3FFE];
	_ =	sdelay $0x1  }
0x8a: {  	s1 =	srdreg.scid  }
0x8b: {  	s0 =	sand.u32 $0x1, s1  }
0x8c: {  	s16 =	sshll.u32 s0, $0xA;
	s2 =	sadd.s32 s3, s2  }
0x8d: {  	s2 =	sadd.s32 s2, s16  }
0x8e: {  	[smem:$0x3F99] =	sst s2  }
0x8f: {  	_ = 	snop  }
0x90: {  	(tm) =	ssettm $0x1  }
0x91: {  	s17 =	sld [smem:$0x3FFB];
	_ =	sdelay $0x3  }
0x92: {  	_ =	strace s17  }
0x93: {  	s2 =	sld [smem:$0x3FFC];
	_ =	sdelay $0x3  }
0x94: {  	_ =	strace s2  }
0x95: {  	s2 =	sld [smem:$0x3FFD];
	_ =	sdelay $0x3  }
0x96: {  	_ =	strace s2  }
0x97: {  	_ =	strace $0x8FFFFFFF  }
0x98: {  	s18 =	sld [smem:$0x3FDB];
	_ =	sdelay $0x1  }
0x99: {  	s19 =	simm.s32 $_scs_section_size  }
0x9a: {  	s4 =	simm.s32 $_size__tile_overlayer_lowered;
	s5 =	simm.s32 $_tile_overlayer_lowered  }
0x9b: {  	s22 =	simm.s32 $0x1BFF;
	s21 =	sshll.u32 s5, $0x1;
	s2 =	sadd.s32 s19, s18  }
0x9c: {  	s6 =	simm.s32 $0x0;
	s20 =	sshll.u32 s4, $0x1;
	s4 =	sadd.s32 s21, s2  }
0x9d: {  	[timem:s6], [sflag:s22] =	dma.local [hbm:s4], s20  }
0x9e: {  	_ =	swait.ge [sflag:s22], s20  }
0x9f: {  	s3 =	ssub.s32 $0x0, s20;
	[sflag:s22] =	ssyncset.done $0x0  }
0xa0: {  	[sflag:s22] =	ssyncadd.s32 s3;
	_ =	sdelay $0x1  }
0xa1: {  	s23 =	simm.s32 $0x1B8B  }
0xa2: {  	_ =	swait.ge [sflag:s23], $0x1  }
0xa3: {  	[sflag:s23] =	ssyncset.done $0x0  }
0xa4: {  	s25 =	simm.s32 $0x1B8E;
	s24 =	sld [smem:$0x3FFE];
	[sflag:s23] =	ssyncadd.s32 $0xFFFFFFFF  }
0xa5: {  	s26 =	simm.s32 $execute0_lowered;
	[smem:$0x3FD2] =	sst s25  }
0xa6: {  	s4 =	sshll.u32 s26, $0x1;
	_ =	strace $0x8000006E;
	[dreg:$0x1] =	wrdreg $0xFFFFFFFF  }
0xa7: {  	s28 =	simm.s32 $_size_execute0_lowered;
	s2 =	sadd.s32 s2, s4;
	[dreg:$0x0] =	wrdreg $0x0  }
0xa8: {  	s4 =	sshll.u32 s28, $0x1;
	[dreg:$0x2] =	wrdreg s2  }
0xa9: {  	[dreg:$0x3] =	wrdreg s4  }
0xaa: {  	[dreg:$0x4] =	wrdreg $0xC0  }
0xab: {  	_ =	task [dreg:s6], $0x5FFFF  }
0xac: {  	[dreg:$0x1] =	wrdreg $0xFFFFFFFF  }
0xad: {  	[dreg:$0x0] =	wrdreg $0x60  }
0xae: {  	[dreg:$0x2] =	wrdreg s24  }
0xaf: {  	[dreg:$0x3] =	wrdreg $0xA  }
0xb0: {  	_ =	task.clear_ibuf [dreg:s6], $0x4FFFF;
	_ =	strace $0x9000006E  }
0xb1: {  	s29 =	simm.s32 $0xA;
	_ =	strace $0x80000077  }
0xb2: {  	_ =	swait.ge [sflag:s29], $0x1  }
0xb3: {  	[sflag:s29] =	ssyncadd.s32 $0xFFFFFFFF  }
0xb4: {  	_ =	strace $0x90000077  }
0xb5: {  	_ =	sfence  }
0xb6: {  	s30 =	sld [smem:$0x0];
	_ =	sdelay $0x2  }
0xb7: {  	s31 =	sshll.u32 s1, $0xD;
	s1 =	sshrl.u32 s1, $0x2  }
0xb8: {  	s3 =	sand.u32 $0x4000, s31;
	s1 =	sadd.s32 s1, s30  }
0xb9: {  	s0 =	sor.u32 s3, s0;
	s1 =	sshll.u32 s1, $0x11  }
0xba: {  	s0 =	sor.u32 s1, s0  }
0xbb: {  	s0 =	sadd.s32 $0x8F2B, s0  }
0xbc: {  	[sflag:s0] =	ssyncadd.remote.s32 $0x1  }
0xbd: {  	_ =	sfence.sel $0xFFFF  }
0xbe: {  	[dreg:$0x0] =	wrdreg $0xFFFFFFFF;
	(pc) =	sbr.abs _section_cstart, $3  }
0xbf: {  	[dreg:$0x1] =	wrdreg $0xFFFFFFFF  }
0xc0: {  	_ =	task.clear_ibuf [dreg:s6], $0x2FFFF;
	_ =	strace $0x9FFFFFFF  }
0xc1: {  	(tm) =	ssettm $0x7FFFFFFF  }
tec
execute0_lowered:
.L_overlay_start_1:
0x0: {  	(tag) =	ssettag $0x1  }
0x1: {  	s7 =	rddreg [dreg:$0x0]  }
0x2: {  	s0 =	rddreg [dreg:$0x1];
	s2 =	simm.s32 $0x0;
	s3 =	srdreg.scid  }
0x3: {  	s1 =	stileid.u32;
	[smem:$0x7FF] =	sst s2  }
0x4: {  	s4 =	sand.u32 $0x1, s3;
	s5 =	sshll.u32 s1, $0x1;
	s3 =	sadd.s32 $0x36F2600, s7  }
0x5: {  	s8 =	sadd.s32 $0xA79600, s7;
	_ =	strace $0x8000006F;
	s6 =	ssub.s32 $0x2, s4  }
0x6: {  	s5 =	sor.u32 s4, s5;
	s4 =	sadd.s32 $0x15600, s7;
	[dreg:$0x2] =	wrdreg s8  }
0x7: {  	v2 =	vlaneseq.u32;
	s7 =	sadd.s32 $0x36F2700, s7;
	s9 =	sshrl.u32 s6, $0x1;
	s10 =	smul.u32 $0xA00, s5  }
0x8: {  	vm0 =	vmmov $0xffff;
	vm1 =	vmmov $0xff;
	v1 =	vshrl.u32 v2, $0x3;
	s5 =	smul.u32 $0xA0, s5;
	s31 =	ssub.s32 s6, s9;
	s9 =	simm.s32 $0x5  }
0x9: {  	v0 =	vand.u32 $0x7, v2;
	v2 =	vor.u32 $0x8, v2;
	v1 =	vmul.u32 $0x8, v1;
	s6 =	sadd.s32 s4, s10;
	s8 =	smax.u32 s31, $0x1;
	s10 =	simm.s32 $0x0  }
.LBB2_1:
0xa: {  	_ =	strace $0x80000070;
	s11 =	simm.s32 $0xA0  }
0xb: {  	s13 =	simm.s32 $0x0;
	s12 =	simm.s32 $0x0;
	s14 =	simm.s32 $0x0  }
0xc: {  	[tilespmem:s2], [sflag:$0x1] =	stream.linear.gather [hbm4b:s6+s2], $0x80, $0x200038;
	[tilespmem:$0x18100] =	vst v63  }
0xd: {  	s15 =	simm.s32 $0x0;
	s16 =	simm.s32 $0x1;
	_ =	strace $0x90000070  }
.LBB2_2:
0xe: {  	s17 =	smov.u32 s13;
	s13 =	sadd.s32 $0x1, s13  }
0xf: {  	p0 =	seq.s32 s13, $0xA0  }
0x10: {  	s13 =	simm.s32 @p0 $0x0  }
0x11: {  	p6 =	sne.s32 s11, $0x1;
	p1 =	sne.s32 s17, s13  }
0x12: {  	p0 =	por !p6, !p1  }
0x13: {  	p0 =	por !p0, !p0  }
0x14: {  	s18 =	sadd.s32 @p0 s5, s13  }
0x15: {  	s19 =	sand.u32 @p0 $0x1, s16;
	s18 =	sshll.u32 @p0 s18, $0x4  }
0x16: {  	_ =	strace @p0 $0x80000071;
	s21 =	simm.s32 @p0 $0x0;
	s18 =	sand.u32 @p0 $0x1FFFFFF0, s18  }
0x17: {  	s20 =	sshll.u32 @p0 s19, $0x7;
	s19 =	sadd.s32 @p0 $0x1, s19;
	s18 =	sadd.s32 @p0 s4, s18  }
0x18: {  	[tilespmem:s20], [sflag:s19] =	stream.linear.gather @p0 [hbm4b:s18+s21], $0x80, $0x200038;
	[tilespmem:$0x18100] =	vst v63  }
0x19: {  	s23 =	sand.u32 $0x1, s15;
	_ =	strace @p0 $0x90000071  }
0x1a: {  	s18 =	sadd.s32 $0x1, s23;
	_ =	strace $0x80000072  }
0x1b: {  	_ =	swait.ge [sflag:s18], $0x80  }
0x1c: {  	[sflag:s18] =	ssyncset.done $0x0  }
0x1d: {  	[sflag:s18] =	ssyncadd.s32 $0xFFFFFF80  }
0x1e: {  	s24 =	sshll.u32 s15, $0x7;
	_ =	strace $0x90000072  }
0x1f: {  	s21 =	sand.u32 $0x80, s24;
	_ =	strace $0x80000073  }
0x20: {  	v3 =	vld [tilespmem:s21+$0x0];
	_ =	sdelay $0x4  }
0x21: {  	v4 =	vshrl.u32 v3, $0x3  }
0x22: {  	v4 =	vmul.u32 $0x18, v4  }
0x23: {  	v3 =	vand.u32 $0x7, v3  }
0x24: {  	v3 =	vor.u32 v3, v4  }
0x25: {  	v4 =	vperm.xlane v3, v0;
	_ =	sdelay $0x1  }
0x26: {  	s18 =	sand.u32 $0x1, s14;
	v4 =	vadd.s32 v1, v4  }
0x27: {  	s25 =	smul.u32 $0x30000, s18  }
0x28: {  	v3 =	vperm.xlane v3, v2  }
0x29: {  	s20 =	sshrl.u32 s25, $0x2  }
0x2a: {  	s19 =	sor.u32 $0x100, s20;
	v3 =	vadd.s32 v1, v3  }
0x2b: {  	[tilespmem:s19], [sflag:$0x5] =	stream.indirect_vreg.gather [hbm4b:s3+s2], $0x80, v4, vm0, $0x2000b8;
	[tilespmem:$0x18100] =	vst v63  }
0x2c: {  	s22 =	sor.u32 $0x900, s20  }
0x2d: {  	[tilespmem:s22], [sflag:$0x5] =	stream.indirect_vreg.gather [hbm4b:s7+s2], $0x80, v4, vm1, $0x2000b8;
	[tilespmem:$0x18100] =	vst v63  }
0x2e: {  	s26 =	sor.u32 $0xD00, s20  }
0x2f: {  	[tilespmem:s26], [sflag:$0x5] =	stream.indirect_vreg.gather [hbm4b:s3+s2], $0x80, v3, vm0, $0x2000b8;
	[tilespmem:$0x18100] =	vst v63  }
0x30: {  	s28 =	sor.u32 $0x1500, s20  }
0x31: {  	[tilespmem:s28], [sflag:$0x5] =	stream.indirect_vreg.gather [hbm4b:s7+s2], $0x80, v3, vm1, $0x2000b8;
	[tilespmem:$0x18100] =	vst v63  }
0x32: {  	v3 =	vld [tilespmem:s21+$0x10];
	_ =	sdelay $0x4  }
0x33: {  	v57 =	vshrl.u32 v3, $0x3  }
0x34: {  	v4 =	vmul.u32 $0x18, v57  }
0x35: {  	v3 =	vand.u32 $0x7, v3  }
0x36: {  	v3 =	vor.u32 v3, v4  }
0x37: {  	v4 =	vperm.xlane v3, v0;
	_ =	sdelay $0x1  }
0x38: {  	v4 =	vadd.s32 v1, v4;
	_ =	sdelay $0x1  }
0x39: {  	v3 =	vperm.xlane v3, v2;
	_ =	sdelay $0x1  }
0x3a: {  	s29 =	sor.u32 $0x1900, s20;
	v3 =	vadd.s32 v1, v3  }
0x3b: {  	[tilespmem:s29], [sflag:$0x5] =	stream.indirect_vreg.gather [hbm4b:s3+s2], $0x80, v4, vm0, $0x2000b8;
	[tilespmem:$0x18100] =	vst v63  }
0x3c: {  	s30 =	sor.u32 $0x2100, s20  }
0x3d: {  	[tilespmem:s30], [sflag:$0x5] =	stream.indirect_vreg.gather [hbm4b:s7+s2], $0x80, v4, vm1, $0x2000b8;
	[tilespmem:$0x18100] =	vst v63  }
0x3e: {  	s31 =	sor.u32 $0x2500, s20  }
0x3f: {  	[tilespmem:s31], [sflag:$0x5] =	stream.indirect_vreg.gather [hbm4b:s3+s2], $0x80, v3, vm0, $0x2000b8;
	[tilespmem:$0x18100] =	vst v63  }
0x40: {  	s23 =	sor.u32 $0x2D00, s20  }
0x41: {  	[tilespmem:s23], [sflag:$0x5] =	stream.indirect_vreg.gather [hbm4b:s7+s2], $0x80, v3, vm1, $0x2000b8;
	[tilespmem:$0x18100] =	vst v63  }
0x42: {  	v3 =	vld [tilespmem:s21+$0x20];
	_ =	sdelay $0x4  }
0x43: {  	v58 =	vshrl.u32 v3, $0x3  }
0x44: {  	v4 =	vmul.u32 $0x18, v58  }
0x45: {  	v3 =	vand.u32 $0x7, v3  }
0x46: {  	v3 =	vor.u32 v3, v4  }
0x47: {  	v4 =	vperm.xlane v3, v0;
	_ =	sdelay $0x1  }
0x48: {  	v4 =	vadd.s32 v1, v4;
	_ =	sdelay $0x1  }
0x49: {  	v3 =	vperm.xlane v3, v2;
	_ =	sdelay $0x1  }
0x4a: {  	s24 =	sor.u32 $0x3100, s20;
	v3 =	vadd.s32 v1, v3  }
0x4b: {  	[tilespmem:s24], [sflag:$0x5] =	stream.indirect_vreg.gather [hbm4b:s3+s2], $0x80, v4, vm0, $0x2000b8;
	[tilespmem:$0x18100] =	vst v63  }
0x4c: {  	s25 =	sor.u32 $0x3900, s20  }
0x4d: {  	[tilespmem:s25], [sflag:$0x5] =	stream.indirect_vreg.gather [hbm4b:s7+s2], $0x80, v4, vm1, $0x2000b8;
	[tilespmem:$0x18100] =	vst v63  }
0x4e: {  	s26 =	sor.u32 $0x3D00, s20  }
0x4f: {  	[tilespmem:s26], [sflag:$0x5] =	stream.indirect_vreg.gather [hbm4b:s3+s2], $0x80, v3, vm0, $0x2000b8;
	[tilespmem:$0x18100] =	vst v63  }
0x50: {  	s28 =	sadd.s32 $0x4500, s20  }
0x51: {  	[tilespmem:s28], [sflag:$0x5] =	stream.indirect_vreg.gather [hbm4b:s7+s2], $0x80, v3, vm1, $0x2000b8;
	[tilespmem:$0x18100] =	vst v63  }
0x52: {  	v3 =	vld [tilespmem:s21+$0x30];
	_ =	sdelay $0x4  }
0x53: {  	v59 =	vshrl.u32 v3, $0x3  }
0x54: {  	v4 =	vmul.u32 $0x18, v59  }
0x55: {  	v3 =	vand.u32 $0x7, v3  }
0x56: {  	v3 =	vor.u32 v3, v4  }
0x57: {  	v4 =	vperm.xlane v3, v0;
	_ =	sdelay $0x1  }
0x58: {  	v4 =	vadd.s32 v1, v4;
	_ =	sdelay $0x1  }
0x59: {  	v3 =	vperm.xlane v3, v2;
	_ =	sdelay $0x1  }
0x5a: {  	s29 =	sadd.s32 $0x4900, s20;
	v3 =	vadd.s32 v1, v3  }
0x5b: {  	[tilespmem:s29], [sflag:$0x5] =	stream.indirect_vreg.gather [hbm4b:s3+s2], $0x80, v4, vm0, $0x2000b8;
	[tilespmem:$0x18100] =	vst v63  }
0x5c: {  	s30 =	sadd.s32 $0x5100, s20  }
0x5d: {  	[tilespmem:s30], [sflag:$0x5] =	stream.indirect_vreg.gather [hbm4b:s7+s2], $0x80, v4, vm1, $0x2000b8;
	[tilespmem:$0x18100] =	vst v63  }
0x5e: {  	s31 =	sadd.s32 $0x5500, s20  }
0x5f: {  	[tilespmem:s31], [sflag:$0x5] =	stream.indirect_vreg.gather [hbm4b:s3+s2], $0x80, v3, vm0, $0x2000b8;
	[tilespmem:$0x18100] =	vst v63  }
0x60: {  	s23 =	sadd.s32 $0x5D00, s20  }
0x61: {  	[tilespmem:s23], [sflag:$0x5] =	stream.indirect_vreg.gather [hbm4b:s7+s2], $0x80, v3, vm1, $0x2000b8;
	[tilespmem:$0x18100] =	vst v63  }
0x62: {  	v3 =	vld [tilespmem:s21+$0x40];
	_ =	sdelay $0x4  }
0x63: {  	v60 =	vshrl.u32 v3, $0x3  }
0x64: {  	v4 =	vmul.u32 $0x18, v60  }
0x65: {  	v3 =	vand.u32 $0x7, v3  }
0x66: {  	v3 =	vor.u32 v3, v4  }
0x67: {  	v4 =	vperm.xlane v3, v0;
	_ =	sdelay $0x1  }
0x68: {  	v4 =	vadd.s32 v1, v4;
	_ =	sdelay $0x1  }
0x69: {  	v3 =	vperm.xlane v3, v2;
	_ =	sdelay $0x1  }
0x6a: {  	s24 =	sadd.s32 $0x6100, s20;
	v3 =	vadd.s32 v1, v3  }
0x6b: {  	[tilespmem:s24], [sflag:$0x5] =	stream.indirect_vreg.gather [hbm4b:s3+s2], $0x80, v4, vm0, $0x2000b8;
	[tilespmem:$0x18100] =	vst v63  }
0x6c: {  	s25 =	sadd.s32 $0x6900, s20  }
0x6d: {  	[tilespmem:s25], [sflag:$0x5] =	stream.indirect_vreg.gather [hbm4b:s7+s2], $0x80, v4, vm1, $0x2000b8;
	[tilespmem:$0x18100] =	vst v63  }
0x6e: {  	s26 =	sadd.s32 $0x6D00, s20  }
0x6f: {  	[tilespmem:s26], [sflag:$0x5] =	stream.indirect_vreg.gather [hbm4b:s3+s2], $0x80, v3, vm0, $0x2000b8;
	[tilespmem:$0x18100] =	vst v63  }
0x70: {  	s28 =	sadd.s32 $0x7500, s20  }
0x71: {  	[tilespmem:s28], [sflag:$0x5] =	stream.indirect_vreg.gather [hbm4b:s7+s2], $0x80, v3, vm1, $0x2000b8;
	[tilespmem:$0x18100] =	vst v63  }
0x72: {  	v3 =	vld [tilespmem:s21+$0x50];
	_ =	sdelay $0x4  }
0x73: {  	v61 =	vshrl.u32 v3, $0x3  }
0x74: {  	v4 =	vmul.u32 $0x18, v61  }
0x75: {  	v3 =	vand.u32 $0x7, v3  }
0x76: {  	v3 =	vor.u32 v3, v4  }
0x77: {  	v4 =	vperm.xlane v3, v0;
	_ =	sdelay $0x1  }
0x78: {  	v4 =	vadd.s32 v1, v4;
	_ =	sdelay $0x1  }
0x79: {  	v3 =	vperm.xlane v3, v2;
	_ =	sdelay $0x1  }
0x7a: {  	s29 =	sadd.s32 $0x7900, s20;
	v3 =	vadd.s32 v1, v3  }
0x7b: {  	[tilespmem:s29], [sflag:$0x5] =	stream.indirect_vreg.gather [hbm4b:s3+s2], $0x80, v4, vm0, $0x2000b8;
	[tilespmem:$0x18100] =	vst v63  }
0x7c: {  	s30 =	sadd.s32 $0x8100, s20  }
0x7d: {  	[tilespmem:s30], [sflag:$0x5] =	stream.indirect_vreg.gather [hbm4b:s7+s2], $0x80, v4, vm1, $0x2000b8;
	[tilespmem:$0x18100] =	vst v63  }
0x7e: {  	s31 =	sadd.s32 $0x8500, s20  }
0x7f: {  	[tilespmem:s31], [sflag:$0x5] =	stream.indirect_vreg.gather [hbm4b:s3+s2], $0x80, v3, vm0, $0x2000b8;
	[tilespmem:$0x18100] =	vst v63  }
0x80: {  	s23 =	sadd.s32 $0x8D00, s20  }
0x81: {  	[tilespmem:s23], [sflag:$0x5] =	stream.indirect_vreg.gather [hbm4b:s7+s2], $0x80, v3, vm1, $0x2000b8;
	[tilespmem:$0x18100] =	vst v63  }
0x82: {  	v3 =	vld [tilespmem:s21+$0x60];
	_ =	sdelay $0x4  }
0x83: {  	v62 =	vshrl.u32 v3, $0x3  }
0x84: {  	v4 =	vmul.u32 $0x18, v62  }
0x85: {  	v3 =	vand.u32 $0x7, v3  }
0x86: {  	v3 =	vor.u32 v3, v4  }
0x87: {  	v4 =	vperm.xlane v3, v0;
	_ =	sdelay $0x1  }
0x88: {  	v4 =	vadd.s32 v1, v4;
	_ =	sdelay $0x1  }
0x89: {  	v3 =	vperm.xlane v3, v2;
	_ =	sdelay $0x1  }
0x8a: {  	s24 =	sadd.s32 $0x9100, s20;
	v3 =	vadd.s32 v1, v3  }
0x8b: {  	[tilespmem:s24], [sflag:$0x5] =	stream.indirect_vreg.gather [hbm4b:s3+s2], $0x80, v4, vm0, $0x2000b8;
	[tilespmem:$0x18100] =	vst v63  }
0x8c: {  	s25 =	sadd.s32 $0x9900, s20  }
0x8d: {  	[tilespmem:s25], [sflag:$0x5] =	stream.indirect_vreg.gather [hbm4b:s7+s2], $0x80, v4, vm1, $0x2000b8;
	[tilespmem:$0x18100] =	vst v63  }
0x8e: {  	s26 =	sadd.s32 $0x9D00, s20  }
0x8f: {  	[tilespmem:s26], [sflag:$0x5] =	stream.indirect_vreg.gather [hbm4b:s3+s2], $0x80, v3, vm0, $0x2000b8;
	[tilespmem:$0x18100] =	vst v63  }
0x90: {  	s28 =	sadd.s32 $0xA500, s20  }
0x91: {  	[tilespmem:s28], [sflag:$0x5] =	stream.indirect_vreg.gather [hbm4b:s7+s2], $0x80, v3, vm1, $0x2000b8;
	[tilespmem:$0x18100] =	vst v63  }
0x92: {  	v3 =	vld [tilespmem:s21+$0x70];
	_ =	sdelay $0x4  }
0x93: {  	v63 =	vshrl.u32 v3, $0x3  }
0x94: {  	v4 =	vmul.u32 $0x18, v63  }
0x95: {  	v3 =	vand.u32 $0x7, v3  }
0x96: {  	v3 =	vor.u32 v3, v4  }
0x97: {  	v4 =	vperm.xlane v3, v0;
	_ =	sdelay $0x1  }
0x98: {  	v4 =	vadd.s32 v1, v4;
	_ =	sdelay $0x1  }
0x99: {  	v3 =	vperm.xlane v3, v2;
	_ =	sdelay $0x1  }
0x9a: {  	s29 =	sadd.s32 $0xA900, s20;
	v3 =	vadd.s32 v1, v3  }
0x9b: {  	[tilespmem:s29], [sflag:$0x5] =	stream.indirect_vreg.gather [hbm4b:s3+s2], $0x80, v4, vm0, $0x2000b8;
	[tilespmem:$0x18100] =	vst v63  }
0x9c: {  	s30 =	sadd.s32 $0xB100, s20  }
0x9d: {  	[tilespmem:s30], [sflag:$0x5] =	stream.indirect_vreg.gather [hbm4b:s7+s2], $0x80, v4, vm1, $0x2000b8;
	[tilespmem:$0x18100] =	vst v63  }
0x9e: {  	s31 =	sadd.s32 $0xB500, s20  }
0x9f: {  	[tilespmem:s31], [sflag:$0x5] =	stream.indirect_vreg.gather [hbm4b:s3+s2], $0x80, v3, vm0, $0x2000b8;
	[tilespmem:$0x18100] =	vst v63  }
0xa0: {  	s20 =	sadd.s32 $0xBD00, s20  }
0xa1: {  	[tilespmem:s20], [sflag:$0x5] =	stream.indirect_vreg.gather [hbm4b:s7+s2], $0x80, v3, vm1, $0x2000b8;
	[tilespmem:$0x18100] =	vst v63  }
0xa2: {  	_ =	swait.ge [sflag:s9], $0xC000  }
0xa3: {  	[sflag:s9] =	ssyncset.done $0x0  }
0xa4: {  	p2 =	seq.s32 s11, $0x1;
	[sflag:s9] =	ssyncadd.s32 $0xFFFF4000  }
0xa5: {  	s17 =	sadd.s32 s5, s17;
	p1 =	por p2, p1;
	_ =	strace $0x90000073  }
0xa6: {  	s17 =	smul.u32 @p1 $0x1800, s17;
	s21 =	simm.s32 $0x1;
	_ =	strace @p1 $0x80000074  }
0xa7: {  	s18 =	sadd.s32 @p1 $0x3, s18;
	s21 =	simm.s32 @!p0 $0x0;
	s20 =	rddreg [dreg:$0x2]  }
0xa8: {  	p0 =	seq.s32 s11, $0xA0;
	s17 =	sadd.s32 @p1 s20, s17;
	s20 =	simm.s32 @p1 $0x0  }
0xa9: {  	[hbm4b:s17+s20] =	stream.linear.scatter @p1 [tilespmem:s19], [sflag:s18], $0xC000, $0x200038;
	[tilespmem:$0x18100] =	vst v63  }
0xaa: {  	s17 =	simm.s32 $0x1;
	s19 =	simm.s32 $0x1;
	_ =	strace @p1 $0x90000074  }
0xab: {  	s17 =	simm.s32 @!p1 $0x0;
	p1 =	sne.s32 s11, $0xA0;
	s11 =	sadd.s32 $0xFFFFFFFF, s11  }
0xac: {  	s18 =	sand.u32 @!p0 $0x1, s12;
	s19 =	simm.s32 @!p1 $0x0;
	p1 =	sne.s32 s11, $0x0  }
.Ltmp0:
0xad: {  	s18 =	sadd.s32 @!p0 $0x3, s18;
	_ =	strace @!p0 $0x80000075;
	(pc) =	sbr.rel @p1 .LBB2_2-.Ltmp0, $4  }
0xae: {  	_ =	swait.ge @!p0 [sflag:s18], $0xC000  }
0xaf: {  	[sflag:s18] =	ssyncset.done @!p0 $0x0  }
0xb0: {  	s16 =	sadd.s32 s21, s16;
	s14 =	sadd.s32 s17, s14;
	[sflag:s18] =	ssyncadd.s32 @!p0 $0xFFFF4000  }
0xb1: {  	s15 =	sadd.s32 s17, s15;
	s12 =	sadd.s32 s19, s12;
	_ =	strace @!p0 $0x90000075  }
0xb2: {  	s10 =	sadd.s32 $0x1, s10  }
0xb3: {  	s11 =	sand.u32 $0x1, s12;
	p0 =	sne.s32 s10, s8  }
.Ltmp1:
0xb4: {  	_ =	strace $0x80000076;
	s11 =	sadd.s32 $0x3, s11;
	(pc) =	sbr.rel @p0 .LBB2_1-.Ltmp1, $4  }
0xb5: {  	_ =	swait.ge [sflag:s11], $0xC000  }
0xb6: {  	[sflag:s11] =	ssyncset.done $0x0  }
0xb7: {  	[sflag:s11] =	ssyncadd.s32 $0xFFFF4000  }
0xb8: {  	_ =	strace $0x90000076  }
0xb9: {  	_ =	sfence.sel $0x180000  }
0xba: {  	[bflag:$0x0] =	sbarrier.arrive $0xFFFF  }
0xbb: {  	p0 =	sne.s32 s1, $0x0;
	_ =	strace $0x9000006F  }
0xbc: {  	s0 =	sadd.s32 @!p0 $0x100000, s0;
	[bflag:$0x2] =	sbarrier.arrive $0xFFFF  }
0xbd: {  	[sflag:s0] =	ssyncadd.tile.s32 @!p0 $0x1;
	_ =	shalt  }
.Lfunc_end2:
_tile_overlayer_lowered:
.L_overlay_start_2:
0xbe: {  	(tag) =	ssettag $0x2  }
0xbf: {  	s0 =	rddreg [dreg:$0x0];
	s2 =	stileid.u32  }
0xc0: {  	s1 =	rddreg [dreg:$0x1];
	p0 =	sne.s32 s2, $0x0  }
0xc1: {  	s3 =	rddreg [dreg:$0x2];
	[bflag:$0x3] =	sbarrier.arrive $0xFFFF;
	s2 =	simm.s32 @!p0 $0x1C01  }
0xc2: {  	[timem:s3], [sflag:s2] =	dma.local @!p0 [hbm:s0], s1  }
0xc3: {  	s0 =	simm.s32 @!p0 $0x1  }
0xc4: {  	_ =	swait.ge @!p0 [sflag:s0], s1  }
0xc5: {  	s1 =	ssub.s32 @!p0 $0x0, s1;
	[sflag:s0] =	ssyncset.done @!p0 $0x0  }
0xc6: {  	[sflag:s0] =	ssyncadd.s32 @!p0 s1  }
0xc7: {  	[bflag:$0x3] =	sbarrier.arrive $0xFFFF  }
0xc8: {  	_ =	shalt  }

</sc_bundles>
